<compile_context>
chip_gen: v7x
topology: tpu7x:2x2x1
jax: 0.10.2.dev20260603
libtpu: 0.0.44.dev20260713+nightly
codegen_flags: <defaults>
</compile_context>

<pallas_src>
import functools

import jax
import jax.numpy as jnp
from jax import lax
from jax.experimental import pallas as pl
from jax.experimental.pallas import tpu as pltpu
from jax.experimental.pallas import tpu_sc as plsc

N = 10000
E = 320000
D = 128
H = 128
L = 20
B = 1024
NCLS = 10

SC_CORES = 2
SC_SUB = 16
NW = SC_CORES * SC_SUB
K = 128
EPT = E // NW
NCH = 80
NPH = NCH // 2
EPT_P = NCH * K
EPH = NPH * K
RPT = 624
RTAIL = N - RPT * SC_SUB
GB = B * L // SC_SUB
GCH = GB // K

f32 = jnp.float32



def _tc_in_body(x_ref, w1_ref, b1_ref, wg_ref, bg_ref, n_ref, a1_ref, t1_ref):
    x = x_ref[...]
    a0 = jnp.dot(x, w1_ref[...], preferred_element_type=f32) + b1_ref[...]
    a1_ref[...] = a0 * n_ref[...]
    t1_ref[...] = jnp.dot(x, wg_ref[...], preferred_element_type=f32) + bg_ref[...]


def _tc_in(A1, w1, b1, wg, bg, n):
    blk = 1000
    return pl.pallas_call(
        _tc_in_body,
        grid=(N // blk,),
        in_specs=[
            pl.BlockSpec((blk, D), lambda i: (i, 0)),
            pl.BlockSpec((D, H), lambda i: (0, 0)),
            pl.BlockSpec((1, H), lambda i: (0, 0)),
            pl.BlockSpec((D, H), lambda i: (0, 0)),
            pl.BlockSpec((1, H), lambda i: (0, 0)),
            pl.BlockSpec((blk, 1), lambda i: (i, 0)),
        ],
        out_specs=[
            pl.BlockSpec((blk, H), lambda i: (i, 0)),
            pl.BlockSpec((blk, H), lambda i: (i, 0)),
        ],
        out_shape=[
            jax.ShapeDtypeStruct((N, H), f32),
            jax.ShapeDtypeStruct((N, H), f32),
        ],
    )(A1, w1, b1, wg, bg, n)


def _tc_mid_body(p0_ref, p1_ref, a1_ref, n_ref, w_ref, b_ref, t2_ref):
    nn = n_ref[...]
    x1 = a1_ref[...] + (p0_ref[0] + p1_ref[0]) * (1.0 - nn)
    t2_ref[...] = jnp.dot(x1, w_ref[...], preferred_element_type=f32) + b_ref[...]


def _tc_mid(p, a1, n, w, b):
    blk = 1000
    return pl.pallas_call(
        _tc_mid_body,
        grid=(N // blk,),
        in_specs=[
            pl.BlockSpec((1, blk, H), lambda i: (0, i, 0)),
            pl.BlockSpec((1, blk, H), lambda i: (1, i, 0)),
            pl.BlockSpec((blk, H), lambda i: (i, 0)),
            pl.BlockSpec((blk, 1), lambda i: (i, 0)),
            pl.BlockSpec((H, H), lambda i: (0, 0)),
            pl.BlockSpec((1, H), lambda i: (0, 0)),
        ],
        out_specs=pl.BlockSpec((blk, H), lambda i: (i, 0)),
        out_shape=jax.ShapeDtypeStruct((N, H), f32),
    )(p, p, a1, n, w, b)


def _tc_head_body(s_ref, w2_ref, b2_ref, w1r_ref, l1b_ref, cls_ref, clsb_ref,
                  z_ref, am_ref):
    w2 = w2_ref[...]
    b2 = b2_ref[...]
    z = jnp.broadcast_to(l1b_ref[...], (B, H))
    ssum = jnp.zeros((B, H), f32)
    for j in range(L):
        s = s_ref[0, j] + s_ref[1, j]
        ssum = ssum + s
        y = jnp.dot(s, w2, preferred_element_type=f32) + b2
        z = z + jnp.dot(y, w1r_ref[j], preferred_element_type=f32)
    y = jnp.dot(ssum, w2, preferred_element_type=f32) + b2
    z = z + jnp.dot(y, w1r_ref[L], preferred_element_type=f32)
    z_ref[...] = z
    logits = jnp.dot(z, cls_ref[...], preferred_element_type=f32) + clsb_ref[...]
    am_ref[...] = jnp.argmax(logits, axis=-1).astype(jnp.int32)[None, :]


def _tc_head(selp, w2, b2, w1r, l1b, cls, clsb):
    return pl.pallas_call(
        _tc_head_body,
        out_shape=[
            jax.ShapeDtypeStruct((B, H), f32),
            jax.ShapeDtypeStruct((1, B), jnp.int32),
        ],
    )(selp, w2, b2, w1r, l1b, cls, clsb)



def _sc_mesh():
    return plsc.VectorSubcoreMesh(core_axis_name="c", subcore_axis_name="s",
                                  num_cores=SC_CORES, num_subcores=SC_SUB)


def _zero_acc(zbuf, acc, sid, sem):
    def zrow(i, carry):
        for hh in range(H // 16):
            zbuf[i, pl.ds(hh * 16, 16)] = jnp.zeros((16,), f32)
        return carry

    lax.fori_loop(0, K, zrow, 0)
    r0 = sid * RPT
    full = RPT // K
    rem = RPT % K
    descs = []
    for kb in range(full):
        descs.append(pltpu.async_copy(zbuf, acc.at[pl.ds(r0 + kb * K, K)], sem))
    if rem:
        descs.append(pltpu.async_copy(zbuf.at[pl.ds(0, rem)],
                                      acc.at[pl.ds(r0 + full * K, rem)], sem))

    @pl.when(sid == SC_SUB - 1)
    def _():
        pltpu.async_copy(zbuf.at[pl.ds(0, RTAIL)],
                         acc.at[pl.ds(RPT * SC_SUB, RTAIL)], sem).wait()
    for d in descs:
        d.wait()


def _scale_chunk(rb, w_v, cph):
    def scale(e, carry):
        wv = plsc.load_gather(w_v, [jnp.full((16,), cph * K + e, jnp.int32)])
        for hh in range(H // 16):
            sl = pl.ds(hh * 16, 16)
            rb[e, sl] = rb[e, sl] * wv
        return carry

    lax.fori_loop(0, K, scale, 0, unroll=2)


def _spmm_accumulate(t_hbm, cols_hbm, rows_hbm, w_hbm, wid,
                     col_v, row_v, w_v, rbufs, acc, gsems):

    def gather(cph, s2):
        idx = col_v.at[pl.ds(cph * K, K)]
        pltpu.async_copy(t_hbm.at[idx], rbufs[s2], gsems[s2])

    def wait_gather(s2):
        pltpu.make_async_copy(t_hbm.at[pl.ds(0, K)], rbufs[s2],
                              gsems[s2]).wait()

    for ph in range(2):
        pltpu.sync_copy(cols_hbm.at[wid, ph], col_v)
        pltpu.sync_copy(rows_hbm.at[wid, ph], row_v)
        pltpu.sync_copy(w_hbm.at[wid, ph], w_v)
        gather(0, 0)
        gather(1, 1)

        def step(k, carry):
            for ss in range(2):
                cph = 2 * k + ss
                wait_gather(ss)
                _scale_chunk(rbufs[ss], w_v, cph)
                pltpu.sync_copy(rbufs[ss], acc.at[row_v.at[cph]], add=True)

                @pl.when(cph + 2 < NPH)
                def _():
                    gather(cph + 2, ss)
            return carry

        lax.fori_loop(0, NPH // 2, step, 0)


def _acc_writeout(acc, out_hbm, cid, sid, sem):
    r0 = sid * RPT
    full = RPT // K
    rem = RPT % K
    descs = []
    for kb in range(full):
        sl = pl.ds(r0 + kb * K, K)
        descs.append(pltpu.async_copy(acc.at[sl], out_hbm.at[cid, sl], sem))
    if rem:
        sl = pl.ds(r0 + full * K, rem)
        descs.append(pltpu.async_copy(acc.at[sl], out_hbm.at[cid, sl], sem))

    @pl.when(sid == SC_SUB - 1)
    def _():
        sl = pl.ds(RPT * SC_SUB, RTAIL)
        pltpu.async_copy(acc.at[sl], out_hbm.at[cid, sl], sem).wait()
    for d in descs:
        d.wait()


_SC_SCRATCH = [
    pltpu.VMEM((EPH,), jnp.int32),
    pltpu.VMEM((NPH, K), jnp.int32),
    pltpu.VMEM((EPH,), f32),
    pltpu.VMEM((K, H), f32),
    pltpu.VMEM((K, H), f32),
    pltpu.VMEM_SHARED((N, H), f32),
    pltpu.SemaphoreType.DMA,
    pltpu.SemaphoreType.DMA,
]


def _make_spmm1():
    @functools.partial(
        pl.kernel,
        mesh=_sc_mesh(),
        compiler_params=pltpu.CompilerParams(needs_layout_passes=False),
        out_type=jax.ShapeDtypeStruct((SC_CORES, N, H), f32),
        scratch_types=list(_SC_SCRATCH),
    )
    def spmm1(t_hbm, cols_hbm, rows_hbm, w_hbm, out_hbm,
              col_v, row_v, w_v, rb0, rb1, acc, gs0, gs1):
        cid = lax.axis_index("c")
        sid = lax.axis_index("s")
        wid = cid * SC_SUB + sid

        _zero_acc(rb0, acc, sid, gs0)
        plsc.subcore_barrier()

        _spmm_accumulate(t_hbm, cols_hbm, rows_hbm, w_hbm, wid,
                         col_v, row_v, w_v, [rb0, rb1], acc, [gs0, gs1])
        plsc.subcore_barrier()
        _acc_writeout(acc, out_hbm, cid, sid, gs0)

    return spmm1


def _make_spmm2():
    @functools.partial(
        pl.kernel,
        mesh=_sc_mesh(),
        compiler_params=pltpu.CompilerParams(needs_layout_passes=False),
        out_type=jax.ShapeDtypeStruct((SC_CORES, B * L, H), f32),
        scratch_types=list(_SC_SCRATCH) + [pltpu.VMEM((GB,), jnp.int32)],
    )
    def spmm2(t_hbm, cols_hbm, rows_hbm, w_hbm, bidx_hbm, out_hbm,
              col_v, row_v, w_v, rb0, rb1, acc, gs0, gs1, bidx_v):
        cid = lax.axis_index("c")
        sid = lax.axis_index("s")
        wid = cid * SC_SUB + sid

        _zero_acc(rb0, acc, sid, gs0)
        pltpu.sync_copy(bidx_hbm.at[pl.ds(sid * GB, GB)], bidx_v)
        plsc.subcore_barrier()

        _spmm_accumulate(t_hbm, cols_hbm, rows_hbm, w_hbm, wid,
                         col_v, row_v, w_v, [rb0, rb1], acc, [gs0, gs1])
        plsc.subcore_barrier()

        def gchunk(g, carry):
            idx = bidx_v.at[pl.ds(g * K, K)]
            pltpu.async_copy(acc.at[idx], rb0, gs0).wait()
            pltpu.sync_copy(rb0, out_hbm.at[cid, pl.ds(sid * GB + g * K, K)])
            return carry

        lax.fori_loop(0, GCH, gchunk, 0)

    return spmm2


_SPMM1 = _make_spmm1()
_SPMM2 = _make_spmm2()



def kernel(A1_tensor, edge_index, edge_weight, batch_idx, n, Lin1, Lin1_bias,
           gc1_weight, gc1_bias, gc2_weight, gc2_bias, weight2, bias2,
           liner1_weight, liner1_bias, classifier, classifier_bias):
    pad = EPT_P - EPT
    col3 = jnp.pad(edge_index[1].reshape(NW, EPT),
                   ((0, 0), (0, pad))).reshape(NW, 2, EPH)
    row4 = jnp.pad(edge_index[0].reshape(NW, EPT),
                   ((0, 0), (0, pad))).reshape(NW, 2, NPH, K)
    ew3 = jnp.pad(edge_weight.reshape(NW, EPT),
                  ((0, 0), (0, pad))).reshape(NW, 2, EPH)

    a1, t1 = _tc_in(A1_tensor, Lin1, Lin1_bias[None, :],
                    gc1_weight, gc1_bias[None, :], n)
    p = _SPMM1(t1, col3, row4, ew3)
    t2 = _tc_mid(p, a1, n, gc2_weight, gc2_bias[None, :])

    bidxT = batch_idx[:, 0, :].T.reshape(B * L)
    selp = _SPMM2(t2, col3, row4, ew3, bidxT)

    w1r = liner1_weight.T.reshape(L + 1, 64, H)
    z, am = _tc_head(selp.reshape(SC_CORES, L, B, H), weight2, bias2[None, :],
                     w1r, liner1_bias[None, :], classifier,
                     classifier_bias[None, :])
    return (am.reshape(B), z)

# --- scband reference (transcript-rebuilt; emitter-appended) ---
"""Pipeline reference for scband-mldel-5-52269751992450 (READ-ONLY COPY).

The authoritative reference and input builder live on the scoring server;
editing this copy changes nothing except your own understanding.
"""

import jax, jax.numpy as jnp
import numpy as np

N = 10000
E = 320000
D = 128
H = 128
L = 20
B = 1024
NC = 10


def _spmm(edge_index, edge_weight, x):
    # torch.sparse.mm(adj, x) with adj in COO form: out[row] += w * x[col]
    row = edge_index[0]
    col = edge_index[1]
    msgs = edge_weight[:, None] * x[col]
    return jax.ops.segment_sum(msgs, row, num_segments=N)


def setup_inputs(seed: int = 0):
    key = jax.random.key(seed)
    ks = jax.random.split(key, 18)
    inp = {}
    inp["A1_tensor"] = jax.random.normal(ks[0], (N, D), dtype=jnp.float32)
    inp["edge_index"] = jax.random.randint(ks[1], (2, E), 0, N, dtype=jnp.int32)
    inp["edge_weight"] = jax.random.uniform(ks[2], (E,), dtype=jnp.float32)
    inp["batch_idx"] = jax.random.randint(ks[3], (B, 1, L), 0, N, dtype=jnp.int32)
    # learned parameters
    inp["n"] = jax.random.uniform(ks[4], (N, 1), dtype=jnp.float32)
    s_d = 1.0 / np.sqrt(D)
    inp["Lin1"] = jax.random.uniform(ks[5], (D, H), minval=-s_d, maxval=s_d, dtype=jnp.float32)
    inp["Lin1_bias"] = jax.random.uniform(ks[6], (H,), minval=-s_d, maxval=s_d, dtype=jnp.float32)
    inp["gc1_weight"] = jax.random.uniform(ks[7], (D, H), minval=-s_d, maxval=s_d, dtype=jnp.float32)
    inp["gc1_bias"] = jax.random.uniform(ks[8], (H,), minval=-s_d, maxval=s_d, dtype=jnp.float32)
    s_h = 1.0 / np.sqrt(H)
    inp["gc2_weight"] = jax.random.uniform(ks[9], (H, H), minval=-s_h, maxval=s_h, dtype=jnp.float32)
    inp["gc2_bias"] = jax.random.uniform(ks[10], (H,), minval=-s_h, maxval=s_h, dtype=jnp.float32)
    inp["weight2"] = jax.random.uniform(ks[11], (H, 64), minval=-s_h, maxval=s_h, dtype=jnp.float32)
    inp["bias2"] = jax.random.uniform(ks[12], (64,), minval=-s_h, maxval=s_h, dtype=jnp.float32)
    s_l = 1.0 / np.sqrt((L + 1) * 64)
    inp["liner1_weight"] = jax.random.uniform(ks[13], (H, (L + 1) * 64), minval=-s_l, maxval=s_l, dtype=jnp.float32)
    inp["liner1_bias"] = jax.random.uniform(ks[14], (H,), minval=-s_l, maxval=s_l, dtype=jnp.float32)
    inp["classifier"] = jax.random.uniform(ks[15], (H, NC), minval=-s_h, maxval=s_h, dtype=jnp.float32)
    inp["classifier_bias"] = jax.random.uniform(ks[16], (NC,), minval=-s_h, maxval=s_h, dtype=jnp.float32)
    return inp


def reference(A1_tensor, edge_index, edge_weight, batch_idx, n, Lin1, Lin1_bias,
              gc1_weight, gc1_bias, gc2_weight, gc2_bias, weight2, bias2,
              liner1_weight, liner1_bias, classifier, classifier_bias):
    # eval mode: all dropouts are identity
    batch_idx1 = batch_idx[:, 0, :]  # squeeze(dim=1) -> [B, L]
    a0 = A1_tensor @ Lin1 + Lin1_bias
    a1 = a0 * n
    x_1 = _spmm(edge_index, edge_weight, A1_tensor @ gc1_weight + gc1_bias)
    x_1 = a1 + x_1 * (1.0 - n)
    x_2 = _spmm(edge_index, edge_weight, x_1 @ gc2_weight + gc2_bias)
    sel = x_2[batch_idx1]                                   # [B, L, H] gather
    sum_per_row = jnp.sum(sel, axis=1, keepdims=True)       # [B, 1, H]
    sel = jnp.concatenate([sel, sum_per_row], axis=1)       # [B, L+1, H]
    sel = sel @ weight2 + bias2                             # [B, L+1, 64]
    sel = sel.reshape(batch_idx1.shape[0], -1)              # [B, (L+1)*64]
    sel = sel @ liner1_weight.T + liner1_bias               # [B, H]
    pre = sel @ classifier + classifier_bias                # [B, NC]
    return (jnp.argmax(pre, axis=-1), sel)

if __name__ == "__main__":
    import jax
    _d = setup_inputs()
    print(jax.jit(kernel)(*tuple(_d.values())))

</pallas_src>

<mosaic_0001>
#map = affine_map<(d0, d1) -> (0, 0)>
#map1 = affine_map<(d0, d1) -> (0, 0, 0)>
#map2 = affine_map<(d0, d1) -> (0, 0, 0, 0)>
module attributes {stable_mosaic.version = 14 : i64} {
  func.func @spmm1(%arg0: i32, %arg1: i32, %arg2: memref<10000x128xf32, #tpu.memory_space<hbm>>, %arg3: memref<32x2x5120xi32, #tpu.memory_space<hbm>>, %arg4: memref<32x2x40x128xi32, #tpu.memory_space<hbm>>, %arg5: memref<32x2x5120xf32, #tpu.memory_space<hbm>>, %arg6: memref<2x10000x128xf32, #tpu.memory_space<hbm>>, %arg7: memref<5120xi32, #tpu.memory_space<vmem>>, %arg8: memref<40x128xi32, #tpu.memory_space<vmem>>, %arg9: memref<5120xf32, #tpu.memory_space<vmem>>, %arg10: memref<128x128xf32, #tpu.memory_space<vmem>>, %arg11: memref<128x128xf32, #tpu.memory_space<vmem>>, %arg12: memref<10000x128xf32, #tpu.memory_space<vmem_shared>>, %arg13: memref<!tpu.dma_semaphore, #tpu.memory_space<semaphore_mem>>, %arg14: memref<!tpu.dma_semaphore, #tpu.memory_space<semaphore_mem>>) attributes {dimension_semantics = [#tpu.dimension_semantics<core_parallel>, #tpu.dimension_semantics<subcore_parallel>], iteration_bounds = array<i64: 2, 16>, scalar_prefetch = 0 : i64, scratch_operands = 8 : i64, tpu.core_type = #tpu.core_type<sc_vector_subcore>, window_params = [{transform_indices = #map}, {transform_indices = #map1}, {transform_indices = #map2}, {transform_indices = #map1}, {transform_indices = #map1}]} {
    %mul3A = arith.constant 16 : i32
    %mul3A_0 = arith.muli %arg0, %mul3A : i32
    %add3A = arith.addi %mul3A_0, %arg1 : i32
    %scan3A = arith.constant 0 : i32
    %scan3A_1 = arith.constant 0 : i32
    %scan3A_2 = arith.constant 128 : i32
    %scan3A_3 = arith.addi %scan3A_1, %scan3A_2 : i32
    %scan3A_4 = arith.constant 1 : i32
    scf.for %scan3A_175 = %scan3A_1 to %scan3A_3 step %scan3A_4  : i32 {
      %broadcast_in_dim3A = arith.constant 0.000000e+00 : f32
      %broadcast_in_dim3A_176 = vector.broadcast %broadcast_in_dim3A : f32 to vector<16xf32>
      %swap3A = arith.index_cast %scan3A_175 : i32 to index
      %swap3A_177 = arith.constant 0 : index
      %swap3A_178 = tpu.vector_load %arg10[%swap3A, %swap3A_177] {strides = array<i32>} : memref<128x128xf32, #tpu.memory_space<vmem>>, vector<16xf32>,
      tpu.vector_store %arg10[%swap3A, %swap3A_177], %broadcast_in_dim3A_176 {strides = array<i32>} : memref<128x128xf32, #tpu.memory_space<vmem>>, vector<16xf32>,
      %broadcast_in_dim3A_179 = arith.constant 0.000000e+00 : f32
      %broadcast_in_dim3A_180 = vector.broadcast %broadcast_in_dim3A_179 : f32 to vector<16xf32>
      %swap3A_181 = arith.index_cast %scan3A_175 : i32 to index
      %swap3A_182 = arith.constant 16 : index
      %swap3A_183 = tpu.vector_load %arg10[%swap3A_181, %swap3A_182] {strides = array<i32>} : memref<128x128xf32, #tpu.memory_space<vmem>>, vector<16xf32>,
      tpu.vector_store %arg10[%swap3A_181, %swap3A_182], %broadcast_in_dim3A_180 {strides = array<i32>} : memref<128x128xf32, #tpu.memory_space<vmem>>, vector<16xf32>,
      %broadcast_in_dim3A_184 = arith.constant 0.000000e+00 : f32
      %broadcast_in_dim3A_185 = vector.broadcast %broadcast_in_dim3A_184 : f32 to vector<16xf32>
      %swap3A_186 = arith.index_cast %scan3A_175 : i32 to index
      %swap3A_187 = arith.constant 32 : index
      %swap3A_188 = tpu.vector_load %arg10[%swap3A_186, %swap3A_187] {strides = array<i32>} : memref<128x128xf32, #tpu.memory_space<vmem>>, vector<16xf32>,
      tpu.vector_store %arg10[%swap3A_186, %swap3A_187], %broadcast_in_dim3A_185 {strides = array<i32>} : memref<128x128xf32, #tpu.memory_space<vmem>>, vector<16xf32>,
      %broadcast_in_dim3A_189 = arith.constant 0.000000e+00 : f32
      %broadcast_in_dim3A_190 = vector.broadcast %broadcast_in_dim3A_189 : f32 to vector<16xf32>
      %swap3A_191 = arith.index_cast %scan3A_175 : i32 to index
      %swap3A_192 = arith.constant 48 : index
      %swap3A_193 = tpu.vector_load %arg10[%swap3A_191, %swap3A_192] {strides = array<i32>} : memref<128x128xf32, #tpu.memory_space<vmem>>, vector<16xf32>,
      tpu.vector_store %arg10[%swap3A_191, %swap3A_192], %broadcast_in_dim3A_190 {strides = array<i32>} : memref<128x128xf32, #tpu.memory_space<vmem>>, vector<16xf32>,
      %broadcast_in_dim3A_194 = arith.constant 0.000000e+00 : f32
      %broadcast_in_dim3A_195 = vector.broadcast %broadcast_in_dim3A_194 : f32 to vector<16xf32>
      %swap3A_196 = arith.index_cast %scan3A_175 : i32 to index
      %swap3A_197 = arith.constant 64 : index
      %swap3A_198 = tpu.vector_load %arg10[%swap3A_196, %swap3A_197] {strides = array<i32>} : memref<128x128xf32, #tpu.memory_space<vmem>>, vector<16xf32>,
      tpu.vector_store %arg10[%swap3A_196, %swap3A_197], %broadcast_in_dim3A_195 {strides = array<i32>} : memref<128x128xf32, #tpu.memory_space<vmem>>, vector<16xf32>,
      %broadcast_in_dim3A_199 = arith.constant 0.000000e+00 : f32
      %broadcast_in_dim3A_200 = vector.broadcast %broadcast_in_dim3A_199 : f32 to vector<16xf32>
      %swap3A_201 = arith.index_cast %scan3A_175 : i32 to index
      %swap3A_202 = arith.constant 80 : index
      %swap3A_203 = tpu.vector_load %arg10[%swap3A_201, %swap3A_202] {strides = array<i32>} : memref<128x128xf32, #tpu.memory_space<vmem>>, vector<16xf32>,
      tpu.vector_store %arg10[%swap3A_201, %swap3A_202], %broadcast_in_dim3A_200 {strides = array<i32>} : memref<128x128xf32, #tpu.memory_space<vmem>>, vector<16xf32>,
      %broadcast_in_dim3A_204 = arith.constant 0.000000e+00 : f32
      %broadcast_in_dim3A_205 = vector.broadcast %broadcast_in_dim3A_204 : f32 to vector<16xf32>
      %swap3A_206 = arith.index_cast %scan3A_175 : i32 to index
      %swap3A_207 = arith.constant 96 : index
      %swap3A_208 = tpu.vector_load %arg10[%swap3A_206, %swap3A_207] {strides = array<i32>} : memref<128x128xf32, #tpu.memory_space<vmem>>, vector<16xf32>,
      tpu.vector_store %arg10[%swap3A_206, %swap3A_207], %broadcast_in_dim3A_205 {strides = array<i32>} : memref<128x128xf32, #tpu.memory_space<vmem>>, vector<16xf32>,
      %broadcast_in_dim3A_209 = arith.constant 0.000000e+00 : f32
      %broadcast_in_dim3A_210 = vector.broadcast %broadcast_in_dim3A_209 : f32 to vector<16xf32>
      %swap3A_211 = arith.index_cast %scan3A_175 : i32 to index
      %swap3A_212 = arith.constant 112 : index
      %swap3A_213 = tpu.vector_load %arg10[%swap3A_211, %swap3A_212] {strides = array<i32>} : memref<128x128xf32, #tpu.memory_space<vmem>>, vector<16xf32>,
      tpu.vector_store %arg10[%swap3A_211, %swap3A_212], %broadcast_in_dim3A_210 {strides = array<i32>} : memref<128x128xf32, #tpu.memory_space<vmem>>, vector<16xf32>,
    }
    %scan3A_5 = arith.constant 128 : i32
    %mul3A_6 = arith.constant 624 : i32
    %mul3A_7 = arith.muli %arg1, %mul3A_6 : i32
    %add3A_8 = arith.constant 0 : i32
    %add3A_9 = arith.addi %mul3A_7, %add3A_8 : i32
    %dma_start3A = arith.constant 0 : i32
    %dma_start3A_10 = tpu.memref_slice %arg12[%add3A_9, %dma_start3A] : memref<10000x128xf32, #tpu.memory_space<vmem_shared>> -> memref<128x128xf32, #tpu.memory_space<vmem_shared>>
    %dma_start3A_11 = arith.constant 0 : i32
    %dma_start3A_12 = tpu.memref_slice %arg12[%add3A_9, %dma_start3A_11] : memref<10000x128xf32, #tpu.memory_space<vmem_shared>> -> memref<128x128xf32, #tpu.memory_space<vmem_shared>>
    tpu.enqueue_dma source(%arg10 : memref<128x128xf32, #tpu.memory_space<vmem>>) target(%dma_start3A_12 : memref<128x128xf32, #tpu.memory_space<vmem_shared>>) target_semaphore(%arg13 : memref<!tpu.dma_semaphore, #tpu.memory_space<semaphore_mem>>)
    %add3A_13 = arith.constant 128 : i32
    %add3A_14 = arith.addi %mul3A_7, %add3A_13 : i32
    %dma_start3A_15 = arith.constant 0 : i32
    %dma_start3A_16 = tpu.memref_slice %arg12[%add3A_14, %dma_start3A_15] : memref<10000x128xf32, #tpu.memory_space<vmem_shared>> -> memref<128x128xf32, #tpu.memory_space<vmem_shared>>
    %dma_start3A_17 = arith.constant 0 : i32
    %dma_start3A_18 = tpu.memref_slice %arg12[%add3A_14, %dma_start3A_17] : memref<10000x128xf32, #tpu.memory_space<vmem_shared>> -> memref<128x128xf32, #tpu.memory_space<vmem_shared>>
    tpu.enqueue_dma source(%arg10 : memref<128x128xf32, #tpu.memory_space<vmem>>) target(%dma_start3A_18 : memref<128x128xf32, #tpu.memory_space<vmem_shared>>) target_semaphore(%arg13 : memref<!tpu.dma_semaphore, #tpu.memory_space<semaphore_mem>>)
    %add3A_19 = arith.constant 256 : i32
    %add3A_20 = arith.addi %mul3A_7, %add3A_19 : i32
    %dma_start3A_21 = arith.constant 0 : i32
    %dma_start3A_22 = tpu.memref_slice %arg12[%add3A_20, %dma_start3A_21] : memref<10000x128xf32, #tpu.memory_space<vmem_shared>> -> memref<128x128xf32, #tpu.memory_space<vmem_shared>>
    %dma_start3A_23 = arith.constant 0 : i32
    %dma_start3A_24 = tpu.memref_slice %arg12[%add3A_20, %dma_start3A_23] : memref<10000x128xf32, #tpu.memory_space<vmem_shared>> -> memref<128x128xf32, #tpu.memory_space<vmem_shared>>
    tpu.enqueue_dma source(%arg10 : memref<128x128xf32, #tpu.memory_space<vmem>>) target(%dma_start3A_24 : memref<128x128xf32, #tpu.memory_space<vmem_shared>>) target_semaphore(%arg13 : memref<!tpu.dma_semaphore, #tpu.memory_space<semaphore_mem>>)
    %add3A_25 = arith.constant 384 : i32
    %add3A_26 = arith.addi %mul3A_7, %add3A_25 : i32
    %dma_start3A_27 = arith.constant 0 : i32
    %dma_start3A_28 = tpu.memref_slice %arg12[%add3A_26, %dma_start3A_27] : memref<10000x128xf32, #tpu.memory_space<vmem_shared>> -> memref<128x128xf32, #tpu.memory_space<vmem_shared>>
    %dma_start3A_29 = arith.constant 0 : i32
    %dma_start3A_30 = tpu.memref_slice %arg12[%add3A_26, %dma_start3A_29] : memref<10000x128xf32, #tpu.memory_space<vmem_shared>> -> memref<128x128xf32, #tpu.memory_space<vmem_shared>>
    tpu.enqueue_dma source(%arg10 : memref<128x128xf32, #tpu.memory_space<vmem>>) target(%dma_start3A_30 : memref<128x128xf32, #tpu.memory_space<vmem_shared>>) target_semaphore(%arg13 : memref<!tpu.dma_semaphore, #tpu.memory_space<semaphore_mem>>)
    %add3A_31 = arith.constant 512 : i32
    %add3A_32 = arith.addi %mul3A_7, %add3A_31 : i32
    %dma_start3A_33 = arith.constant 0 : i32
    %dma_start3A_34 = arith.constant 0 : i32
    %dma_start3A_35 = tpu.memref_slice %arg10[%dma_start3A_33, %dma_start3A_34] : memref<128x128xf32, #tpu.memory_space<vmem>> -> memref<112x128xf32, #tpu.memory_space<vmem>>
    %dma_start3A_36 = arith.constant 0 : i32
    %dma_start3A_37 = tpu.memref_slice %arg12[%add3A_32, %dma_start3A_36] : memref<10000x128xf32, #tpu.memory_space<vmem_shared>> -> memref<112x128xf32, #tpu.memory_space<vmem_shared>>
    %dma_start3A_38 = arith.constant 0 : i32
    %dma_start3A_39 = tpu.memref_slice %arg12[%add3A_32, %dma_start3A_38] : memref<10000x128xf32, #tpu.memory_space<vmem_shared>> -> memref<112x128xf32, #tpu.memory_space<vmem_shared>>
    %dma_start3A_40 = arith.constant 0 : i32
    %dma_start3A_41 = arith.constant 0 : i32
    %dma_start3A_42 = tpu.memref_slice %arg10[%dma_start3A_40, %dma_start3A_41] : memref<128x128xf32, #tpu.memory_space<vmem>> -> memref<112x128xf32, #tpu.memory_space<vmem>>
    tpu.enqueue_dma source(%dma_start3A_42 : memref<112x128xf32, #tpu.memory_space<vmem>>) target(%dma_start3A_39 : memref<112x128xf32, #tpu.memory_space<vmem_shared>>) target_semaphore(%arg13 : memref<!tpu.dma_semaphore, #tpu.memory_space<semaphore_mem>>)
    %eq3A = arith.constant 15 : i32
    %eq3A_43 = arith.cmpi eq, %arg1, %eq3A : i32
    %convert_element_type3A = arith.extui %eq3A_43 : i1 to i32
    %cond3A = arith.constant 0 : i32
    %cond3A_44 = arith.cmpi ne, %convert_element_type3A, %cond3A : i32
    scf.if %cond3A_44 {
      %dma_start3A_175 = arith.constant 0 : i32
      %dma_start3A_176 = arith.constant 0 : i32
      %dma_start3A_177 = tpu.memref_slice %arg10[%dma_start3A_175, %dma_start3A_176] : memref<128x128xf32, #tpu.memory_space<vmem>> -> memref<16x128xf32, #tpu.memory_space<vmem>>
      %dma_start3A_178 = arith.constant 9984 : i32
      %dma_start3A_179 = arith.constant 0 : i32
      %dma_start3A_180 = tpu.memref_slice %arg12[%dma_start3A_178, %dma_start3A_179] : memref<10000x128xf32, #tpu.memory_space<vmem_shared>> -> memref<16x128xf32, #tpu.memory_space<vmem_shared>>
      %dma_start3A_181 = arith.constant 9984 : i32
      %dma_start3A_182 = arith.constant 0 : i32
      %dma_start3A_183 = tpu.memref_slice %arg12[%dma_start3A_181, %dma_start3A_182] : memref<10000x128xf32, #tpu.memory_space<vmem_shared>> -> memref<16x128xf32, #tpu.memory_space<vmem_shared>>
      %dma_start3A_184 = arith.constant 0 : i32
      %dma_start3A_185 = arith.constant 0 : i32
      %dma_start3A_186 = tpu.memref_slice %arg10[%dma_start3A_184, %dma_start3A_185] : memref<128x128xf32, #tpu.memory_space<vmem>> -> memref<16x128xf32, #tpu.memory_space<vmem>>
      tpu.enqueue_dma source(%dma_start3A_186 : memref<16x128xf32, #tpu.memory_space<vmem>>) target(%dma_start3A_183 : memref<16x128xf32, #tpu.memory_space<vmem_shared>>) target_semaphore(%arg13 : memref<!tpu.dma_semaphore, #tpu.memory_space<semaphore_mem>>)
      %dma_wait3A_187 = arith.constant 0 : i32
      %dma_wait3A_188 = arith.constant 0 : i32
      %dma_wait3A_189 = tpu.memref_slice %arg10[%dma_wait3A_187, %dma_wait3A_188] : memref<128x128xf32, #tpu.memory_space<vmem>> -> memref<16x128xf32, #tpu.memory_space<vmem>>
      %dma_wait3A_190 = arith.constant 9984 : i32
      %dma_wait3A_191 = arith.constant 0 : i32
      %dma_wait3A_192 = tpu.memref_slice %arg12[%dma_wait3A_190, %dma_wait3A_191] : memref<10000x128xf32, #tpu.memory_space<vmem_shared>> -> memref<16x128xf32, #tpu.memory_space<vmem_shared>>
      %dma_wait3A_193 = arith.constant 9984 : i32
      %dma_wait3A_194 = arith.constant 0 : i32
      %dma_wait3A_195 = tpu.memref_slice %arg12[%dma_wait3A_193, %dma_wait3A_194] : memref<10000x128xf32, #tpu.memory_space<vmem_shared>> -> memref<16x128xf32, #tpu.memory_space<vmem_shared>>
      %dma_wait3A_196 = arith.constant 0 : i32
      %dma_wait3A_197 = arith.constant 0 : i32
      %dma_wait3A_198 = tpu.memref_slice %arg10[%dma_wait3A_196, %dma_wait3A_197] : memref<128x128xf32, #tpu.memory_space<vmem>> -> memref<16x128xf32, #tpu.memory_space<vmem>>
      tpu.wait_dma2 semaphore(%arg13 : memref<!tpu.dma_semaphore, #tpu.memory_space<semaphore_mem>>) src(%dma_wait3A_198 : memref<16x128xf32, #tpu.memory_space<vmem>>) dst(%dma_wait3A_195 : memref<16x128xf32, #tpu.memory_space<vmem_shared>>)
    } else {
    }
    %dma_wait3A = arith.constant 0 : i32
    %dma_wait3A_45 = tpu.memref_slice %arg12[%add3A_9, %dma_wait3A] : memref<10000x128xf32, #tpu.memory_space<vmem_shared>> -> memref<128x128xf32, #tpu.memory_space<vmem_shared>>
    %dma_wait3A_46 = arith.constant 0 : i32
    %dma_wait3A_47 = tpu.memref_slice %arg12[%add3A_9, %dma_wait3A_46] : memref<10000x128xf32, #tpu.memory_space<vmem_shared>> -> memref<128x128xf32, #tpu.memory_space<vmem_shared>>
    tpu.wait_dma2 semaphore(%arg13 : memref<!tpu.dma_semaphore, #tpu.memory_space<semaphore_mem>>) src(%arg10 : memref<128x128xf32, #tpu.memory_space<vmem>>) dst(%dma_wait3A_47 : memref<128x128xf32, #tpu.memory_space<vmem_shared>>)
    %dma_wait3A_48 = arith.constant 0 : i32
    %dma_wait3A_49 = tpu.memref_slice %arg12[%add3A_14, %dma_wait3A_48] : memref<10000x128xf32, #tpu.memory_space<vmem_shared>> -> memref<128x128xf32, #tpu.memory_space<vmem_shared>>
    %dma_wait3A_50 = arith.constant 0 : i32
    %dma_wait3A_51 = tpu.memref_slice %arg12[%add3A_14, %dma_wait3A_50] : memref<10000x128xf32, #tpu.memory_space<vmem_shared>> -> memref<128x128xf32, #tpu.memory_space<vmem_shared>>
    tpu.wait_dma2 semaphore(%arg13 : memref<!tpu.dma_semaphore, #tpu.memory_space<semaphore_mem>>) src(%arg10 : memref<128x128xf32, #tpu.memory_space<vmem>>) dst(%dma_wait3A_51 : memref<128x128xf32, #tpu.memory_space<vmem_shared>>)
    %dma_wait3A_52 = arith.constant 0 : i32
    %dma_wait3A_53 = tpu.memref_slice %arg12[%add3A_20, %dma_wait3A_52] : memref<10000x128xf32, #tpu.memory_space<vmem_shared>> -> memref<128x128xf32, #tpu.memory_space<vmem_shared>>
    %dma_wait3A_54 = arith.constant 0 : i32
    %dma_wait3A_55 = tpu.memref_slice %arg12[%add3A_20, %dma_wait3A_54] : memref<10000x128xf32, #tpu.memory_space<vmem_shared>> -> memref<128x128xf32, #tpu.memory_space<vmem_shared>>
    tpu.wait_dma2 semaphore(%arg13 : memref<!tpu.dma_semaphore, #tpu.memory_space<semaphore_mem>>) src(%arg10 : memref<128x128xf32, #tpu.memory_space<vmem>>) dst(%dma_wait3A_55 : memref<128x128xf32, #tpu.memory_space<vmem_shared>>)
    %dma_wait3A_56 = arith.constant 0 : i32
    %dma_wait3A_57 = tpu.memref_slice %arg12[%add3A_26, %dma_wait3A_56] : memref<10000x128xf32, #tpu.memory_space<vmem_shared>> -> memref<128x128xf32, #tpu.memory_space<vmem_shared>>
    %dma_wait3A_58 = arith.constant 0 : i32
    %dma_wait3A_59 = tpu.memref_slice %arg12[%add3A_26, %dma_wait3A_58] : memref<10000x128xf32, #tpu.memory_space<vmem_shared>> -> memref<128x128xf32, #tpu.memory_space<vmem_shared>>
    tpu.wait_dma2 semaphore(%arg13 : memref<!tpu.dma_semaphore, #tpu.memory_space<semaphore_mem>>) src(%arg10 : memref<128x128xf32, #tpu.memory_space<vmem>>) dst(%dma_wait3A_59 : memref<128x128xf32, #tpu.memory_space<vmem_shared>>)
    %dma_wait3A_60 = arith.constant 0 : i32
    %dma_wait3A_61 = arith.constant 0 : i32
    %dma_wait3A_62 = tpu.memref_slice %arg10[%dma_wait3A_60, %dma_wait3A_61] : memref<128x128xf32, #tpu.memory_space<vmem>> -> memref<112x128xf32, #tpu.memory_space<vmem>>
    %dma_wait3A_63 = arith.constant 0 : i32
    %dma_wait3A_64 = tpu.memref_slice %arg12[%add3A_32, %dma_wait3A_63] : memref<10000x128xf32, #tpu.memory_space<vmem_shared>> -> memref<112x128xf32, #tpu.memory_space<vmem_shared>>
    %dma_wait3A_65 = arith.constant 0 : i32
    %dma_wait3A_66 = tpu.memref_slice %arg12[%add3A_32, %dma_wait3A_65] : memref<10000x128xf32, #tpu.memory_space<vmem_shared>> -> memref<112x128xf32, #tpu.memory_space<vmem_shared>>
    %dma_wait3A_67 = arith.constant 0 : i32
    %dma_wait3A_68 = arith.constant 0 : i32
    %dma_wait3A_69 = tpu.memref_slice %arg10[%dma_wait3A_67, %dma_wait3A_68] : memref<128x128xf32, #tpu.memory_space<vmem>> -> memref<112x128xf32, #tpu.memory_space<vmem>>
    tpu.wait_dma2 semaphore(%arg13 : memref<!tpu.dma_semaphore, #tpu.memory_space<semaphore_mem>>) src(%dma_wait3A_69 : memref<112x128xf32, #tpu.memory_space<vmem>>) dst(%dma_wait3A_66 : memref<112x128xf32, #tpu.memory_space<vmem_shared>>)
    %barrier3A = arith.constant 0 : index
    tpu.barrier barrier_id(%barrier3A)
    %run_scoped3A = arith.constant 0 : i32
    "tpu.region"() ({
      %run_scoped3A_175 = tpu.sem_alloc : memref<!tpu.dma_semaphore, #tpu.memory_space<semaphore_mem>>
      %dma_start3A_176 = arith.constant 0 : i32
      %dma_start3A_177 = tpu.memref_slice %arg3[%add3A, %run_scoped3A, %dma_start3A_176] : memref<32x2x5120xi32, #tpu.memory_space<hbm>> -> memref<1x1x5120xi32, #tpu.memory_space<hbm>>
      %dma_start3A_178 = tpu.memref_squeeze %dma_start3A_177 : memref<1x1x5120xi32, #tpu.memory_space<hbm>> -> memref<5120xi32, #tpu.memory_space<hbm>>
      %dma_start3A_179 = arith.constant 0 : i32
      %dma_start3A_180 = tpu.memref_slice %arg3[%add3A, %run_scoped3A, %dma_start3A_179] : memref<32x2x5120xi32, #tpu.memory_space<hbm>> -> memref<1x1x5120xi32, #tpu.memory_space<hbm>>
      %dma_start3A_181 = tpu.memref_squeeze %dma_start3A_180 : memref<1x1x5120xi32, #tpu.memory_space<hbm>> -> memref<5120xi32, #tpu.memory_space<hbm>>
      tpu.enqueue_dma source(%dma_start3A_181 : memref<5120xi32, #tpu.memory_space<hbm>>) target(%arg7 : memref<5120xi32, #tpu.memory_space<vmem>>) target_semaphore(%run_scoped3A_175 : memref<!tpu.dma_semaphore, #tpu.memory_space<semaphore_mem>>)
      %dma_wait3A_182 = arith.constant 0 : i32
      %dma_wait3A_183 = tpu.memref_slice %arg3[%add3A, %run_scoped3A, %dma_wait3A_182] : memref<32x2x5120xi32, #tpu.memory_space<hbm>> -> memref<1x1x5120xi32, #tpu.memory_space<hbm>>
      %dma_wait3A_184 = tpu.memref_squeeze %dma_wait3A_183 : memref<1x1x5120xi32, #tpu.memory_space<hbm>> -> memref<5120xi32, #tpu.memory_space<hbm>>
      %dma_wait3A_185 = arith.constant 0 : i32
      %dma_wait3A_186 = tpu.memref_slice %arg3[%add3A, %run_scoped3A, %dma_wait3A_185] : memref<32x2x5120xi32, #tpu.memory_space<hbm>> -> memref<1x1x5120xi32, #tpu.memory_space<hbm>>
      %dma_wait3A_187 = tpu.memref_squeeze %dma_wait3A_186 : memref<1x1x5120xi32, #tpu.memory_space<hbm>> -> memref<5120xi32, #tpu.memory_space<hbm>>
      tpu.wait_dma2 semaphore(%run_scoped3A_175 : memref<!tpu.dma_semaphore, #tpu.memory_space<semaphore_mem>>) src(%dma_wait3A_187 : memref<5120xi32, #tpu.memory_space<hbm>>) dst(%arg7 : memref<5120xi32, #tpu.memory_space<vmem>>)
      tpu.yield
    }) : () -> ()
    %run_scoped3A_70 = arith.constant 0 : i32
    "tpu.region"() ({
      %run_scoped3A_175 = tpu.sem_alloc : memref<!tpu.dma_semaphore, #tpu.memory_space<semaphore_mem>>
      %dma_start3A_176 = arith.constant 0 : i32
      %dma_start3A_177 = arith.constant 0 : i32
      %dma_start3A_178 = tpu.memref_slice %arg4[%add3A, %run_scoped3A_70, %dma_start3A_176, %dma_start3A_177] : memref<32x2x40x128xi32, #tpu.memory_space<hbm>> -> memref<1x1x40x128xi32, #tpu.memory_space<hbm>>
      %dma_start3A_179 = tpu.memref_squeeze %dma_start3A_178 : memref<1x1x40x128xi32, #tpu.memory_space<hbm>> -> memref<40x128xi32, #tpu.memory_space<hbm>>
      %dma_start3A_180 = arith.constant 0 : i32
      %dma_start3A_181 = arith.constant 0 : i32
      %dma_start3A_182 = tpu.memref_slice %arg4[%add3A, %run_scoped3A_70, %dma_start3A_180, %dma_start3A_181] : memref<32x2x40x128xi32, #tpu.memory_space<hbm>> -> memref<1x1x40x128xi32, #tpu.memory_space<hbm>>
      %dma_start3A_183 = tpu.memref_squeeze %dma_start3A_182 : memref<1x1x40x128xi32, #tpu.memory_space<hbm>> -> memref<40x128xi32, #tpu.memory_space<hbm>>
      tpu.enqueue_dma source(%dma_start3A_183 : memref<40x128xi32, #tpu.memory_space<hbm>>) target(%arg8 : memref<40x128xi32, #tpu.memory_space<vmem>>) target_semaphore(%run_scoped3A_175 : memref<!tpu.dma_semaphore, #tpu.memory_space<semaphore_mem>>)
      %dma_wait3A_184 = arith.constant 0 : i32
      %dma_wait3A_185 = arith.constant 0 : i32
      %dma_wait3A_186 = tpu.memref_slice %arg4[%add3A, %run_scoped3A_70, %dma_wait3A_184, %dma_wait3A_185] : memref<32x2x40x128xi32, #tpu.memory_space<hbm>> -> memref<1x1x40x128xi32, #tpu.memory_space<hbm>>
      %dma_wait3A_187 = tpu.memref_squeeze %dma_wait3A_186 : memref<1x1x40x128xi32, #tpu.memory_space<hbm>> -> memref<40x128xi32, #tpu.memory_space<hbm>>
      %dma_wait3A_188 = arith.constant 0 : i32
      %dma_wait3A_189 = arith.constant 0 : i32
      %dma_wait3A_190 = tpu.memref_slice %arg4[%add3A, %run_scoped3A_70, %dma_wait3A_188, %dma_wait3A_189] : memref<32x2x40x128xi32, #tpu.memory_space<hbm>> -> memref<1x1x40x128xi32, #tpu.memory_space<hbm>>
      %dma_wait3A_191 = tpu.memref_squeeze %dma_wait3A_190 : memref<1x1x40x128xi32, #tpu.memory_space<hbm>> -> memref<40x128xi32, #tpu.memory_space<hbm>>
      tpu.wait_dma2 semaphore(%run_scoped3A_175 : memref<!tpu.dma_semaphore, #tpu.memory_space<semaphore_mem>>) src(%dma_wait3A_191 : memref<40x128xi32, #tpu.memory_space<hbm>>) dst(%arg8 : memref<40x128xi32, #tpu.memory_space<vmem>>)
      tpu.yield
    }) : () -> ()
    %run_scoped3A_71 = arith.constant 0 : i32
    "tpu.region"() ({
      %run_scoped3A_175 = tpu.sem_alloc : memref<!tpu.dma_semaphore, #tpu.memory_space<semaphore_mem>>
      %dma_start3A_176 = arith.constant 0 : i32
      %dma_start3A_177 = tpu.memref_slice %arg5[%add3A, %run_scoped3A_71, %dma_start3A_176] : memref<32x2x5120xf32, #tpu.memory_space<hbm>> -> memref<1x1x5120xf32, #tpu.memory_space<hbm>>
      %dma_start3A_178 = tpu.memref_squeeze %dma_start3A_177 : memref<1x1x5120xf32, #tpu.memory_space<hbm>> -> memref<5120xf32, #tpu.memory_space<hbm>>
      %dma_start3A_179 = arith.constant 0 : i32
      %dma_start3A_180 = tpu.memref_slice %arg5[%add3A, %run_scoped3A_71, %dma_start3A_179] : memref<32x2x5120xf32, #tpu.memory_space<hbm>> -> memref<1x1x5120xf32, #tpu.memory_space<hbm>>
      %dma_start3A_181 = tpu.memref_squeeze %dma_start3A_180 : memref<1x1x5120xf32, #tpu.memory_space<hbm>> -> memref<5120xf32, #tpu.memory_space<hbm>>
      tpu.enqueue_dma source(%dma_start3A_181 : memref<5120xf32, #tpu.memory_space<hbm>>) target(%arg9 : memref<5120xf32, #tpu.memory_space<vmem>>) target_semaphore(%run_scoped3A_175 : memref<!tpu.dma_semaphore, #tpu.memory_space<semaphore_mem>>)
      %dma_wait3A_182 = arith.constant 0 : i32
      %dma_wait3A_183 = tpu.memref_slice %arg5[%add3A, %run_scoped3A_71, %dma_wait3A_182] : memref<32x2x5120xf32, #tpu.memory_space<hbm>> -> memref<1x1x5120xf32, #tpu.memory_space<hbm>>
      %dma_wait3A_184 = tpu.memref_squeeze %dma_wait3A_183 : memref<1x1x5120xf32, #tpu.memory_space<hbm>> -> memref<5120xf32, #tpu.memory_space<hbm>>
      %dma_wait3A_185 = arith.constant 0 : i32
      %dma_wait3A_186 = tpu.memref_slice %arg5[%add3A, %run_scoped3A_71, %dma_wait3A_185] : memref<32x2x5120xf32, #tpu.memory_space<hbm>> -> memref<1x1x5120xf32, #tpu.memory_space<hbm>>
      %dma_wait3A_187 = tpu.memref_squeeze %dma_wait3A_186 : memref<1x1x5120xf32, #tpu.memory_space<hbm>> -> memref<5120xf32, #tpu.memory_space<hbm>>
      tpu.wait_dma2 semaphore(%run_scoped3A_175 : memref<!tpu.dma_semaphore, #tpu.memory_space<semaphore_mem>>) src(%dma_wait3A_187 : memref<5120xf32, #tpu.memory_space<hbm>>) dst(%arg9 : memref<5120xf32, #tpu.memory_space<vmem>>)
      tpu.yield
    }) : () -> ()
    %dma_start3A_72 = arith.constant 0 : i32
    %dma_start3A_73 = tpu.memref_slice %arg7[%dma_start3A_72] : memref<5120xi32, #tpu.memory_space<vmem>> -> memref<128xi32, #tpu.memory_space<vmem>>
    %dma_start3A_74 = arith.constant 0 : i32
    %dma_start3A_75 = arith.constant 0 : i32
    %dma_start3A_76 = tpu.memref_slice %arg2[%dma_start3A_74, %dma_start3A_75] : memref<10000x128xf32, #tpu.memory_space<hbm>> -> memref<10000x128xf32, #tpu.memory_space<hbm>>
    tpu.enqueue_indirect_dma source(%dma_start3A_76 : memref<10000x128xf32, #tpu.memory_space<hbm>>) target(%arg10 : memref<128x128xf32, #tpu.memory_space<vmem>>) offsets(%dma_start3A_73 : memref<128xi32, #tpu.memory_space<vmem>>) semaphore(%arg13 : memref<!tpu.dma_semaphore, #tpu.memory_space<semaphore_mem>>)
    %dma_start3A_77 = arith.constant 128 : i32
    %dma_start3A_78 = tpu.memref_slice %arg7[%dma_start3A_77] : memref<5120xi32, #tpu.memory_space<vmem>> -> memref<128xi32, #tpu.memory_space<vmem>>
    %dma_start3A_79 = arith.constant 0 : i32
    %dma_start3A_80 = arith.constant 0 : i32
    %dma_start3A_81 = tpu.memref_slice %arg2[%dma_start3A_79, %dma_start3A_80] : memref<10000x128xf32, #tpu.memory_space<hbm>> -> memref<10000x128xf32, #tpu.memory_space<hbm>>
    tpu.enqueue_indirect_dma source(%dma_start3A_81 : memref<10000x128xf32, #tpu.memory_space<hbm>>) target(%arg11 : memref<128x128xf32, #tpu.memory_space<vmem>>) offsets(%dma_start3A_78 : memref<128xi32, #tpu.memory_space<vmem>>) semaphore(%arg14 : memref<!tpu.dma_semaphore, #tpu.memory_space<semaphore_mem>>)
    %scan3A_82 = arith.constant 0 : i32
    %scan3A_83 = arith.constant 0 : i32
    %scan3A_84 = arith.constant 20 : i32
    %scan3A_85 = arith.addi %scan3A_83, %scan3A_84 : i32
    %scan3A_86 = arith.constant 1 : i32
    scf.for %scan3A_175 = %scan3A_83 to %scan3A_85 step %scan3A_86  : i32 {
      %mul3A_176 = arith.constant 2 : i32
      %mul3A_177 = arith.muli %mul3A_176, %scan3A_175 : i32
      %add3A_178 = arith.constant 0 : i32
      %add3A_179 = arith.addi %mul3A_177, %add3A_178 : i32
      %dma_wait3A_180 = arith.constant 0 : i32
      %dma_wait3A_181 = arith.constant 0 : i32
      %dma_wait3A_182 = tpu.memref_slice %arg2[%dma_wait3A_180, %dma_wait3A_181] : memref<10000x128xf32, #tpu.memory_space<hbm>> -> memref<128x128xf32, #tpu.memory_space<hbm>>
      %dma_wait3A_183 = arith.constant 0 : i32
      %dma_wait3A_184 = arith.constant 0 : i32
      %dma_wait3A_185 = tpu.memref_slice %arg2[%dma_wait3A_183, %dma_wait3A_184] : memref<10000x128xf32, #tpu.memory_space<hbm>> -> memref<128x128xf32, #tpu.memory_space<hbm>>
      tpu.wait_dma2 semaphore(%arg13 : memref<!tpu.dma_semaphore, #tpu.memory_space<semaphore_mem>>) src(%dma_wait3A_185 : memref<128x128xf32, #tpu.memory_space<hbm>>) dst(%arg10 : memref<128x128xf32, #tpu.memory_space<vmem>>)
      %scan3A_186 = arith.constant 0 : i32
      %scan3A_187 = arith.constant 0 : i32
      %scan3A_188 = arith.constant 128 : i32
      %scan3A_189 = arith.addi %scan3A_187, %scan3A_188 : i32
      %scan3A_190 = arith.constant 2 : i32
      scf.for %scan3A_221 = %scan3A_187 to %scan3A_189 step %scan3A_190  : i32 {
        %mul3A_222 = arith.constant 128 : i32
        %mul3A_223 = arith.muli %add3A_179, %mul3A_222 : i32
        %add3A_224 = arith.addi %mul3A_223, %scan3A_221 : i32
        %broadcast_in_dim3A = vector.broadcast %add3A_224 : i32 to vector<16xi32>
        %gather3A = tpu.vector_load_idx %arg9[%broadcast_in_dim3A] : memref<5120xf32, #tpu.memory_space<vmem>>[vector<16xi32>], vector<16xf32>,
        %get3A = arith.index_cast %scan3A_221 : i32 to index
        %get3A_225 = arith.constant 0 : index
        %get3A_226 = tpu.vector_load %arg10[%get3A, %get3A_225] {strides = array<i32>} : memref<128x128xf32, #tpu.memory_space<vmem>>, vector<16xf32>,
        %mul3A_227 = arith.mulf %get3A_226, %gather3A : vector<16xf32>
        %swap3A = arith.index_cast %scan3A_221 : i32 to index
        %swap3A_228 = arith.constant 0 : index
        %swap3A_229 = tpu.vector_load %arg10[%swap3A, %swap3A_228] {strides = array<i32>} : memref<128x128xf32, #tpu.memory_space<vmem>>, vector<16xf32>,
        tpu.vector_store %arg10[%swap3A, %swap3A_228], %mul3A_227 {strides = array<i32>} : memref<128x128xf32, #tpu.memory_space<vmem>>, vector<16xf32>,
        %get3A_230 = arith.index_cast %scan3A_221 : i32 to index
        %get3A_231 = arith.constant 16 : index
        %get3A_232 = tpu.vector_load %arg10[%get3A_230, %get3A_231] {strides = array<i32>} : memref<128x128xf32, #tpu.memory_space<vmem>>, vector<16xf32>,
        %mul3A_233 = arith.mulf %get3A_232, %gather3A : vector<16xf32>
        %swap3A_234 = arith.index_cast %scan3A_221 : i32 to index
        %swap3A_235 = arith.constant 16 : index
        %swap3A_236 = tpu.vector_load %arg10[%swap3A_234, %swap3A_235] {strides = array<i32>} : memref<128x128xf32, #tpu.memory_space<vmem>>, vector<16xf32>,
        tpu.vector_store %arg10[%swap3A_234, %swap3A_235], %mul3A_233 {strides = array<i32>} : memref<128x128xf32, #tpu.memory_space<vmem>>, vector<16xf32>,
        %get3A_237 = arith.index_cast %scan3A_221 : i32 to index
        %get3A_238 = arith.constant 32 : index
        %get3A_239 = tpu.vector_load %arg10[%get3A_237, %get3A_238] {strides = array<i32>} : memref<128x128xf32, #tpu.memory_space<vmem>>, vector<16xf32>,
        %mul3A_240 = arith.mulf %get3A_239, %gather3A : vector<16xf32>
        %swap3A_241 = arith.index_cast %scan3A_221 : i32 to index
        %swap3A_242 = arith.constant 32 : index
        %swap3A_243 = tpu.vector_load %arg10[%swap3A_241, %swap3A_242] {strides = array<i32>} : memref<128x128xf32, #tpu.memory_space<vmem>>, vector<16xf32>,
        tpu.vector_store %arg10[%swap3A_241, %swap3A_242], %mul3A_240 {strides = array<i32>} : memref<128x128xf32, #tpu.memory_space<vmem>>, vector<16xf32>,
        %get3A_244 = arith.index_cast %scan3A_221 : i32 to index
        %get3A_245 = arith.constant 48 : index
        %get3A_246 = tpu.vector_load %arg10[%get3A_244, %get3A_245] {strides = array<i32>} : memref<128x128xf32, #tpu.memory_space<vmem>>, vector<16xf32>,
        %mul3A_247 = arith.mulf %get3A_246, %gather3A : vector<16xf32>
        %swap3A_248 = arith.index_cast %scan3A_221 : i32 to index
        %swap3A_249 = arith.constant 48 : index
        %swap3A_250 = tpu.vector_load %arg10[%swap3A_248, %swap3A_249] {strides = array<i32>} : memref<128x128xf32, #tpu.memory_space<vmem>>, vector<16xf32>,
        tpu.vector_store %arg10[%swap3A_248, %swap3A_249], %mul3A_247 {strides = array<i32>} : memref<128x128xf32, #tpu.memory_space<vmem>>, vector<16xf32>,
        %get3A_251 = arith.index_cast %scan3A_221 : i32 to index
        %get3A_252 = arith.constant 64 : index
        %get3A_253 = tpu.vector_load %arg10[%get3A_251, %get3A_252] {strides = array<i32>} : memref<128x128xf32, #tpu.memory_space<vmem>>, vector<16xf32>,
        %mul3A_254 = arith.mulf %get3A_253, %gather3A : vector<16xf32>
        %swap3A_255 = arith.index_cast %scan3A_221 : i32 to index
        %swap3A_256 = arith.constant 64 : index
        %swap3A_257 = tpu.vector_load %arg10[%swap3A_255, %swap3A_256] {strides = array<i32>} : memref<128x128xf32, #tpu.memory_space<vmem>>, vector<16xf32>,
        tpu.vector_store %arg10[%swap3A_255, %swap3A_256], %mul3A_254 {strides = array<i32>} : memref<128x128xf32, #tpu.memory_space<vmem>>, vector<16xf32>,
        %get3A_258 = arith.index_cast %scan3A_221 : i32 to index
        %get3A_259 = arith.constant 80 : index
        %get3A_260 = tpu.vector_load %arg10[%get3A_258, %get3A_259] {strides = array<i32>} : memref<128x128xf32, #tpu.memory_space<vmem>>, vector<16xf32>,
        %mul3A_261 = arith.mulf %get3A_260, %gather3A : vector<16xf32>
        %swap3A_262 = arith.index_cast %scan3A_221 : i32 to index
        %swap3A_263 = arith.constant 80 : index
        %swap3A_264 = tpu.vector_load %arg10[%swap3A_262, %swap3A_263] {strides = array<i32>} : memref<128x128xf32, #tpu.memory_space<vmem>>, vector<16xf32>,
        tpu.vector_store %arg10[%swap3A_262, %swap3A_263], %mul3A_261 {strides = array<i32>} : memref<128x128xf32, #tpu.memory_space<vmem>>, vector<16xf32>,
        %get3A_265 = arith.index_cast %scan3A_221 : i32 to index
        %get3A_266 = arith.constant 96 : index
        %get3A_267 = tpu.vector_load %arg10[%get3A_265, %get3A_266] {strides = array<i32>} : memref<128x128xf32, #tpu.memory_space<vmem>>, vector<16xf32>,
        %mul3A_268 = arith.mulf %get3A_267, %gather3A : vector<16xf32>
        %swap3A_269 = arith.index_cast %scan3A_221 : i32 to index
        %swap3A_270 = arith.constant 96 : index
        %swap3A_271 = tpu.vector_load %arg10[%swap3A_269, %swap3A_270] {strides = array<i32>} : memref<128x128xf32, #tpu.memory_space<vmem>>, vector<16xf32>,
        tpu.vector_store %arg10[%swap3A_269, %swap3A_270], %mul3A_268 {strides = array<i32>} : memref<128x128xf32, #tpu.memory_space<vmem>>, vector<16xf32>,
        %get3A_272 = arith.index_cast %scan3A_221 : i32 to index
        %get3A_273 = arith.constant 112 : index
        %get3A_274 = tpu.vector_load %arg10[%get3A_272, %get3A_273] {strides = array<i32>} : memref<128x128xf32, #tpu.memory_space<vmem>>, vector<16xf32>,
        %mul3A_275 = arith.mulf %get3A_274, %gather3A : vector<16xf32>
        %swap3A_276 = arith.index_cast %scan3A_221 : i32 to index
        %swap3A_277 = arith.constant 112 : index
        %swap3A_278 = tpu.vector_load %arg10[%swap3A_276, %swap3A_277] {strides = array<i32>} : memref<128x128xf32, #tpu.memory_space<vmem>>, vector<16xf32>,
        tpu.vector_store %arg10[%swap3A_276, %swap3A_277], %mul3A_275 {strides = array<i32>} : memref<128x128xf32, #tpu.memory_space<vmem>>, vector<16xf32>,
        %scan3A_279 = arith.constant 1 : i32
        %scan3A_280 = arith.addi %scan3A_221, %scan3A_279 : i32
        %mul3A_281 = arith.constant 128 : i32
        %mul3A_282 = arith.muli %add3A_179, %mul3A_281 : i32
        %add3A_283 = arith.addi %mul3A_282, %scan3A_280 : i32
        %broadcast_in_dim3A_284 = vector.broadcast %add3A_283 : i32 to vector<16xi32>
        %gather3A_285 = tpu.vector_load_idx %arg9[%broadcast_in_dim3A_284] : memref<5120xf32, #tpu.memory_space<vmem>>[vector<16xi32>], vector<16xf32>,
        %get3A_286 = arith.index_cast %scan3A_280 : i32 to index
        %get3A_287 = arith.constant 0 : index
        %get3A_288 = tpu.vector_load %arg10[%get3A_286, %get3A_287] {strides = array<i32>} : memref<128x128xf32, #tpu.memory_space<vmem>>, vector<16xf32>,
        %mul3A_289 = arith.mulf %get3A_288, %gather3A_285 : vector<16xf32>
        %swap3A_290 = arith.index_cast %scan3A_280 : i32 to index
        %swap3A_291 = arith.constant 0 : index
        %swap3A_292 = tpu.vector_load %arg10[%swap3A_290, %swap3A_291] {strides = array<i32>} : memref<128x128xf32, #tpu.memory_space<vmem>>, vector<16xf32>,
        tpu.vector_store %arg10[%swap3A_290, %swap3A_291], %mul3A_289 {strides = array<i32>} : memref<128x128xf32, #tpu.memory_space<vmem>>, vector<16xf32>,
        %get3A_293 = arith.index_cast %scan3A_280 : i32 to index
        %get3A_294 = arith.constant 16 : index
        %get3A_295 = tpu.vector_load %arg10[%get3A_293, %get3A_294] {strides = array<i32>} : memref<128x128xf32, #tpu.memory_space<vmem>>, vector<16xf32>,
        %mul3A_296 = arith.mulf %get3A_295, %gather3A_285 : vector<16xf32>
        %swap3A_297 = arith.index_cast %scan3A_280 : i32 to index
        %swap3A_298 = arith.constant 16 : index
        %swap3A_299 = tpu.vector_load %arg10[%swap3A_297, %swap3A_298] {strides = array<i32>} : memref<128x128xf32, #tpu.memory_space<vmem>>, vector<16xf32>,
        tpu.vector_store %arg10[%swap3A_297, %swap3A_298], %mul3A_296 {strides = array<i32>} : memref<128x128xf32, #tpu.memory_space<vmem>>, vector<16xf32>,
        %get3A_300 = arith.index_cast %scan3A_280 : i32 to index
        %get3A_301 = arith.constant 32 : index
        %get3A_302 = tpu.vector_load %arg10[%get3A_300, %get3A_301] {strides = array<i32>} : memref<128x128xf32, #tpu.memory_space<vmem>>, vector<16xf32>,
        %mul3A_303 = arith.mulf %get3A_302, %gather3A_285 : vector<16xf32>
        %swap3A_304 = arith.index_cast %scan3A_280 : i32 to index
        %swap3A_305 = arith.constant 32 : index
        %swap3A_306 = tpu.vector_load %arg10[%swap3A_304, %swap3A_305] {strides = array<i32>} : memref<128x128xf32, #tpu.memory_space<vmem>>, vector<16xf32>,
        tpu.vector_store %arg10[%swap3A_304, %swap3A_305], %mul3A_303 {strides = array<i32>} : memref<128x128xf32, #tpu.memory_space<vmem>>, vector<16xf32>,
        %get3A_307 = arith.index_cast %scan3A_280 : i32 to index
        %get3A_308 = arith.constant 48 : index
        %get3A_309 = tpu.vector_load %arg10[%get3A_307, %get3A_308] {strides = array<i32>} : memref<128x128xf32, #tpu.memory_space<vmem>>, vector<16xf32>,
        %mul3A_310 = arith.mulf %get3A_309, %gather3A_285 : vector<16xf32>
        %swap3A_311 = arith.index_cast %scan3A_280 : i32 to index
        %swap3A_312 = arith.constant 48 : index
        %swap3A_313 = tpu.vector_load %arg10[%swap3A_311, %swap3A_312] {strides = array<i32>} : memref<128x128xf32, #tpu.memory_space<vmem>>, vector<16xf32>,
        tpu.vector_store %arg10[%swap3A_311, %swap3A_312], %mul3A_310 {strides = array<i32>} : memref<128x128xf32, #tpu.memory_space<vmem>>, vector<16xf32>,
        %get3A_314 = arith.index_cast %scan3A_280 : i32 to index
        %get3A_315 = arith.constant 64 : index
        %get3A_316 = tpu.vector_load %arg10[%get3A_314, %get3A_315] {strides = array<i32>} : memref<128x128xf32, #tpu.memory_space<vmem>>, vector<16xf32>,
        %mul3A_317 = arith.mulf %get3A_316, %gather3A_285 : vector<16xf32>
        %swap3A_318 = arith.index_cast %scan3A_280 : i32 to index
        %swap3A_319 = arith.constant 64 : index
        %swap3A_320 = tpu.vector_load %arg10[%swap3A_318, %swap3A_319] {strides = array<i32>} : memref<128x128xf32, #tpu.memory_space<vmem>>, vector<16xf32>,
        tpu.vector_store %arg10[%swap3A_318, %swap3A_319], %mul3A_317 {strides = array<i32>} : memref<128x128xf32, #tpu.memory_space<vmem>>, vector<16xf32>,
        %get3A_321 = arith.index_cast %scan3A_280 : i32 to index
        %get3A_322 = arith.constant 80 : index
        %get3A_323 = tpu.vector_load %arg10[%get3A_321, %get3A_322] {strides = array<i32>} : memref<128x128xf32, #tpu.memory_space<vmem>>, vector<16xf32>,
        %mul3A_324 = arith.mulf %get3A_323, %gather3A_285 : vector<16xf32>
        %swap3A_325 = arith.index_cast %scan3A_280 : i32 to index
        %swap3A_326 = arith.constant 80 : index
        %swap3A_327 = tpu.vector_load %arg10[%swap3A_325, %swap3A_326] {strides = array<i32>} : memref<128x128xf32, #tpu.memory_space<vmem>>, vector<16xf32>,
        tpu.vector_store %arg10[%swap3A_325, %swap3A_326], %mul3A_324 {strides = array<i32>} : memref<128x128xf32, #tpu.memory_space<vmem>>, vector<16xf32>,
        %get3A_328 = arith.index_cast %scan3A_280 : i32 to index
        %get3A_329 = arith.constant 96 : index
        %get3A_330 = tpu.vector_load %arg10[%get3A_328, %get3A_329] {strides = array<i32>} : memref<128x128xf32, #tpu.memory_space<vmem>>, vector<16xf32>,
        %mul3A_331 = arith.mulf %get3A_330, %gather3A_285 : vector<16xf32>
        %swap3A_332 = arith.index_cast %scan3A_280 : i32 to index
        %swap3A_333 = arith.constant 96 : index
        %swap3A_334 = tpu.vector_load %arg10[%swap3A_332, %swap3A_333] {strides = array<i32>} : memref<128x128xf32, #tpu.memory_space<vmem>>, vector<16xf32>,
        tpu.vector_store %arg10[%swap3A_332, %swap3A_333], %mul3A_331 {strides = array<i32>} : memref<128x128xf32, #tpu.memory_space<vmem>>, vector<16xf32>,
        %get3A_335 = arith.index_cast %scan3A_280 : i32 to index
        %get3A_336 = arith.constant 112 : index
        %get3A_337 = tpu.vector_load %arg10[%get3A_335, %get3A_336] {strides = array<i32>} : memref<128x128xf32, #tpu.memory_space<vmem>>, vector<16xf32>,
        %mul3A_338 = arith.mulf %get3A_337, %gather3A_285 : vector<16xf32>
        %swap3A_339 = arith.index_cast %scan3A_280 : i32 to index
        %swap3A_340 = arith.constant 112 : index
        %swap3A_341 = tpu.vector_load %arg10[%swap3A_339, %swap3A_340] {strides = array<i32>} : memref<128x128xf32, #tpu.memory_space<vmem>>, vector<16xf32>,
        tpu.vector_store %arg10[%swap3A_339, %swap3A_340], %mul3A_338 {strides = array<i32>} : memref<128x128xf32, #tpu.memory_space<vmem>>, vector<16xf32>,
      }
      %scan3A_191 = arith.constant 128 : i32
      "tpu.region"() ({
        %run_scoped3A_221 = tpu.sem_alloc : memref<!tpu.dma_semaphore, #tpu.memory_space<semaphore_mem>>
        %dma_start3A_222 = arith.constant 0 : i32
        %dma_start3A_223 = tpu.memref_slice %arg8[%add3A_179, %dma_start3A_222] : memref<40x128xi32, #tpu.memory_space<vmem>> -> memref<1x128xi32, #tpu.memory_space<vmem>>
        %dma_start3A_224 = tpu.memref_squeeze %dma_start3A_223 : memref<1x128xi32, #tpu.memory_space<vmem>> -> memref<128xi32, #tpu.memory_space<vmem>>
        %dma_start3A_225 = arith.constant 0 : i32
        %dma_start3A_226 = arith.constant 0 : i32
        %dma_start3A_227 = tpu.memref_slice %arg12[%dma_start3A_225, %dma_start3A_226] : memref<10000x128xf32, #tpu.memory_space<vmem_shared>> -> memref<10000x128xf32, #tpu.memory_space<vmem_shared>>
        tpu.enqueue_indirect_dma source(%arg10 : memref<128x128xf32, #tpu.memory_space<vmem>>) target(%dma_start3A_227 : memref<10000x128xf32, #tpu.memory_space<vmem_shared>>) offsets(%dma_start3A_224 : memref<128xi32, #tpu.memory_space<vmem>>) semaphore(%run_scoped3A_221 : memref<!tpu.dma_semaphore, #tpu.memory_space<semaphore_mem>>) {add = true}
        %dma_wait3A_228 = arith.constant 0 : i32
        %dma_wait3A_229 = tpu.memref_slice %arg8[%add3A_179, %dma_wait3A_228] : memref<40x128xi32, #tpu.memory_space<vmem>> -> memref<1x128xi32, #tpu.memory_space<vmem>>
        %dma_wait3A_230 = tpu.memref_squeeze %dma_wait3A_229 : memref<1x128xi32, #tpu.memory_space<vmem>> -> memref<128xi32, #tpu.memory_space<vmem>>
        %dma_wait3A_231 = arith.constant 0 : i32
        %dma_wait3A_232 = arith.constant 0 : i32
        %dma_wait3A_233 = tpu.memref_slice %arg12[%dma_wait3A_231, %dma_wait3A_232] : memref<10000x128xf32, #tpu.memory_space<vmem_shared>> -> memref<10000x128xf32, #tpu.memory_space<vmem_shared>>
        tpu.wait_indirect_dma semaphore(%run_scoped3A_221 : memref<!tpu.dma_semaphore, #tpu.memory_space<semaphore_mem>>) src(%arg10 : memref<128x128xf32, #tpu.memory_space<vmem>>) dst(%dma_wait3A_233 : memref<10000x128xf32, #tpu.memory_space<vmem_shared>>)
        tpu.yield
      }) : () -> ()
      %add3A_192 = arith.constant 2 : i32
      %add3A_193 = arith.addi %add3A_179, %add3A_192 : i32
      %lt3A = arith.constant 40 : i32
      %lt3A_194 = arith.cmpi slt, %add3A_193, %lt3A : i32
      %convert_element_type3A_195 = arith.extui %lt3A_194 : i1 to i32
      %cond3A_196 = arith.constant 0 : i32
      %cond3A_197 = arith.cmpi ne, %convert_element_type3A_195, %cond3A_196 : i32
      scf.if %cond3A_197 {
        %add3A_221 = arith.constant 2 : i32
        %add3A_222 = arith.addi %add3A_179, %add3A_221 : i32
        %mul3A_223 = arith.constant 128 : i32
        %mul3A_224 = arith.muli %add3A_222, %mul3A_223 : i32
        %dma_start3A_225 = tpu.memref_slice %arg7[%mul3A_224] : memref<5120xi32, #tpu.memory_space<vmem>> -> memref<128xi32, #tpu.memory_space<vmem>>
        %dma_start3A_226 = arith.constant 0 : i32
        %dma_start3A_227 = arith.constant 0 : i32
        %dma_start3A_228 = tpu.memref_slice %arg2[%dma_start3A_226, %dma_start3A_227] : memref<10000x128xf32, #tpu.memory_space<hbm>> -> memref<10000x128xf32, #tpu.memory_space<hbm>>
        tpu.enqueue_indirect_dma source(%dma_start3A_228 : memref<10000x128xf32, #tpu.memory_space<hbm>>) target(%arg10 : memref<128x128xf32, #tpu.memory_space<vmem>>) offsets(%dma_start3A_225 : memref<128xi32, #tpu.memory_space<vmem>>) semaphore(%arg13 : memref<!tpu.dma_semaphore, #tpu.memory_space<semaphore_mem>>)
      } else {
      }
      %mul3A_198 = arith.constant 2 : i32
      %mul3A_199 = arith.muli %mul3A_198, %scan3A_175 : i32
      %add3A_200 = arith.constant 1 : i32
      %add3A_201 = arith.addi %mul3A_199, %add3A_200 : i32
      %dma_wait3A_202 = arith.constant 0 : i32
      %dma_wait3A_203 = arith.constant 0 : i32
      %dma_wait3A_204 = tpu.memref_slice %arg2[%dma_wait3A_202, %dma_wait3A_203] : memref<10000x128xf32, #tpu.memory_space<hbm>> -> memref<128x128xf32, #tpu.memory_space<hbm>>
      %dma_wait3A_205 = arith.constant 0 : i32
      %dma_wait3A_206 = arith.constant 0 : i32
      %dma_wait3A_207 = tpu.memref_slice %arg2[%dma_wait3A_205, %dma_wait3A_206] : memref<10000x128xf32, #tpu.memory_space<hbm>> -> memref<128x128xf32, #tpu.memory_space<hbm>>
      tpu.wait_dma2 semaphore(%arg14 : memref<!tpu.dma_semaphore, #tpu.memory_space<semaphore_mem>>) src(%dma_wait3A_207 : memref<128x128xf32, #tpu.memory_space<hbm>>) dst(%arg11 : memref<128x128xf32, #tpu.memory_space<vmem>>)
      %scan3A_208 = arith.constant 0 : i32
      %scan3A_209 = arith.constant 0 : i32
      %scan3A_210 = arith.constant 128 : i32
      %scan3A_211 = arith.addi %scan3A_209, %scan3A_210 : i32
      %scan3A_212 = arith.constant 2 : i32
      scf.for %scan3A_221 = %scan3A_209 to %scan3A_211 step %scan3A_212  : i32 {
        %mul3A_222 = arith.constant 128 : i32
        %mul3A_223 = arith.muli %add3A_201, %mul3A_222 : i32
        %add3A_224 = arith.addi %mul3A_223, %scan3A_221 : i32
        %broadcast_in_dim3A = vector.broadcast %add3A_224 : i32 to vector<16xi32>
        %gather3A = tpu.vector_load_idx %arg9[%broadcast_in_dim3A] : memref<5120xf32, #tpu.memory_space<vmem>>[vector<16xi32>], vector<16xf32>,
        %get3A = arith.index_cast %scan3A_221 : i32 to index
        %get3A_225 = arith.constant 0 : index
        %get3A_226 = tpu.vector_load %arg11[%get3A, %get3A_225] {strides = array<i32>} : memref<128x128xf32, #tpu.memory_space<vmem>>, vector<16xf32>,
        %mul3A_227 = arith.mulf %get3A_226, %gather3A : vector<16xf32>
        %swap3A = arith.index_cast %scan3A_221 : i32 to index
        %swap3A_228 = arith.constant 0 : index
        %swap3A_229 = tpu.vector_load %arg11[%swap3A, %swap3A_228] {strides = array<i32>} : memref<128x128xf32, #tpu.memory_space<vmem>>, vector<16xf32>,
        tpu.vector_store %arg11[%swap3A, %swap3A_228], %mul3A_227 {strides = array<i32>} : memref<128x128xf32, #tpu.memory_space<vmem>>, vector<16xf32>,
        %get3A_230 = arith.index_cast %scan3A_221 : i32 to index
        %get3A_231 = arith.constant 16 : index
        %get3A_232 = tpu.vector_load %arg11[%get3A_230, %get3A_231] {strides = array<i32>} : memref<128x128xf32, #tpu.memory_space<vmem>>, vector<16xf32>,
        %mul3A_233 = arith.mulf %get3A_232, %gather3A : vector<16xf32>
        %swap3A_234 = arith.index_cast %scan3A_221 : i32 to index
        %swap3A_235 = arith.constant 16 : index
        %swap3A_236 = tpu.vector_load %arg11[%swap3A_234, %swap3A_235] {strides = array<i32>} : memref<128x128xf32, #tpu.memory_space<vmem>>, vector<16xf32>,
        tpu.vector_store %arg11[%swap3A_234, %swap3A_235], %mul3A_233 {strides = array<i32>} : memref<128x128xf32, #tpu.memory_space<vmem>>, vector<16xf32>,
        %get3A_237 = arith.index_cast %scan3A_221 : i32 to index
        %get3A_238 = arith.constant 32 : index
        %get3A_239 = tpu.vector_load %arg11[%get3A_237, %get3A_238] {strides = array<i32>} : memref<128x128xf32, #tpu.memory_space<vmem>>, vector<16xf32>,
        %mul3A_240 = arith.mulf %get3A_239, %gather3A : vector<16xf32>
        %swap3A_241 = arith.index_cast %scan3A_221 : i32 to index
        %swap3A_242 = arith.constant 32 : index
        %swap3A_243 = tpu.vector_load %arg11[%swap3A_241, %swap3A_242] {strides = array<i32>} : memref<128x128xf32, #tpu.memory_space<vmem>>, vector<16xf32>,
        tpu.vector_store %arg11[%swap3A_241, %swap3A_242], %mul3A_240 {strides = array<i32>} : memref<128x128xf32, #tpu.memory_space<vmem>>, vector<16xf32>,
        %get3A_244 = arith.index_cast %scan3A_221 : i32 to index
        %get3A_245 = arith.constant 48 : index
        %get3A_246 = tpu.vector_load %arg11[%get3A_244, %get3A_245] {strides = array<i32>} : memref<128x128xf32, #tpu.memory_space<vmem>>, vector<16xf32>,
        %mul3A_247 = arith.mulf %get3A_246, %gather3A : vector<16xf32>
        %swap3A_248 = arith.index_cast %scan3A_221 : i32 to index
        %swap3A_249 = arith.constant 48 : index
        %swap3A_250 = tpu.vector_load %arg11[%swap3A_248, %swap3A_249] {strides = array<i32>} : memref<128x128xf32, #tpu.memory_space<vmem>>, vector<16xf32>,
        tpu.vector_store %arg11[%swap3A_248, %swap3A_249], %mul3A_247 {strides = array<i32>} : memref<128x128xf32, #tpu.memory_space<vmem>>, vector<16xf32>,
        %get3A_251 = arith.index_cast %scan3A_221 : i32 to index
        %get3A_252 = arith.constant 64 : index
        %get3A_253 = tpu.vector_load %arg11[%get3A_251, %get3A_252] {strides = array<i32>} : memref<128x128xf32, #tpu.memory_space<vmem>>, vector<16xf32>,
        %mul3A_254 = arith.mulf %get3A_253, %gather3A : vector<16xf32>
        %swap3A_255 = arith.index_cast %scan3A_221 : i32 to index
        %swap3A_256 = arith.constant 64 : index
        %swap3A_257 = tpu.vector_load %arg11[%swap3A_255, %swap3A_256] {strides = array<i32>} : memref<128x128xf32, #tpu.memory_space<vmem>>, vector<16xf32>,
        tpu.vector_store %arg11[%swap3A_255, %swap3A_256], %mul3A_254 {strides = array<i32>} : memref<128x128xf32, #tpu.memory_space<vmem>>, vector<16xf32>,
        %get3A_258 = arith.index_cast %scan3A_221 : i32 to index
        %get3A_259 = arith.constant 80 : index
        %get3A_260 = tpu.vector_load %arg11[%get3A_258, %get3A_259] {strides = array<i32>} : memref<128x128xf32, #tpu.memory_space<vmem>>, vector<16xf32>,
        %mul3A_261 = arith.mulf %get3A_260, %gather3A : vector<16xf32>
        %swap3A_262 = arith.index_cast %scan3A_221 : i32 to index
        %swap3A_263 = arith.constant 80 : index
        %swap3A_264 = tpu.vector_load %arg11[%swap3A_262, %swap3A_263] {strides = array<i32>} : memref<128x128xf32, #tpu.memory_space<vmem>>, vector<16xf32>,
        tpu.vector_store %arg11[%swap3A_262, %swap3A_263], %mul3A_261 {strides = array<i32>} : memref<128x128xf32, #tpu.memory_space<vmem>>, vector<16xf32>,
        %get3A_265 = arith.index_cast %scan3A_221 : i32 to index
        %get3A_266 = arith.constant 96 : index
        %get3A_267 = tpu.vector_load %arg11[%get3A_265, %get3A_266] {strides = array<i32>} : memref<128x128xf32, #tpu.memory_space<vmem>>, vector<16xf32>,
        %mul3A_268 = arith.mulf %get3A_267, %gather3A : vector<16xf32>
        %swap3A_269 = arith.index_cast %scan3A_221 : i32 to index
        %swap3A_270 = arith.constant 96 : index
        %swap3A_271 = tpu.vector_load %arg11[%swap3A_269, %swap3A_270] {strides = array<i32>} : memref<128x128xf32, #tpu.memory_space<vmem>>, vector<16xf32>,
        tpu.vector_store %arg11[%swap3A_269, %swap3A_270], %mul3A_268 {strides = array<i32>} : memref<128x128xf32, #tpu.memory_space<vmem>>, vector<16xf32>,
        %get3A_272 = arith.index_cast %scan3A_221 : i32 to index
        %get3A_273 = arith.constant 112 : index
        %get3A_274 = tpu.vector_load %arg11[%get3A_272, %get3A_273] {strides = array<i32>} : memref<128x128xf32, #tpu.memory_space<vmem>>, vector<16xf32>,
        %mul3A_275 = arith.mulf %get3A_274, %gather3A : vector<16xf32>
        %swap3A_276 = arith.index_cast %scan3A_221 : i32 to index
        %swap3A_277 = arith.constant 112 : index
        %swap3A_278 = tpu.vector_load %arg11[%swap3A_276, %swap3A_277] {strides = array<i32>} : memref<128x128xf32, #tpu.memory_space<vmem>>, vector<16xf32>,
        tpu.vector_store %arg11[%swap3A_276, %swap3A_277], %mul3A_275 {strides = array<i32>} : memref<128x128xf32, #tpu.memory_space<vmem>>, vector<16xf32>,
        %scan3A_279 = arith.constant 1 : i32
        %scan3A_280 = arith.addi %scan3A_221, %scan3A_279 : i32
        %mul3A_281 = arith.constant 128 : i32
        %mul3A_282 = arith.muli %add3A_201, %mul3A_281 : i32
        %add3A_283 = arith.addi %mul3A_282, %scan3A_280 : i32
        %broadcast_in_dim3A_284 = vector.broadcast %add3A_283 : i32 to vector<16xi32>
        %gather3A_285 = tpu.vector_load_idx %arg9[%broadcast_in_dim3A_284] : memref<5120xf32, #tpu.memory_space<vmem>>[vector<16xi32>], vector<16xf32>,
        %get3A_286 = arith.index_cast %scan3A_280 : i32 to index
        %get3A_287 = arith.constant 0 : index
        %get3A_288 = tpu.vector_load %arg11[%get3A_286, %get3A_287] {strides = array<i32>} : memref<128x128xf32, #tpu.memory_space<vmem>>, vector<16xf32>,
        %mul3A_289 = arith.mulf %get3A_288, %gather3A_285 : vector<16xf32>
        %swap3A_290 = arith.index_cast %scan3A_280 : i32 to index
        %swap3A_291 = arith.constant 0 : index
        %swap3A_292 = tpu.vector_load %arg11[%swap3A_290, %swap3A_291] {strides = array<i32>} : memref<128x128xf32, #tpu.memory_space<vmem>>, vector<16xf32>,
        tpu.vector_store %arg11[%swap3A_290, %swap3A_291], %mul3A_289 {strides = array<i32>} : memref<128x128xf32, #tpu.memory_space<vmem>>, vector<16xf32>,
        %get3A_293 = arith.index_cast %scan3A_280 : i32 to index
        %get3A_294 = arith.constant 16 : index
        %get3A_295 = tpu.vector_load %arg11[%get3A_293, %get3A_294] {strides = array<i32>} : memref<128x128xf32, #tpu.memory_space<vmem>>, vector<16xf32>,
        %mul3A_296 = arith.mulf %get3A_295, %gather3A_285 : vector<16xf32>
        %swap3A_297 = arith.index_cast %scan3A_280 : i32 to index
        %swap3A_298 = arith.constant 16 : index
        %swap3A_299 = tpu.vector_load %arg11[%swap3A_297, %swap3A_298] {strides = array<i32>} : memref<128x128xf32, #tpu.memory_space<vmem>>, vector<16xf32>,
        tpu.vector_store %arg11[%swap3A_297, %swap3A_298], %mul3A_296 {strides = array<i32>} : memref<128x128xf32, #tpu.memory_space<vmem>>, vector<16xf32>,
        %get3A_300 = arith.index_cast %scan3A_280 : i32 to index
        %get3A_301 = arith.constant 32 : index
        %get3A_302 = tpu.vector_load %arg11[%get3A_300, %get3A_301] {strides = array<i32>} : memref<128x128xf32, #tpu.memory_space<vmem>>, vector<16xf32>,
        %mul3A_303 = arith.mulf %get3A_302, %gather3A_285 : vector<16xf32>
        %swap3A_304 = arith.index_cast %scan3A_280 : i32 to index
        %swap3A_305 = arith.constant 32 : index
        %swap3A_306 = tpu.vector_load %arg11[%swap3A_304, %swap3A_305] {strides = array<i32>} : memref<128x128xf32, #tpu.memory_space<vmem>>, vector<16xf32>,
        tpu.vector_store %arg11[%swap3A_304, %swap3A_305], %mul3A_303 {strides = array<i32>} : memref<128x128xf32, #tpu.memory_space<vmem>>, vector<16xf32>,
        %get3A_307 = arith.index_cast %scan3A_280 : i32 to index
        %get3A_308 = arith.constant 48 : index
        %get3A_309 = tpu.vector_load %arg11[%get3A_307, %get3A_308] {strides = array<i32>} : memref<128x128xf32, #tpu.memory_space<vmem>>, vector<16xf32>,
        %mul3A_310 = arith.mulf %get3A_309, %gather3A_285 : vector<16xf32>
        %swap3A_311 = arith.index_cast %scan3A_280 : i32 to index
        %swap3A_312 = arith.constant 48 : index
        %swap3A_313 = tpu.vector_load %arg11[%swap3A_311, %swap3A_312] {strides = array<i32>} : memref<128x128xf32, #tpu.memory_space<vmem>>, vector<16xf32>,
        tpu.vector_store %arg11[%swap3A_311, %swap3A_312], %mul3A_310 {strides = array<i32>} : memref<128x128xf32, #tpu.memory_space<vmem>>, vector<16xf32>,
        %get3A_314 = arith.index_cast %scan3A_280 : i32 to index
        %get3A_315 = arith.constant 64 : index
        %get3A_316 = tpu.vector_load %arg11[%get3A_314, %get3A_315] {strides = array<i32>} : memref<128x128xf32, #tpu.memory_space<vmem>>, vector<16xf32>,
        %mul3A_317 = arith.mulf %get3A_316, %gather3A_285 : vector<16xf32>
        %swap3A_318 = arith.index_cast %scan3A_280 : i32 to index
        %swap3A_319 = arith.constant 64 : index
        %swap3A_320 = tpu.vector_load %arg11[%swap3A_318, %swap3A_319] {strides = array<i32>} : memref<128x128xf32, #tpu.memory_space<vmem>>, vector<16xf32>,
        tpu.vector_store %arg11[%swap3A_318, %swap3A_319], %mul3A_317 {strides = array<i32>} : memref<128x128xf32, #tpu.memory_space<vmem>>, vector<16xf32>,
        %get3A_321 = arith.index_cast %scan3A_280 : i32 to index
        %get3A_322 = arith.constant 80 : index
        %get3A_323 = tpu.vector_load %arg11[%get3A_321, %get3A_322] {strides = array<i32>} : memref<128x128xf32, #tpu.memory_space<vmem>>, vector<16xf32>,
        %mul3A_324 = arith.mulf %get3A_323, %gather3A_285 : vector<16xf32>
        %swap3A_325 = arith.index_cast %scan3A_280 : i32 to index
        %swap3A_326 = arith.constant 80 : index
        %swap3A_327 = tpu.vector_load %arg11[%swap3A_325, %swap3A_326] {strides = array<i32>} : memref<128x128xf32, #tpu.memory_space<vmem>>, vector<16xf32>,
        tpu.vector_store %arg11[%swap3A_325, %swap3A_326], %mul3A_324 {strides = array<i32>} : memref<128x128xf32, #tpu.memory_space<vmem>>, vector<16xf32>,
        %get3A_328 = arith.index_cast %scan3A_280 : i32 to index
        %get3A_329 = arith.constant 96 : index
        %get3A_330 = tpu.vector_load %arg11[%get3A_328, %get3A_329] {strides = array<i32>} : memref<128x128xf32, #tpu.memory_space<vmem>>, vector<16xf32>,
        %mul3A_331 = arith.mulf %get3A_330, %gather3A_285 : vector<16xf32>
        %swap3A_332 = arith.index_cast %scan3A_280 : i32 to index
        %swap3A_333 = arith.constant 96 : index
        %swap3A_334 = tpu.vector_load %arg11[%swap3A_332, %swap3A_333] {strides = array<i32>} : memref<128x128xf32, #tpu.memory_space<vmem>>, vector<16xf32>,
        tpu.vector_store %arg11[%swap3A_332, %swap3A_333], %mul3A_331 {strides = array<i32>} : memref<128x128xf32, #tpu.memory_space<vmem>>, vector<16xf32>,
        %get3A_335 = arith.index_cast %scan3A_280 : i32 to index
        %get3A_336 = arith.constant 112 : index
        %get3A_337 = tpu.vector_load %arg11[%get3A_335, %get3A_336] {strides = array<i32>} : memref<128x128xf32, #tpu.memory_space<vmem>>, vector<16xf32>,
        %mul3A_338 = arith.mulf %get3A_337, %gather3A_285 : vector<16xf32>
        %swap3A_339 = arith.index_cast %scan3A_280 : i32 to index
        %swap3A_340 = arith.constant 112 : index
        %swap3A_341 = tpu.vector_load %arg11[%swap3A_339, %swap3A_340] {strides = array<i32>} : memref<128x128xf32, #tpu.memory_space<vmem>>, vector<16xf32>,
        tpu.vector_store %arg11[%swap3A_339, %swap3A_340], %mul3A_338 {strides = array<i32>} : memref<128x128xf32, #tpu.memory_space<vmem>>, vector<16xf32>,
      }
      %scan3A_213 = arith.constant 128 : i32
      "tpu.region"() ({
        %run_scoped3A_221 = tpu.sem_alloc : memref<!tpu.dma_semaphore, #tpu.memory_space<semaphore_mem>>
        %dma_start3A_222 = arith.constant 0 : i32
        %dma_start3A_223 = tpu.memref_slice %arg8[%add3A_201, %dma_start3A_222] : memref<40x128xi32, #tpu.memory_space<vmem>> -> memref<1x128xi32, #tpu.memory_space<vmem>>
        %dma_start3A_224 = tpu.memref_squeeze %dma_start3A_223 : memref<1x128xi32, #tpu.memory_space<vmem>> -> memref<128xi32, #tpu.memory_space<vmem>>
        %dma_start3A_225 = arith.constant 0 : i32
        %dma_start3A_226 = arith.constant 0 : i32
        %dma_start3A_227 = tpu.memref_slice %arg12[%dma_start3A_225, %dma_start3A_226] : memref<10000x128xf32, #tpu.memory_space<vmem_shared>> -> memref<10000x128xf32, #tpu.memory_space<vmem_shared>>
        tpu.enqueue_indirect_dma source(%arg11 : memref<128x128xf32, #tpu.memory_space<vmem>>) target(%dma_start3A_227 : memref<10000x128xf32, #tpu.memory_space<vmem_shared>>) offsets(%dma_start3A_224 : memref<128xi32, #tpu.memory_space<vmem>>) semaphore(%run_scoped3A_221 : memref<!tpu.dma_semaphore, #tpu.memory_space<semaphore_mem>>) {add = true}
        %dma_wait3A_228 = arith.constant 0 : i32
        %dma_wait3A_229 = tpu.memref_slice %arg8[%add3A_201, %dma_wait3A_228] : memref<40x128xi32, #tpu.memory_space<vmem>> -> memref<1x128xi32, #tpu.memory_space<vmem>>
        %dma_wait3A_230 = tpu.memref_squeeze %dma_wait3A_229 : memref<1x128xi32, #tpu.memory_space<vmem>> -> memref<128xi32, #tpu.memory_space<vmem>>
        %dma_wait3A_231 = arith.constant 0 : i32
        %dma_wait3A_232 = arith.constant 0 : i32
        %dma_wait3A_233 = tpu.memref_slice %arg12[%dma_wait3A_231, %dma_wait3A_232] : memref<10000x128xf32, #tpu.memory_space<vmem_shared>> -> memref<10000x128xf32, #tpu.memory_space<vmem_shared>>
        tpu.wait_indirect_dma semaphore(%run_scoped3A_221 : memref<!tpu.dma_semaphore, #tpu.memory_space<semaphore_mem>>) src(%arg11 : memref<128x128xf32, #tpu.memory_space<vmem>>) dst(%dma_wait3A_233 : memref<10000x128xf32, #tpu.memory_space<vmem_shared>>)
        tpu.yield
      }) : () -> ()
      %add3A_214 = arith.constant 2 : i32
      %add3A_215 = arith.addi %add3A_201, %add3A_214 : i32
      %lt3A_216 = arith.constant 40 : i32
      %lt3A_217 = arith.cmpi slt, %add3A_215, %lt3A_216 : i32
      %convert_element_type3A_218 = arith.extui %lt3A_217 : i1 to i32
      %cond3A_219 = arith.constant 0 : i32
      %cond3A_220 = arith.cmpi ne, %convert_element_type3A_218, %cond3A_219 : i32
      scf.if %cond3A_220 {
        %add3A_221 = arith.constant 2 : i32
        %add3A_222 = arith.addi %add3A_201, %add3A_221 : i32
        %mul3A_223 = arith.constant 128 : i32
        %mul3A_224 = arith.muli %add3A_222, %mul3A_223 : i32
        %dma_start3A_225 = tpu.memref_slice %arg7[%mul3A_224] : memref<5120xi32, #tpu.memory_space<vmem>> -> memref<128xi32, #tpu.memory_space<vmem>>
        %dma_start3A_226 = arith.constant 0 : i32
        %dma_start3A_227 = arith.constant 0 : i32
        %dma_start3A_228 = tpu.memref_slice %arg2[%dma_start3A_226, %dma_start3A_227] : memref<10000x128xf32, #tpu.memory_space<hbm>> -> memref<10000x128xf32, #tpu.memory_space<hbm>>
        tpu.enqueue_indirect_dma source(%dma_start3A_228 : memref<10000x128xf32, #tpu.memory_space<hbm>>) target(%arg11 : memref<128x128xf32, #tpu.memory_space<vmem>>) offsets(%dma_start3A_225 : memref<128xi32, #tpu.memory_space<vmem>>) semaphore(%arg14 : memref<!tpu.dma_semaphore, #tpu.memory_space<semaphore_mem>>)
      } else {
      }
    }
    %scan3A_87 = arith.constant 20 : i32
    %run_scoped3A_88 = arith.constant 1 : i32
    "tpu.region"() ({
      %run_scoped3A_175 = tpu.sem_alloc : memref<!tpu.dma_semaphore, #tpu.memory_space<semaphore_mem>>
      %dma_start3A_176 = arith.constant 0 : i32
      %dma_start3A_177 = tpu.memref_slice %arg3[%add3A, %run_scoped3A_88, %dma_start3A_176] : memref<32x2x5120xi32, #tpu.memory_space<hbm>> -> memref<1x1x5120xi32, #tpu.memory_space<hbm>>
      %dma_start3A_178 = tpu.memref_squeeze %dma_start3A_177 : memref<1x1x5120xi32, #tpu.memory_space<hbm>> -> memref<5120xi32, #tpu.memory_space<hbm>>
      %dma_start3A_179 = arith.constant 0 : i32
      %dma_start3A_180 = tpu.memref_slice %arg3[%add3A, %run_scoped3A_88, %dma_start3A_179] : memref<32x2x5120xi32, #tpu.memory_space<hbm>> -> memref<1x1x5120xi32, #tpu.memory_space<hbm>>
      %dma_start3A_181 = tpu.memref_squeeze %dma_start3A_180 : memref<1x1x5120xi32, #tpu.memory_space<hbm>> -> memref<5120xi32, #tpu.memory_space<hbm>>
      tpu.enqueue_dma source(%dma_start3A_181 : memref<5120xi32, #tpu.memory_space<hbm>>) target(%arg7 : memref<5120xi32, #tpu.memory_space<vmem>>) target_semaphore(%run_scoped3A_175 : memref<!tpu.dma_semaphore, #tpu.memory_space<semaphore_mem>>)
      %dma_wait3A_182 = arith.constant 0 : i32
      %dma_wait3A_183 = tpu.memref_slice %arg3[%add3A, %run_scoped3A_88, %dma_wait3A_182] : memref<32x2x5120xi32, #tpu.memory_space<hbm>> -> memref<1x1x5120xi32, #tpu.memory_space<hbm>>
      %dma_wait3A_184 = tpu.memref_squeeze %dma_wait3A_183 : memref<1x1x5120xi32, #tpu.memory_space<hbm>> -> memref<5120xi32, #tpu.memory_space<hbm>>
      %dma_wait3A_185 = arith.constant 0 : i32
      %dma_wait3A_186 = tpu.memref_slice %arg3[%add3A, %run_scoped3A_88, %dma_wait3A_185] : memref<32x2x5120xi32, #tpu.memory_space<hbm>> -> memref<1x1x5120xi32, #tpu.memory_space<hbm>>
      %dma_wait3A_187 = tpu.memref_squeeze %dma_wait3A_186 : memref<1x1x5120xi32, #tpu.memory_space<hbm>> -> memref<5120xi32, #tpu.memory_space<hbm>>
      tpu.wait_dma2 semaphore(%run_scoped3A_175 : memref<!tpu.dma_semaphore, #tpu.memory_space<semaphore_mem>>) src(%dma_wait3A_187 : memref<5120xi32, #tpu.memory_space<hbm>>) dst(%arg7 : memref<5120xi32, #tpu.memory_space<vmem>>)
      tpu.yield
    }) : () -> ()
    %run_scoped3A_89 = arith.constant 1 : i32
    "tpu.region"() ({
      %run_scoped3A_175 = tpu.sem_alloc : memref<!tpu.dma_semaphore, #tpu.memory_space<semaphore_mem>>
      %dma_start3A_176 = arith.constant 0 : i32
      %dma_start3A_177 = arith.constant 0 : i32
      %dma_start3A_178 = tpu.memref_slice %arg4[%add3A, %run_scoped3A_89, %dma_start3A_176, %dma_start3A_177] : memref<32x2x40x128xi32, #tpu.memory_space<hbm>> -> memref<1x1x40x128xi32, #tpu.memory_space<hbm>>
      %dma_start3A_179 = tpu.memref_squeeze %dma_start3A_178 : memref<1x1x40x128xi32, #tpu.memory_space<hbm>> -> memref<40x128xi32, #tpu.memory_space<hbm>>
      %dma_start3A_180 = arith.constant 0 : i32
      %dma_start3A_181 = arith.constant 0 : i32
      %dma_start3A_182 = tpu.memref_slice %arg4[%add3A, %run_scoped3A_89, %dma_start3A_180, %dma_start3A_181] : memref<32x2x40x128xi32, #tpu.memory_space<hbm>> -> memref<1x1x40x128xi32, #tpu.memory_space<hbm>>
      %dma_start3A_183 = tpu.memref_squeeze %dma_start3A_182 : memref<1x1x40x128xi32, #tpu.memory_space<hbm>> -> memref<40x128xi32, #tpu.memory_space<hbm>>
      tpu.enqueue_dma source(%dma_start3A_183 : memref<40x128xi32, #tpu.memory_space<hbm>>) target(%arg8 : memref<40x128xi32, #tpu.memory_space<vmem>>) target_semaphore(%run_scoped3A_175 : memref<!tpu.dma_semaphore, #tpu.memory_space<semaphore_mem>>)
      %dma_wait3A_184 = arith.constant 0 : i32
      %dma_wait3A_185 = arith.constant 0 : i32
      %dma_wait3A_186 = tpu.memref_slice %arg4[%add3A, %run_scoped3A_89, %dma_wait3A_184, %dma_wait3A_185] : memref<32x2x40x128xi32, #tpu.memory_space<hbm>> -> memref<1x1x40x128xi32, #tpu.memory_space<hbm>>
      %dma_wait3A_187 = tpu.memref_squeeze %dma_wait3A_186 : memref<1x1x40x128xi32, #tpu.memory_space<hbm>> -> memref<40x128xi32, #tpu.memory_space<hbm>>
      %dma_wait3A_188 = arith.constant 0 : i32
      %dma_wait3A_189 = arith.constant 0 : i32
      %dma_wait3A_190 = tpu.memref_slice %arg4[%add3A, %run_scoped3A_89, %dma_wait3A_188, %dma_wait3A_189] : memref<32x2x40x128xi32, #tpu.memory_space<hbm>> -> memref<1x1x40x128xi32, #tpu.memory_space<hbm>>
      %dma_wait3A_191 = tpu.memref_squeeze %dma_wait3A_190 : memref<1x1x40x128xi32, #tpu.memory_space<hbm>> -> memref<40x128xi32, #tpu.memory_space<hbm>>
      tpu.wait_dma2 semaphore(%run_scoped3A_175 : memref<!tpu.dma_semaphore, #tpu.memory_space<semaphore_mem>>) src(%dma_wait3A_191 : memref<40x128xi32, #tpu.memory_space<hbm>>) dst(%arg8 : memref<40x128xi32, #tpu.memory_space<vmem>>)
      tpu.yield
    }) : () -> ()
    %run_scoped3A_90 = arith.constant 1 : i32
    "tpu.region"() ({
      %run_scoped3A_175 = tpu.sem_alloc : memref<!tpu.dma_semaphore, #tpu.memory_space<semaphore_mem>>
      %dma_start3A_176 = arith.constant 0 : i32
      %dma_start3A_177 = tpu.memref_slice %arg5[%add3A, %run_scoped3A_90, %dma_start3A_176] : memref<32x2x5120xf32, #tpu.memory_space<hbm>> -> memref<1x1x5120xf32, #tpu.memory_space<hbm>>
      %dma_start3A_178 = tpu.memref_squeeze %dma_start3A_177 : memref<1x1x5120xf32, #tpu.memory_space<hbm>> -> memref<5120xf32, #tpu.memory_space<hbm>>
      %dma_start3A_179 = arith.constant 0 : i32
      %dma_start3A_180 = tpu.memref_slice %arg5[%add3A, %run_scoped3A_90, %dma_start3A_179] : memref<32x2x5120xf32, #tpu.memory_space<hbm>> -> memref<1x1x5120xf32, #tpu.memory_space<hbm>>
      %dma_start3A_181 = tpu.memref_squeeze %dma_start3A_180 : memref<1x1x5120xf32, #tpu.memory_space<hbm>> -> memref<5120xf32, #tpu.memory_space<hbm>>
      tpu.enqueue_dma source(%dma_start3A_181 : memref<5120xf32, #tpu.memory_space<hbm>>) target(%arg9 : memref<5120xf32, #tpu.memory_space<vmem>>) target_semaphore(%run_scoped3A_175 : memref<!tpu.dma_semaphore, #tpu.memory_space<semaphore_mem>>)
      %dma_wait3A_182 = arith.constant 0 : i32
      %dma_wait3A_183 = tpu.memref_slice %arg5[%add3A, %run_scoped3A_90, %dma_wait3A_182] : memref<32x2x5120xf32, #tpu.memory_space<hbm>> -> memref<1x1x5120xf32, #tpu.memory_space<hbm>>
      %dma_wait3A_184 = tpu.memref_squeeze %dma_wait3A_183 : memref<1x1x5120xf32, #tpu.memory_space<hbm>> -> memref<5120xf32, #tpu.memory_space<hbm>>
      %dma_wait3A_185 = arith.constant 0 : i32
      %dma_wait3A_186 = tpu.memref_slice %arg5[%add3A, %run_scoped3A_90, %dma_wait3A_185] : memref<32x2x5120xf32, #tpu.memory_space<hbm>> -> memref<1x1x5120xf32, #tpu.memory_space<hbm>>
      %dma_wait3A_187 = tpu.memref_squeeze %dma_wait3A_186 : memref<1x1x5120xf32, #tpu.memory_space<hbm>> -> memref<5120xf32, #tpu.memory_space<hbm>>
      tpu.wait_dma2 semaphore(%run_scoped3A_175 : memref<!tpu.dma_semaphore, #tpu.memory_space<semaphore_mem>>) src(%dma_wait3A_187 : memref<5120xf32, #tpu.memory_space<hbm>>) dst(%arg9 : memref<5120xf32, #tpu.memory_space<vmem>>)
      tpu.yield
    }) : () -> ()
    %dma_start3A_91 = arith.constant 0 : i32
    %dma_start3A_92 = tpu.memref_slice %arg7[%dma_start3A_91] : memref<5120xi32, #tpu.memory_space<vmem>> -> memref<128xi32, #tpu.memory_space<vmem>>
    %dma_start3A_93 = arith.constant 0 : i32
    %dma_start3A_94 = arith.constant 0 : i32
    %dma_start3A_95 = tpu.memref_slice %arg2[%dma_start3A_93, %dma_start3A_94] : memref<10000x128xf32, #tpu.memory_space<hbm>> -> memref<10000x128xf32, #tpu.memory_space<hbm>>
    tpu.enqueue_indirect_dma source(%dma_start3A_95 : memref<10000x128xf32, #tpu.memory_space<hbm>>) target(%arg10 : memref<128x128xf32, #tpu.memory_space<vmem>>) offsets(%dma_start3A_92 : memref<128xi32, #tpu.memory_space<vmem>>) semaphore(%arg13 : memref<!tpu.dma_semaphore, #tpu.memory_space<semaphore_mem>>)
    %dma_start3A_96 = arith.constant 128 : i32
    %dma_start3A_97 = tpu.memref_slice %arg7[%dma_start3A_96] : memref<5120xi32, #tpu.memory_space<vmem>> -> memref<128xi32, #tpu.memory_space<vmem>>
    %dma_start3A_98 = arith.constant 0 : i32
    %dma_start3A_99 = arith.constant 0 : i32
    %dma_start3A_100 = tpu.memref_slice %arg2[%dma_start3A_98, %dma_start3A_99] : memref<10000x128xf32, #tpu.memory_space<hbm>> -> memref<10000x128xf32, #tpu.memory_space<hbm>>
    tpu.enqueue_indirect_dma source(%dma_start3A_100 : memref<10000x128xf32, #tpu.memory_space<hbm>>) target(%arg11 : memref<128x128xf32, #tpu.memory_space<vmem>>) offsets(%dma_start3A_97 : memref<128xi32, #tpu.memory_space<vmem>>) semaphore(%arg14 : memref<!tpu.dma_semaphore, #tpu.memory_space<semaphore_mem>>)
    %scan3A_101 = arith.constant 0 : i32
    %scan3A_102 = arith.constant 0 : i32
    %scan3A_103 = arith.constant 20 : i32
    %scan3A_104 = arith.addi %scan3A_102, %scan3A_103 : i32
    %scan3A_105 = arith.constant 1 : i32
    scf.for %scan3A_175 = %scan3A_102 to %scan3A_104 step %scan3A_105  : i32 {
      %mul3A_176 = arith.constant 2 : i32
      %mul3A_177 = arith.muli %mul3A_176, %scan3A_175 : i32
      %add3A_178 = arith.constant 0 : i32
      %add3A_179 = arith.addi %mul3A_177, %add3A_178 : i32
      %dma_wait3A_180 = arith.constant 0 : i32
      %dma_wait3A_181 = arith.constant 0 : i32
      %dma_wait3A_182 = tpu.memref_slice %arg2[%dma_wait3A_180, %dma_wait3A_181] : memref<10000x128xf32, #tpu.memory_space<hbm>> -> memref<128x128xf32, #tpu.memory_space<hbm>>
      %dma_wait3A_183 = arith.constant 0 : i32
      %dma_wait3A_184 = arith.constant 0 : i32
      %dma_wait3A_185 = tpu.memref_slice %arg2[%dma_wait3A_183, %dma_wait3A_184] : memref<10000x128xf32, #tpu.memory_space<hbm>> -> memref<128x128xf32, #tpu.memory_space<hbm>>
      tpu.wait_dma2 semaphore(%arg13 : memref<!tpu.dma_semaphore, #tpu.memory_space<semaphore_mem>>) src(%dma_wait3A_185 : memref<128x128xf32, #tpu.memory_space<hbm>>) dst(%arg10 : memref<128x128xf32, #tpu.memory_space<vmem>>)
      %scan3A_186 = arith.constant 0 : i32
      %scan3A_187 = arith.constant 0 : i32
      %scan3A_188 = arith.constant 128 : i32
      %scan3A_189 = arith.addi %scan3A_187, %scan3A_188 : i32
      %scan3A_190 = arith.constant 2 : i32
      scf.for %scan3A_221 = %scan3A_187 to %scan3A_189 step %scan3A_190  : i32 {
        %mul3A_222 = arith.constant 128 : i32
        %mul3A_223 = arith.muli %add3A_179, %mul3A_222 : i32
        %add3A_224 = arith.addi %mul3A_223, %scan3A_221 : i32
        %broadcast_in_dim3A = vector.broadcast %add3A_224 : i32 to vector<16xi32>
        %gather3A = tpu.vector_load_idx %arg9[%broadcast_in_dim3A] : memref<5120xf32, #tpu.memory_space<vmem>>[vector<16xi32>], vector<16xf32>,
        %get3A = arith.index_cast %scan3A_221 : i32 to index
        %get3A_225 = arith.constant 0 : index
        %get3A_226 = tpu.vector_load %arg10[%get3A, %get3A_225] {strides = array<i32>} : memref<128x128xf32, #tpu.memory_space<vmem>>, vector<16xf32>,
        %mul3A_227 = arith.mulf %get3A_226, %gather3A : vector<16xf32>
        %swap3A = arith.index_cast %scan3A_221 : i32 to index
        %swap3A_228 = arith.constant 0 : index
        %swap3A_229 = tpu.vector_load %arg10[%swap3A, %swap3A_228] {strides = array<i32>} : memref<128x128xf32, #tpu.memory_space<vmem>>, vector<16xf32>,
        tpu.vector_store %arg10[%swap3A, %swap3A_228], %mul3A_227 {strides = array<i32>} : memref<128x128xf32, #tpu.memory_space<vmem>>, vector<16xf32>,
        %get3A_230 = arith.index_cast %scan3A_221 : i32 to index
        %get3A_231 = arith.constant 16 : index
        %get3A_232 = tpu.vector_load %arg10[%get3A_230, %get3A_231] {strides = array<i32>} : memref<128x128xf32, #tpu.memory_space<vmem>>, vector<16xf32>,
        %mul3A_233 = arith.mulf %get3A_232, %gather3A : vector<16xf32>
        %swap3A_234 = arith.index_cast %scan3A_221 : i32 to index
        %swap3A_235 = arith.constant 16 : index
        %swap3A_236 = tpu.vector_load %arg10[%swap3A_234, %swap3A_235] {strides = array<i32>} : memref<128x128xf32, #tpu.memory_space<vmem>>, vector<16xf32>,
        tpu.vector_store %arg10[%swap3A_234, %swap3A_235], %mul3A_233 {strides = array<i32>} : memref<128x128xf32, #tpu.memory_space<vmem>>, vector<16xf32>,
        %get3A_237 = arith.index_cast %scan3A_221 : i32 to index
        %get3A_238 = arith.constant 32 : index
        %get3A_239 = tpu.vector_load %arg10[%get3A_237, %get3A_238] {strides = array<i32>} : memref<128x128xf32, #tpu.memory_space<vmem>>, vector<16xf32>,
        %mul3A_240 = arith.mulf %get3A_239, %gather3A : vector<16xf32>
        %swap3A_241 = arith.index_cast %scan3A_221 : i32 to index
        %swap3A_242 = arith.constant 32 : index
        %swap3A_243 = tpu.vector_load %arg10[%swap3A_241, %swap3A_242] {strides = array<i32>} : memref<128x128xf32, #tpu.memory_space<vmem>>, vector<16xf32>,
        tpu.vector_store %arg10[%swap3A_241, %swap3A_242], %mul3A_240 {strides = array<i32>} : memref<128x128xf32, #tpu.memory_space<vmem>>, vector<16xf32>,
        %get3A_244 = arith.index_cast %scan3A_221 : i32 to index
        %get3A_245 = arith.constant 48 : index
        %get3A_246 = tpu.vector_load %arg10[%get3A_244, %get3A_245] {strides = array<i32>} : memref<128x128xf32, #tpu.memory_space<vmem>>, vector<16xf32>,
        %mul3A_247 = arith.mulf %get3A_246, %gather3A : vector<16xf32>
        %swap3A_248 = arith.index_cast %scan3A_221 : i32 to index
        %swap3A_249 = arith.constant 48 : index
        %swap3A_250 = tpu.vector_load %arg10[%swap3A_248, %swap3A_249] {strides = array<i32>} : memref<128x128xf32, #tpu.memory_space<vmem>>, vector<16xf32>,
        tpu.vector_store %arg10[%swap3A_248, %swap3A_249], %mul3A_247 {strides = array<i32>} : memref<128x128xf32, #tpu.memory_space<vmem>>, vector<16xf32>,
        %get3A_251 = arith.index_cast %scan3A_221 : i32 to index
        %get3A_252 = arith.constant 64 : index
        %get3A_253 = tpu.vector_load %arg10[%get3A_251, %get3A_252] {strides = array<i32>} : memref<128x128xf32, #tpu.memory_space<vmem>>, vector<16xf32>,
        %mul3A_254 = arith.mulf %get3A_253, %gather3A : vector<16xf32>
        %swap3A_255 = arith.index_cast %scan3A_221 : i32 to index
        %swap3A_256 = arith.constant 64 : index
        %swap3A_257 = tpu.vector_load %arg10[%swap3A_255, %swap3A_256] {strides = array<i32>} : memref<128x128xf32, #tpu.memory_space<vmem>>, vector<16xf32>,
        tpu.vector_store %arg10[%swap3A_255, %swap3A_256], %mul3A_254 {strides = array<i32>} : memref<128x128xf32, #tpu.memory_space<vmem>>, vector<16xf32>,
        %get3A_258 = arith.index_cast %scan3A_221 : i32 to index
        %get3A_259 = arith.constant 80 : index
        %get3A_260 = tpu.vector_load %arg10[%get3A_258, %get3A_259] {strides = array<i32>} : memref<128x128xf32, #tpu.memory_space<vmem>>, vector<16xf32>,
        %mul3A_261 = arith.mulf %get3A_260, %gather3A : vector<16xf32>
        %swap3A_262 = arith.index_cast %scan3A_221 : i32 to index
        %swap3A_263 = arith.constant 80 : index
        %swap3A_264 = tpu.vector_load %arg10[%swap3A_262, %swap3A_263] {strides = array<i32>} : memref<128x128xf32, #tpu.memory_space<vmem>>, vector<16xf32>,
        tpu.vector_store %arg10[%swap3A_262, %swap3A_263], %mul3A_261 {strides = array<i32>} : memref<128x128xf32, #tpu.memory_space<vmem>>, vector<16xf32>,
        %get3A_265 = arith.index_cast %scan3A_221 : i32 to index
        %get3A_266 = arith.constant 96 : index
        %get3A_267 = tpu.vector_load %arg10[%get3A_265, %get3A_266] {strides = array<i32>} : memref<128x128xf32, #tpu.memory_space<vmem>>, vector<16xf32>,
        %mul3A_268 = arith.mulf %get3A_267, %gather3A : vector<16xf32>
        %swap3A_269 = arith.index_cast %scan3A_221 : i32 to index
        %swap3A_270 = arith.constant 96 : index
        %swap3A_271 = tpu.vector_load %arg10[%swap3A_269, %swap3A_270] {strides = array<i32>} : memref<128x128xf32, #tpu.memory_space<vmem>>, vector<16xf32>,
        tpu.vector_store %arg10[%swap3A_269, %swap3A_270], %mul3A_268 {strides = array<i32>} : memref<128x128xf32, #tpu.memory_space<vmem>>, vector<16xf32>,
        %get3A_272 = arith.index_cast %scan3A_221 : i32 to index
        %get3A_273 = arith.constant 112 : index
        %get3A_274 = tpu.vector_load %arg10[%get3A_272, %get3A_273] {strides = array<i32>} : memref<128x128xf32, #tpu.memory_space<vmem>>, vector<16xf32>,
        %mul3A_275 = arith.mulf %get3A_274, %gather3A : vector<16xf32>
        %swap3A_276 = arith.index_cast %scan3A_221 : i32 to index
        %swap3A_277 = arith.constant 112 : index
        %swap3A_278 = tpu.vector_load %arg10[%swap3A_276, %swap3A_277] {strides = array<i32>} : memref<128x128xf32, #tpu.memory_space<vmem>>, vector<16xf32>,
        tpu.vector_store %arg10[%swap3A_276, %swap3A_277], %mul3A_275 {strides = array<i32>} : memref<128x128xf32, #tpu.memory_space<vmem>>, vector<16xf32>,
        %scan3A_279 = arith.constant 1 : i32
        %scan3A_280 = arith.addi %scan3A_221, %scan3A_279 : i32
        %mul3A_281 = arith.constant 128 : i32
        %mul3A_282 = arith.muli %add3A_179, %mul3A_281 : i32
        %add3A_283 = arith.addi %mul3A_282, %scan3A_280 : i32
        %broadcast_in_dim3A_284 = vector.broadcast %add3A_283 : i32 to vector<16xi32>
        %gather3A_285 = tpu.vector_load_idx %arg9[%broadcast_in_dim3A_284] : memref<5120xf32, #tpu.memory_space<vmem>>[vector<16xi32>], vector<16xf32>,
        %get3A_286 = arith.index_cast %scan3A_280 : i32 to index
        %get3A_287 = arith.constant 0 : index
        %get3A_288 = tpu.vector_load %arg10[%get3A_286, %get3A_287] {strides = array<i32>} : memref<128x128xf32, #tpu.memory_space<vmem>>, vector<16xf32>,
        %mul3A_289 = arith.mulf %get3A_288, %gather3A_285 : vector<16xf32>
        %swap3A_290 = arith.index_cast %scan3A_280 : i32 to index
        %swap3A_291 = arith.constant 0 : index
        %swap3A_292 = tpu.vector_load %arg10[%swap3A_290, %swap3A_291] {strides = array<i32>} : memref<128x128xf32, #tpu.memory_space<vmem>>, vector<16xf32>,
        tpu.vector_store %arg10[%swap3A_290, %swap3A_291], %mul3A_289 {strides = array<i32>} : memref<128x128xf32, #tpu.memory_space<vmem>>, vector<16xf32>,
        %get3A_293 = arith.index_cast %scan3A_280 : i32 to index
        %get3A_294 = arith.constant 16 : index
        %get3A_295 = tpu.vector_load %arg10[%get3A_293, %get3A_294] {strides = array<i32>} : memref<128x128xf32, #tpu.memory_space<vmem>>, vector<16xf32>,
        %mul3A_296 = arith.mulf %get3A_295, %gather3A_285 : vector<16xf32>
        %swap3A_297 = arith.index_cast %scan3A_280 : i32 to index
        %swap3A_298 = arith.constant 16 : index
        %swap3A_299 = tpu.vector_load %arg10[%swap3A_297, %swap3A_298] {strides = array<i32>} : memref<128x128xf32, #tpu.memory_space<vmem>>, vector<16xf32>,
        tpu.vector_store %arg10[%swap3A_297, %swap3A_298], %mul3A_296 {strides = array<i32>} : memref<128x128xf32, #tpu.memory_space<vmem>>, vector<16xf32>,
        %get3A_300 = arith.index_cast %scan3A_280 : i32 to index
        %get3A_301 = arith.constant 32 : index
        %get3A_302 = tpu.vector_load %arg10[%get3A_300, %get3A_301] {strides = array<i32>} : memref<128x128xf32, #tpu.memory_space<vmem>>, vector<16xf32>,
        %mul3A_303 = arith.mulf %get3A_302, %gather3A_285 : vector<16xf32>
        %swap3A_304 = arith.index_cast %scan3A_280 : i32 to index
        %swap3A_305 = arith.constant 32 : index
        %swap3A_306 = tpu.vector_load %arg10[%swap3A_304, %swap3A_305] {strides = array<i32>} : memref<128x128xf32, #tpu.memory_space<vmem>>, vector<16xf32>,
        tpu.vector_store %arg10[%swap3A_304, %swap3A_305], %mul3A_303 {strides = array<i32>} : memref<128x128xf32, #tpu.memory_space<vmem>>, vector<16xf32>,
        %get3A_307 = arith.index_cast %scan3A_280 : i32 to index
        %get3A_308 = arith.constant 48 : index
        %get3A_309 = tpu.vector_load %arg10[%get3A_307, %get3A_308] {strides = array<i32>} : memref<128x128xf32, #tpu.memory_space<vmem>>, vector<16xf32>,
        %mul3A_310 = arith.mulf %get3A_309, %gather3A_285 : vector<16xf32>
        %swap3A_311 = arith.index_cast %scan3A_280 : i32 to index
        %swap3A_312 = arith.constant 48 : index
        %swap3A_313 = tpu.vector_load %arg10[%swap3A_311, %swap3A_312] {strides = array<i32>} : memref<128x128xf32, #tpu.memory_space<vmem>>, vector<16xf32>,
        tpu.vector_store %arg10[%swap3A_311, %swap3A_312], %mul3A_310 {strides = array<i32>} : memref<128x128xf32, #tpu.memory_space<vmem>>, vector<16xf32>,
        %get3A_314 = arith.index_cast %scan3A_280 : i32 to index
        %get3A_315 = arith.constant 64 : index
        %get3A_316 = tpu.vector_load %arg10[%get3A_314, %get3A_315] {strides = array<i32>} : memref<128x128xf32, #tpu.memory_space<vmem>>, vector<16xf32>,
        %mul3A_317 = arith.mulf %get3A_316, %gather3A_285 : vector<16xf32>
        %swap3A_318 = arith.index_cast %scan3A_280 : i32 to index
        %swap3A_319 = arith.constant 64 : index
        %swap3A_320 = tpu.vector_load %arg10[%swap3A_318, %swap3A_319] {strides = array<i32>} : memref<128x128xf32, #tpu.memory_space<vmem>>, vector<16xf32>,
        tpu.vector_store %arg10[%swap3A_318, %swap3A_319], %mul3A_317 {strides = array<i32>} : memref<128x128xf32, #tpu.memory_space<vmem>>, vector<16xf32>,
        %get3A_321 = arith.index_cast %scan3A_280 : i32 to index
        %get3A_322 = arith.constant 80 : index
        %get3A_323 = tpu.vector_load %arg10[%get3A_321, %get3A_322] {strides = array<i32>} : memref<128x128xf32, #tpu.memory_space<vmem>>, vector<16xf32>,
        %mul3A_324 = arith.mulf %get3A_323, %gather3A_285 : vector<16xf32>
        %swap3A_325 = arith.index_cast %scan3A_280 : i32 to index
        %swap3A_326 = arith.constant 80 : index
        %swap3A_327 = tpu.vector_load %arg10[%swap3A_325, %swap3A_326] {strides = array<i32>} : memref<128x128xf32, #tpu.memory_space<vmem>>, vector<16xf32>,
        tpu.vector_store %arg10[%swap3A_325, %swap3A_326], %mul3A_324 {strides = array<i32>} : memref<128x128xf32, #tpu.memory_space<vmem>>, vector<16xf32>,
        %get3A_328 = arith.index_cast %scan3A_280 : i32 to index
        %get3A_329 = arith.constant 96 : index
        %get3A_330 = tpu.vector_load %arg10[%get3A_328, %get3A_329] {strides = array<i32>} : memref<128x128xf32, #tpu.memory_space<vmem>>, vector<16xf32>,
        %mul3A_331 = arith.mulf %get3A_330, %gather3A_285 : vector<16xf32>
        %swap3A_332 = arith.index_cast %scan3A_280 : i32 to index
        %swap3A_333 = arith.constant 96 : index
        %swap3A_334 = tpu.vector_load %arg10[%swap3A_332, %swap3A_333] {strides = array<i32>} : memref<128x128xf32, #tpu.memory_space<vmem>>, vector<16xf32>,
        tpu.vector_store %arg10[%swap3A_332, %swap3A_333], %mul3A_331 {strides = array<i32>} : memref<128x128xf32, #tpu.memory_space<vmem>>, vector<16xf32>,
        %get3A_335 = arith.index_cast %scan3A_280 : i32 to index
        %get3A_336 = arith.constant 112 : index
        %get3A_337 = tpu.vector_load %arg10[%get3A_335, %get3A_336] {strides = array<i32>} : memref<128x128xf32, #tpu.memory_space<vmem>>, vector<16xf32>,
        %mul3A_338 = arith.mulf %get3A_337, %gather3A_285 : vector<16xf32>
        %swap3A_339 = arith.index_cast %scan3A_280 : i32 to index
        %swap3A_340 = arith.constant 112 : index
        %swap3A_341 = tpu.vector_load %arg10[%swap3A_339, %swap3A_340] {strides = array<i32>} : memref<128x128xf32, #tpu.memory_space<vmem>>, vector<16xf32>,
        tpu.vector_store %arg10[%swap3A_339, %swap3A_340], %mul3A_338 {strides = array<i32>} : memref<128x128xf32, #tpu.memory_space<vmem>>, vector<16xf32>,
      }
      %scan3A_191 = arith.constant 128 : i32
      "tpu.region"() ({
        %run_scoped3A_221 = tpu.sem_alloc : memref<!tpu.dma_semaphore, #tpu.memory_space<semaphore_mem>>
        %dma_start3A_222 = arith.constant 0 : i32
        %dma_start3A_223 = tpu.memref_slice %arg8[%add3A_179, %dma_start3A_222] : memref<40x128xi32, #tpu.memory_space<vmem>> -> memref<1x128xi32, #tpu.memory_space<vmem>>
        %dma_start3A_224 = tpu.memref_squeeze %dma_start3A_223 : memref<1x128xi32, #tpu.memory_space<vmem>> -> memref<128xi32, #tpu.memory_space<vmem>>
        %dma_start3A_225 = arith.constant 0 : i32
        %dma_start3A_226 = arith.constant 0 : i32
        %dma_start3A_227 = tpu.memref_slice %arg12[%dma_start3A_225, %dma_start3A_226] : memref<10000x128xf32, #tpu.memory_space<vmem_shared>> -> memref<10000x128xf32, #tpu.memory_space<vmem_shared>>
        tpu.enqueue_indirect_dma source(%arg10 : memref<128x128xf32, #tpu.memory_space<vmem>>) target(%dma_start3A_227 : memref<10000x128xf32, #tpu.memory_space<vmem_shared>>) offsets(%dma_start3A_224 : memref<128xi32, #tpu.memory_space<vmem>>) semaphore(%run_scoped3A_221 : memref<!tpu.dma_semaphore, #tpu.memory_space<semaphore_mem>>) {add = true}
        %dma_wait3A_228 = arith.constant 0 : i32
        %dma_wait3A_229 = tpu.memref_slice %arg8[%add3A_179, %dma_wait3A_228] : memref<40x128xi32, #tpu.memory_space<vmem>> -> memref<1x128xi32, #tpu.memory_space<vmem>>
        %dma_wait3A_230 = tpu.memref_squeeze %dma_wait3A_229 : memref<1x128xi32, #tpu.memory_space<vmem>> -> memref<128xi32, #tpu.memory_space<vmem>>
        %dma_wait3A_231 = arith.constant 0 : i32
        %dma_wait3A_232 = arith.constant 0 : i32
        %dma_wait3A_233 = tpu.memref_slice %arg12[%dma_wait3A_231, %dma_wait3A_232] : memref<10000x128xf32, #tpu.memory_space<vmem_shared>> -> memref<10000x128xf32, #tpu.memory_space<vmem_shared>>
        tpu.wait_indirect_dma semaphore(%run_scoped3A_221 : memref<!tpu.dma_semaphore, #tpu.memory_space<semaphore_mem>>) src(%arg10 : memref<128x128xf32, #tpu.memory_space<vmem>>) dst(%dma_wait3A_233 : memref<10000x128xf32, #tpu.memory_space<vmem_shared>>)
        tpu.yield
      }) : () -> ()
      %add3A_192 = arith.constant 2 : i32
      %add3A_193 = arith.addi %add3A_179, %add3A_192 : i32
      %lt3A = arith.constant 40 : i32
      %lt3A_194 = arith.cmpi slt, %add3A_193, %lt3A : i32
      %convert_element_type3A_195 = arith.extui %lt3A_194 : i1 to i32
      %cond3A_196 = arith.constant 0 : i32
      %cond3A_197 = arith.cmpi ne, %convert_element_type3A_195, %cond3A_196 : i32
      scf.if %cond3A_197 {
        %add3A_221 = arith.constant 2 : i32
        %add3A_222 = arith.addi %add3A_179, %add3A_221 : i32
        %mul3A_223 = arith.constant 128 : i32
        %mul3A_224 = arith.muli %add3A_222, %mul3A_223 : i32
        %dma_start3A_225 = tpu.memref_slice %arg7[%mul3A_224] : memref<5120xi32, #tpu.memory_space<vmem>> -> memref<128xi32, #tpu.memory_space<vmem>>
        %dma_start3A_226 = arith.constant 0 : i32
        %dma_start3A_227 = arith.constant 0 : i32
        %dma_start3A_228 = tpu.memref_slice %arg2[%dma_start3A_226, %dma_start3A_227] : memref<10000x128xf32, #tpu.memory_space<hbm>> -> memref<10000x128xf32, #tpu.memory_space<hbm>>
        tpu.enqueue_indirect_dma source(%dma_start3A_228 : memref<10000x128xf32, #tpu.memory_space<hbm>>) target(%arg10 : memref<128x128xf32, #tpu.memory_space<vmem>>) offsets(%dma_start3A_225 : memref<128xi32, #tpu.memory_space<vmem>>) semaphore(%arg13 : memref<!tpu.dma_semaphore, #tpu.memory_space<semaphore_mem>>)
      } else {
      }
      %mul3A_198 = arith.constant 2 : i32
      %mul3A_199 = arith.muli %mul3A_198, %scan3A_175 : i32
      %add3A_200 = arith.constant 1 : i32
      %add3A_201 = arith.addi %mul3A_199, %add3A_200 : i32
      %dma_wait3A_202 = arith.constant 0 : i32
      %dma_wait3A_203 = arith.constant 0 : i32
      %dma_wait3A_204 = tpu.memref_slice %arg2[%dma_wait3A_202, %dma_wait3A_203] : memref<10000x128xf32, #tpu.memory_space<hbm>> -> memref<128x128xf32, #tpu.memory_space<hbm>>
      %dma_wait3A_205 = arith.constant 0 : i32
      %dma_wait3A_206 = arith.constant 0 : i32
      %dma_wait3A_207 = tpu.memref_slice %arg2[%dma_wait3A_205, %dma_wait3A_206] : memref<10000x128xf32, #tpu.memory_space<hbm>> -> memref<128x128xf32, #tpu.memory_space<hbm>>
      tpu.wait_dma2 semaphore(%arg14 : memref<!tpu.dma_semaphore, #tpu.memory_space<semaphore_mem>>) src(%dma_wait3A_207 : memref<128x128xf32, #tpu.memory_space<hbm>>) dst(%arg11 : memref<128x128xf32, #tpu.memory_space<vmem>>)
      %scan3A_208 = arith.constant 0 : i32
      %scan3A_209 = arith.constant 0 : i32
      %scan3A_210 = arith.constant 128 : i32
      %scan3A_211 = arith.addi %scan3A_209, %scan3A_210 : i32
      %scan3A_212 = arith.constant 2 : i32
      scf.for %scan3A_221 = %scan3A_209 to %scan3A_211 step %scan3A_212  : i32 {
        %mul3A_222 = arith.constant 128 : i32
        %mul3A_223 = arith.muli %add3A_201, %mul3A_222 : i32
        %add3A_224 = arith.addi %mul3A_223, %scan3A_221 : i32
        %broadcast_in_dim3A = vector.broadcast %add3A_224 : i32 to vector<16xi32>
        %gather3A = tpu.vector_load_idx %arg9[%broadcast_in_dim3A] : memref<5120xf32, #tpu.memory_space<vmem>>[vector<16xi32>], vector<16xf32>,
        %get3A = arith.index_cast %scan3A_221 : i32 to index
        %get3A_225 = arith.constant 0 : index
        %get3A_226 = tpu.vector_load %arg11[%get3A, %get3A_225] {strides = array<i32>} : memref<128x128xf32, #tpu.memory_space<vmem>>, vector<16xf32>,
        %mul3A_227 = arith.mulf %get3A_226, %gather3A : vector<16xf32>
        %swap3A = arith.index_cast %scan3A_221 : i32 to index
        %swap3A_228 = arith.constant 0 : index
        %swap3A_229 = tpu.vector_load %arg11[%swap3A, %swap3A_228] {strides = array<i32>} : memref<128x128xf32, #tpu.memory_space<vmem>>, vector<16xf32>,
        tpu.vector_store %arg11[%swap3A, %swap3A_228], %mul3A_227 {strides = array<i32>} : memref<128x128xf32, #tpu.memory_space<vmem>>, vector<16xf32>,
        %get3A_230 = arith.index_cast %scan3A_221 : i32 to index
        %get3A_231 = arith.constant 16 : index
        %get3A_232 = tpu.vector_load %arg11[%get3A_230, %get3A_231] {strides = array<i32>} : memref<128x128xf32, #tpu.memory_space<vmem>>, vector<16xf32>,
        %mul3A_233 = arith.mulf %get3A_232, %gather3A : vector<16xf32>
        %swap3A_234 = arith.index_cast %scan3A_221 : i32 to index
        %swap3A_235 = arith.constant 16 : index
        %swap3A_236 = tpu.vector_load %arg11[%swap3A_234, %swap3A_235] {strides = array<i32>} : memref<128x128xf32, #tpu.memory_space<vmem>>, vector<16xf32>,
        tpu.vector_store %arg11[%swap3A_234, %swap3A_235], %mul3A_233 {strides = array<i32>} : memref<128x128xf32, #tpu.memory_space<vmem>>, vector<16xf32>,
        %get3A_237 = arith.index_cast %scan3A_221 : i32 to index
        %get3A_238 = arith.constant 32 : index
        %get3A_239 = tpu.vector_load %arg11[%get3A_237, %get3A_238] {strides = array<i32>} : memref<128x128xf32, #tpu.memory_space<vmem>>, vector<16xf32>,
        %mul3A_240 = arith.mulf %get3A_239, %gather3A : vector<16xf32>
        %swap3A_241 = arith.index_cast %scan3A_221 : i32 to index
        %swap3A_242 = arith.constant 32 : index
        %swap3A_243 = tpu.vector_load %arg11[%swap3A_241, %swap3A_242] {strides = array<i32>} : memref<128x128xf32, #tpu.memory_space<vmem>>, vector<16xf32>,
        tpu.vector_store %arg11[%swap3A_241, %swap3A_242], %mul3A_240 {strides = array<i32>} : memref<128x128xf32, #tpu.memory_space<vmem>>, vector<16xf32>,
        %get3A_244 = arith.index_cast %scan3A_221 : i32 to index
        %get3A_245 = arith.constant 48 : index
        %get3A_246 = tpu.vector_load %arg11[%get3A_244, %get3A_245] {strides = array<i32>} : memref<128x128xf32, #tpu.memory_space<vmem>>, vector<16xf32>,
        %mul3A_247 = arith.mulf %get3A_246, %gather3A : vector<16xf32>
        %swap3A_248 = arith.index_cast %scan3A_221 : i32 to index
        %swap3A_249 = arith.constant 48 : index
        %swap3A_250 = tpu.vector_load %arg11[%swap3A_248, %swap3A_249] {strides = array<i32>} : memref<128x128xf32, #tpu.memory_space<vmem>>, vector<16xf32>,
        tpu.vector_store %arg11[%swap3A_248, %swap3A_249], %mul3A_247 {strides = array<i32>} : memref<128x128xf32, #tpu.memory_space<vmem>>, vector<16xf32>,
        %get3A_251 = arith.index_cast %scan3A_221 : i32 to index
        %get3A_252 = arith.constant 64 : index
        %get3A_253 = tpu.vector_load %arg11[%get3A_251, %get3A_252] {strides = array<i32>} : memref<128x128xf32, #tpu.memory_space<vmem>>, vector<16xf32>,
        %mul3A_254 = arith.mulf %get3A_253, %gather3A : vector<16xf32>
        %swap3A_255 = arith.index_cast %scan3A_221 : i32 to index
        %swap3A_256 = arith.constant 64 : index
        %swap3A_257 = tpu.vector_load %arg11[%swap3A_255, %swap3A_256] {strides = array<i32>} : memref<128x128xf32, #tpu.memory_space<vmem>>, vector<16xf32>,
        tpu.vector_store %arg11[%swap3A_255, %swap3A_256], %mul3A_254 {strides = array<i32>} : memref<128x128xf32, #tpu.memory_space<vmem>>, vector<16xf32>,
        %get3A_258 = arith.index_cast %scan3A_221 : i32 to index
        %get3A_259 = arith.constant 80 : index
        %get3A_260 = tpu.vector_load %arg11[%get3A_258, %get3A_259] {strides = array<i32>} : memref<128x128xf32, #tpu.memory_space<vmem>>, vector<16xf32>,
        %mul3A_261 = arith.mulf %get3A_260, %gather3A : vector<16xf32>
        %swap3A_262 = arith.index_cast %scan3A_221 : i32 to index
        %swap3A_263 = arith.constant 80 : index
        %swap3A_264 = tpu.vector_load %arg11[%swap3A_262, %swap3A_263] {strides = array<i32>} : memref<128x128xf32, #tpu.memory_space<vmem>>, vector<16xf32>,
        tpu.vector_store %arg11[%swap3A_262, %swap3A_263], %mul3A_261 {strides = array<i32>} : memref<128x128xf32, #tpu.memory_space<vmem>>, vector<16xf32>,
        %get3A_265 = arith.index_cast %scan3A_221 : i32 to index
        %get3A_266 = arith.constant 96 : index
        %get3A_267 = tpu.vector_load %arg11[%get3A_265, %get3A_266] {strides = array<i32>} : memref<128x128xf32, #tpu.memory_space<vmem>>, vector<16xf32>,
        %mul3A_268 = arith.mulf %get3A_267, %gather3A : vector<16xf32>
        %swap3A_269 = arith.index_cast %scan3A_221 : i32 to index
        %swap3A_270 = arith.constant 96 : index
        %swap3A_271 = tpu.vector_load %arg11[%swap3A_269, %swap3A_270] {strides = array<i32>} : memref<128x128xf32, #tpu.memory_space<vmem>>, vector<16xf32>,
        tpu.vector_store %arg11[%swap3A_269, %swap3A_270], %mul3A_268 {strides = array<i32>} : memref<128x128xf32, #tpu.memory_space<vmem>>, vector<16xf32>,
        %get3A_272 = arith.index_cast %scan3A_221 : i32 to index
        %get3A_273 = arith.constant 112 : index
        %get3A_274 = tpu.vector_load %arg11[%get3A_272, %get3A_273] {strides = array<i32>} : memref<128x128xf32, #tpu.memory_space<vmem>>, vector<16xf32>,
        %mul3A_275 = arith.mulf %get3A_274, %gather3A : vector<16xf32>
        %swap3A_276 = arith.index_cast %scan3A_221 : i32 to index
        %swap3A_277 = arith.constant 112 : index
        %swap3A_278 = tpu.vector_load %arg11[%swap3A_276, %swap3A_277] {strides = array<i32>} : memref<128x128xf32, #tpu.memory_space<vmem>>, vector<16xf32>,
        tpu.vector_store %arg11[%swap3A_276, %swap3A_277], %mul3A_275 {strides = array<i32>} : memref<128x128xf32, #tpu.memory_space<vmem>>, vector<16xf32>,
        %scan3A_279 = arith.constant 1 : i32
        %scan3A_280 = arith.addi %scan3A_221, %scan3A_279 : i32
        %mul3A_281 = arith.constant 128 : i32
        %mul3A_282 = arith.muli %add3A_201, %mul3A_281 : i32
        %add3A_283 = arith.addi %mul3A_282, %scan3A_280 : i32
        %broadcast_in_dim3A_284 = vector.broadcast %add3A_283 : i32 to vector<16xi32>
        %gather3A_285 = tpu.vector_load_idx %arg9[%broadcast_in_dim3A_284] : memref<5120xf32, #tpu.memory_space<vmem>>[vector<16xi32>], vector<16xf32>,
        %get3A_286 = arith.index_cast %scan3A_280 : i32 to index
        %get3A_287 = arith.constant 0 : index
        %get3A_288 = tpu.vector_load %arg11[%get3A_286, %get3A_287] {strides = array<i32>} : memref<128x128xf32, #tpu.memory_space<vmem>>, vector<16xf32>,
        %mul3A_289 = arith.mulf %get3A_288, %gather3A_285 : vector<16xf32>
        %swap3A_290 = arith.index_cast %scan3A_280 : i32 to index
        %swap3A_291 = arith.constant 0 : index
        %swap3A_292 = tpu.vector_load %arg11[%swap3A_290, %swap3A_291] {strides = array<i32>} : memref<128x128xf32, #tpu.memory_space<vmem>>, vector<16xf32>,
        tpu.vector_store %arg11[%swap3A_290, %swap3A_291], %mul3A_289 {strides = array<i32>} : memref<128x128xf32, #tpu.memory_space<vmem>>, vector<16xf32>,
        %get3A_293 = arith.index_cast %scan3A_280 : i32 to index
        %get3A_294 = arith.constant 16 : index
        %get3A_295 = tpu.vector_load %arg11[%get3A_293, %get3A_294] {strides = array<i32>} : memref<128x128xf32, #tpu.memory_space<vmem>>, vector<16xf32>,
        %mul3A_296 = arith.mulf %get3A_295, %gather3A_285 : vector<16xf32>
        %swap3A_297 = arith.index_cast %scan3A_280 : i32 to index
        %swap3A_298 = arith.constant 16 : index
        %swap3A_299 = tpu.vector_load %arg11[%swap3A_297, %swap3A_298] {strides = array<i32>} : memref<128x128xf32, #tpu.memory_space<vmem>>, vector<16xf32>,
        tpu.vector_store %arg11[%swap3A_297, %swap3A_298], %mul3A_296 {strides = array<i32>} : memref<128x128xf32, #tpu.memory_space<vmem>>, vector<16xf32>,
        %get3A_300 = arith.index_cast %scan3A_280 : i32 to index
        %get3A_301 = arith.constant 32 : index
        %get3A_302 = tpu.vector_load %arg11[%get3A_300, %get3A_301] {strides = array<i32>} : memref<128x128xf32, #tpu.memory_space<vmem>>, vector<16xf32>,
        %mul3A_303 = arith.mulf %get3A_302, %gather3A_285 : vector<16xf32>
        %swap3A_304 = arith.index_cast %scan3A_280 : i32 to index
        %swap3A_305 = arith.constant 32 : index
        %swap3A_306 = tpu.vector_load %arg11[%swap3A_304, %swap3A_305] {strides = array<i32>} : memref<128x128xf32, #tpu.memory_space<vmem>>, vector<16xf32>,
        tpu.vector_store %arg11[%swap3A_304, %swap3A_305], %mul3A_303 {strides = array<i32>} : memref<128x128xf32, #tpu.memory_space<vmem>>, vector<16xf32>,
        %get3A_307 = arith.index_cast %scan3A_280 : i32 to index
        %get3A_308 = arith.constant 48 : index
        %get3A_309 = tpu.vector_load %arg11[%get3A_307, %get3A_308] {strides = array<i32>} : memref<128x128xf32, #tpu.memory_space<vmem>>, vector<16xf32>,
        %mul3A_310 = arith.mulf %get3A_309, %gather3A_285 : vector<16xf32>
        %swap3A_311 = arith.index_cast %scan3A_280 : i32 to index
        %swap3A_312 = arith.constant 48 : index
        %swap3A_313 = tpu.vector_load %arg11[%swap3A_311, %swap3A_312] {strides = array<i32>} : memref<128x128xf32, #tpu.memory_space<vmem>>, vector<16xf32>,
        tpu.vector_store %arg11[%swap3A_311, %swap3A_312], %mul3A_310 {strides = array<i32>} : memref<128x128xf32, #tpu.memory_space<vmem>>, vector<16xf32>,
        %get3A_314 = arith.index_cast %scan3A_280 : i32 to index
        %get3A_315 = arith.constant 64 : index
        %get3A_316 = tpu.vector_load %arg11[%get3A_314, %get3A_315] {strides = array<i32>} : memref<128x128xf32, #tpu.memory_space<vmem>>, vector<16xf32>,
        %mul3A_317 = arith.mulf %get3A_316, %gather3A_285 : vector<16xf32>
        %swap3A_318 = arith.index_cast %scan3A_280 : i32 to index
        %swap3A_319 = arith.constant 64 : index
        %swap3A_320 = tpu.vector_load %arg11[%swap3A_318, %swap3A_319] {strides = array<i32>} : memref<128x128xf32, #tpu.memory_space<vmem>>, vector<16xf32>,
        tpu.vector_store %arg11[%swap3A_318, %swap3A_319], %mul3A_317 {strides = array<i32>} : memref<128x128xf32, #tpu.memory_space<vmem>>, vector<16xf32>,
        %get3A_321 = arith.index_cast %scan3A_280 : i32 to index
        %get3A_322 = arith.constant 80 : index
        %get3A_323 = tpu.vector_load %arg11[%get3A_321, %get3A_322] {strides = array<i32>} : memref<128x128xf32, #tpu.memory_space<vmem>>, vector<16xf32>,
        %mul3A_324 = arith.mulf %get3A_323, %gather3A_285 : vector<16xf32>
        %swap3A_325 = arith.index_cast %scan3A_280 : i32 to index
        %swap3A_326 = arith.constant 80 : index
        %swap3A_327 = tpu.vector_load %arg11[%swap3A_325, %swap3A_326] {strides = array<i32>} : memref<128x128xf32, #tpu.memory_space<vmem>>, vector<16xf32>,
        tpu.vector_store %arg11[%swap3A_325, %swap3A_326], %mul3A_324 {strides = array<i32>} : memref<128x128xf32, #tpu.memory_space<vmem>>, vector<16xf32>,
        %get3A_328 = arith.index_cast %scan3A_280 : i32 to index
        %get3A_329 = arith.constant 96 : index
        %get3A_330 = tpu.vector_load %arg11[%get3A_328, %get3A_329] {strides = array<i32>} : memref<128x128xf32, #tpu.memory_space<vmem>>, vector<16xf32>,
        %mul3A_331 = arith.mulf %get3A_330, %gather3A_285 : vector<16xf32>
        %swap3A_332 = arith.index_cast %scan3A_280 : i32 to index
        %swap3A_333 = arith.constant 96 : index
        %swap3A_334 = tpu.vector_load %arg11[%swap3A_332, %swap3A_333] {strides = array<i32>} : memref<128x128xf32, #tpu.memory_space<vmem>>, vector<16xf32>,
        tpu.vector_store %arg11[%swap3A_332, %swap3A_333], %mul3A_331 {strides = array<i32>} : memref<128x128xf32, #tpu.memory_space<vmem>>, vector<16xf32>,
        %get3A_335 = arith.index_cast %scan3A_280 : i32 to index
        %get3A_336 = arith.constant 112 : index
        %get3A_337 = tpu.vector_load %arg11[%get3A_335, %get3A_336] {strides = array<i32>} : memref<128x128xf32, #tpu.memory_space<vmem>>, vector<16xf32>,
        %mul3A_338 = arith.mulf %get3A_337, %gather3A_285 : vector<16xf32>
        %swap3A_339 = arith.index_cast %scan3A_280 : i32 to index
        %swap3A_340 = arith.constant 112 : index
        %swap3A_341 = tpu.vector_load %arg11[%swap3A_339, %swap3A_340] {strides = array<i32>} : memref<128x128xf32, #tpu.memory_space<vmem>>, vector<16xf32>,
        tpu.vector_store %arg11[%swap3A_339, %swap3A_340], %mul3A_338 {strides = array<i32>} : memref<128x128xf32, #tpu.memory_space<vmem>>, vector<16xf32>,
      }
      %scan3A_213 = arith.constant 128 : i32
      "tpu.region"() ({
        %run_scoped3A_221 = tpu.sem_alloc : memref<!tpu.dma_semaphore, #tpu.memory_space<semaphore_mem>>
        %dma_start3A_222 = arith.constant 0 : i32
        %dma_start3A_223 = tpu.memref_slice %arg8[%add3A_201, %dma_start3A_222] : memref<40x128xi32, #tpu.memory_space<vmem>> -> memref<1x128xi32, #tpu.memory_space<vmem>>
        %dma_start3A_224 = tpu.memref_squeeze %dma_start3A_223 : memref<1x128xi32, #tpu.memory_space<vmem>> -> memref<128xi32, #tpu.memory_space<vmem>>
        %dma_start3A_225 = arith.constant 0 : i32
        %dma_start3A_226 = arith.constant 0 : i32
        %dma_start3A_227 = tpu.memref_slice %arg12[%dma_start3A_225, %dma_start3A_226] : memref<10000x128xf32, #tpu.memory_space<vmem_shared>> -> memref<10000x128xf32, #tpu.memory_space<vmem_shared>>
        tpu.enqueue_indirect_dma source(%arg11 : memref<128x128xf32, #tpu.memory_space<vmem>>) target(%dma_start3A_227 : memref<10000x128xf32, #tpu.memory_space<vmem_shared>>) offsets(%dma_start3A_224 : memref<128xi32, #tpu.memory_space<vmem>>) semaphore(%run_scoped3A_221 : memref<!tpu.dma_semaphore, #tpu.memory_space<semaphore_mem>>) {add = true}
        %dma_wait3A_228 = arith.constant 0 : i32
        %dma_wait3A_229 = tpu.memref_slice %arg8[%add3A_201, %dma_wait3A_228] : memref<40x128xi32, #tpu.memory_space<vmem>> -> memref<1x128xi32, #tpu.memory_space<vmem>>
        %dma_wait3A_230 = tpu.memref_squeeze %dma_wait3A_229 : memref<1x128xi32, #tpu.memory_space<vmem>> -> memref<128xi32, #tpu.memory_space<vmem>>
        %dma_wait3A_231 = arith.constant 0 : i32
        %dma_wait3A_232 = arith.constant 0 : i32
        %dma_wait3A_233 = tpu.memref_slice %arg12[%dma_wait3A_231, %dma_wait3A_232] : memref<10000x128xf32, #tpu.memory_space<vmem_shared>> -> memref<10000x128xf32, #tpu.memory_space<vmem_shared>>
        tpu.wait_indirect_dma semaphore(%run_scoped3A_221 : memref<!tpu.dma_semaphore, #tpu.memory_space<semaphore_mem>>) src(%arg11 : memref<128x128xf32, #tpu.memory_space<vmem>>) dst(%dma_wait3A_233 : memref<10000x128xf32, #tpu.memory_space<vmem_shared>>)
        tpu.yield
      }) : () -> ()
      %add3A_214 = arith.constant 2 : i32
      %add3A_215 = arith.addi %add3A_201, %add3A_214 : i32
      %lt3A_216 = arith.constant 40 : i32
      %lt3A_217 = arith.cmpi slt, %add3A_215, %lt3A_216 : i32
      %convert_element_type3A_218 = arith.extui %lt3A_217 : i1 to i32
      %cond3A_219 = arith.constant 0 : i32
      %cond3A_220 = arith.cmpi ne, %convert_element_type3A_218, %cond3A_219 : i32
      scf.if %cond3A_220 {
        %add3A_221 = arith.constant 2 : i32
        %add3A_222 = arith.addi %add3A_201, %add3A_221 : i32
        %mul3A_223 = arith.constant 128 : i32
        %mul3A_224 = arith.muli %add3A_222, %mul3A_223 : i32
        %dma_start3A_225 = tpu.memref_slice %arg7[%mul3A_224] : memref<5120xi32, #tpu.memory_space<vmem>> -> memref<128xi32, #tpu.memory_space<vmem>>
        %dma_start3A_226 = arith.constant 0 : i32
        %dma_start3A_227 = arith.constant 0 : i32
        %dma_start3A_228 = tpu.memref_slice %arg2[%dma_start3A_226, %dma_start3A_227] : memref<10000x128xf32, #tpu.memory_space<hbm>> -> memref<10000x128xf32, #tpu.memory_space<hbm>>
        tpu.enqueue_indirect_dma source(%dma_start3A_228 : memref<10000x128xf32, #tpu.memory_space<hbm>>) target(%arg11 : memref<128x128xf32, #tpu.memory_space<vmem>>) offsets(%dma_start3A_225 : memref<128xi32, #tpu.memory_space<vmem>>) semaphore(%arg14 : memref<!tpu.dma_semaphore, #tpu.memory_space<semaphore_mem>>)
      } else {
      }
    }
    %scan3A_106 = arith.constant 20 : i32
    %barrier3A_107 = arith.constant 0 : index
    tpu.barrier barrier_id(%barrier3A_107)
    %mul3A_108 = arith.constant 624 : i32
    %mul3A_109 = arith.muli %arg1, %mul3A_108 : i32
    %add3A_110 = arith.constant 0 : i32
    %add3A_111 = arith.addi %mul3A_109, %add3A_110 : i32
    %dma_start3A_112 = arith.constant 0 : i32
    %dma_start3A_113 = tpu.memref_slice %arg6[%arg0, %add3A_111, %dma_start3A_112] : memref<2x10000x128xf32, #tpu.memory_space<hbm>> -> memref<1x128x128xf32, #tpu.memory_space<hbm>>
    %dma_start3A_114 = tpu.memref_squeeze %dma_start3A_113 : memref<1x128x128xf32, #tpu.memory_space<hbm>> -> memref<128x128xf32, #tpu.memory_space<hbm>>
    %dma_start3A_115 = arith.constant 0 : i32
    %dma_start3A_116 = tpu.memref_slice %arg12[%add3A_111, %dma_start3A_115] : memref<10000x128xf32, #tpu.memory_space<vmem_shared>> -> memref<128x128xf32, #tpu.memory_space<vmem_shared>>
    tpu.enqueue_dma source(%dma_start3A_116 : memref<128x128xf32, #tpu.memory_space<vmem_shared>>) target(%dma_start3A_114 : memref<128x128xf32, #tpu.memory_space<hbm>>) target_semaphore(%arg13 : memref<!tpu.dma_semaphore, #tpu.memory_space<semaphore_mem>>)
    %add3A_117 = arith.constant 128 : i32
    %add3A_118 = arith.addi %mul3A_109, %add3A_117 : i32
    %dma_start3A_119 = arith.constant 0 : i32
    %dma_start3A_120 = tpu.memref_slice %arg6[%arg0, %add3A_118, %dma_start3A_119] : memref<2x10000x128xf32, #tpu.memory_space<hbm>> -> memref<1x128x128xf32, #tpu.memory_space<hbm>>
    %dma_start3A_121 = tpu.memref_squeeze %dma_start3A_120 : memref<1x128x128xf32, #tpu.memory_space<hbm>> -> memref<128x128xf32, #tpu.memory_space<hbm>>
    %dma_start3A_122 = arith.constant 0 : i32
    %dma_start3A_123 = tpu.memref_slice %arg12[%add3A_118, %dma_start3A_122] : memref<10000x128xf32, #tpu.memory_space<vmem_shared>> -> memref<128x128xf32, #tpu.memory_space<vmem_shared>>
    tpu.enqueue_dma source(%dma_start3A_123 : memref<128x128xf32, #tpu.memory_space<vmem_shared>>) target(%dma_start3A_121 : memref<128x128xf32, #tpu.memory_space<hbm>>) target_semaphore(%arg13 : memref<!tpu.dma_semaphore, #tpu.memory_space<semaphore_mem>>)
    %add3A_124 = arith.constant 256 : i32
    %add3A_125 = arith.addi %mul3A_109, %add3A_124 : i32
    %dma_start3A_126 = arith.constant 0 : i32
    %dma_start3A_127 = tpu.memref_slice %arg6[%arg0, %add3A_125, %dma_start3A_126] : memref<2x10000x128xf32, #tpu.memory_space<hbm>> -> memref<1x128x128xf32, #tpu.memory_space<hbm>>
    %dma_start3A_128 = tpu.memref_squeeze %dma_start3A_127 : memref<1x128x128xf32, #tpu.memory_space<hbm>> -> memref<128x128xf32, #tpu.memory_space<hbm>>
    %dma_start3A_129 = arith.constant 0 : i32
    %dma_start3A_130 = tpu.memref_slice %arg12[%add3A_125, %dma_start3A_129] : memref<10000x128xf32, #tpu.memory_space<vmem_shared>> -> memref<128x128xf32, #tpu.memory_space<vmem_shared>>
    tpu.enqueue_dma source(%dma_start3A_130 : memref<128x128xf32, #tpu.memory_space<vmem_shared>>) target(%dma_start3A_128 : memref<128x128xf32, #tpu.memory_space<hbm>>) target_semaphore(%arg13 : memref<!tpu.dma_semaphore, #tpu.memory_space<semaphore_mem>>)
    %add3A_131 = arith.constant 384 : i32
    %add3A_132 = arith.addi %mul3A_109, %add3A_131 : i32
    %dma_start3A_133 = arith.constant 0 : i32
    %dma_start3A_134 = tpu.memref_slice %arg6[%arg0, %add3A_132, %dma_start3A_133] : memref<2x10000x128xf32, #tpu.memory_space<hbm>> -> memref<1x128x128xf32, #tpu.memory_space<hbm>>
    %dma_start3A_135 = tpu.memref_squeeze %dma_start3A_134 : memref<1x128x128xf32, #tpu.memory_space<hbm>> -> memref<128x128xf32, #tpu.memory_space<hbm>>
    %dma_start3A_136 = arith.constant 0 : i32
    %dma_start3A_137 = tpu.memref_slice %arg12[%add3A_132, %dma_start3A_136] : memref<10000x128xf32, #tpu.memory_space<vmem_shared>> -> memref<128x128xf32, #tpu.memory_space<vmem_shared>>
    tpu.enqueue_dma source(%dma_start3A_137 : memref<128x128xf32, #tpu.memory_space<vmem_shared>>) target(%dma_start3A_135 : memref<128x128xf32, #tpu.memory_space<hbm>>) target_semaphore(%arg13 : memref<!tpu.dma_semaphore, #tpu.memory_space<semaphore_mem>>)
    %add3A_138 = arith.constant 512 : i32
    %add3A_139 = arith.addi %mul3A_109, %add3A_138 : i32
    %dma_start3A_140 = arith.constant 0 : i32
    %dma_start3A_141 = tpu.memref_slice %arg6[%arg0, %add3A_139, %dma_start3A_140] : memref<2x10000x128xf32, #tpu.memory_space<hbm>> -> memref<1x112x128xf32, #tpu.memory_space<hbm>>
    %dma_start3A_142 = tpu.memref_squeeze %dma_start3A_141 : memref<1x112x128xf32, #tpu.memory_space<hbm>> -> memref<112x128xf32, #tpu.memory_space<hbm>>
    %dma_start3A_143 = arith.constant 0 : i32
    %dma_start3A_144 = tpu.memref_slice %arg12[%add3A_139, %dma_start3A_143] : memref<10000x128xf32, #tpu.memory_space<vmem_shared>> -> memref<112x128xf32, #tpu.memory_space<vmem_shared>>
    tpu.enqueue_dma source(%dma_start3A_144 : memref<112x128xf32, #tpu.memory_space<vmem_shared>>) target(%dma_start3A_142 : memref<112x128xf32, #tpu.memory_space<hbm>>) target_semaphore(%arg13 : memref<!tpu.dma_semaphore, #tpu.memory_space<semaphore_mem>>)
    %eq3A_145 = arith.constant 15 : i32
    %eq3A_146 = arith.cmpi eq, %arg1, %eq3A_145 : i32
    %convert_element_type3A_147 = arith.extui %eq3A_146 : i1 to i32
    %cond3A_148 = arith.constant 0 : i32
    %cond3A_149 = arith.cmpi ne, %convert_element_type3A_147, %cond3A_148 : i32
    scf.if %cond3A_149 {
      %dma_start3A_175 = arith.constant 9984 : i32
      %dma_start3A_176 = arith.constant 0 : i32
      %dma_start3A_177 = tpu.memref_slice %arg6[%arg0, %dma_start3A_175, %dma_start3A_176] : memref<2x10000x128xf32, #tpu.memory_space<hbm>> -> memref<1x16x128xf32, #tpu.memory_space<hbm>>
      %dma_start3A_178 = tpu.memref_squeeze %dma_start3A_177 : memref<1x16x128xf32, #tpu.memory_space<hbm>> -> memref<16x128xf32, #tpu.memory_space<hbm>>
      %dma_start3A_179 = arith.constant 9984 : i32
      %dma_start3A_180 = arith.constant 0 : i32
      %dma_start3A_181 = tpu.memref_slice %arg12[%dma_start3A_179, %dma_start3A_180] : memref<10000x128xf32, #tpu.memory_space<vmem_shared>> -> memref<16x128xf32, #tpu.memory_space<vmem_shared>>
      tpu.enqueue_dma source(%dma_start3A_181 : memref<16x128xf32, #tpu.memory_space<vmem_shared>>) target(%dma_start3A_178 : memref<16x128xf32, #tpu.memory_space<hbm>>) target_semaphore(%arg13 : memref<!tpu.dma_semaphore, #tpu.memory_space<semaphore_mem>>)
      %dma_wait3A_182 = arith.constant 9984 : i32
      %dma_wait3A_183 = arith.constant 0 : i32
      %dma_wait3A_184 = tpu.memref_slice %arg6[%arg0, %dma_wait3A_182, %dma_wait3A_183] : memref<2x10000x128xf32, #tpu.memory_space<hbm>> -> memref<1x16x128xf32, #tpu.memory_space<hbm>>
      %dma_wait3A_185 = tpu.memref_squeeze %dma_wait3A_184 : memref<1x16x128xf32, #tpu.memory_space<hbm>> -> memref<16x128xf32, #tpu.memory_space<hbm>>
      %dma_wait3A_186 = arith.constant 9984 : i32
      %dma_wait3A_187 = arith.constant 0 : i32
      %dma_wait3A_188 = tpu.memref_slice %arg12[%dma_wait3A_186, %dma_wait3A_187] : memref<10000x128xf32, #tpu.memory_space<vmem_shared>> -> memref<16x128xf32, #tpu.memory_space<vmem_shared>>
      tpu.wait_dma2 semaphore(%arg13 : memref<!tpu.dma_semaphore, #tpu.memory_space<semaphore_mem>>) src(%dma_wait3A_188 : memref<16x128xf32, #tpu.memory_space<vmem_shared>>) dst(%dma_wait3A_185 : memref<16x128xf32, #tpu.memory_space<hbm>>)
    } else {
    }
    %dma_wait3A_150 = arith.constant 0 : i32
    %dma_wait3A_151 = tpu.memref_slice %arg6[%arg0, %add3A_111, %dma_wait3A_150] : memref<2x10000x128xf32, #tpu.memory_space<hbm>> -> memref<1x128x128xf32, #tpu.memory_space<hbm>>
    %dma_wait3A_152 = tpu.memref_squeeze %dma_wait3A_151 : memref<1x128x128xf32, #tpu.memory_space<hbm>> -> memref<128x128xf32, #tpu.memory_space<hbm>>
    %dma_wait3A_153 = arith.constant 0 : i32
    %dma_wait3A_154 = tpu.memref_slice %arg12[%add3A_111, %dma_wait3A_153] : memref<10000x128xf32, #tpu.memory_space<vmem_shared>> -> memref<128x128xf32, #tpu.memory_space<vmem_shared>>
    tpu.wait_dma2 semaphore(%arg13 : memref<!tpu.dma_semaphore, #tpu.memory_space<semaphore_mem>>) src(%dma_wait3A_154 : memref<128x128xf32, #tpu.memory_space<vmem_shared>>) dst(%dma_wait3A_152 : memref<128x128xf32, #tpu.memory_space<hbm>>)
    %dma_wait3A_155 = arith.constant 0 : i32
    %dma_wait3A_156 = tpu.memref_slice %arg6[%arg0, %add3A_118, %dma_wait3A_155] : memref<2x10000x128xf32, #tpu.memory_space<hbm>> -> memref<1x128x128xf32, #tpu.memory_space<hbm>>
    %dma_wait3A_157 = tpu.memref_squeeze %dma_wait3A_156 : memref<1x128x128xf32, #tpu.memory_space<hbm>> -> memref<128x128xf32, #tpu.memory_space<hbm>>
    %dma_wait3A_158 = arith.constant 0 : i32
    %dma_wait3A_159 = tpu.memref_slice %arg12[%add3A_118, %dma_wait3A_158] : memref<10000x128xf32, #tpu.memory_space<vmem_shared>> -> memref<128x128xf32, #tpu.memory_space<vmem_shared>>
    tpu.wait_dma2 semaphore(%arg13 : memref<!tpu.dma_semaphore, #tpu.memory_space<semaphore_mem>>) src(%dma_wait3A_159 : memref<128x128xf32, #tpu.memory_space<vmem_shared>>) dst(%dma_wait3A_157 : memref<128x128xf32, #tpu.memory_space<hbm>>)
    %dma_wait3A_160 = arith.constant 0 : i32
    %dma_wait3A_161 = tpu.memref_slice %arg6[%arg0, %add3A_125, %dma_wait3A_160] : memref<2x10000x128xf32, #tpu.memory_space<hbm>> -> memref<1x128x128xf32, #tpu.memory_space<hbm>>
    %dma_wait3A_162 = tpu.memref_squeeze %dma_wait3A_161 : memref<1x128x128xf32, #tpu.memory_space<hbm>> -> memref<128x128xf32, #tpu.memory_space<hbm>>
    %dma_wait3A_163 = arith.constant 0 : i32
    %dma_wait3A_164 = tpu.memref_slice %arg12[%add3A_125, %dma_wait3A_163] : memref<10000x128xf32, #tpu.memory_space<vmem_shared>> -> memref<128x128xf32, #tpu.memory_space<vmem_shared>>
    tpu.wait_dma2 semaphore(%arg13 : memref<!tpu.dma_semaphore, #tpu.memory_space<semaphore_mem>>) src(%dma_wait3A_164 : memref<128x128xf32, #tpu.memory_space<vmem_shared>>) dst(%dma_wait3A_162 : memref<128x128xf32, #tpu.memory_space<hbm>>)
    %dma_wait3A_165 = arith.constant 0 : i32
    %dma_wait3A_166 = tpu.memref_slice %arg6[%arg0, %add3A_132, %dma_wait3A_165] : memref<2x10000x128xf32, #tpu.memory_space<hbm>> -> memref<1x128x128xf32, #tpu.memory_space<hbm>>
    %dma_wait3A_167 = tpu.memref_squeeze %dma_wait3A_166 : memref<1x128x128xf32, #tpu.memory_space<hbm>> -> memref<128x128xf32, #tpu.memory_space<hbm>>
    %dma_wait3A_168 = arith.constant 0 : i32
    %dma_wait3A_169 = tpu.memref_slice %arg12[%add3A_132, %dma_wait3A_168] : memref<10000x128xf32, #tpu.memory_space<vmem_shared>> -> memref<128x128xf32, #tpu.memory_space<vmem_shared>>
    tpu.wait_dma2 semaphore(%arg13 : memref<!tpu.dma_semaphore, #tpu.memory_space<semaphore_mem>>) src(%dma_wait3A_169 : memref<128x128xf32, #tpu.memory_space<vmem_shared>>) dst(%dma_wait3A_167 : memref<128x128xf32, #tpu.memory_space<hbm>>)
    %dma_wait3A_170 = arith.constant 0 : i32
    %dma_wait3A_171 = tpu.memref_slice %arg6[%arg0, %add3A_139, %dma_wait3A_170] : memref<2x10000x128xf32, #tpu.memory_space<hbm>> -> memref<1x112x128xf32, #tpu.memory_space<hbm>>
    %dma_wait3A_172 = tpu.memref_squeeze %dma_wait3A_171 : memref<1x112x128xf32, #tpu.memory_space<hbm>> -> memref<112x128xf32, #tpu.memory_space<hbm>>
    %dma_wait3A_173 = arith.constant 0 : i32
    %dma_wait3A_174 = tpu.memref_slice %arg12[%add3A_139, %dma_wait3A_173] : memref<10000x128xf32, #tpu.memory_space<vmem_shared>> -> memref<112x128xf32, #tpu.memory_space<vmem_shared>>
    tpu.wait_dma2 semaphore(%arg13 : memref<!tpu.dma_semaphore, #tpu.memory_space<semaphore_mem>>) src(%dma_wait3A_174 : memref<112x128xf32, #tpu.memory_space<vmem_shared>>) dst(%dma_wait3A_172 : memref<112x128xf32, #tpu.memory_space<hbm>>)
    return
  }
}

#map = affine_map<(d0, d1) -> (0, 0)>
#map1 = affine_map<(d0, d1) -> (0, 0, 0)>
#map2 = affine_map<(d0, d1) -> (0, 0, 0, 0)>
#map3 = affine_map<(d0, d1) -> (0)>
module attributes {stable_mosaic.version = 14 : i64} {
  func.func @spmm2(%arg0: i32, %arg1: i32, %arg2: memref<10000x128xf32, #tpu.memory_space<hbm>>, %arg3: memref<32x2x5120xi32, #tpu.memory_space<hbm>>, %arg4: memref<32x2x40x128xi32, #tpu.memory_space<hbm>>, %arg5: memref<32x2x5120xf32, #tpu.memory_space<hbm>>, %arg6: memref<20480xi32, #tpu.memory_space<hbm>>, %arg7: memref<2x20480x128xf32, #tpu.memory_space<hbm>>, %arg8: memref<5120xi32, #tpu.memory_space<vmem>>, %arg9: memref<40x128xi32, #tpu.memory_space<vmem>>, %arg10: memref<5120xf32, #tpu.memory_space<vmem>>, %arg11: memref<128x128xf32, #tpu.memory_space<vmem>>, %arg12: memref<128x128xf32, #tpu.memory_space<vmem>>, %arg13: memref<10000x128xf32, #tpu.memory_space<vmem_shared>>, %arg14: memref<!tpu.dma_semaphore, #tpu.memory_space<semaphore_mem>>, %arg15: memref<!tpu.dma_semaphore, #tpu.memory_space<semaphore_mem>>, %arg16: memref<1280xi32, #tpu.memory_space<vmem>>) attributes {dimension_semantics = [#tpu.dimension_semantics<core_parallel>, #tpu.dimension_semantics<subcore_parallel>], iteration_bounds = array<i64: 2, 16>, scalar_prefetch = 0 : i64, scratch_operands = 9 : i64, tpu.core_type = #tpu.core_type<sc_vector_subcore>, window_params = [{transform_indices = #map}, {transform_indices = #map1}, {transform_indices = #map2}, {transform_indices = #map1}, {transform_indices = #map3}, {transform_indices = #map1}]} {
    %mul3A = arith.constant 16 : i32
    %mul3A_0 = arith.muli %arg0, %mul3A : i32
    %add3A = arith.addi %mul3A_0, %arg1 : i32
    %scan3A = arith.constant 0 : i32
    %scan3A_1 = arith.constant 0 : i32
    %scan3A_2 = arith.constant 128 : i32
    %scan3A_3 = arith.addi %scan3A_1, %scan3A_2 : i32
    %scan3A_4 = arith.constant 1 : i32
    scf.for %scan3A_116 = %scan3A_1 to %scan3A_3 step %scan3A_4  : i32 {
      %broadcast_in_dim3A = arith.constant 0.000000e+00 : f32
      %broadcast_in_dim3A_117 = vector.broadcast %broadcast_in_dim3A : f32 to vector<16xf32>
      %swap3A = arith.index_cast %scan3A_116 : i32 to index
      %swap3A_118 = arith.constant 0 : index
      %swap3A_119 = tpu.vector_load %arg11[%swap3A, %swap3A_118] {strides = array<i32>} : memref<128x128xf32, #tpu.memory_space<vmem>>, vector<16xf32>,
      tpu.vector_store %arg11[%swap3A, %swap3A_118], %broadcast_in_dim3A_117 {strides = array<i32>} : memref<128x128xf32, #tpu.memory_space<vmem>>, vector<16xf32>,
      %broadcast_in_dim3A_120 = arith.constant 0.000000e+00 : f32
      %broadcast_in_dim3A_121 = vector.broadcast %broadcast_in_dim3A_120 : f32 to vector<16xf32>
      %swap3A_122 = arith.index_cast %scan3A_116 : i32 to index
      %swap3A_123 = arith.constant 16 : index
      %swap3A_124 = tpu.vector_load %arg11[%swap3A_122, %swap3A_123] {strides = array<i32>} : memref<128x128xf32, #tpu.memory_space<vmem>>, vector<16xf32>,
      tpu.vector_store %arg11[%swap3A_122, %swap3A_123], %broadcast_in_dim3A_121 {strides = array<i32>} : memref<128x128xf32, #tpu.memory_space<vmem>>, vector<16xf32>,
      %broadcast_in_dim3A_125 = arith.constant 0.000000e+00 : f32
      %broadcast_in_dim3A_126 = vector.broadcast %broadcast_in_dim3A_125 : f32 to vector<16xf32>
      %swap3A_127 = arith.index_cast %scan3A_116 : i32 to index
      %swap3A_128 = arith.constant 32 : index
      %swap3A_129 = tpu.vector_load %arg11[%swap3A_127, %swap3A_128] {strides = array<i32>} : memref<128x128xf32, #tpu.memory_space<vmem>>, vector<16xf32>,
      tpu.vector_store %arg11[%swap3A_127, %swap3A_128], %broadcast_in_dim3A_126 {strides = array<i32>} : memref<128x128xf32, #tpu.memory_space<vmem>>, vector<16xf32>,
      %broadcast_in_dim3A_130 = arith.constant 0.000000e+00 : f32
      %broadcast_in_dim3A_131 = vector.broadcast %broadcast_in_dim3A_130 : f32 to vector<16xf32>
      %swap3A_132 = arith.index_cast %scan3A_116 : i32 to index
      %swap3A_133 = arith.constant 48 : index
      %swap3A_134 = tpu.vector_load %arg11[%swap3A_132, %swap3A_133] {strides = array<i32>} : memref<128x128xf32, #tpu.memory_space<vmem>>, vector<16xf32>,
      tpu.vector_store %arg11[%swap3A_132, %swap3A_133], %broadcast_in_dim3A_131 {strides = array<i32>} : memref<128x128xf32, #tpu.memory_space<vmem>>, vector<16xf32>,
      %broadcast_in_dim3A_135 = arith.constant 0.000000e+00 : f32
      %broadcast_in_dim3A_136 = vector.broadcast %broadcast_in_dim3A_135 : f32 to vector<16xf32>
      %swap3A_137 = arith.index_cast %scan3A_116 : i32 to index
      %swap3A_138 = arith.constant 64 : index
      %swap3A_139 = tpu.vector_load %arg11[%swap3A_137, %swap3A_138] {strides = array<i32>} : memref<128x128xf32, #tpu.memory_space<vmem>>, vector<16xf32>,
      tpu.vector_store %arg11[%swap3A_137, %swap3A_138], %broadcast_in_dim3A_136 {strides = array<i32>} : memref<128x128xf32, #tpu.memory_space<vmem>>, vector<16xf32>,
      %broadcast_in_dim3A_140 = arith.constant 0.000000e+00 : f32
      %broadcast_in_dim3A_141 = vector.broadcast %broadcast_in_dim3A_140 : f32 to vector<16xf32>
      %swap3A_142 = arith.index_cast %scan3A_116 : i32 to index
      %swap3A_143 = arith.constant 80 : index
      %swap3A_144 = tpu.vector_load %arg11[%swap3A_142, %swap3A_143] {strides = array<i32>} : memref<128x128xf32, #tpu.memory_space<vmem>>, vector<16xf32>,
      tpu.vector_store %arg11[%swap3A_142, %swap3A_143], %broadcast_in_dim3A_141 {strides = array<i32>} : memref<128x128xf32, #tpu.memory_space<vmem>>, vector<16xf32>,
      %broadcast_in_dim3A_145 = arith.constant 0.000000e+00 : f32
      %broadcast_in_dim3A_146 = vector.broadcast %broadcast_in_dim3A_145 : f32 to vector<16xf32>
      %swap3A_147 = arith.index_cast %scan3A_116 : i32 to index
      %swap3A_148 = arith.constant 96 : index
      %swap3A_149 = tpu.vector_load %arg11[%swap3A_147, %swap3A_148] {strides = array<i32>} : memref<128x128xf32, #tpu.memory_space<vmem>>, vector<16xf32>,
      tpu.vector_store %arg11[%swap3A_147, %swap3A_148], %broadcast_in_dim3A_146 {strides = array<i32>} : memref<128x128xf32, #tpu.memory_space<vmem>>, vector<16xf32>,
      %broadcast_in_dim3A_150 = arith.constant 0.000000e+00 : f32
      %broadcast_in_dim3A_151 = vector.broadcast %broadcast_in_dim3A_150 : f32 to vector<16xf32>
      %swap3A_152 = arith.index_cast %scan3A_116 : i32 to index
      %swap3A_153 = arith.constant 112 : index
      %swap3A_154 = tpu.vector_load %arg11[%swap3A_152, %swap3A_153] {strides = array<i32>} : memref<128x128xf32, #tpu.memory_space<vmem>>, vector<16xf32>,
      tpu.vector_store %arg11[%swap3A_152, %swap3A_153], %broadcast_in_dim3A_151 {strides = array<i32>} : memref<128x128xf32, #tpu.memory_space<vmem>>, vector<16xf32>,
    }
    %scan3A_5 = arith.constant 128 : i32
    %mul3A_6 = arith.constant 624 : i32
    %mul3A_7 = arith.muli %arg1, %mul3A_6 : i32
    %add3A_8 = arith.constant 0 : i32
    %add3A_9 = arith.addi %mul3A_7, %add3A_8 : i32
    %dma_start3A = arith.constant 0 : i32
    %dma_start3A_10 = tpu.memref_slice %arg13[%add3A_9, %dma_start3A] : memref<10000x128xf32, #tpu.memory_space<vmem_shared>> -> memref<128x128xf32, #tpu.memory_space<vmem_shared>>
    %dma_start3A_11 = arith.constant 0 : i32
    %dma_start3A_12 = tpu.memref_slice %arg13[%add3A_9, %dma_start3A_11] : memref<10000x128xf32, #tpu.memory_space<vmem_shared>> -> memref<128x128xf32, #tpu.memory_space<vmem_shared>>
    tpu.enqueue_dma source(%arg11 : memref<128x128xf32, #tpu.memory_space<vmem>>) target(%dma_start3A_12 : memref<128x128xf32, #tpu.memory_space<vmem_shared>>) target_semaphore(%arg14 : memref<!tpu.dma_semaphore, #tpu.memory_space<semaphore_mem>>)
    %add3A_13 = arith.constant 128 : i32
    %add3A_14 = arith.addi %mul3A_7, %add3A_13 : i32
    %dma_start3A_15 = arith.constant 0 : i32
    %dma_start3A_16 = tpu.memref_slice %arg13[%add3A_14, %dma_start3A_15] : memref<10000x128xf32, #tpu.memory_space<vmem_shared>> -> memref<128x128xf32, #tpu.memory_space<vmem_shared>>
    %dma_start3A_17 = arith.constant 0 : i32
    %dma_start3A_18 = tpu.memref_slice %arg13[%add3A_14, %dma_start3A_17] : memref<10000x128xf32, #tpu.memory_space<vmem_shared>> -> memref<128x128xf32, #tpu.memory_space<vmem_shared>>
    tpu.enqueue_dma source(%arg11 : memref<128x128xf32, #tpu.memory_space<vmem>>) target(%dma_start3A_18 : memref<128x128xf32, #tpu.memory_space<vmem_shared>>) target_semaphore(%arg14 : memref<!tpu.dma_semaphore, #tpu.memory_space<semaphore_mem>>)
    %add3A_19 = arith.constant 256 : i32
    %add3A_20 = arith.addi %mul3A_7, %add3A_19 : i32
    %dma_start3A_21 = arith.constant 0 : i32
    %dma_start3A_22 = tpu.memref_slice %arg13[%add3A_20, %dma_start3A_21] : memref<10000x128xf32, #tpu.memory_space<vmem_shared>> -> memref<128x128xf32, #tpu.memory_space<vmem_shared>>
    %dma_start3A_23 = arith.constant 0 : i32
    %dma_start3A_24 = tpu.memref_slice %arg13[%add3A_20, %dma_start3A_23] : memref<10000x128xf32, #tpu.memory_space<vmem_shared>> -> memref<128x128xf32, #tpu.memory_space<vmem_shared>>
    tpu.enqueue_dma source(%arg11 : memref<128x128xf32, #tpu.memory_space<vmem>>) target(%dma_start3A_24 : memref<128x128xf32, #tpu.memory_space<vmem_shared>>) target_semaphore(%arg14 : memref<!tpu.dma_semaphore, #tpu.memory_space<semaphore_mem>>)
    %add3A_25 = arith.constant 384 : i32
    %add3A_26 = arith.addi %mul3A_7, %add3A_25 : i32
    %dma_start3A_27 = arith.constant 0 : i32
    %dma_start3A_28 = tpu.memref_slice %arg13[%add3A_26, %dma_start3A_27] : memref<10000x128xf32, #tpu.memory_space<vmem_shared>> -> memref<128x128xf32, #tpu.memory_space<vmem_shared>>
    %dma_start3A_29 = arith.constant 0 : i32
    %dma_start3A_30 = tpu.memref_slice %arg13[%add3A_26, %dma_start3A_29] : memref<10000x128xf32, #tpu.memory_space<vmem_shared>> -> memref<128x128xf32, #tpu.memory_space<vmem_shared>>
    tpu.enqueue_dma source(%arg11 : memref<128x128xf32, #tpu.memory_space<vmem>>) target(%dma_start3A_30 : memref<128x128xf32, #tpu.memory_space<vmem_shared>>) target_semaphore(%arg14 : memref<!tpu.dma_semaphore, #tpu.memory_space<semaphore_mem>>)
    %add3A_31 = arith.constant 512 : i32
    %add3A_32 = arith.addi %mul3A_7, %add3A_31 : i32
    %dma_start3A_33 = arith.constant 0 : i32
    %dma_start3A_34 = arith.constant 0 : i32
    %dma_start3A_35 = tpu.memref_slice %arg11[%dma_start3A_33, %dma_start3A_34] : memref<128x128xf32, #tpu.memory_space<vmem>> -> memref<112x128xf32, #tpu.memory_space<vmem>>
    %dma_start3A_36 = arith.constant 0 : i32
    %dma_start3A_37 = tpu.memref_slice %arg13[%add3A_32, %dma_start3A_36] : memref<10000x128xf32, #tpu.memory_space<vmem_shared>> -> memref<112x128xf32, #tpu.memory_space<vmem_shared>>
    %dma_start3A_38 = arith.constant 0 : i32
    %dma_start3A_39 = tpu.memref_slice %arg13[%add3A_32, %dma_start3A_38] : memref<10000x128xf32, #tpu.memory_space<vmem_shared>> -> memref<112x128xf32, #tpu.memory_space<vmem_shared>>
    %dma_start3A_40 = arith.constant 0 : i32
    %dma_start3A_41 = arith.constant 0 : i32
    %dma_start3A_42 = tpu.memref_slice %arg11[%dma_start3A_40, %dma_start3A_41] : memref<128x128xf32, #tpu.memory_space<vmem>> -> memref<112x128xf32, #tpu.memory_space<vmem>>
    tpu.enqueue_dma source(%dma_start3A_42 : memref<112x128xf32, #tpu.memory_space<vmem>>) target(%dma_start3A_39 : memref<112x128xf32, #tpu.memory_space<vmem_shared>>) target_semaphore(%arg14 : memref<!tpu.dma_semaphore, #tpu.memory_space<semaphore_mem>>)
    %eq3A = arith.constant 15 : i32
    %eq3A_43 = arith.cmpi eq, %arg1, %eq3A : i32
    %convert_element_type3A = arith.extui %eq3A_43 : i1 to i32
    %cond3A = arith.constant 0 : i32
    %cond3A_44 = arith.cmpi ne, %convert_element_type3A, %cond3A : i32
    scf.if %cond3A_44 {
      %dma_start3A_116 = arith.constant 0 : i32
      %dma_start3A_117 = arith.constant 0 : i32
      %dma_start3A_118 = tpu.memref_slice %arg11[%dma_start3A_116, %dma_start3A_117] : memref<128x128xf32, #tpu.memory_space<vmem>> -> memref<16x128xf32, #tpu.memory_space<vmem>>
      %dma_start3A_119 = arith.constant 9984 : i32
      %dma_start3A_120 = arith.constant 0 : i32
      %dma_start3A_121 = tpu.memref_slice %arg13[%dma_start3A_119, %dma_start3A_120] : memref<10000x128xf32, #tpu.memory_space<vmem_shared>> -> memref<16x128xf32, #tpu.memory_space<vmem_shared>>
      %dma_start3A_122 = arith.constant 9984 : i32
      %dma_start3A_123 = arith.constant 0 : i32
      %dma_start3A_124 = tpu.memref_slice %arg13[%dma_start3A_122, %dma_start3A_123] : memref<10000x128xf32, #tpu.memory_space<vmem_shared>> -> memref<16x128xf32, #tpu.memory_space<vmem_shared>>
      %dma_start3A_125 = arith.constant 0 : i32
      %dma_start3A_126 = arith.constant 0 : i32
      %dma_start3A_127 = tpu.memref_slice %arg11[%dma_start3A_125, %dma_start3A_126] : memref<128x128xf32, #tpu.memory_space<vmem>> -> memref<16x128xf32, #tpu.memory_space<vmem>>
      tpu.enqueue_dma source(%dma_start3A_127 : memref<16x128xf32, #tpu.memory_space<vmem>>) target(%dma_start3A_124 : memref<16x128xf32, #tpu.memory_space<vmem_shared>>) target_semaphore(%arg14 : memref<!tpu.dma_semaphore, #tpu.memory_space<semaphore_mem>>)
      %dma_wait3A_128 = arith.constant 0 : i32
      %dma_wait3A_129 = arith.constant 0 : i32
      %dma_wait3A_130 = tpu.memref_slice %arg11[%dma_wait3A_128, %dma_wait3A_129] : memref<128x128xf32, #tpu.memory_space<vmem>> -> memref<16x128xf32, #tpu.memory_space<vmem>>
      %dma_wait3A_131 = arith.constant 9984 : i32
      %dma_wait3A_132 = arith.constant 0 : i32
      %dma_wait3A_133 = tpu.memref_slice %arg13[%dma_wait3A_131, %dma_wait3A_132] : memref<10000x128xf32, #tpu.memory_space<vmem_shared>> -> memref<16x128xf32, #tpu.memory_space<vmem_shared>>
      %dma_wait3A_134 = arith.constant 9984 : i32
      %dma_wait3A_135 = arith.constant 0 : i32
      %dma_wait3A_136 = tpu.memref_slice %arg13[%dma_wait3A_134, %dma_wait3A_135] : memref<10000x128xf32, #tpu.memory_space<vmem_shared>> -> memref<16x128xf32, #tpu.memory_space<vmem_shared>>
      %dma_wait3A_137 = arith.constant 0 : i32
      %dma_wait3A_138 = arith.constant 0 : i32
      %dma_wait3A_139 = tpu.memref_slice %arg11[%dma_wait3A_137, %dma_wait3A_138] : memref<128x128xf32, #tpu.memory_space<vmem>> -> memref<16x128xf32, #tpu.memory_space<vmem>>
      tpu.wait_dma2 semaphore(%arg14 : memref<!tpu.dma_semaphore, #tpu.memory_space<semaphore_mem>>) src(%dma_wait3A_139 : memref<16x128xf32, #tpu.memory_space<vmem>>) dst(%dma_wait3A_136 : memref<16x128xf32, #tpu.memory_space<vmem_shared>>)
    } else {
    }
    %dma_wait3A = arith.constant 0 : i32
    %dma_wait3A_45 = tpu.memref_slice %arg13[%add3A_9, %dma_wait3A] : memref<10000x128xf32, #tpu.memory_space<vmem_shared>> -> memref<128x128xf32, #tpu.memory_space<vmem_shared>>
    %dma_wait3A_46 = arith.constant 0 : i32
    %dma_wait3A_47 = tpu.memref_slice %arg13[%add3A_9, %dma_wait3A_46] : memref<10000x128xf32, #tpu.memory_space<vmem_shared>> -> memref<128x128xf32, #tpu.memory_space<vmem_shared>>
    tpu.wait_dma2 semaphore(%arg14 : memref<!tpu.dma_semaphore, #tpu.memory_space<semaphore_mem>>) src(%arg11 : memref<128x128xf32, #tpu.memory_space<vmem>>) dst(%dma_wait3A_47 : memref<128x128xf32, #tpu.memory_space<vmem_shared>>)
    %dma_wait3A_48 = arith.constant 0 : i32
    %dma_wait3A_49 = tpu.memref_slice %arg13[%add3A_14, %dma_wait3A_48] : memref<10000x128xf32, #tpu.memory_space<vmem_shared>> -> memref<128x128xf32, #tpu.memory_space<vmem_shared>>
    %dma_wait3A_50 = arith.constant 0 : i32
    %dma_wait3A_51 = tpu.memref_slice %arg13[%add3A_14, %dma_wait3A_50] : memref<10000x128xf32, #tpu.memory_space<vmem_shared>> -> memref<128x128xf32, #tpu.memory_space<vmem_shared>>
    tpu.wait_dma2 semaphore(%arg14 : memref<!tpu.dma_semaphore, #tpu.memory_space<semaphore_mem>>) src(%arg11 : memref<128x128xf32, #tpu.memory_space<vmem>>) dst(%dma_wait3A_51 : memref<128x128xf32, #tpu.memory_space<vmem_shared>>)
    %dma_wait3A_52 = arith.constant 0 : i32
    %dma_wait3A_53 = tpu.memref_slice %arg13[%add3A_20, %dma_wait3A_52] : memref<10000x128xf32, #tpu.memory_space<vmem_shared>> -> memref<128x128xf32, #tpu.memory_space<vmem_shared>>
    %dma_wait3A_54 = arith.constant 0 : i32
    %dma_wait3A_55 = tpu.memref_slice %arg13[%add3A_20, %dma_wait3A_54] : memref<10000x128xf32, #tpu.memory_space<vmem_shared>> -> memref<128x128xf32, #tpu.memory_space<vmem_shared>>
    tpu.wait_dma2 semaphore(%arg14 : memref<!tpu.dma_semaphore, #tpu.memory_space<semaphore_mem>>) src(%arg11 : memref<128x128xf32, #tpu.memory_space<vmem>>) dst(%dma_wait3A_55 : memref<128x128xf32, #tpu.memory_space<vmem_shared>>)
    %dma_wait3A_56 = arith.constant 0 : i32
    %dma_wait3A_57 = tpu.memref_slice %arg13[%add3A_26, %dma_wait3A_56] : memref<10000x128xf32, #tpu.memory_space<vmem_shared>> -> memref<128x128xf32, #tpu.memory_space<vmem_shared>>
    %dma_wait3A_58 = arith.constant 0 : i32
    %dma_wait3A_59 = tpu.memref_slice %arg13[%add3A_26, %dma_wait3A_58] : memref<10000x128xf32, #tpu.memory_space<vmem_shared>> -> memref<128x128xf32, #tpu.memory_space<vmem_shared>>
    tpu.wait_dma2 semaphore(%arg14 : memref<!tpu.dma_semaphore, #tpu.memory_space<semaphore_mem>>) src(%arg11 : memref<128x128xf32, #tpu.memory_space<vmem>>) dst(%dma_wait3A_59 : memref<128x128xf32, #tpu.memory_space<vmem_shared>>)
    %dma_wait3A_60 = arith.constant 0 : i32
    %dma_wait3A_61 = arith.constant 0 : i32
    %dma_wait3A_62 = tpu.memref_slice %arg11[%dma_wait3A_60, %dma_wait3A_61] : memref<128x128xf32, #tpu.memory_space<vmem>> -> memref<112x128xf32, #tpu.memory_space<vmem>>
    %dma_wait3A_63 = arith.constant 0 : i32
    %dma_wait3A_64 = tpu.memref_slice %arg13[%add3A_32, %dma_wait3A_63] : memref<10000x128xf32, #tpu.memory_space<vmem_shared>> -> memref<112x128xf32, #tpu.memory_space<vmem_shared>>
    %dma_wait3A_65 = arith.constant 0 : i32
    %dma_wait3A_66 = tpu.memref_slice %arg13[%add3A_32, %dma_wait3A_65] : memref<10000x128xf32, #tpu.memory_space<vmem_shared>> -> memref<112x128xf32, #tpu.memory_space<vmem_shared>>
    %dma_wait3A_67 = arith.constant 0 : i32
    %dma_wait3A_68 = arith.constant 0 : i32
    %dma_wait3A_69 = tpu.memref_slice %arg11[%dma_wait3A_67, %dma_wait3A_68] : memref<128x128xf32, #tpu.memory_space<vmem>> -> memref<112x128xf32, #tpu.memory_space<vmem>>
    tpu.wait_dma2 semaphore(%arg14 : memref<!tpu.dma_semaphore, #tpu.memory_space<semaphore_mem>>) src(%dma_wait3A_69 : memref<112x128xf32, #tpu.memory_space<vmem>>) dst(%dma_wait3A_66 : memref<112x128xf32, #tpu.memory_space<vmem_shared>>)
    %mul3A_70 = arith.constant 1280 : i32
    %mul3A_71 = arith.muli %arg1, %mul3A_70 : i32
    "tpu.region"() ({
      %run_scoped3A_116 = tpu.sem_alloc : memref<!tpu.dma_semaphore, #tpu.memory_space<semaphore_mem>>
      %dma_start3A_117 = tpu.memref_slice %arg6[%mul3A_71] : memref<20480xi32, #tpu.memory_space<hbm>> -> memref<1280xi32, #tpu.memory_space<hbm>>
      %dma_start3A_118 = tpu.memref_slice %arg6[%mul3A_71] : memref<20480xi32, #tpu.memory_space<hbm>> -> memref<1280xi32, #tpu.memory_space<hbm>>
      tpu.enqueue_dma source(%dma_start3A_118 : memref<1280xi32, #tpu.memory_space<hbm>>) target(%arg16 : memref<1280xi32, #tpu.memory_space<vmem>>) target_semaphore(%run_scoped3A_116 : memref<!tpu.dma_semaphore, #tpu.memory_space<semaphore_mem>>)
      %dma_wait3A_119 = tpu.memref_slice %arg6[%mul3A_71] : memref<20480xi32, #tpu.memory_space<hbm>> -> memref<1280xi32, #tpu.memory_space<hbm>>
      %dma_wait3A_120 = tpu.memref_slice %arg6[%mul3A_71] : memref<20480xi32, #tpu.memory_space<hbm>> -> memref<1280xi32, #tpu.memory_space<hbm>>
      tpu.wait_dma2 semaphore(%run_scoped3A_116 : memref<!tpu.dma_semaphore, #tpu.memory_space<semaphore_mem>>) src(%dma_wait3A_120 : memref<1280xi32, #tpu.memory_space<hbm>>) dst(%arg16 : memref<1280xi32, #tpu.memory_space<vmem>>)
      tpu.yield
    }) : () -> ()
    %barrier3A = arith.constant 0 : index
    tpu.barrier barrier_id(%barrier3A)
    %run_scoped3A = arith.constant 0 : i32
    "tpu.region"() ({
      %run_scoped3A_116 = tpu.sem_alloc : memref<!tpu.dma_semaphore, #tpu.memory_space<semaphore_mem>>
      %dma_start3A_117 = arith.constant 0 : i32
      %dma_start3A_118 = tpu.memref_slice %arg3[%add3A, %run_scoped3A, %dma_start3A_117] : memref<32x2x5120xi32, #tpu.memory_space<hbm>> -> memref<1x1x5120xi32, #tpu.memory_space<hbm>>
      %dma_start3A_119 = tpu.memref_squeeze %dma_start3A_118 : memref<1x1x5120xi32, #tpu.memory_space<hbm>> -> memref<5120xi32, #tpu.memory_space<hbm>>
      %dma_start3A_120 = arith.constant 0 : i32
      %dma_start3A_121 = tpu.memref_slice %arg3[%add3A, %run_scoped3A, %dma_start3A_120] : memref<32x2x5120xi32, #tpu.memory_space<hbm>> -> memref<1x1x5120xi32, #tpu.memory_space<hbm>>
      %dma_start3A_122 = tpu.memref_squeeze %dma_start3A_121 : memref<1x1x5120xi32, #tpu.memory_space<hbm>> -> memref<5120xi32, #tpu.memory_space<hbm>>
      tpu.enqueue_dma source(%dma_start3A_122 : memref<5120xi32, #tpu.memory_space<hbm>>) target(%arg8 : memref<5120xi32, #tpu.memory_space<vmem>>) target_semaphore(%run_scoped3A_116 : memref<!tpu.dma_semaphore, #tpu.memory_space<semaphore_mem>>)
      %dma_wait3A_123 = arith.constant 0 : i32
      %dma_wait3A_124 = tpu.memref_slice %arg3[%add3A, %run_scoped3A, %dma_wait3A_123] : memref<32x2x5120xi32, #tpu.memory_space<hbm>> -> memref<1x1x5120xi32, #tpu.memory_space<hbm>>
      %dma_wait3A_125 = tpu.memref_squeeze %dma_wait3A_124 : memref<1x1x5120xi32, #tpu.memory_space<hbm>> -> memref<5120xi32, #tpu.memory_space<hbm>>
      %dma_wait3A_126 = arith.constant 0 : i32
      %dma_wait3A_127 = tpu.memref_slice %arg3[%add3A, %run_scoped3A, %dma_wait3A_126] : memref<32x2x5120xi32, #tpu.memory_space<hbm>> -> memref<1x1x5120xi32, #tpu.memory_space<hbm>>
      %dma_wait3A_128 = tpu.memref_squeeze %dma_wait3A_127 : memref<1x1x5120xi32, #tpu.memory_space<hbm>> -> memref<5120xi32, #tpu.memory_space<hbm>>
      tpu.wait_dma2 semaphore(%run_scoped3A_116 : memref<!tpu.dma_semaphore, #tpu.memory_space<semaphore_mem>>) src(%dma_wait3A_128 : memref<5120xi32, #tpu.memory_space<hbm>>) dst(%arg8 : memref<5120xi32, #tpu.memory_space<vmem>>)
      tpu.yield
    }) : () -> ()
    %run_scoped3A_72 = arith.constant 0 : i32
    "tpu.region"() ({
      %run_scoped3A_116 = tpu.sem_alloc : memref<!tpu.dma_semaphore, #tpu.memory_space<semaphore_mem>>
      %dma_start3A_117 = arith.constant 0 : i32
      %dma_start3A_118 = arith.constant 0 : i32
      %dma_start3A_119 = tpu.memref_slice %arg4[%add3A, %run_scoped3A_72, %dma_start3A_117, %dma_start3A_118] : memref<32x2x40x128xi32, #tpu.memory_space<hbm>> -> memref<1x1x40x128xi32, #tpu.memory_space<hbm>>
      %dma_start3A_120 = tpu.memref_squeeze %dma_start3A_119 : memref<1x1x40x128xi32, #tpu.memory_space<hbm>> -> memref<40x128xi32, #tpu.memory_space<hbm>>
      %dma_start3A_121 = arith.constant 0 : i32
      %dma_start3A_122 = arith.constant 0 : i32
      %dma_start3A_123 = tpu.memref_slice %arg4[%add3A, %run_scoped3A_72, %dma_start3A_121, %dma_start3A_122] : memref<32x2x40x128xi32, #tpu.memory_space<hbm>> -> memref<1x1x40x128xi32, #tpu.memory_space<hbm>>
      %dma_start3A_124 = tpu.memref_squeeze %dma_start3A_123 : memref<1x1x40x128xi32, #tpu.memory_space<hbm>> -> memref<40x128xi32, #tpu.memory_space<hbm>>
      tpu.enqueue_dma source(%dma_start3A_124 : memref<40x128xi32, #tpu.memory_space<hbm>>) target(%arg9 : memref<40x128xi32, #tpu.memory_space<vmem>>) target_semaphore(%run_scoped3A_116 : memref<!tpu.dma_semaphore, #tpu.memory_space<semaphore_mem>>)
      %dma_wait3A_125 = arith.constant 0 : i32
      %dma_wait3A_126 = arith.constant 0 : i32
      %dma_wait3A_127 = tpu.memref_slice %arg4[%add3A, %run_scoped3A_72, %dma_wait3A_125, %dma_wait3A_126] : memref<32x2x40x128xi32, #tpu.memory_space<hbm>> -> memref<1x1x40x128xi32, #tpu.memory_space<hbm>>
      %dma_wait3A_128 = tpu.memref_squeeze %dma_wait3A_127 : memref<1x1x40x128xi32, #tpu.memory_space<hbm>> -> memref<40x128xi32, #tpu.memory_space<hbm>>
      %dma_wait3A_129 = arith.constant 0 : i32
      %dma_wait3A_130 = arith.constant 0 : i32
      %dma_wait3A_131 = tpu.memref_slice %arg4[%add3A, %run_scoped3A_72, %dma_wait3A_129, %dma_wait3A_130] : memref<32x2x40x128xi32, #tpu.memory_space<hbm>> -> memref<1x1x40x128xi32, #tpu.memory_space<hbm>>
      %dma_wait3A_132 = tpu.memref_squeeze %dma_wait3A_131 : memref<1x1x40x128xi32, #tpu.memory_space<hbm>> -> memref<40x128xi32, #tpu.memory_space<hbm>>
      tpu.wait_dma2 semaphore(%run_scoped3A_116 : memref<!tpu.dma_semaphore, #tpu.memory_space<semaphore_mem>>) src(%dma_wait3A_132 : memref<40x128xi32, #tpu.memory_space<hbm>>) dst(%arg9 : memref<40x128xi32, #tpu.memory_space<vmem>>)
      tpu.yield
    }) : () -> ()
    %run_scoped3A_73 = arith.constant 0 : i32
    "tpu.region"() ({
      %run_scoped3A_116 = tpu.sem_alloc : memref<!tpu.dma_semaphore, #tpu.memory_space<semaphore_mem>>
      %dma_start3A_117 = arith.constant 0 : i32
      %dma_start3A_118 = tpu.memref_slice %arg5[%add3A, %run_scoped3A_73, %dma_start3A_117] : memref<32x2x5120xf32, #tpu.memory_space<hbm>> -> memref<1x1x5120xf32, #tpu.memory_space<hbm>>
      %dma_start3A_119 = tpu.memref_squeeze %dma_start3A_118 : memref<1x1x5120xf32, #tpu.memory_space<hbm>> -> memref<5120xf32, #tpu.memory_space<hbm>>
      %dma_start3A_120 = arith.constant 0 : i32
      %dma_start3A_121 = tpu.memref_slice %arg5[%add3A, %run_scoped3A_73, %dma_start3A_120] : memref<32x2x5120xf32, #tpu.memory_space<hbm>> -> memref<1x1x5120xf32, #tpu.memory_space<hbm>>
      %dma_start3A_122 = tpu.memref_squeeze %dma_start3A_121 : memref<1x1x5120xf32, #tpu.memory_space<hbm>> -> memref<5120xf32, #tpu.memory_space<hbm>>
      tpu.enqueue_dma source(%dma_start3A_122 : memref<5120xf32, #tpu.memory_space<hbm>>) target(%arg10 : memref<5120xf32, #tpu.memory_space<vmem>>) target_semaphore(%run_scoped3A_116 : memref<!tpu.dma_semaphore, #tpu.memory_space<semaphore_mem>>)
      %dma_wait3A_123 = arith.constant 0 : i32
      %dma_wait3A_124 = tpu.memref_slice %arg5[%add3A, %run_scoped3A_73, %dma_wait3A_123] : memref<32x2x5120xf32, #tpu.memory_space<hbm>> -> memref<1x1x5120xf32, #tpu.memory_space<hbm>>
      %dma_wait3A_125 = tpu.memref_squeeze %dma_wait3A_124 : memref<1x1x5120xf32, #tpu.memory_space<hbm>> -> memref<5120xf32, #tpu.memory_space<hbm>>
      %dma_wait3A_126 = arith.constant 0 : i32
      %dma_wait3A_127 = tpu.memref_slice %arg5[%add3A, %run_scoped3A_73, %dma_wait3A_126] : memref<32x2x5120xf32, #tpu.memory_space<hbm>> -> memref<1x1x5120xf32, #tpu.memory_space<hbm>>
      %dma_wait3A_128 = tpu.memref_squeeze %dma_wait3A_127 : memref<1x1x5120xf32, #tpu.memory_space<hbm>> -> memref<5120xf32, #tpu.memory_space<hbm>>
      tpu.wait_dma2 semaphore(%run_scoped3A_116 : memref<!tpu.dma_semaphore, #tpu.memory_space<semaphore_mem>>) src(%dma_wait3A_128 : memref<5120xf32, #tpu.memory_space<hbm>>) dst(%arg10 : memref<5120xf32, #tpu.memory_space<vmem>>)
      tpu.yield
    }) : () -> ()
    %dma_start3A_74 = arith.constant 0 : i32
    %dma_start3A_75 = tpu.memref_slice %arg8[%dma_start3A_74] : memref<5120xi32, #tpu.memory_space<vmem>> -> memref<128xi32, #tpu.memory_space<vmem>>
    %dma_start3A_76 = arith.constant 0 : i32
    %dma_start3A_77 = arith.constant 0 : i32
    %dma_start3A_78 = tpu.memref_slice %arg2[%dma_start3A_76, %dma_start3A_77] : memref<10000x128xf32, #tpu.memory_space<hbm>> -> memref<10000x128xf32, #tpu.memory_space<hbm>>
    tpu.enqueue_indirect_dma source(%dma_start3A_78 : memref<10000x128xf32, #tpu.memory_space<hbm>>) target(%arg11 : memref<128x128xf32, #tpu.memory_space<vmem>>) offsets(%dma_start3A_75 : memref<128xi32, #tpu.memory_space<vmem>>) semaphore(%arg14 : memref<!tpu.dma_semaphore, #tpu.memory_space<semaphore_mem>>)
    %dma_start3A_79 = arith.constant 128 : i32
    %dma_start3A_80 = tpu.memref_slice %arg8[%dma_start3A_79] : memref<5120xi32, #tpu.memory_space<vmem>> -> memref<128xi32, #tpu.memory_space<vmem>>
    %dma_start3A_81 = arith.constant 0 : i32
    %dma_start3A_82 = arith.constant 0 : i32
    %dma_start3A_83 = tpu.memref_slice %arg2[%dma_start3A_81, %dma_start3A_82] : memref<10000x128xf32, #tpu.memory_space<hbm>> -> memref<10000x128xf32, #tpu.memory_space<hbm>>
    tpu.enqueue_indirect_dma source(%dma_start3A_83 : memref<10000x128xf32, #tpu.memory_space<hbm>>) target(%arg12 : memref<128x128xf32, #tpu.memory_space<vmem>>) offsets(%dma_start3A_80 : memref<128xi32, #tpu.memory_space<vmem>>) semaphore(%arg15 : memref<!tpu.dma_semaphore, #tpu.memory_space<semaphore_mem>>)
    %scan3A_84 = arith.constant 0 : i32
    %scan3A_85 = arith.constant 0 : i32
    %scan3A_86 = arith.constant 20 : i32
    %scan3A_87 = arith.addi %scan3A_85, %scan3A_86 : i32
    %scan3A_88 = arith.constant 1 : i32
    scf.for %scan3A_116 = %scan3A_85 to %scan3A_87 step %scan3A_88  : i32 {
      %mul3A_117 = arith.constant 2 : i32
      %mul3A_118 = arith.muli %mul3A_117, %scan3A_116 : i32
      %add3A_119 = arith.constant 0 : i32
      %add3A_120 = arith.addi %mul3A_118, %add3A_119 : i32
      %dma_wait3A_121 = arith.constant 0 : i32
      %dma_wait3A_122 = arith.constant 0 : i32
      %dma_wait3A_123 = tpu.memref_slice %arg2[%dma_wait3A_121, %dma_wait3A_122] : memref<10000x128xf32, #tpu.memory_space<hbm>> -> memref<128x128xf32, #tpu.memory_space<hbm>>
      %dma_wait3A_124 = arith.constant 0 : i32
      %dma_wait3A_125 = arith.constant 0 : i32
      %dma_wait3A_126 = tpu.memref_slice %arg2[%dma_wait3A_124, %dma_wait3A_125] : memref<10000x128xf32, #tpu.memory_space<hbm>> -> memref<128x128xf32, #tpu.memory_space<hbm>>
      tpu.wait_dma2 semaphore(%arg14 : memref<!tpu.dma_semaphore, #tpu.memory_space<semaphore_mem>>) src(%dma_wait3A_126 : memref<128x128xf32, #tpu.memory_space<hbm>>) dst(%arg11 : memref<128x128xf32, #tpu.memory_space<vmem>>)
      %scan3A_127 = arith.constant 0 : i32
      %scan3A_128 = arith.constant 0 : i32
      %scan3A_129 = arith.constant 128 : i32
      %scan3A_130 = arith.addi %scan3A_128, %scan3A_129 : i32
      %scan3A_131 = arith.constant 2 : i32
      scf.for %scan3A_162 = %scan3A_128 to %scan3A_130 step %scan3A_131  : i32 {
        %mul3A_163 = arith.constant 128 : i32
        %mul3A_164 = arith.muli %add3A_120, %mul3A_163 : i32
        %add3A_165 = arith.addi %mul3A_164, %scan3A_162 : i32
        %broadcast_in_dim3A = vector.broadcast %add3A_165 : i32 to vector<16xi32>
        %gather3A = tpu.vector_load_idx %arg10[%broadcast_in_dim3A] : memref<5120xf32, #tpu.memory_space<vmem>>[vector<16xi32>], vector<16xf32>,
        %get3A = arith.index_cast %scan3A_162 : i32 to index
        %get3A_166 = arith.constant 0 : index
        %get3A_167 = tpu.vector_load %arg11[%get3A, %get3A_166] {strides = array<i32>} : memref<128x128xf32, #tpu.memory_space<vmem>>, vector<16xf32>,
        %mul3A_168 = arith.mulf %get3A_167, %gather3A : vector<16xf32>
        %swap3A = arith.index_cast %scan3A_162 : i32 to index
        %swap3A_169 = arith.constant 0 : index
        %swap3A_170 = tpu.vector_load %arg11[%swap3A, %swap3A_169] {strides = array<i32>} : memref<128x128xf32, #tpu.memory_space<vmem>>, vector<16xf32>,
        tpu.vector_store %arg11[%swap3A, %swap3A_169], %mul3A_168 {strides = array<i32>} : memref<128x128xf32, #tpu.memory_space<vmem>>, vector<16xf32>,
        %get3A_171 = arith.index_cast %scan3A_162 : i32 to index
        %get3A_172 = arith.constant 16 : index
        %get3A_173 = tpu.vector_load %arg11[%get3A_171, %get3A_172] {strides = array<i32>} : memref<128x128xf32, #tpu.memory_space<vmem>>, vector<16xf32>,
        %mul3A_174 = arith.mulf %get3A_173, %gather3A : vector<16xf32>
        %swap3A_175 = arith.index_cast %scan3A_162 : i32 to index
        %swap3A_176 = arith.constant 16 : index
        %swap3A_177 = tpu.vector_load %arg11[%swap3A_175, %swap3A_176] {strides = array<i32>} : memref<128x128xf32, #tpu.memory_space<vmem>>, vector<16xf32>,
        tpu.vector_store %arg11[%swap3A_175, %swap3A_176], %mul3A_174 {strides = array<i32>} : memref<128x128xf32, #tpu.memory_space<vmem>>, vector<16xf32>,
        %get3A_178 = arith.index_cast %scan3A_162 : i32 to index
        %get3A_179 = arith.constant 32 : index
        %get3A_180 = tpu.vector_load %arg11[%get3A_178, %get3A_179] {strides = array<i32>} : memref<128x128xf32, #tpu.memory_space<vmem>>, vector<16xf32>,
        %mul3A_181 = arith.mulf %get3A_180, %gather3A : vector<16xf32>
        %swap3A_182 = arith.index_cast %scan3A_162 : i32 to index
        %swap3A_183 = arith.constant 32 : index
        %swap3A_184 = tpu.vector_load %arg11[%swap3A_182, %swap3A_183] {strides = array<i32>} : memref<128x128xf32, #tpu.memory_space<vmem>>, vector<16xf32>,
        tpu.vector_store %arg11[%swap3A_182, %swap3A_183], %mul3A_181 {strides = array<i32>} : memref<128x128xf32, #tpu.memory_space<vmem>>, vector<16xf32>,
        %get3A_185 = arith.index_cast %scan3A_162 : i32 to index
        %get3A_186 = arith.constant 48 : index
        %get3A_187 = tpu.vector_load %arg11[%get3A_185, %get3A_186] {strides = array<i32>} : memref<128x128xf32, #tpu.memory_space<vmem>>, vector<16xf32>,
        %mul3A_188 = arith.mulf %get3A_187, %gather3A : vector<16xf32>
        %swap3A_189 = arith.index_cast %scan3A_162 : i32 to index
        %swap3A_190 = arith.constant 48 : index
        %swap3A_191 = tpu.vector_load %arg11[%swap3A_189, %swap3A_190] {strides = array<i32>} : memref<128x128xf32, #tpu.memory_space<vmem>>, vector<16xf32>,
        tpu.vector_store %arg11[%swap3A_189, %swap3A_190], %mul3A_188 {strides = array<i32>} : memref<128x128xf32, #tpu.memory_space<vmem>>, vector<16xf32>,
        %get3A_192 = arith.index_cast %scan3A_162 : i32 to index
        %get3A_193 = arith.constant 64 : index
        %get3A_194 = tpu.vector_load %arg11[%get3A_192, %get3A_193] {strides = array<i32>} : memref<128x128xf32, #tpu.memory_space<vmem>>, vector<16xf32>,
        %mul3A_195 = arith.mulf %get3A_194, %gather3A : vector<16xf32>
        %swap3A_196 = arith.index_cast %scan3A_162 : i32 to index
        %swap3A_197 = arith.constant 64 : index
        %swap3A_198 = tpu.vector_load %arg11[%swap3A_196, %swap3A_197] {strides = array<i32>} : memref<128x128xf32, #tpu.memory_space<vmem>>, vector<16xf32>,
        tpu.vector_store %arg11[%swap3A_196, %swap3A_197], %mul3A_195 {strides = array<i32>} : memref<128x128xf32, #tpu.memory_space<vmem>>, vector<16xf32>,
        %get3A_199 = arith.index_cast %scan3A_162 : i32 to index
        %get3A_200 = arith.constant 80 : index
        %get3A_201 = tpu.vector_load %arg11[%get3A_199, %get3A_200] {strides = array<i32>} : memref<128x128xf32, #tpu.memory_space<vmem>>, vector<16xf32>,
        %mul3A_202 = arith.mulf %get3A_201, %gather3A : vector<16xf32>
        %swap3A_203 = arith.index_cast %scan3A_162 : i32 to index
        %swap3A_204 = arith.constant 80 : index
        %swap3A_205 = tpu.vector_load %arg11[%swap3A_203, %swap3A_204] {strides = array<i32>} : memref<128x128xf32, #tpu.memory_space<vmem>>, vector<16xf32>,
        tpu.vector_store %arg11[%swap3A_203, %swap3A_204], %mul3A_202 {strides = array<i32>} : memref<128x128xf32, #tpu.memory_space<vmem>>, vector<16xf32>,
        %get3A_206 = arith.index_cast %scan3A_162 : i32 to index
        %get3A_207 = arith.constant 96 : index
        %get3A_208 = tpu.vector_load %arg11[%get3A_206, %get3A_207] {strides = array<i32>} : memref<128x128xf32, #tpu.memory_space<vmem>>, vector<16xf32>,
        %mul3A_209 = arith.mulf %get3A_208, %gather3A : vector<16xf32>
        %swap3A_210 = arith.index_cast %scan3A_162 : i32 to index
        %swap3A_211 = arith.constant 96 : index
        %swap3A_212 = tpu.vector_load %arg11[%swap3A_210, %swap3A_211] {strides = array<i32>} : memref<128x128xf32, #tpu.memory_space<vmem>>, vector<16xf32>,
        tpu.vector_store %arg11[%swap3A_210, %swap3A_211], %mul3A_209 {strides = array<i32>} : memref<128x128xf32, #tpu.memory_space<vmem>>, vector<16xf32>,
        %get3A_213 = arith.index_cast %scan3A_162 : i32 to index
        %get3A_214 = arith.constant 112 : index
        %get3A_215 = tpu.vector_load %arg11[%get3A_213, %get3A_214] {strides = array<i32>} : memref<128x128xf32, #tpu.memory_space<vmem>>, vector<16xf32>,
        %mul3A_216 = arith.mulf %get3A_215, %gather3A : vector<16xf32>
        %swap3A_217 = arith.index_cast %scan3A_162 : i32 to index
        %swap3A_218 = arith.constant 112 : index
        %swap3A_219 = tpu.vector_load %arg11[%swap3A_217, %swap3A_218] {strides = array<i32>} : memref<128x128xf32, #tpu.memory_space<vmem>>, vector<16xf32>,
        tpu.vector_store %arg11[%swap3A_217, %swap3A_218], %mul3A_216 {strides = array<i32>} : memref<128x128xf32, #tpu.memory_space<vmem>>, vector<16xf32>,
        %scan3A_220 = arith.constant 1 : i32
        %scan3A_221 = arith.addi %scan3A_162, %scan3A_220 : i32
        %mul3A_222 = arith.constant 128 : i32
        %mul3A_223 = arith.muli %add3A_120, %mul3A_222 : i32
        %add3A_224 = arith.addi %mul3A_223, %scan3A_221 : i32
        %broadcast_in_dim3A_225 = vector.broadcast %add3A_224 : i32 to vector<16xi32>
        %gather3A_226 = tpu.vector_load_idx %arg10[%broadcast_in_dim3A_225] : memref<5120xf32, #tpu.memory_space<vmem>>[vector<16xi32>], vector<16xf32>,
        %get3A_227 = arith.index_cast %scan3A_221 : i32 to index
        %get3A_228 = arith.constant 0 : index
        %get3A_229 = tpu.vector_load %arg11[%get3A_227, %get3A_228] {strides = array<i32>} : memref<128x128xf32, #tpu.memory_space<vmem>>, vector<16xf32>,
        %mul3A_230 = arith.mulf %get3A_229, %gather3A_226 : vector<16xf32>
        %swap3A_231 = arith.index_cast %scan3A_221 : i32 to index
        %swap3A_232 = arith.constant 0 : index
        %swap3A_233 = tpu.vector_load %arg11[%swap3A_231, %swap3A_232] {strides = array<i32>} : memref<128x128xf32, #tpu.memory_space<vmem>>, vector<16xf32>,
        tpu.vector_store %arg11[%swap3A_231, %swap3A_232], %mul3A_230 {strides = array<i32>} : memref<128x128xf32, #tpu.memory_space<vmem>>, vector<16xf32>,
        %get3A_234 = arith.index_cast %scan3A_221 : i32 to index
        %get3A_235 = arith.constant 16 : index
        %get3A_236 = tpu.vector_load %arg11[%get3A_234, %get3A_235] {strides = array<i32>} : memref<128x128xf32, #tpu.memory_space<vmem>>, vector<16xf32>,
        %mul3A_237 = arith.mulf %get3A_236, %gather3A_226 : vector<16xf32>
        %swap3A_238 = arith.index_cast %scan3A_221 : i32 to index
        %swap3A_239 = arith.constant 16 : index
        %swap3A_240 = tpu.vector_load %arg11[%swap3A_238, %swap3A_239] {strides = array<i32>} : memref<128x128xf32, #tpu.memory_space<vmem>>, vector<16xf32>,
        tpu.vector_store %arg11[%swap3A_238, %swap3A_239], %mul3A_237 {strides = array<i32>} : memref<128x128xf32, #tpu.memory_space<vmem>>, vector<16xf32>,
        %get3A_241 = arith.index_cast %scan3A_221 : i32 to index
        %get3A_242 = arith.constant 32 : index
        %get3A_243 = tpu.vector_load %arg11[%get3A_241, %get3A_242] {strides = array<i32>} : memref<128x128xf32, #tpu.memory_space<vmem>>, vector<16xf32>,
        %mul3A_244 = arith.mulf %get3A_243, %gather3A_226 : vector<16xf32>
        %swap3A_245 = arith.index_cast %scan3A_221 : i32 to index
        %swap3A_246 = arith.constant 32 : index
        %swap3A_247 = tpu.vector_load %arg11[%swap3A_245, %swap3A_246] {strides = array<i32>} : memref<128x128xf32, #tpu.memory_space<vmem>>, vector<16xf32>,
        tpu.vector_store %arg11[%swap3A_245, %swap3A_246], %mul3A_244 {strides = array<i32>} : memref<128x128xf32, #tpu.memory_space<vmem>>, vector<16xf32>,
        %get3A_248 = arith.index_cast %scan3A_221 : i32 to index
        %get3A_249 = arith.constant 48 : index
        %get3A_250 = tpu.vector_load %arg11[%get3A_248, %get3A_249] {strides = array<i32>} : memref<128x128xf32, #tpu.memory_space<vmem>>, vector<16xf32>,
        %mul3A_251 = arith.mulf %get3A_250, %gather3A_226 : vector<16xf32>
        %swap3A_252 = arith.index_cast %scan3A_221 : i32 to index
        %swap3A_253 = arith.constant 48 : index
        %swap3A_254 = tpu.vector_load %arg11[%swap3A_252, %swap3A_253] {strides = array<i32>} : memref<128x128xf32, #tpu.memory_space<vmem>>, vector<16xf32>,
        tpu.vector_store %arg11[%swap3A_252, %swap3A_253], %mul3A_251 {strides = array<i32>} : memref<128x128xf32, #tpu.memory_space<vmem>>, vector<16xf32>,
        %get3A_255 = arith.index_cast %scan3A_221 : i32 to index
        %get3A_256 = arith.constant 64 : index
        %get3A_257 = tpu.vector_load %arg11[%get3A_255, %get3A_256] {strides = array<i32>} : memref<128x128xf32, #tpu.memory_space<vmem>>, vector<16xf32>,
        %mul3A_258 = arith.mulf %get3A_257, %gather3A_226 : vector<16xf32>
        %swap3A_259 = arith.index_cast %scan3A_221 : i32 to index
        %swap3A_260 = arith.constant 64 : index
        %swap3A_261 = tpu.vector_load %arg11[%swap3A_259, %swap3A_260] {strides = array<i32>} : memref<128x128xf32, #tpu.memory_space<vmem>>, vector<16xf32>,
        tpu.vector_store %arg11[%swap3A_259, %swap3A_260], %mul3A_258 {strides = array<i32>} : memref<128x128xf32, #tpu.memory_space<vmem>>, vector<16xf32>,
        %get3A_262 = arith.index_cast %scan3A_221 : i32 to index
        %get3A_263 = arith.constant 80 : index
        %get3A_264 = tpu.vector_load %arg11[%get3A_262, %get3A_263] {strides = array<i32>} : memref<128x128xf32, #tpu.memory_space<vmem>>, vector<16xf32>,
        %mul3A_265 = arith.mulf %get3A_264, %gather3A_226 : vector<16xf32>
        %swap3A_266 = arith.index_cast %scan3A_221 : i32 to index
        %swap3A_267 = arith.constant 80 : index
        %swap3A_268 = tpu.vector_load %arg11[%swap3A_266, %swap3A_267] {strides = array<i32>} : memref<128x128xf32, #tpu.memory_space<vmem>>, vector<16xf32>,
        tpu.vector_store %arg11[%swap3A_266, %swap3A_267], %mul3A_265 {strides = array<i32>} : memref<128x128xf32, #tpu.memory_space<vmem>>, vector<16xf32>,
        %get3A_269 = arith.index_cast %scan3A_221 : i32 to index
        %get3A_270 = arith.constant 96 : index
        %get3A_271 = tpu.vector_load %arg11[%get3A_269, %get3A_270] {strides = array<i32>} : memref<128x128xf32, #tpu.memory_space<vmem>>, vector<16xf32>,
        %mul3A_272 = arith.mulf %get3A_271, %gather3A_226 : vector<16xf32>
        %swap3A_273 = arith.index_cast %scan3A_221 : i32 to index
        %swap3A_274 = arith.constant 96 : index
        %swap3A_275 = tpu.vector_load %arg11[%swap3A_273, %swap3A_274] {strides = array<i32>} : memref<128x128xf32, #tpu.memory_space<vmem>>, vector<16xf32>,
        tpu.vector_store %arg11[%swap3A_273, %swap3A_274], %mul3A_272 {strides = array<i32>} : memref<128x128xf32, #tpu.memory_space<vmem>>, vector<16xf32>,
        %get3A_276 = arith.index_cast %scan3A_221 : i32 to index
        %get3A_277 = arith.constant 112 : index
        %get3A_278 = tpu.vector_load %arg11[%get3A_276, %get3A_277] {strides = array<i32>} : memref<128x128xf32, #tpu.memory_space<vmem>>, vector<16xf32>,
        %mul3A_279 = arith.mulf %get3A_278, %gather3A_226 : vector<16xf32>
        %swap3A_280 = arith.index_cast %scan3A_221 : i32 to index
        %swap3A_281 = arith.constant 112 : index
        %swap3A_282 = tpu.vector_load %arg11[%swap3A_280, %swap3A_281] {strides = array<i32>} : memref<128x128xf32, #tpu.memory_space<vmem>>, vector<16xf32>,
        tpu.vector_store %arg11[%swap3A_280, %swap3A_281], %mul3A_279 {strides = array<i32>} : memref<128x128xf32, #tpu.memory_space<vmem>>, vector<16xf32>,
      }
      %scan3A_132 = arith.constant 128 : i32
      "tpu.region"() ({
        %run_scoped3A_162 = tpu.sem_alloc : memref<!tpu.dma_semaphore, #tpu.memory_space<semaphore_mem>>
        %dma_start3A_163 = arith.constant 0 : i32
        %dma_start3A_164 = tpu.memref_slice %arg9[%add3A_120, %dma_start3A_163] : memref<40x128xi32, #tpu.memory_space<vmem>> -> memref<1x128xi32, #tpu.memory_space<vmem>>
        %dma_start3A_165 = tpu.memref_squeeze %dma_start3A_164 : memref<1x128xi32, #tpu.memory_space<vmem>> -> memref<128xi32, #tpu.memory_space<vmem>>
        %dma_start3A_166 = arith.constant 0 : i32
        %dma_start3A_167 = arith.constant 0 : i32
        %dma_start3A_168 = tpu.memref_slice %arg13[%dma_start3A_166, %dma_start3A_167] : memref<10000x128xf32, #tpu.memory_space<vmem_shared>> -> memref<10000x128xf32, #tpu.memory_space<vmem_shared>>
        tpu.enqueue_indirect_dma source(%arg11 : memref<128x128xf32, #tpu.memory_space<vmem>>) target(%dma_start3A_168 : memref<10000x128xf32, #tpu.memory_space<vmem_shared>>) offsets(%dma_start3A_165 : memref<128xi32, #tpu.memory_space<vmem>>) semaphore(%run_scoped3A_162 : memref<!tpu.dma_semaphore, #tpu.memory_space<semaphore_mem>>) {add = true}
        %dma_wait3A_169 = arith.constant 0 : i32
        %dma_wait3A_170 = tpu.memref_slice %arg9[%add3A_120, %dma_wait3A_169] : memref<40x128xi32, #tpu.memory_space<vmem>> -> memref<1x128xi32, #tpu.memory_space<vmem>>
        %dma_wait3A_171 = tpu.memref_squeeze %dma_wait3A_170 : memref<1x128xi32, #tpu.memory_space<vmem>> -> memref<128xi32, #tpu.memory_space<vmem>>
        %dma_wait3A_172 = arith.constant 0 : i32
        %dma_wait3A_173 = arith.constant 0 : i32
        %dma_wait3A_174 = tpu.memref_slice %arg13[%dma_wait3A_172, %dma_wait3A_173] : memref<10000x128xf32, #tpu.memory_space<vmem_shared>> -> memref<10000x128xf32, #tpu.memory_space<vmem_shared>>
        tpu.wait_indirect_dma semaphore(%run_scoped3A_162 : memref<!tpu.dma_semaphore, #tpu.memory_space<semaphore_mem>>) src(%arg11 : memref<128x128xf32, #tpu.memory_space<vmem>>) dst(%dma_wait3A_174 : memref<10000x128xf32, #tpu.memory_space<vmem_shared>>)
        tpu.yield
      }) : () -> ()
      %add3A_133 = arith.constant 2 : i32
      %add3A_134 = arith.addi %add3A_120, %add3A_133 : i32
      %lt3A = arith.constant 40 : i32
      %lt3A_135 = arith.cmpi slt, %add3A_134, %lt3A : i32
      %convert_element_type3A_136 = arith.extui %lt3A_135 : i1 to i32
      %cond3A_137 = arith.constant 0 : i32
      %cond3A_138 = arith.cmpi ne, %convert_element_type3A_136, %cond3A_137 : i32
      scf.if %cond3A_138 {
        %add3A_162 = arith.constant 2 : i32
        %add3A_163 = arith.addi %add3A_120, %add3A_162 : i32
        %mul3A_164 = arith.constant 128 : i32
        %mul3A_165 = arith.muli %add3A_163, %mul3A_164 : i32
        %dma_start3A_166 = tpu.memref_slice %arg8[%mul3A_165] : memref<5120xi32, #tpu.memory_space<vmem>> -> memref<128xi32, #tpu.memory_space<vmem>>
        %dma_start3A_167 = arith.constant 0 : i32
        %dma_start3A_168 = arith.constant 0 : i32
        %dma_start3A_169 = tpu.memref_slice %arg2[%dma_start3A_167, %dma_start3A_168] : memref<10000x128xf32, #tpu.memory_space<hbm>> -> memref<10000x128xf32, #tpu.memory_space<hbm>>
        tpu.enqueue_indirect_dma source(%dma_start3A_169 : memref<10000x128xf32, #tpu.memory_space<hbm>>) target(%arg11 : memref<128x128xf32, #tpu.memory_space<vmem>>) offsets(%dma_start3A_166 : memref<128xi32, #tpu.memory_space<vmem>>) semaphore(%arg14 : memref<!tpu.dma_semaphore, #tpu.memory_space<semaphore_mem>>)
      } else {
      }
      %mul3A_139 = arith.constant 2 : i32
      %mul3A_140 = arith.muli %mul3A_139, %scan3A_116 : i32
      %add3A_141 = arith.constant 1 : i32
      %add3A_142 = arith.addi %mul3A_140, %add3A_141 : i32
      %dma_wait3A_143 = arith.constant 0 : i32
      %dma_wait3A_144 = arith.constant 0 : i32
      %dma_wait3A_145 = tpu.memref_slice %arg2[%dma_wait3A_143, %dma_wait3A_144] : memref<10000x128xf32, #tpu.memory_space<hbm>> -> memref<128x128xf32, #tpu.memory_space<hbm>>
      %dma_wait3A_146 = arith.constant 0 : i32
      %dma_wait3A_147 = arith.constant 0 : i32
      %dma_wait3A_148 = tpu.memref_slice %arg2[%dma_wait3A_146, %dma_wait3A_147] : memref<10000x128xf32, #tpu.memory_space<hbm>> -> memref<128x128xf32, #tpu.memory_space<hbm>>
      tpu.wait_dma2 semaphore(%arg15 : memref<!tpu.dma_semaphore, #tpu.memory_space<semaphore_mem>>) src(%dma_wait3A_148 : memref<128x128xf32, #tpu.memory_space<hbm>>) dst(%arg12 : memref<128x128xf32, #tpu.memory_space<vmem>>)
      %scan3A_149 = arith.constant 0 : i32
      %scan3A_150 = arith.constant 0 : i32
      %scan3A_151 = arith.constant 128 : i32
      %scan3A_152 = arith.addi %scan3A_150, %scan3A_151 : i32
      %scan3A_153 = arith.constant 2 : i32
      scf.for %scan3A_162 = %scan3A_150 to %scan3A_152 step %scan3A_153  : i32 {
        %mul3A_163 = arith.constant 128 : i32
        %mul3A_164 = arith.muli %add3A_142, %mul3A_163 : i32
        %add3A_165 = arith.addi %mul3A_164, %scan3A_162 : i32
        %broadcast_in_dim3A = vector.broadcast %add3A_165 : i32 to vector<16xi32>
        %gather3A = tpu.vector_load_idx %arg10[%broadcast_in_dim3A] : memref<5120xf32, #tpu.memory_space<vmem>>[vector<16xi32>], vector<16xf32>,
        %get3A = arith.index_cast %scan3A_162 : i32 to index
        %get3A_166 = arith.constant 0 : index
        %get3A_167 = tpu.vector_load %arg12[%get3A, %get3A_166] {strides = array<i32>} : memref<128x128xf32, #tpu.memory_space<vmem>>, vector<16xf32>,
        %mul3A_168 = arith.mulf %get3A_167, %gather3A : vector<16xf32>
        %swap3A = arith.index_cast %scan3A_162 : i32 to index
        %swap3A_169 = arith.constant 0 : index
        %swap3A_170 = tpu.vector_load %arg12[%swap3A, %swap3A_169] {strides = array<i32>} : memref<128x128xf32, #tpu.memory_space<vmem>>, vector<16xf32>,
        tpu.vector_store %arg12[%swap3A, %swap3A_169], %mul3A_168 {strides = array<i32>} : memref<128x128xf32, #tpu.memory_space<vmem>>, vector<16xf32>,
        %get3A_171 = arith.index_cast %scan3A_162 : i32 to index
        %get3A_172 = arith.constant 16 : index
        %get3A_173 = tpu.vector_load %arg12[%get3A_171, %get3A_172] {strides = array<i32>} : memref<128x128xf32, #tpu.memory_space<vmem>>, vector<16xf32>,
        %mul3A_174 = arith.mulf %get3A_173, %gather3A : vector<16xf32>
        %swap3A_175 = arith.index_cast %scan3A_162 : i32 to index
        %swap3A_176 = arith.constant 16 : index
        %swap3A_177 = tpu.vector_load %arg12[%swap3A_175, %swap3A_176] {strides = array<i32>} : memref<128x128xf32, #tpu.memory_space<vmem>>, vector<16xf32>,
        tpu.vector_store %arg12[%swap3A_175, %swap3A_176], %mul3A_174 {strides = array<i32>} : memref<128x128xf32, #tpu.memory_space<vmem>>, vector<16xf32>,
        %get3A_178 = arith.index_cast %scan3A_162 : i32 to index
        %get3A_179 = arith.constant 32 : index
        %get3A_180 = tpu.vector_load %arg12[%get3A_178, %get3A_179] {strides = array<i32>} : memref<128x128xf32, #tpu.memory_space<vmem>>, vector<16xf32>,
        %mul3A_181 = arith.mulf %get3A_180, %gather3A : vector<16xf32>
        %swap3A_182 = arith.index_cast %scan3A_162 : i32 to index
        %swap3A_183 = arith.constant 32 : index
        %swap3A_184 = tpu.vector_load %arg12[%swap3A_182, %swap3A_183] {strides = array<i32>} : memref<128x128xf32, #tpu.memory_space<vmem>>, vector<16xf32>,
        tpu.vector_store %arg12[%swap3A_182, %swap3A_183], %mul3A_181 {strides = array<i32>} : memref<128x128xf32, #tpu.memory_space<vmem>>, vector<16xf32>,
        %get3A_185 = arith.index_cast %scan3A_162 : i32 to index
        %get3A_186 = arith.constant 48 : index
        %get3A_187 = tpu.vector_load %arg12[%get3A_185, %get3A_186] {strides = array<i32>} : memref<128x128xf32, #tpu.memory_space<vmem>>, vector<16xf32>,
        %mul3A_188 = arith.mulf %get3A_187, %gather3A : vector<16xf32>
        %swap3A_189 = arith.index_cast %scan3A_162 : i32 to index
        %swap3A_190 = arith.constant 48 : index
        %swap3A_191 = tpu.vector_load %arg12[%swap3A_189, %swap3A_190] {strides = array<i32>} : memref<128x128xf32, #tpu.memory_space<vmem>>, vector<16xf32>,
        tpu.vector_store %arg12[%swap3A_189, %swap3A_190], %mul3A_188 {strides = array<i32>} : memref<128x128xf32, #tpu.memory_space<vmem>>, vector<16xf32>,
        %get3A_192 = arith.index_cast %scan3A_162 : i32 to index
        %get3A_193 = arith.constant 64 : index
        %get3A_194 = tpu.vector_load %arg12[%get3A_192, %get3A_193] {strides = array<i32>} : memref<128x128xf32, #tpu.memory_space<vmem>>, vector<16xf32>,
        %mul3A_195 = arith.mulf %get3A_194, %gather3A : vector<16xf32>
        %swap3A_196 = arith.index_cast %scan3A_162 : i32 to index
        %swap3A_197 = arith.constant 64 : index
        %swap3A_198 = tpu.vector_load %arg12[%swap3A_196, %swap3A_197] {strides = array<i32>} : memref<128x128xf32, #tpu.memory_space<vmem>>, vector<16xf32>,
        tpu.vector_store %arg12[%swap3A_196, %swap3A_197], %mul3A_195 {strides = array<i32>} : memref<128x128xf32, #tpu.memory_space<vmem>>, vector<16xf32>,
        %get3A_199 = arith.index_cast %scan3A_162 : i32 to index
        %get3A_200 = arith.constant 80 : index
        %get3A_201 = tpu.vector_load %arg12[%get3A_199, %get3A_200] {strides = array<i32>} : memref<128x128xf32, #tpu.memory_space<vmem>>, vector<16xf32>,
        %mul3A_202 = arith.mulf %get3A_201, %gather3A : vector<16xf32>
        %swap3A_203 = arith.index_cast %scan3A_162 : i32 to index
        %swap3A_204 = arith.constant 80 : index
        %swap3A_205 = tpu.vector_load %arg12[%swap3A_203, %swap3A_204] {strides = array<i32>} : memref<128x128xf32, #tpu.memory_space<vmem>>, vector<16xf32>,
        tpu.vector_store %arg12[%swap3A_203, %swap3A_204], %mul3A_202 {strides = array<i32>} : memref<128x128xf32, #tpu.memory_space<vmem>>, vector<16xf32>,
        %get3A_206 = arith.index_cast %scan3A_162 : i32 to index
        %get3A_207 = arith.constant 96 : index
        %get3A_208 = tpu.vector_load %arg12[%get3A_206, %get3A_207] {strides = array<i32>} : memref<128x128xf32, #tpu.memory_space<vmem>>, vector<16xf32>,
        %mul3A_209 = arith.mulf %get3A_208, %gather3A : vector<16xf32>
        %swap3A_210 = arith.index_cast %scan3A_162 : i32 to index
        %swap3A_211 = arith.constant 96 : index
        %swap3A_212 = tpu.vector_load %arg12[%swap3A_210, %swap3A_211] {strides = array<i32>} : memref<128x128xf32, #tpu.memory_space<vmem>>, vector<16xf32>,
        tpu.vector_store %arg12[%swap3A_210, %swap3A_211], %mul3A_209 {strides = array<i32>} : memref<128x128xf32, #tpu.memory_space<vmem>>, vector<16xf32>,
        %get3A_213 = arith.index_cast %scan3A_162 : i32 to index
        %get3A_214 = arith.constant 112 : index
        %get3A_215 = tpu.vector_load %arg12[%get3A_213, %get3A_214] {strides = array<i32>} : memref<128x128xf32, #tpu.memory_space<vmem>>, vector<16xf32>,
        %mul3A_216 = arith.mulf %get3A_215, %gather3A : vector<16xf32>
        %swap3A_217 = arith.index_cast %scan3A_162 : i32 to index
        %swap3A_218 = arith.constant 112 : index
        %swap3A_219 = tpu.vector_load %arg12[%swap3A_217, %swap3A_218] {strides = array<i32>} : memref<128x128xf32, #tpu.memory_space<vmem>>, vector<16xf32>,
        tpu.vector_store %arg12[%swap3A_217, %swap3A_218], %mul3A_216 {strides = array<i32>} : memref<128x128xf32, #tpu.memory_space<vmem>>, vector<16xf32>,
        %scan3A_220 = arith.constant 1 : i32
        %scan3A_221 = arith.addi %scan3A_162, %scan3A_220 : i32
        %mul3A_222 = arith.constant 128 : i32
        %mul3A_223 = arith.muli %add3A_142, %mul3A_222 : i32
        %add3A_224 = arith.addi %mul3A_223, %scan3A_221 : i32
        %broadcast_in_dim3A_225 = vector.broadcast %add3A_224 : i32 to vector<16xi32>
        %gather3A_226 = tpu.vector_load_idx %arg10[%broadcast_in_dim3A_225] : memref<5120xf32, #tpu.memory_space<vmem>>[vector<16xi32>], vector<16xf32>,
        %get3A_227 = arith.index_cast %scan3A_221 : i32 to index
        %get3A_228 = arith.constant 0 : index
        %get3A_229 = tpu.vector_load %arg12[%get3A_227, %get3A_228] {strides = array<i32>} : memref<128x128xf32, #tpu.memory_space<vmem>>, vector<16xf32>,
        %mul3A_230 = arith.mulf %get3A_229, %gather3A_226 : vector<16xf32>
        %swap3A_231 = arith.index_cast %scan3A_221 : i32 to index
        %swap3A_232 = arith.constant 0 : index
        %swap3A_233 = tpu.vector_load %arg12[%swap3A_231, %swap3A_232] {strides = array<i32>} : memref<128x128xf32, #tpu.memory_space<vmem>>, vector<16xf32>,
        tpu.vector_store %arg12[%swap3A_231, %swap3A_232], %mul3A_230 {strides = array<i32>} : memref<128x128xf32, #tpu.memory_space<vmem>>, vector<16xf32>,
        %get3A_234 = arith.index_cast %scan3A_221 : i32 to index
        %get3A_235 = arith.constant 16 : index
        %get3A_236 = tpu.vector_load %arg12[%get3A_234, %get3A_235] {strides = array<i32>} : memref<128x128xf32, #tpu.memory_space<vmem>>, vector<16xf32>,
        %mul3A_237 = arith.mulf %get3A_236, %gather3A_226 : vector<16xf32>
        %swap3A_238 = arith.index_cast %scan3A_221 : i32 to index
        %swap3A_239 = arith.constant 16 : index
        %swap3A_240 = tpu.vector_load %arg12[%swap3A_238, %swap3A_239] {strides = array<i32>} : memref<128x128xf32, #tpu.memory_space<vmem>>, vector<16xf32>,
        tpu.vector_store %arg12[%swap3A_238, %swap3A_239], %mul3A_237 {strides = array<i32>} : memref<128x128xf32, #tpu.memory_space<vmem>>, vector<16xf32>,
        %get3A_241 = arith.index_cast %scan3A_221 : i32 to index
        %get3A_242 = arith.constant 32 : index
        %get3A_243 = tpu.vector_load %arg12[%get3A_241, %get3A_242] {strides = array<i32>} : memref<128x128xf32, #tpu.memory_space<vmem>>, vector<16xf32>,
        %mul3A_244 = arith.mulf %get3A_243, %gather3A_226 : vector<16xf32>
        %swap3A_245 = arith.index_cast %scan3A_221 : i32 to index
        %swap3A_246 = arith.constant 32 : index
        %swap3A_247 = tpu.vector_load %arg12[%swap3A_245, %swap3A_246] {strides = array<i32>} : memref<128x128xf32, #tpu.memory_space<vmem>>, vector<16xf32>,
        tpu.vector_store %arg12[%swap3A_245, %swap3A_246], %mul3A_244 {strides = array<i32>} : memref<128x128xf32, #tpu.memory_space<vmem>>, vector<16xf32>,
        %get3A_248 = arith.index_cast %scan3A_221 : i32 to index
        %get3A_249 = arith.constant 48 : index
        %get3A_250 = tpu.vector_load %arg12[%get3A_248, %get3A_249] {strides = array<i32>} : memref<128x128xf32, #tpu.memory_space<vmem>>, vector<16xf32>,
        %mul3A_251 = arith.mulf %get3A_250, %gather3A_226 : vector<16xf32>
        %swap3A_252 = arith.index_cast %scan3A_221 : i32 to index
        %swap3A_253 = arith.constant 48 : index
        %swap3A_254 = tpu.vector_load %arg12[%swap3A_252, %swap3A_253] {strides = array<i32>} : memref<128x128xf32, #tpu.memory_space<vmem>>, vector<16xf32>,
        tpu.vector_store %arg12[%swap3A_252, %swap3A_253], %mul3A_251 {strides = array<i32>} : memref<128x128xf32, #tpu.memory_space<vmem>>, vector<16xf32>,
        %get3A_255 = arith.index_cast %scan3A_221 : i32 to index
        %get3A_256 = arith.constant 64 : index
        %get3A_257 = tpu.vector_load %arg12[%get3A_255, %get3A_256] {strides = array<i32>} : memref<128x128xf32, #tpu.memory_space<vmem>>, vector<16xf32>,
        %mul3A_258 = arith.mulf %get3A_257, %gather3A_226 : vector<16xf32>
        %swap3A_259 = arith.index_cast %scan3A_221 : i32 to index
        %swap3A_260 = arith.constant 64 : index
        %swap3A_261 = tpu.vector_load %arg12[%swap3A_259, %swap3A_260] {strides = array<i32>} : memref<128x128xf32, #tpu.memory_space<vmem>>, vector<16xf32>,
        tpu.vector_store %arg12[%swap3A_259, %swap3A_260], %mul3A_258 {strides = array<i32>} : memref<128x128xf32, #tpu.memory_space<vmem>>, vector<16xf32>,
        %get3A_262 = arith.index_cast %scan3A_221 : i32 to index
        %get3A_263 = arith.constant 80 : index
        %get3A_264 = tpu.vector_load %arg12[%get3A_262, %get3A_263] {strides = array<i32>} : memref<128x128xf32, #tpu.memory_space<vmem>>, vector<16xf32>,
        %mul3A_265 = arith.mulf %get3A_264, %gather3A_226 : vector<16xf32>
        %swap3A_266 = arith.index_cast %scan3A_221 : i32 to index
        %swap3A_267 = arith.constant 80 : index
        %swap3A_268 = tpu.vector_load %arg12[%swap3A_266, %swap3A_267] {strides = array<i32>} : memref<128x128xf32, #tpu.memory_space<vmem>>, vector<16xf32>,
        tpu.vector_store %arg12[%swap3A_266, %swap3A_267], %mul3A_265 {strides = array<i32>} : memref<128x128xf32, #tpu.memory_space<vmem>>, vector<16xf32>,
        %get3A_269 = arith.index_cast %scan3A_221 : i32 to index
        %get3A_270 = arith.constant 96 : index
        %get3A_271 = tpu.vector_load %arg12[%get3A_269, %get3A_270] {strides = array<i32>} : memref<128x128xf32, #tpu.memory_space<vmem>>, vector<16xf32>,
        %mul3A_272 = arith.mulf %get3A_271, %gather3A_226 : vector<16xf32>
        %swap3A_273 = arith.index_cast %scan3A_221 : i32 to index
        %swap3A_274 = arith.constant 96 : index
        %swap3A_275 = tpu.vector_load %arg12[%swap3A_273, %swap3A_274] {strides = array<i32>} : memref<128x128xf32, #tpu.memory_space<vmem>>, vector<16xf32>,
        tpu.vector_store %arg12[%swap3A_273, %swap3A_274], %mul3A_272 {strides = array<i32>} : memref<128x128xf32, #tpu.memory_space<vmem>>, vector<16xf32>,
        %get3A_276 = arith.index_cast %scan3A_221 : i32 to index
        %get3A_277 = arith.constant 112 : index
        %get3A_278 = tpu.vector_load %arg12[%get3A_276, %get3A_277] {strides = array<i32>} : memref<128x128xf32, #tpu.memory_space<vmem>>, vector<16xf32>,
        %mul3A_279 = arith.mulf %get3A_278, %gather3A_226 : vector<16xf32>
        %swap3A_280 = arith.index_cast %scan3A_221 : i32 to index
        %swap3A_281 = arith.constant 112 : index
        %swap3A_282 = tpu.vector_load %arg12[%swap3A_280, %swap3A_281] {strides = array<i32>} : memref<128x128xf32, #tpu.memory_space<vmem>>, vector<16xf32>,
        tpu.vector_store %arg12[%swap3A_280, %swap3A_281], %mul3A_279 {strides = array<i32>} : memref<128x128xf32, #tpu.memory_space<vmem>>, vector<16xf32>,
      }
      %scan3A_154 = arith.constant 128 : i32
      "tpu.region"() ({
        %run_scoped3A_162 = tpu.sem_alloc : memref<!tpu.dma_semaphore, #tpu.memory_space<semaphore_mem>>
        %dma_start3A_163 = arith.constant 0 : i32
        %dma_start3A_164 = tpu.memref_slice %arg9[%add3A_142, %dma_start3A_163] : memref<40x128xi32, #tpu.memory_space<vmem>> -> memref<1x128xi32, #tpu.memory_space<vmem>>
        %dma_start3A_165 = tpu.memref_squeeze %dma_start3A_164 : memref<1x128xi32, #tpu.memory_space<vmem>> -> memref<128xi32, #tpu.memory_space<vmem>>
        %dma_start3A_166 = arith.constant 0 : i32
        %dma_start3A_167 = arith.constant 0 : i32
        %dma_start3A_168 = tpu.memref_slice %arg13[%dma_start3A_166, %dma_start3A_167] : memref<10000x128xf32, #tpu.memory_space<vmem_shared>> -> memref<10000x128xf32, #tpu.memory_space<vmem_shared>>
        tpu.enqueue_indirect_dma source(%arg12 : memref<128x128xf32, #tpu.memory_space<vmem>>) target(%dma_start3A_168 : memref<10000x128xf32, #tpu.memory_space<vmem_shared>>) offsets(%dma_start3A_165 : memref<128xi32, #tpu.memory_space<vmem>>) semaphore(%run_scoped3A_162 : memref<!tpu.dma_semaphore, #tpu.memory_space<semaphore_mem>>) {add = true}
        %dma_wait3A_169 = arith.constant 0 : i32
        %dma_wait3A_170 = tpu.memref_slice %arg9[%add3A_142, %dma_wait3A_169] : memref<40x128xi32, #tpu.memory_space<vmem>> -> memref<1x128xi32, #tpu.memory_space<vmem>>
        %dma_wait3A_171 = tpu.memref_squeeze %dma_wait3A_170 : memref<1x128xi32, #tpu.memory_space<vmem>> -> memref<128xi32, #tpu.memory_space<vmem>>
        %dma_wait3A_172 = arith.constant 0 : i32
        %dma_wait3A_173 = arith.constant 0 : i32
        %dma_wait3A_174 = tpu.memref_slice %arg13[%dma_wait3A_172, %dma_wait3A_173] : memref<10000x128xf32, #tpu.memory_space<vmem_shared>> -> memref<10000x128xf32, #tpu.memory_space<vmem_shared>>
        tpu.wait_indirect_dma semaphore(%run_scoped3A_162 : memref<!tpu.dma_semaphore, #tpu.memory_space<semaphore_mem>>) src(%arg12 : memref<128x128xf32, #tpu.memory_space<vmem>>) dst(%dma_wait3A_174 : memref<10000x128xf32, #tpu.memory_space<vmem_shared>>)
        tpu.yield
      }) : () -> ()
      %add3A_155 = arith.constant 2 : i32
      %add3A_156 = arith.addi %add3A_142, %add3A_155 : i32
      %lt3A_157 = arith.constant 40 : i32
      %lt3A_158 = arith.cmpi slt, %add3A_156, %lt3A_157 : i32
      %convert_element_type3A_159 = arith.extui %lt3A_158 : i1 to i32
      %cond3A_160 = arith.constant 0 : i32
      %cond3A_161 = arith.cmpi ne, %convert_element_type3A_159, %cond3A_160 : i32
      scf.if %cond3A_161 {
        %add3A_162 = arith.constant 2 : i32
        %add3A_163 = arith.addi %add3A_142, %add3A_162 : i32
        %mul3A_164 = arith.constant 128 : i32
        %mul3A_165 = arith.muli %add3A_163, %mul3A_164 : i32
        %dma_start3A_166 = tpu.memref_slice %arg8[%mul3A_165] : memref<5120xi32, #tpu.memory_space<vmem>> -> memref<128xi32, #tpu.memory_space<vmem>>
        %dma_start3A_167 = arith.constant 0 : i32
        %dma_start3A_168 = arith.constant 0 : i32
        %dma_start3A_169 = tpu.memref_slice %arg2[%dma_start3A_167, %dma_start3A_168] : memref<10000x128xf32, #tpu.memory_space<hbm>> -> memref<10000x128xf32, #tpu.memory_space<hbm>>
        tpu.enqueue_indirect_dma source(%dma_start3A_169 : memref<10000x128xf32, #tpu.memory_space<hbm>>) target(%arg12 : memref<128x128xf32, #tpu.memory_space<vmem>>) offsets(%dma_start3A_166 : memref<128xi32, #tpu.memory_space<vmem>>) semaphore(%arg15 : memref<!tpu.dma_semaphore, #tpu.memory_space<semaphore_mem>>)
      } else {
      }
    }
    %scan3A_89 = arith.constant 20 : i32
    %run_scoped3A_90 = arith.constant 1 : i32
    "tpu.region"() ({
      %run_scoped3A_116 = tpu.sem_alloc : memref<!tpu.dma_semaphore, #tpu.memory_space<semaphore_mem>>
      %dma_start3A_117 = arith.constant 0 : i32
      %dma_start3A_118 = tpu.memref_slice %arg3[%add3A, %run_scoped3A_90, %dma_start3A_117] : memref<32x2x5120xi32, #tpu.memory_space<hbm>> -> memref<1x1x5120xi32, #tpu.memory_space<hbm>>
      %dma_start3A_119 = tpu.memref_squeeze %dma_start3A_118 : memref<1x1x5120xi32, #tpu.memory_space<hbm>> -> memref<5120xi32, #tpu.memory_space<hbm>>
      %dma_start3A_120 = arith.constant 0 : i32
      %dma_start3A_121 = tpu.memref_slice %arg3[%add3A, %run_scoped3A_90, %dma_start3A_120] : memref<32x2x5120xi32, #tpu.memory_space<hbm>> -> memref<1x1x5120xi32, #tpu.memory_space<hbm>>
      %dma_start3A_122 = tpu.memref_squeeze %dma_start3A_121 : memref<1x1x5120xi32, #tpu.memory_space<hbm>> -> memref<5120xi32, #tpu.memory_space<hbm>>
      tpu.enqueue_dma source(%dma_start3A_122 : memref<5120xi32, #tpu.memory_space<hbm>>) target(%arg8 : memref<5120xi32, #tpu.memory_space<vmem>>) target_semaphore(%run_scoped3A_116 : memref<!tpu.dma_semaphore, #tpu.memory_space<semaphore_mem>>)
      %dma_wait3A_123 = arith.constant 0 : i32
      %dma_wait3A_124 = tpu.memref_slice %arg3[%add3A, %run_scoped3A_90, %dma_wait3A_123] : memref<32x2x5120xi32, #tpu.memory_space<hbm>> -> memref<1x1x5120xi32, #tpu.memory_space<hbm>>
      %dma_wait3A_125 = tpu.memref_squeeze %dma_wait3A_124 : memref<1x1x5120xi32, #tpu.memory_space<hbm>> -> memref<5120xi32, #tpu.memory_space<hbm>>
      %dma_wait3A_126 = arith.constant 0 : i32
      %dma_wait3A_127 = tpu.memref_slice %arg3[%add3A, %run_scoped3A_90, %dma_wait3A_126] : memref<32x2x5120xi32, #tpu.memory_space<hbm>> -> memref<1x1x5120xi32, #tpu.memory_space<hbm>>
      %dma_wait3A_128 = tpu.memref_squeeze %dma_wait3A_127 : memref<1x1x5120xi32, #tpu.memory_space<hbm>> -> memref<5120xi32, #tpu.memory_space<hbm>>
      tpu.wait_dma2 semaphore(%run_scoped3A_116 : memref<!tpu.dma_semaphore, #tpu.memory_space<semaphore_mem>>) src(%dma_wait3A_128 : memref<5120xi32, #tpu.memory_space<hbm>>) dst(%arg8 : memref<5120xi32, #tpu.memory_space<vmem>>)
      tpu.yield
    }) : () -> ()
    %run_scoped3A_91 = arith.constant 1 : i32
    "tpu.region"() ({
      %run_scoped3A_116 = tpu.sem_alloc : memref<!tpu.dma_semaphore, #tpu.memory_space<semaphore_mem>>
      %dma_start3A_117 = arith.constant 0 : i32
      %dma_start3A_118 = arith.constant 0 : i32
      %dma_start3A_119 = tpu.memref_slice %arg4[%add3A, %run_scoped3A_91, %dma_start3A_117, %dma_start3A_118] : memref<32x2x40x128xi32, #tpu.memory_space<hbm>> -> memref<1x1x40x128xi32, #tpu.memory_space<hbm>>
      %dma_start3A_120 = tpu.memref_squeeze %dma_start3A_119 : memref<1x1x40x128xi32, #tpu.memory_space<hbm>> -> memref<40x128xi32, #tpu.memory_space<hbm>>
      %dma_start3A_121 = arith.constant 0 : i32
      %dma_start3A_122 = arith.constant 0 : i32
      %dma_start3A_123 = tpu.memref_slice %arg4[%add3A, %run_scoped3A_91, %dma_start3A_121, %dma_start3A_122] : memref<32x2x40x128xi32, #tpu.memory_space<hbm>> -> memref<1x1x40x128xi32, #tpu.memory_space<hbm>>
      %dma_start3A_124 = tpu.memref_squeeze %dma_start3A_123 : memref<1x1x40x128xi32, #tpu.memory_space<hbm>> -> memref<40x128xi32, #tpu.memory_space<hbm>>
      tpu.enqueue_dma source(%dma_start3A_124 : memref<40x128xi32, #tpu.memory_space<hbm>>) target(%arg9 : memref<40x128xi32, #tpu.memory_space<vmem>>) target_semaphore(%run_scoped3A_116 : memref<!tpu.dma_semaphore, #tpu.memory_space<semaphore_mem>>)
      %dma_wait3A_125 = arith.constant 0 : i32
      %dma_wait3A_126 = arith.constant 0 : i32
      %dma_wait3A_127 = tpu.memref_slice %arg4[%add3A, %run_scoped3A_91, %dma_wait3A_125, %dma_wait3A_126] : memref<32x2x40x128xi32, #tpu.memory_space<hbm>> -> memref<1x1x40x128xi32, #tpu.memory_space<hbm>>
      %dma_wait3A_128 = tpu.memref_squeeze %dma_wait3A_127 : memref<1x1x40x128xi32, #tpu.memory_space<hbm>> -> memref<40x128xi32, #tpu.memory_space<hbm>>
      %dma_wait3A_129 = arith.constant 0 : i32
      %dma_wait3A_130 = arith.constant 0 : i32
      %dma_wait3A_131 = tpu.memref_slice %arg4[%add3A, %run_scoped3A_91, %dma_wait3A_129, %dma_wait3A_130] : memref<32x2x40x128xi32, #tpu.memory_space<hbm>> -> memref<1x1x40x128xi32, #tpu.memory_space<hbm>>
      %dma_wait3A_132 = tpu.memref_squeeze %dma_wait3A_131 : memref<1x1x40x128xi32, #tpu.memory_space<hbm>> -> memref<40x128xi32, #tpu.memory_space<hbm>>
      tpu.wait_dma2 semaphore(%run_scoped3A_116 : memref<!tpu.dma_semaphore, #tpu.memory_space<semaphore_mem>>) src(%dma_wait3A_132 : memref<40x128xi32, #tpu.memory_space<hbm>>) dst(%arg9 : memref<40x128xi32, #tpu.memory_space<vmem>>)
      tpu.yield
    }) : () -> ()
    %run_scoped3A_92 = arith.constant 1 : i32
    "tpu.region"() ({
      %run_scoped3A_116 = tpu.sem_alloc : memref<!tpu.dma_semaphore, #tpu.memory_space<semaphore_mem>>
      %dma_start3A_117 = arith.constant 0 : i32
      %dma_start3A_118 = tpu.memref_slice %arg5[%add3A, %run_scoped3A_92, %dma_start3A_117] : memref<32x2x5120xf32, #tpu.memory_space<hbm>> -> memref<1x1x5120xf32, #tpu.memory_space<hbm>>
      %dma_start3A_119 = tpu.memref_squeeze %dma_start3A_118 : memref<1x1x5120xf32, #tpu.memory_space<hbm>> -> memref<5120xf32, #tpu.memory_space<hbm>>
      %dma_start3A_120 = arith.constant 0 : i32
      %dma_start3A_121 = tpu.memref_slice %arg5[%add3A, %run_scoped3A_92, %dma_start3A_120] : memref<32x2x5120xf32, #tpu.memory_space<hbm>> -> memref<1x1x5120xf32, #tpu.memory_space<hbm>>
      %dma_start3A_122 = tpu.memref_squeeze %dma_start3A_121 : memref<1x1x5120xf32, #tpu.memory_space<hbm>> -> memref<5120xf32, #tpu.memory_space<hbm>>
      tpu.enqueue_dma source(%dma_start3A_122 : memref<5120xf32, #tpu.memory_space<hbm>>) target(%arg10 : memref<5120xf32, #tpu.memory_space<vmem>>) target_semaphore(%run_scoped3A_116 : memref<!tpu.dma_semaphore, #tpu.memory_space<semaphore_mem>>)
      %dma_wait3A_123 = arith.constant 0 : i32
      %dma_wait3A_124 = tpu.memref_slice %arg5[%add3A, %run_scoped3A_92, %dma_wait3A_123] : memref<32x2x5120xf32, #tpu.memory_space<hbm>> -> memref<1x1x5120xf32, #tpu.memory_space<hbm>>
      %dma_wait3A_125 = tpu.memref_squeeze %dma_wait3A_124 : memref<1x1x5120xf32, #tpu.memory_space<hbm>> -> memref<5120xf32, #tpu.memory_space<hbm>>
      %dma_wait3A_126 = arith.constant 0 : i32
      %dma_wait3A_127 = tpu.memref_slice %arg5[%add3A, %run_scoped3A_92, %dma_wait3A_126] : memref<32x2x5120xf32, #tpu.memory_space<hbm>> -> memref<1x1x5120xf32, #tpu.memory_space<hbm>>
      %dma_wait3A_128 = tpu.memref_squeeze %dma_wait3A_127 : memref<1x1x5120xf32, #tpu.memory_space<hbm>> -> memref<5120xf32, #tpu.memory_space<hbm>>
      tpu.wait_dma2 semaphore(%run_scoped3A_116 : memref<!tpu.dma_semaphore, #tpu.memory_space<semaphore_mem>>) src(%dma_wait3A_128 : memref<5120xf32, #tpu.memory_space<hbm>>) dst(%arg10 : memref<5120xf32, #tpu.memory_space<vmem>>)
      tpu.yield
    }) : () -> ()
    %dma_start3A_93 = arith.constant 0 : i32
    %dma_start3A_94 = tpu.memref_slice %arg8[%dma_start3A_93] : memref<5120xi32, #tpu.memory_space<vmem>> -> memref<128xi32, #tpu.memory_space<vmem>>
    %dma_start3A_95 = arith.constant 0 : i32
    %dma_start3A_96 = arith.constant 0 : i32
    %dma_start3A_97 = tpu.memref_slice %arg2[%dma_start3A_95, %dma_start3A_96] : memref<10000x128xf32, #tpu.memory_space<hbm>> -> memref<10000x128xf32, #tpu.memory_space<hbm>>
    tpu.enqueue_indirect_dma source(%dma_start3A_97 : memref<10000x128xf32, #tpu.memory_space<hbm>>) target(%arg11 : memref<128x128xf32, #tpu.memory_space<vmem>>) offsets(%dma_start3A_94 : memref<128xi32, #tpu.memory_space<vmem>>) semaphore(%arg14 : memref<!tpu.dma_semaphore, #tpu.memory_space<semaphore_mem>>)
    %dma_start3A_98 = arith.constant 128 : i32
    %dma_start3A_99 = tpu.memref_slice %arg8[%dma_start3A_98] : memref<5120xi32, #tpu.memory_space<vmem>> -> memref<128xi32, #tpu.memory_space<vmem>>
    %dma_start3A_100 = arith.constant 0 : i32
    %dma_start3A_101 = arith.constant 0 : i32
    %dma_start3A_102 = tpu.memref_slice %arg2[%dma_start3A_100, %dma_start3A_101] : memref<10000x128xf32, #tpu.memory_space<hbm>> -> memref<10000x128xf32, #tpu.memory_space<hbm>>
    tpu.enqueue_indirect_dma source(%dma_start3A_102 : memref<10000x128xf32, #tpu.memory_space<hbm>>) target(%arg12 : memref<128x128xf32, #tpu.memory_space<vmem>>) offsets(%dma_start3A_99 : memref<128xi32, #tpu.memory_space<vmem>>) semaphore(%arg15 : memref<!tpu.dma_semaphore, #tpu.memory_space<semaphore_mem>>)
    %scan3A_103 = arith.constant 0 : i32
    %scan3A_104 = arith.constant 0 : i32
    %scan3A_105 = arith.constant 20 : i32
    %scan3A_106 = arith.addi %scan3A_104, %scan3A_105 : i32
    %scan3A_107 = arith.constant 1 : i32
    scf.for %scan3A_116 = %scan3A_104 to %scan3A_106 step %scan3A_107  : i32 {
      %mul3A_117 = arith.constant 2 : i32
      %mul3A_118 = arith.muli %mul3A_117, %scan3A_116 : i32
      %add3A_119 = arith.constant 0 : i32
      %add3A_120 = arith.addi %mul3A_118, %add3A_119 : i32
      %dma_wait3A_121 = arith.constant 0 : i32
      %dma_wait3A_122 = arith.constant 0 : i32
      %dma_wait3A_123 = tpu.memref_slice %arg2[%dma_wait3A_121, %dma_wait3A_122] : memref<10000x128xf32, #tpu.memory_space<hbm>> -> memref<128x128xf32, #tpu.memory_space<hbm>>
      %dma_wait3A_124 = arith.constant 0 : i32
      %dma_wait3A_125 = arith.constant 0 : i32
      %dma_wait3A_126 = tpu.memref_slice %arg2[%dma_wait3A_124, %dma_wait3A_125] : memref<10000x128xf32, #tpu.memory_space<hbm>> -> memref<128x128xf32, #tpu.memory_space<hbm>>
      tpu.wait_dma2 semaphore(%arg14 : memref<!tpu.dma_semaphore, #tpu.memory_space<semaphore_mem>>) src(%dma_wait3A_126 : memref<128x128xf32, #tpu.memory_space<hbm>>) dst(%arg11 : memref<128x128xf32, #tpu.memory_space<vmem>>)
      %scan3A_127 = arith.constant 0 : i32
      %scan3A_128 = arith.constant 0 : i32
      %scan3A_129 = arith.constant 128 : i32
      %scan3A_130 = arith.addi %scan3A_128, %scan3A_129 : i32
      %scan3A_131 = arith.constant 2 : i32
      scf.for %scan3A_162 = %scan3A_128 to %scan3A_130 step %scan3A_131  : i32 {
        %mul3A_163 = arith.constant 128 : i32
        %mul3A_164 = arith.muli %add3A_120, %mul3A_163 : i32
        %add3A_165 = arith.addi %mul3A_164, %scan3A_162 : i32
        %broadcast_in_dim3A = vector.broadcast %add3A_165 : i32 to vector<16xi32>
        %gather3A = tpu.vector_load_idx %arg10[%broadcast_in_dim3A] : memref<5120xf32, #tpu.memory_space<vmem>>[vector<16xi32>], vector<16xf32>,
        %get3A = arith.index_cast %scan3A_162 : i32 to index
        %get3A_166 = arith.constant 0 : index
        %get3A_167 = tpu.vector_load %arg11[%get3A, %get3A_166] {strides = array<i32>} : memref<128x128xf32, #tpu.memory_space<vmem>>, vector<16xf32>,
        %mul3A_168 = arith.mulf %get3A_167, %gather3A : vector<16xf32>
        %swap3A = arith.index_cast %scan3A_162 : i32 to index
        %swap3A_169 = arith.constant 0 : index
        %swap3A_170 = tpu.vector_load %arg11[%swap3A, %swap3A_169] {strides = array<i32>} : memref<128x128xf32, #tpu.memory_space<vmem>>, vector<16xf32>,
        tpu.vector_store %arg11[%swap3A, %swap3A_169], %mul3A_168 {strides = array<i32>} : memref<128x128xf32, #tpu.memory_space<vmem>>, vector<16xf32>,
        %get3A_171 = arith.index_cast %scan3A_162 : i32 to index
        %get3A_172 = arith.constant 16 : index
        %get3A_173 = tpu.vector_load %arg11[%get3A_171, %get3A_172] {strides = array<i32>} : memref<128x128xf32, #tpu.memory_space<vmem>>, vector<16xf32>,
        %mul3A_174 = arith.mulf %get3A_173, %gather3A : vector<16xf32>
        %swap3A_175 = arith.index_cast %scan3A_162 : i32 to index
        %swap3A_176 = arith.constant 16 : index
        %swap3A_177 = tpu.vector_load %arg11[%swap3A_175, %swap3A_176] {strides = array<i32>} : memref<128x128xf32, #tpu.memory_space<vmem>>, vector<16xf32>,
        tpu.vector_store %arg11[%swap3A_175, %swap3A_176], %mul3A_174 {strides = array<i32>} : memref<128x128xf32, #tpu.memory_space<vmem>>, vector<16xf32>,
        %get3A_178 = arith.index_cast %scan3A_162 : i32 to index
        %get3A_179 = arith.constant 32 : index
        %get3A_180 = tpu.vector_load %arg11[%get3A_178, %get3A_179] {strides = array<i32>} : memref<128x128xf32, #tpu.memory_space<vmem>>, vector<16xf32>,
        %mul3A_181 = arith.mulf %get3A_180, %gather3A : vector<16xf32>
        %swap3A_182 = arith.index_cast %scan3A_162 : i32 to index
        %swap3A_183 = arith.constant 32 : index
        %swap3A_184 = tpu.vector_load %arg11[%swap3A_182, %swap3A_183] {strides = array<i32>} : memref<128x128xf32, #tpu.memory_space<vmem>>, vector<16xf32>,
        tpu.vector_store %arg11[%swap3A_182, %swap3A_183], %mul3A_181 {strides = array<i32>} : memref<128x128xf32, #tpu.memory_space<vmem>>, vector<16xf32>,
        %get3A_185 = arith.index_cast %scan3A_162 : i32 to index
        %get3A_186 = arith.constant 48 : index
        %get3A_187 = tpu.vector_load %arg11[%get3A_185, %get3A_186] {strides = array<i32>} : memref<128x128xf32, #tpu.memory_space<vmem>>, vector<16xf32>,
        %mul3A_188 = arith.mulf %get3A_187, %gather3A : vector<16xf32>
        %swap3A_189 = arith.index_cast %scan3A_162 : i32 to index
        %swap3A_190 = arith.constant 48 : index
        %swap3A_191 = tpu.vector_load %arg11[%swap3A_189, %swap3A_190] {strides = array<i32>} : memref<128x128xf32, #tpu.memory_space<vmem>>, vector<16xf32>,
        tpu.vector_store %arg11[%swap3A_189, %swap3A_190], %mul3A_188 {strides = array<i32>} : memref<128x128xf32, #tpu.memory_space<vmem>>, vector<16xf32>,
        %get3A_192 = arith.index_cast %scan3A_162 : i32 to index
        %get3A_193 = arith.constant 64 : index
        %get3A_194 = tpu.vector_load %arg11[%get3A_192, %get3A_193] {strides = array<i32>} : memref<128x128xf32, #tpu.memory_space<vmem>>, vector<16xf32>,
        %mul3A_195 = arith.mulf %get3A_194, %gather3A : vector<16xf32>
        %swap3A_196 = arith.index_cast %scan3A_162 : i32 to index
        %swap3A_197 = arith.constant 64 : index
        %swap3A_198 = tpu.vector_load %arg11[%swap3A_196, %swap3A_197] {strides = array<i32>} : memref<128x128xf32, #tpu.memory_space<vmem>>, vector<16xf32>,
        tpu.vector_store %arg11[%swap3A_196, %swap3A_197], %mul3A_195 {strides = array<i32>} : memref<128x128xf32, #tpu.memory_space<vmem>>, vector<16xf32>,
        %get3A_199 = arith.index_cast %scan3A_162 : i32 to index
        %get3A_200 = arith.constant 80 : index
        %get3A_201 = tpu.vector_load %arg11[%get3A_199, %get3A_200] {strides = array<i32>} : memref<128x128xf32, #tpu.memory_space<vmem>>, vector<16xf32>,
        %mul3A_202 = arith.mulf %get3A_201, %gather3A : vector<16xf32>
        %swap3A_203 = arith.index_cast %scan3A_162 : i32 to index
        %swap3A_204 = arith.constant 80 : index
        %swap3A_205 = tpu.vector_load %arg11[%swap3A_203, %swap3A_204] {strides = array<i32>} : memref<128x128xf32, #tpu.memory_space<vmem>>, vector<16xf32>,
        tpu.vector_store %arg11[%swap3A_203, %swap3A_204], %mul3A_202 {strides = array<i32>} : memref<128x128xf32, #tpu.memory_space<vmem>>, vector<16xf32>,
        %get3A_206 = arith.index_cast %scan3A_162 : i32 to index
        %get3A_207 = arith.constant 96 : index
        %get3A_208 = tpu.vector_load %arg11[%get3A_206, %get3A_207] {strides = array<i32>} : memref<128x128xf32, #tpu.memory_space<vmem>>, vector<16xf32>,
        %mul3A_209 = arith.mulf %get3A_208, %gather3A : vector<16xf32>
        %swap3A_210 = arith.index_cast %scan3A_162 : i32 to index
        %swap3A_211 = arith.constant 96 : index
        %swap3A_212 = tpu.vector_load %arg11[%swap3A_210, %swap3A_211] {strides = array<i32>} : memref<128x128xf32, #tpu.memory_space<vmem>>, vector<16xf32>,
        tpu.vector_store %arg11[%swap3A_210, %swap3A_211], %mul3A_209 {strides = array<i32>} : memref<128x128xf32, #tpu.memory_space<vmem>>, vector<16xf32>,
        %get3A_213 = arith.index_cast %scan3A_162 : i32 to index
        %get3A_214 = arith.constant 112 : index
        %get3A_215 = tpu.vector_load %arg11[%get3A_213, %get3A_214] {strides = array<i32>} : memref<128x128xf32, #tpu.memory_space<vmem>>, vector<16xf32>,
        %mul3A_216 = arith.mulf %get3A_215, %gather3A : vector<16xf32>
        %swap3A_217 = arith.index_cast %scan3A_162 : i32 to index
        %swap3A_218 = arith.constant 112 : index
        %swap3A_219 = tpu.vector_load %arg11[%swap3A_217, %swap3A_218] {strides = array<i32>} : memref<128x128xf32, #tpu.memory_space<vmem>>, vector<16xf32>,
        tpu.vector_store %arg11[%swap3A_217, %swap3A_218], %mul3A_216 {strides = array<i32>} : memref<128x128xf32, #tpu.memory_space<vmem>>, vector<16xf32>,
        %scan3A_220 = arith.constant 1 : i32
        %scan3A_221 = arith.addi %scan3A_162, %scan3A_220 : i32
        %mul3A_222 = arith.constant 128 : i32
        %mul3A_223 = arith.muli %add3A_120, %mul3A_222 : i32
        %add3A_224 = arith.addi %mul3A_223, %scan3A_221 : i32
        %broadcast_in_dim3A_225 = vector.broadcast %add3A_224 : i32 to vector<16xi32>
        %gather3A_226 = tpu.vector_load_idx %arg10[%broadcast_in_dim3A_225] : memref<5120xf32, #tpu.memory_space<vmem>>[vector<16xi32>], vector<16xf32>,
        %get3A_227 = arith.index_cast %scan3A_221 : i32 to index
        %get3A_228 = arith.constant 0 : index
        %get3A_229 = tpu.vector_load %arg11[%get3A_227, %get3A_228] {strides = array<i32>} : memref<128x128xf32, #tpu.memory_space<vmem>>, vector<16xf32>,
        %mul3A_230 = arith.mulf %get3A_229, %gather3A_226 : vector<16xf32>
        %swap3A_231 = arith.index_cast %scan3A_221 : i32 to index
        %swap3A_232 = arith.constant 0 : index
        %swap3A_233 = tpu.vector_load %arg11[%swap3A_231, %swap3A_232] {strides = array<i32>} : memref<128x128xf32, #tpu.memory_space<vmem>>, vector<16xf32>,
        tpu.vector_store %arg11[%swap3A_231, %swap3A_232], %mul3A_230 {strides = array<i32>} : memref<128x128xf32, #tpu.memory_space<vmem>>, vector<16xf32>,
        %get3A_234 = arith.index_cast %scan3A_221 : i32 to index
        %get3A_235 = arith.constant 16 : index
        %get3A_236 = tpu.vector_load %arg11[%get3A_234, %get3A_235] {strides = array<i32>} : memref<128x128xf32, #tpu.memory_space<vmem>>, vector<16xf32>,
        %mul3A_237 = arith.mulf %get3A_236, %gather3A_226 : vector<16xf32>
        %swap3A_238 = arith.index_cast %scan3A_221 : i32 to index
        %swap3A_239 = arith.constant 16 : index
        %swap3A_240 = tpu.vector_load %arg11[%swap3A_238, %swap3A_239] {strides = array<i32>} : memref<128x128xf32, #tpu.memory_space<vmem>>, vector<16xf32>,
        tpu.vector_store %arg11[%swap3A_238, %swap3A_239], %mul3A_237 {strides = array<i32>} : memref<128x128xf32, #tpu.memory_space<vmem>>, vector<16xf32>,
        %get3A_241 = arith.index_cast %scan3A_221 : i32 to index
        %get3A_242 = arith.constant 32 : index
        %get3A_243 = tpu.vector_load %arg11[%get3A_241, %get3A_242] {strides = array<i32>} : memref<128x128xf32, #tpu.memory_space<vmem>>, vector<16xf32>,
        %mul3A_244 = arith.mulf %get3A_243, %gather3A_226 : vector<16xf32>
        %swap3A_245 = arith.index_cast %scan3A_221 : i32 to index
        %swap3A_246 = arith.constant 32 : index
        %swap3A_247 = tpu.vector_load %arg11[%swap3A_245, %swap3A_246] {strides = array<i32>} : memref<128x128xf32, #tpu.memory_space<vmem>>, vector<16xf32>,
        tpu.vector_store %arg11[%swap3A_245, %swap3A_246], %mul3A_244 {strides = array<i32>} : memref<128x128xf32, #tpu.memory_space<vmem>>, vector<16xf32>,
        %get3A_248 = arith.index_cast %scan3A_221 : i32 to index
        %get3A_249 = arith.constant 48 : index
        %get3A_250 = tpu.vector_load %arg11[%get3A_248, %get3A_249] {strides = array<i32>} : memref<128x128xf32, #tpu.memory_space<vmem>>, vector<16xf32>,
        %mul3A_251 = arith.mulf %get3A_250, %gather3A_226 : vector<16xf32>
        %swap3A_252 = arith.index_cast %scan3A_221 : i32 to index
        %swap3A_253 = arith.constant 48 : index
        %swap3A_254 = tpu.vector_load %arg11[%swap3A_252, %swap3A_253] {strides = array<i32>} : memref<128x128xf32, #tpu.memory_space<vmem>>, vector<16xf32>,
        tpu.vector_store %arg11[%swap3A_252, %swap3A_253], %mul3A_251 {strides = array<i32>} : memref<128x128xf32, #tpu.memory_space<vmem>>, vector<16xf32>,
        %get3A_255 = arith.index_cast %scan3A_221 : i32 to index
        %get3A_256 = arith.constant 64 : index
        %get3A_257 = tpu.vector_load %arg11[%get3A_255, %get3A_256] {strides = array<i32>} : memref<128x128xf32, #tpu.memory_space<vmem>>, vector<16xf32>,
        %mul3A_258 = arith.mulf %get3A_257, %gather3A_226 : vector<16xf32>
        %swap3A_259 = arith.index_cast %scan3A_221 : i32 to index
        %swap3A_260 = arith.constant 64 : index
        %swap3A_261 = tpu.vector_load %arg11[%swap3A_259, %swap3A_260] {strides = array<i32>} : memref<128x128xf32, #tpu.memory_space<vmem>>, vector<16xf32>,
        tpu.vector_store %arg11[%swap3A_259, %swap3A_260], %mul3A_258 {strides = array<i32>} : memref<128x128xf32, #tpu.memory_space<vmem>>, vector<16xf32>,
        %get3A_262 = arith.index_cast %scan3A_221 : i32 to index
        %get3A_263 = arith.constant 80 : index
        %get3A_264 = tpu.vector_load %arg11[%get3A_262, %get3A_263] {strides = array<i32>} : memref<128x128xf32, #tpu.memory_space<vmem>>, vector<16xf32>,
        %mul3A_265 = arith.mulf %get3A_264, %gather3A_226 : vector<16xf32>
        %swap3A_266 = arith.index_cast %scan3A_221 : i32 to index
        %swap3A_267 = arith.constant 80 : index
        %swap3A_268 = tpu.vector_load %arg11[%swap3A_266, %swap3A_267] {strides = array<i32>} : memref<128x128xf32, #tpu.memory_space<vmem>>, vector<16xf32>,
        tpu.vector_store %arg11[%swap3A_266, %swap3A_267], %mul3A_265 {strides = array<i32>} : memref<128x128xf32, #tpu.memory_space<vmem>>, vector<16xf32>,
        %get3A_269 = arith.index_cast %scan3A_221 : i32 to index
        %get3A_270 = arith.constant 96 : index
        %get3A_271 = tpu.vector_load %arg11[%get3A_269, %get3A_270] {strides = array<i32>} : memref<128x128xf32, #tpu.memory_space<vmem>>, vector<16xf32>,
        %mul3A_272 = arith.mulf %get3A_271, %gather3A_226 : vector<16xf32>
        %swap3A_273 = arith.index_cast %scan3A_221 : i32 to index
        %swap3A_274 = arith.constant 96 : index
        %swap3A_275 = tpu.vector_load %arg11[%swap3A_273, %swap3A_274] {strides = array<i32>} : memref<128x128xf32, #tpu.memory_space<vmem>>, vector<16xf32>,
        tpu.vector_store %arg11[%swap3A_273, %swap3A_274], %mul3A_272 {strides = array<i32>} : memref<128x128xf32, #tpu.memory_space<vmem>>, vector<16xf32>,
        %get3A_276 = arith.index_cast %scan3A_221 : i32 to index
        %get3A_277 = arith.constant 112 : index
        %get3A_278 = tpu.vector_load %arg11[%get3A_276, %get3A_277] {strides = array<i32>} : memref<128x128xf32, #tpu.memory_space<vmem>>, vector<16xf32>,
        %mul3A_279 = arith.mulf %get3A_278, %gather3A_226 : vector<16xf32>
        %swap3A_280 = arith.index_cast %scan3A_221 : i32 to index
        %swap3A_281 = arith.constant 112 : index
        %swap3A_282 = tpu.vector_load %arg11[%swap3A_280, %swap3A_281] {strides = array<i32>} : memref<128x128xf32, #tpu.memory_space<vmem>>, vector<16xf32>,
        tpu.vector_store %arg11[%swap3A_280, %swap3A_281], %mul3A_279 {strides = array<i32>} : memref<128x128xf32, #tpu.memory_space<vmem>>, vector<16xf32>,
      }
      %scan3A_132 = arith.constant 128 : i32
      "tpu.region"() ({
        %run_scoped3A_162 = tpu.sem_alloc : memref<!tpu.dma_semaphore, #tpu.memory_space<semaphore_mem>>
        %dma_start3A_163 = arith.constant 0 : i32
        %dma_start3A_164 = tpu.memref_slice %arg9[%add3A_120, %dma_start3A_163] : memref<40x128xi32, #tpu.memory_space<vmem>> -> memref<1x128xi32, #tpu.memory_space<vmem>>
        %dma_start3A_165 = tpu.memref_squeeze %dma_start3A_164 : memref<1x128xi32, #tpu.memory_space<vmem>> -> memref<128xi32, #tpu.memory_space<vmem>>
        %dma_start3A_166 = arith.constant 0 : i32
        %dma_start3A_167 = arith.constant 0 : i32
        %dma_start3A_168 = tpu.memref_slice %arg13[%dma_start3A_166, %dma_start3A_167] : memref<10000x128xf32, #tpu.memory_space<vmem_shared>> -> memref<10000x128xf32, #tpu.memory_space<vmem_shared>>
        tpu.enqueue_indirect_dma source(%arg11 : memref<128x128xf32, #tpu.memory_space<vmem>>) target(%dma_start3A_168 : memref<10000x128xf32, #tpu.memory_space<vmem_shared>>) offsets(%dma_start3A_165 : memref<128xi32, #tpu.memory_space<vmem>>) semaphore(%run_scoped3A_162 : memref<!tpu.dma_semaphore, #tpu.memory_space<semaphore_mem>>) {add = true}
        %dma_wait3A_169 = arith.constant 0 : i32
        %dma_wait3A_170 = tpu.memref_slice %arg9[%add3A_120, %dma_wait3A_169] : memref<40x128xi32, #tpu.memory_space<vmem>> -> memref<1x128xi32, #tpu.memory_space<vmem>>
        %dma_wait3A_171 = tpu.memref_squeeze %dma_wait3A_170 : memref<1x128xi32, #tpu.memory_space<vmem>> -> memref<128xi32, #tpu.memory_space<vmem>>
        %dma_wait3A_172 = arith.constant 0 : i32
        %dma_wait3A_173 = arith.constant 0 : i32
        %dma_wait3A_174 = tpu.memref_slice %arg13[%dma_wait3A_172, %dma_wait3A_173] : memref<10000x128xf32, #tpu.memory_space<vmem_shared>> -> memref<10000x128xf32, #tpu.memory_space<vmem_shared>>
        tpu.wait_indirect_dma semaphore(%run_scoped3A_162 : memref<!tpu.dma_semaphore, #tpu.memory_space<semaphore_mem>>) src(%arg11 : memref<128x128xf32, #tpu.memory_space<vmem>>) dst(%dma_wait3A_174 : memref<10000x128xf32, #tpu.memory_space<vmem_shared>>)
        tpu.yield
      }) : () -> ()
      %add3A_133 = arith.constant 2 : i32
      %add3A_134 = arith.addi %add3A_120, %add3A_133 : i32
      %lt3A = arith.constant 40 : i32
      %lt3A_135 = arith.cmpi slt, %add3A_134, %lt3A : i32
      %convert_element_type3A_136 = arith.extui %lt3A_135 : i1 to i32
      %cond3A_137 = arith.constant 0 : i32
      %cond3A_138 = arith.cmpi ne, %convert_element_type3A_136, %cond3A_137 : i32
      scf.if %cond3A_138 {
        %add3A_162 = arith.constant 2 : i32
        %add3A_163 = arith.addi %add3A_120, %add3A_162 : i32
        %mul3A_164 = arith.constant 128 : i32
        %mul3A_165 = arith.muli %add3A_163, %mul3A_164 : i32
        %dma_start3A_166 = tpu.memref_slice %arg8[%mul3A_165] : memref<5120xi32, #tpu.memory_space<vmem>> -> memref<128xi32, #tpu.memory_space<vmem>>
        %dma_start3A_167 = arith.constant 0 : i32
        %dma_start3A_168 = arith.constant 0 : i32
        %dma_start3A_169 = tpu.memref_slice %arg2[%dma_start3A_167, %dma_start3A_168] : memref<10000x128xf32, #tpu.memory_space<hbm>> -> memref<10000x128xf32, #tpu.memory_space<hbm>>
        tpu.enqueue_indirect_dma source(%dma_start3A_169 : memref<10000x128xf32, #tpu.memory_space<hbm>>) target(%arg11 : memref<128x128xf32, #tpu.memory_space<vmem>>) offsets(%dma_start3A_166 : memref<128xi32, #tpu.memory_space<vmem>>) semaphore(%arg14 : memref<!tpu.dma_semaphore, #tpu.memory_space<semaphore_mem>>)
      } else {
      }
      %mul3A_139 = arith.constant 2 : i32
      %mul3A_140 = arith.muli %mul3A_139, %scan3A_116 : i32
      %add3A_141 = arith.constant 1 : i32
      %add3A_142 = arith.addi %mul3A_140, %add3A_141 : i32
      %dma_wait3A_143 = arith.constant 0 : i32
      %dma_wait3A_144 = arith.constant 0 : i32
      %dma_wait3A_145 = tpu.memref_slice %arg2[%dma_wait3A_143, %dma_wait3A_144] : memref<10000x128xf32, #tpu.memory_space<hbm>> -> memref<128x128xf32, #tpu.memory_space<hbm>>
      %dma_wait3A_146 = arith.constant 0 : i32
      %dma_wait3A_147 = arith.constant 0 : i32
      %dma_wait3A_148 = tpu.memref_slice %arg2[%dma_wait3A_146, %dma_wait3A_147] : memref<10000x128xf32, #tpu.memory_space<hbm>> -> memref<128x128xf32, #tpu.memory_space<hbm>>
      tpu.wait_dma2 semaphore(%arg15 : memref<!tpu.dma_semaphore, #tpu.memory_space<semaphore_mem>>) src(%dma_wait3A_148 : memref<128x128xf32, #tpu.memory_space<hbm>>) dst(%arg12 : memref<128x128xf32, #tpu.memory_space<vmem>>)
      %scan3A_149 = arith.constant 0 : i32
      %scan3A_150 = arith.constant 0 : i32
      %scan3A_151 = arith.constant 128 : i32
      %scan3A_152 = arith.addi %scan3A_150, %scan3A_151 : i32
      %scan3A_153 = arith.constant 2 : i32
      scf.for %scan3A_162 = %scan3A_150 to %scan3A_152 step %scan3A_153  : i32 {
        %mul3A_163 = arith.constant 128 : i32
        %mul3A_164 = arith.muli %add3A_142, %mul3A_163 : i32
        %add3A_165 = arith.addi %mul3A_164, %scan3A_162 : i32
        %broadcast_in_dim3A = vector.broadcast %add3A_165 : i32 to vector<16xi32>
        %gather3A = tpu.vector_load_idx %arg10[%broadcast_in_dim3A] : memref<5120xf32, #tpu.memory_space<vmem>>[vector<16xi32>], vector<16xf32>,
        %get3A = arith.index_cast %scan3A_162 : i32 to index
        %get3A_166 = arith.constant 0 : index
        %get3A_167 = tpu.vector_load %arg12[%get3A, %get3A_166] {strides = array<i32>} : memref<128x128xf32, #tpu.memory_space<vmem>>, vector<16xf32>,
        %mul3A_168 = arith.mulf %get3A_167, %gather3A : vector<16xf32>
        %swap3A = arith.index_cast %scan3A_162 : i32 to index
        %swap3A_169 = arith.constant 0 : index
        %swap3A_170 = tpu.vector_load %arg12[%swap3A, %swap3A_169] {strides = array<i32>} : memref<128x128xf32, #tpu.memory_space<vmem>>, vector<16xf32>,
        tpu.vector_store %arg12[%swap3A, %swap3A_169], %mul3A_168 {strides = array<i32>} : memref<128x128xf32, #tpu.memory_space<vmem>>, vector<16xf32>,
        %get3A_171 = arith.index_cast %scan3A_162 : i32 to index
        %get3A_172 = arith.constant 16 : index
        %get3A_173 = tpu.vector_load %arg12[%get3A_171, %get3A_172] {strides = array<i32>} : memref<128x128xf32, #tpu.memory_space<vmem>>, vector<16xf32>,
        %mul3A_174 = arith.mulf %get3A_173, %gather3A : vector<16xf32>
        %swap3A_175 = arith.index_cast %scan3A_162 : i32 to index
        %swap3A_176 = arith.constant 16 : index
        %swap3A_177 = tpu.vector_load %arg12[%swap3A_175, %swap3A_176] {strides = array<i32>} : memref<128x128xf32, #tpu.memory_space<vmem>>, vector<16xf32>,
        tpu.vector_store %arg12[%swap3A_175, %swap3A_176], %mul3A_174 {strides = array<i32>} : memref<128x128xf32, #tpu.memory_space<vmem>>, vector<16xf32>,
        %get3A_178 = arith.index_cast %scan3A_162 : i32 to index
        %get3A_179 = arith.constant 32 : index
        %get3A_180 = tpu.vector_load %arg12[%get3A_178, %get3A_179] {strides = array<i32>} : memref<128x128xf32, #tpu.memory_space<vmem>>, vector<16xf32>,
        %mul3A_181 = arith.mulf %get3A_180, %gather3A : vector<16xf32>
        %swap3A_182 = arith.index_cast %scan3A_162 : i32 to index
        %swap3A_183 = arith.constant 32 : index
        %swap3A_184 = tpu.vector_load %arg12[%swap3A_182, %swap3A_183] {strides = array<i32>} : memref<128x128xf32, #tpu.memory_space<vmem>>, vector<16xf32>,
        tpu.vector_store %arg12[%swap3A_182, %swap3A_183], %mul3A_181 {strides = array<i32>} : memref<128x128xf32, #tpu.memory_space<vmem>>, vector<16xf32>,
        %get3A_185 = arith.index_cast %scan3A_162 : i32 to index
        %get3A_186 = arith.constant 48 : index
        %get3A_187 = tpu.vector_load %arg12[%get3A_185, %get3A_186] {strides = array<i32>} : memref<128x128xf32, #tpu.memory_space<vmem>>, vector<16xf32>,
        %mul3A_188 = arith.mulf %get3A_187, %gather3A : vector<16xf32>
        %swap3A_189 = arith.index_cast %scan3A_162 : i32 to index
        %swap3A_190 = arith.constant 48 : index
        %swap3A_191 = tpu.vector_load %arg12[%swap3A_189, %swap3A_190] {strides = array<i32>} : memref<128x128xf32, #tpu.memory_space<vmem>>, vector<16xf32>,
        tpu.vector_store %arg12[%swap3A_189, %swap3A_190], %mul3A_188 {strides = array<i32>} : memref<128x128xf32, #tpu.memory_space<vmem>>, vector<16xf32>,
        %get3A_192 = arith.index_cast %scan3A_162 : i32 to index
        %get3A_193 = arith.constant 64 : index
        %get3A_194 = tpu.vector_load %arg12[%get3A_192, %get3A_193] {strides = array<i32>} : memref<128x128xf32, #tpu.memory_space<vmem>>, vector<16xf32>,
        %mul3A_195 = arith.mulf %get3A_194, %gather3A : vector<16xf32>
        %swap3A_196 = arith.index_cast %scan3A_162 : i32 to index
        %swap3A_197 = arith.constant 64 : index
        %swap3A_198 = tpu.vector_load %arg12[%swap3A_196, %swap3A_197] {strides = array<i32>} : memref<128x128xf32, #tpu.memory_space<vmem>>, vector<16xf32>,
        tpu.vector_store %arg12[%swap3A_196, %swap3A_197], %mul3A_195 {strides = array<i32>} : memref<128x128xf32, #tpu.memory_space<vmem>>, vector<16xf32>,
        %get3A_199 = arith.index_cast %scan3A_162 : i32 to index
        %get3A_200 = arith.constant 80 : index
        %get3A_201 = tpu.vector_load %arg12[%get3A_199, %get3A_200] {strides = array<i32>} : memref<128x128xf32, #tpu.memory_space<vmem>>, vector<16xf32>,
        %mul3A_202 = arith.mulf %get3A_201, %gather3A : vector<16xf32>
        %swap3A_203 = arith.index_cast %scan3A_162 : i32 to index
        %swap3A_204 = arith.constant 80 : index
        %swap3A_205 = tpu.vector_load %arg12[%swap3A_203, %swap3A_204] {strides = array<i32>} : memref<128x128xf32, #tpu.memory_space<vmem>>, vector<16xf32>,
        tpu.vector_store %arg12[%swap3A_203, %swap3A_204], %mul3A_202 {strides = array<i32>} : memref<128x128xf32, #tpu.memory_space<vmem>>, vector<16xf32>,
        %get3A_206 = arith.index_cast %scan3A_162 : i32 to index
        %get3A_207 = arith.constant 96 : index
        %get3A_208 = tpu.vector_load %arg12[%get3A_206, %get3A_207] {strides = array<i32>} : memref<128x128xf32, #tpu.memory_space<vmem>>, vector<16xf32>,
        %mul3A_209 = arith.mulf %get3A_208, %gather3A : vector<16xf32>
        %swap3A_210 = arith.index_cast %scan3A_162 : i32 to index
        %swap3A_211 = arith.constant 96 : index
        %swap3A_212 = tpu.vector_load %arg12[%swap3A_210, %swap3A_211] {strides = array<i32>} : memref<128x128xf32, #tpu.memory_space<vmem>>, vector<16xf32>,
        tpu.vector_store %arg12[%swap3A_210, %swap3A_211], %mul3A_209 {strides = array<i32>} : memref<128x128xf32, #tpu.memory_space<vmem>>, vector<16xf32>,
        %get3A_213 = arith.index_cast %scan3A_162 : i32 to index
        %get3A_214 = arith.constant 112 : index
        %get3A_215 = tpu.vector_load %arg12[%get3A_213, %get3A_214] {strides = array<i32>} : memref<128x128xf32, #tpu.memory_space<vmem>>, vector<16xf32>,
        %mul3A_216 = arith.mulf %get3A_215, %gather3A : vector<16xf32>
        %swap3A_217 = arith.index_cast %scan3A_162 : i32 to index
        %swap3A_218 = arith.constant 112 : index
        %swap3A_219 = tpu.vector_load %arg12[%swap3A_217, %swap3A_218] {strides = array<i32>} : memref<128x128xf32, #tpu.memory_space<vmem>>, vector<16xf32>,
        tpu.vector_store %arg12[%swap3A_217, %swap3A_218], %mul3A_216 {strides = array<i32>} : memref<128x128xf32, #tpu.memory_space<vmem>>, vector<16xf32>,
        %scan3A_220 = arith.constant 1 : i32
        %scan3A_221 = arith.addi %scan3A_162, %scan3A_220 : i32
        %mul3A_222 = arith.constant 128 : i32
        %mul3A_223 = arith.muli %add3A_142, %mul3A_222 : i32
        %add3A_224 = arith.addi %mul3A_223, %scan3A_221 : i32
        %broadcast_in_dim3A_225 = vector.broadcast %add3A_224 : i32 to vector<16xi32>
        %gather3A_226 = tpu.vector_load_idx %arg10[%broadcast_in_dim3A_225] : memref<5120xf32, #tpu.memory_space<vmem>>[vector<16xi32>], vector<16xf32>,
        %get3A_227 = arith.index_cast %scan3A_221 : i32 to index
        %get3A_228 = arith.constant 0 : index
        %get3A_229 = tpu.vector_load %arg12[%get3A_227, %get3A_228] {strides = array<i32>} : memref<128x128xf32, #tpu.memory_space<vmem>>, vector<16xf32>,
        %mul3A_230 = arith.mulf %get3A_229, %gather3A_226 : vector<16xf32>
        %swap3A_231 = arith.index_cast %scan3A_221 : i32 to index
        %swap3A_232 = arith.constant 0 : index
        %swap3A_233 = tpu.vector_load %arg12[%swap3A_231, %swap3A_232] {strides = array<i32>} : memref<128x128xf32, #tpu.memory_space<vmem>>, vector<16xf32>,
        tpu.vector_store %arg12[%swap3A_231, %swap3A_232], %mul3A_230 {strides = array<i32>} : memref<128x128xf32, #tpu.memory_space<vmem>>, vector<16xf32>,
        %get3A_234 = arith.index_cast %scan3A_221 : i32 to index
        %get3A_235 = arith.constant 16 : index
        %get3A_236 = tpu.vector_load %arg12[%get3A_234, %get3A_235] {strides = array<i32>} : memref<128x128xf32, #tpu.memory_space<vmem>>, vector<16xf32>,
        %mul3A_237 = arith.mulf %get3A_236, %gather3A_226 : vector<16xf32>
        %swap3A_238 = arith.index_cast %scan3A_221 : i32 to index
        %swap3A_239 = arith.constant 16 : index
        %swap3A_240 = tpu.vector_load %arg12[%swap3A_238, %swap3A_239] {strides = array<i32>} : memref<128x128xf32, #tpu.memory_space<vmem>>, vector<16xf32>,
        tpu.vector_store %arg12[%swap3A_238, %swap3A_239], %mul3A_237 {strides = array<i32>} : memref<128x128xf32, #tpu.memory_space<vmem>>, vector<16xf32>,
        %get3A_241 = arith.index_cast %scan3A_221 : i32 to index
        %get3A_242 = arith.constant 32 : index
        %get3A_243 = tpu.vector_load %arg12[%get3A_241, %get3A_242] {strides = array<i32>} : memref<128x128xf32, #tpu.memory_space<vmem>>, vector<16xf32>,
        %mul3A_244 = arith.mulf %get3A_243, %gather3A_226 : vector<16xf32>
        %swap3A_245 = arith.index_cast %scan3A_221 : i32 to index
        %swap3A_246 = arith.constant 32 : index
        %swap3A_247 = tpu.vector_load %arg12[%swap3A_245, %swap3A_246] {strides = array<i32>} : memref<128x128xf32, #tpu.memory_space<vmem>>, vector<16xf32>,
        tpu.vector_store %arg12[%swap3A_245, %swap3A_246], %mul3A_244 {strides = array<i32>} : memref<128x128xf32, #tpu.memory_space<vmem>>, vector<16xf32>,
        %get3A_248 = arith.index_cast %scan3A_221 : i32 to index
        %get3A_249 = arith.constant 48 : index
        %get3A_250 = tpu.vector_load %arg12[%get3A_248, %get3A_249] {strides = array<i32>} : memref<128x128xf32, #tpu.memory_space<vmem>>, vector<16xf32>,
        %mul3A_251 = arith.mulf %get3A_250, %gather3A_226 : vector<16xf32>
        %swap3A_252 = arith.index_cast %scan3A_221 : i32 to index
        %swap3A_253 = arith.constant 48 : index
        %swap3A_254 = tpu.vector_load %arg12[%swap3A_252, %swap3A_253] {strides = array<i32>} : memref<128x128xf32, #tpu.memory_space<vmem>>, vector<16xf32>,
        tpu.vector_store %arg12[%swap3A_252, %swap3A_253], %mul3A_251 {strides = array<i32>} : memref<128x128xf32, #tpu.memory_space<vmem>>, vector<16xf32>,
        %get3A_255 = arith.index_cast %scan3A_221 : i32 to index
        %get3A_256 = arith.constant 64 : index
        %get3A_257 = tpu.vector_load %arg12[%get3A_255, %get3A_256] {strides = array<i32>} : memref<128x128xf32, #tpu.memory_space<vmem>>, vector<16xf32>,
        %mul3A_258 = arith.mulf %get3A_257, %gather3A_226 : vector<16xf32>
        %swap3A_259 = arith.index_cast %scan3A_221 : i32 to index
        %swap3A_260 = arith.constant 64 : index
        %swap3A_261 = tpu.vector_load %arg12[%swap3A_259, %swap3A_260] {strides = array<i32>} : memref<128x128xf32, #tpu.memory_space<vmem>>, vector<16xf32>,
        tpu.vector_store %arg12[%swap3A_259, %swap3A_260], %mul3A_258 {strides = array<i32>} : memref<128x128xf32, #tpu.memory_space<vmem>>, vector<16xf32>,
        %get3A_262 = arith.index_cast %scan3A_221 : i32 to index
        %get3A_263 = arith.constant 80 : index
        %get3A_264 = tpu.vector_load %arg12[%get3A_262, %get3A_263] {strides = array<i32>} : memref<128x128xf32, #tpu.memory_space<vmem>>, vector<16xf32>,
        %mul3A_265 = arith.mulf %get3A_264, %gather3A_226 : vector<16xf32>
        %swap3A_266 = arith.index_cast %scan3A_221 : i32 to index
        %swap3A_267 = arith.constant 80 : index
        %swap3A_268 = tpu.vector_load %arg12[%swap3A_266, %swap3A_267] {strides = array<i32>} : memref<128x128xf32, #tpu.memory_space<vmem>>, vector<16xf32>,
        tpu.vector_store %arg12[%swap3A_266, %swap3A_267], %mul3A_265 {strides = array<i32>} : memref<128x128xf32, #tpu.memory_space<vmem>>, vector<16xf32>,
        %get3A_269 = arith.index_cast %scan3A_221 : i32 to index
        %get3A_270 = arith.constant 96 : index
        %get3A_271 = tpu.vector_load %arg12[%get3A_269, %get3A_270] {strides = array<i32>} : memref<128x128xf32, #tpu.memory_space<vmem>>, vector<16xf32>,
        %mul3A_272 = arith.mulf %get3A_271, %gather3A_226 : vector<16xf32>
        %swap3A_273 = arith.index_cast %scan3A_221 : i32 to index
        %swap3A_274 = arith.constant 96 : index
        %swap3A_275 = tpu.vector_load %arg12[%swap3A_273, %swap3A_274] {strides = array<i32>} : memref<128x128xf32, #tpu.memory_space<vmem>>, vector<16xf32>,
        tpu.vector_store %arg12[%swap3A_273, %swap3A_274], %mul3A_272 {strides = array<i32>} : memref<128x128xf32, #tpu.memory_space<vmem>>, vector<16xf32>,
        %get3A_276 = arith.index_cast %scan3A_221 : i32 to index
        %get3A_277 = arith.constant 112 : index
        %get3A_278 = tpu.vector_load %arg12[%get3A_276, %get3A_277] {strides = array<i32>} : memref<128x128xf32, #tpu.memory_space<vmem>>, vector<16xf32>,
        %mul3A_279 = arith.mulf %get3A_278, %gather3A_226 : vector<16xf32>
        %swap3A_280 = arith.index_cast %scan3A_221 : i32 to index
        %swap3A_281 = arith.constant 112 : index
        %swap3A_282 = tpu.vector_load %arg12[%swap3A_280, %swap3A_281] {strides = array<i32>} : memref<128x128xf32, #tpu.memory_space<vmem>>, vector<16xf32>,
        tpu.vector_store %arg12[%swap3A_280, %swap3A_281], %mul3A_279 {strides = array<i32>} : memref<128x128xf32, #tpu.memory_space<vmem>>, vector<16xf32>,
      }
      %scan3A_154 = arith.constant 128 : i32
      "tpu.region"() ({
        %run_scoped3A_162 = tpu.sem_alloc : memref<!tpu.dma_semaphore, #tpu.memory_space<semaphore_mem>>
        %dma_start3A_163 = arith.constant 0 : i32
        %dma_start3A_164 = tpu.memref_slice %arg9[%add3A_142, %dma_start3A_163] : memref<40x128xi32, #tpu.memory_space<vmem>> -> memref<1x128xi32, #tpu.memory_space<vmem>>
        %dma_start3A_165 = tpu.memref_squeeze %dma_start3A_164 : memref<1x128xi32, #tpu.memory_space<vmem>> -> memref<128xi32, #tpu.memory_space<vmem>>
        %dma_start3A_166 = arith.constant 0 : i32
        %dma_start3A_167 = arith.constant 0 : i32
        %dma_start3A_168 = tpu.memref_slice %arg13[%dma_start3A_166, %dma_start3A_167] : memref<10000x128xf32, #tpu.memory_space<vmem_shared>> -> memref<10000x128xf32, #tpu.memory_space<vmem_shared>>
        tpu.enqueue_indirect_dma source(%arg12 : memref<128x128xf32, #tpu.memory_space<vmem>>) target(%dma_start3A_168 : memref<10000x128xf32, #tpu.memory_space<vmem_shared>>) offsets(%dma_start3A_165 : memref<128xi32, #tpu.memory_space<vmem>>) semaphore(%run_scoped3A_162 : memref<!tpu.dma_semaphore, #tpu.memory_space<semaphore_mem>>) {add = true}
        %dma_wait3A_169 = arith.constant 0 : i32
        %dma_wait3A_170 = tpu.memref_slice %arg9[%add3A_142, %dma_wait3A_169] : memref<40x128xi32, #tpu.memory_space<vmem>> -> memref<1x128xi32, #tpu.memory_space<vmem>>
        %dma_wait3A_171 = tpu.memref_squeeze %dma_wait3A_170 : memref<1x128xi32, #tpu.memory_space<vmem>> -> memref<128xi32, #tpu.memory_space<vmem>>
        %dma_wait3A_172 = arith.constant 0 : i32
        %dma_wait3A_173 = arith.constant 0 : i32
        %dma_wait3A_174 = tpu.memref_slice %arg13[%dma_wait3A_172, %dma_wait3A_173] : memref<10000x128xf32, #tpu.memory_space<vmem_shared>> -> memref<10000x128xf32, #tpu.memory_space<vmem_shared>>
        tpu.wait_indirect_dma semaphore(%run_scoped3A_162 : memref<!tpu.dma_semaphore, #tpu.memory_space<semaphore_mem>>) src(%arg12 : memref<128x128xf32, #tpu.memory_space<vmem>>) dst(%dma_wait3A_174 : memref<10000x128xf32, #tpu.memory_space<vmem_shared>>)
        tpu.yield
      }) : () -> ()
      %add3A_155 = arith.constant 2 : i32
      %add3A_156 = arith.addi %add3A_142, %add3A_155 : i32
      %lt3A_157 = arith.constant 40 : i32
      %lt3A_158 = arith.cmpi slt, %add3A_156, %lt3A_157 : i32
      %convert_element_type3A_159 = arith.extui %lt3A_158 : i1 to i32
      %cond3A_160 = arith.constant 0 : i32
      %cond3A_161 = arith.cmpi ne, %convert_element_type3A_159, %cond3A_160 : i32
      scf.if %cond3A_161 {
        %add3A_162 = arith.constant 2 : i32
        %add3A_163 = arith.addi %add3A_142, %add3A_162 : i32
        %mul3A_164 = arith.constant 128 : i32
        %mul3A_165 = arith.muli %add3A_163, %mul3A_164 : i32
        %dma_start3A_166 = tpu.memref_slice %arg8[%mul3A_165] : memref<5120xi32, #tpu.memory_space<vmem>> -> memref<128xi32, #tpu.memory_space<vmem>>
        %dma_start3A_167 = arith.constant 0 : i32
        %dma_start3A_168 = arith.constant 0 : i32
        %dma_start3A_169 = tpu.memref_slice %arg2[%dma_start3A_167, %dma_start3A_168] : memref<10000x128xf32, #tpu.memory_space<hbm>> -> memref<10000x128xf32, #tpu.memory_space<hbm>>
        tpu.enqueue_indirect_dma source(%dma_start3A_169 : memref<10000x128xf32, #tpu.memory_space<hbm>>) target(%arg12 : memref<128x128xf32, #tpu.memory_space<vmem>>) offsets(%dma_start3A_166 : memref<128xi32, #tpu.memory_space<vmem>>) semaphore(%arg15 : memref<!tpu.dma_semaphore, #tpu.memory_space<semaphore_mem>>)
      } else {
      }
    }
    %scan3A_108 = arith.constant 20 : i32
    %barrier3A_109 = arith.constant 0 : index
    tpu.barrier barrier_id(%barrier3A_109)
    %scan3A_110 = arith.constant 0 : i32
    %scan3A_111 = arith.constant 0 : i32
    %scan3A_112 = arith.constant 10 : i32
    %scan3A_113 = arith.addi %scan3A_111, %scan3A_112 : i32
    %scan3A_114 = arith.constant 1 : i32
    scf.for %scan3A_116 = %scan3A_111 to %scan3A_113 step %scan3A_114  : i32 {
      %mul3A_117 = arith.constant 128 : i32
      %mul3A_118 = arith.muli %scan3A_116, %mul3A_117 : i32
      %dma_start3A_119 = tpu.memref_slice %arg16[%mul3A_118] : memref<1280xi32, #tpu.memory_space<vmem>> -> memref<128xi32, #tpu.memory_space<vmem>>
      %dma_start3A_120 = arith.constant 0 : i32
      %dma_start3A_121 = arith.constant 0 : i32
      %dma_start3A_122 = tpu.memref_slice %arg13[%dma_start3A_120, %dma_start3A_121] : memref<10000x128xf32, #tpu.memory_space<vmem_shared>> -> memref<10000x128xf32, #tpu.memory_space<vmem_shared>>
      tpu.enqueue_indirect_dma source(%dma_start3A_122 : memref<10000x128xf32, #tpu.memory_space<vmem_shared>>) target(%arg11 : memref<128x128xf32, #tpu.memory_space<vmem>>) offsets(%dma_start3A_119 : memref<128xi32, #tpu.memory_space<vmem>>) semaphore(%arg14 : memref<!tpu.dma_semaphore, #tpu.memory_space<semaphore_mem>>)
      %dma_wait3A_123 = tpu.memref_slice %arg16[%mul3A_118] : memref<1280xi32, #tpu.memory_space<vmem>> -> memref<128xi32, #tpu.memory_space<vmem>>
      %dma_wait3A_124 = arith.constant 0 : i32
      %dma_wait3A_125 = arith.constant 0 : i32
      %dma_wait3A_126 = tpu.memref_slice %arg13[%dma_wait3A_124, %dma_wait3A_125] : memref<10000x128xf32, #tpu.memory_space<vmem_shared>> -> memref<10000x128xf32, #tpu.memory_space<vmem_shared>>
      tpu.wait_indirect_dma semaphore(%arg14 : memref<!tpu.dma_semaphore, #tpu.memory_space<semaphore_mem>>) src(%dma_wait3A_126 : memref<10000x128xf32, #tpu.memory_space<vmem_shared>>) dst(%arg11 : memref<128x128xf32, #tpu.memory_space<vmem>>)
      %mul3A_127 = arith.constant 1280 : i32
      %mul3A_128 = arith.muli %arg1, %mul3A_127 : i32
      %mul3A_129 = arith.constant 128 : i32
      %mul3A_130 = arith.muli %scan3A_116, %mul3A_129 : i32
      %add3A_131 = arith.addi %mul3A_128, %mul3A_130 : i32
      "tpu.region"() ({
        %run_scoped3A_132 = tpu.sem_alloc : memref<!tpu.dma_semaphore, #tpu.memory_space<semaphore_mem>>
        %dma_start3A_133 = arith.constant 0 : i32
        %dma_start3A_134 = tpu.memref_slice %arg7[%arg0, %add3A_131, %dma_start3A_133] : memref<2x20480x128xf32, #tpu.memory_space<hbm>> -> memref<1x128x128xf32, #tpu.memory_space<hbm>>
        %dma_start3A_135 = tpu.memref_squeeze %dma_start3A_134 : memref<1x128x128xf32, #tpu.memory_space<hbm>> -> memref<128x128xf32, #tpu.memory_space<hbm>>
        %dma_start3A_136 = arith.constant 0 : i32
        %dma_start3A_137 = tpu.memref_slice %arg7[%arg0, %add3A_131, %dma_start3A_136] : memref<2x20480x128xf32, #tpu.memory_space<hbm>> -> memref<1x128x128xf32, #tpu.memory_space<hbm>>
        %dma_start3A_138 = tpu.memref_squeeze %dma_start3A_137 : memref<1x128x128xf32, #tpu.memory_space<hbm>> -> memref<128x128xf32, #tpu.memory_space<hbm>>
        tpu.enqueue_dma source(%arg11 : memref<128x128xf32, #tpu.memory_space<vmem>>) target(%dma_start3A_138 : memref<128x128xf32, #tpu.memory_space<hbm>>) target_semaphore(%run_scoped3A_132 : memref<!tpu.dma_semaphore, #tpu.memory_space<semaphore_mem>>)
        %dma_wait3A_139 = arith.constant 0 : i32
        %dma_wait3A_140 = tpu.memref_slice %arg7[%arg0, %add3A_131, %dma_wait3A_139] : memref<2x20480x128xf32, #tpu.memory_space<hbm>> -> memref<1x128x128xf32, #tpu.memory_space<hbm>>
        %dma_wait3A_141 = tpu.memref_squeeze %dma_wait3A_140 : memref<1x128x128xf32, #tpu.memory_space<hbm>> -> memref<128x128xf32, #tpu.memory_space<hbm>>
        %dma_wait3A_142 = arith.constant 0 : i32
        %dma_wait3A_143 = tpu.memref_slice %arg7[%arg0, %add3A_131, %dma_wait3A_142] : memref<2x20480x128xf32, #tpu.memory_space<hbm>> -> memref<1x128x128xf32, #tpu.memory_space<hbm>>
        %dma_wait3A_144 = tpu.memref_squeeze %dma_wait3A_143 : memref<1x128x128xf32, #tpu.memory_space<hbm>> -> memref<128x128xf32, #tpu.memory_space<hbm>>
        tpu.wait_dma2 semaphore(%run_scoped3A_132 : memref<!tpu.dma_semaphore, #tpu.memory_space<semaphore_mem>>) src(%arg11 : memref<128x128xf32, #tpu.memory_space<vmem>>) dst(%dma_wait3A_144 : memref<128x128xf32, #tpu.memory_space<hbm>>)
        tpu.yield
      }) : () -> ()
    }
    %scan3A_115 = arith.constant 10 : i32
    return
  }
}

module attributes {stable_mosaic.version = 14 : i64} {
  func.func @_tc_in_body(%arg0: i32, %arg1: memref<1000x128xf32, #tpu.memory_space<vmem>>, %arg2: memref<128x128xf32, #tpu.memory_space<vmem>>, %arg3: memref<1x128xf32, #tpu.memory_space<vmem>>, %arg4: memref<128x128xf32, #tpu.memory_space<vmem>>, %arg5: memref<1x128xf32, #tpu.memory_space<vmem>>, %arg6: memref<1000x1xf32, #tpu.memory_space<vmem>>, %arg7: memref<1000x128xf32, #tpu.memory_space<vmem>>, %arg8: memref<1000x128xf32, #tpu.memory_space<vmem>>) attributes {dimension_semantics = [#tpu.dimension_semantics<arbitrary>], iteration_bounds = array<i64: 10>, scalar_prefetch = 0 : i64, scratch_operands = 0 : i64, tpu.core_type = #tpu.core_type<tc>, window_params = [{transform_indices = @transform_0, window_bounds = array<i64: 1000, 128>}, {pipeline_mode = #tpu.pipeline_mode<synchronous>, transform_indices = @transform_1, window_bounds = array<i64: 128, 128>}, {pipeline_mode = #tpu.pipeline_mode<synchronous>, transform_indices = @transform_2, window_bounds = array<i64: 1, 128>}, {pipeline_mode = #tpu.pipeline_mode<synchronous>, transform_indices = @transform_3, window_bounds = array<i64: 128, 128>}, {pipeline_mode = #tpu.pipeline_mode<synchronous>, transform_indices = @transform_4, window_bounds = array<i64: 1, 128>}, {transform_indices = @transform_5, window_bounds = array<i64: 1000, 1>}, {transform_indices = @transform_6, window_bounds = array<i64: 1000, 128>}, {transform_indices = @transform_7, window_bounds = array<i64: 1000, 128>}]} {
    %get3A = arith.constant 0 : index
    %get3A_0 = arith.constant 0 : index
    %get3A_1 = vector.load %arg1[%get3A, %get3A_0] : memref<1000x128xf32, #tpu.memory_space<vmem>>, vector<1000x128xf32>
    %get3A_2 = arith.constant 0 : index
    %get3A_3 = arith.constant 0 : index
    %get3A_4 = vector.load %arg2[%get3A_2, %get3A_3] : memref<128x128xf32, #tpu.memory_space<vmem>>, vector<128x128xf32>
    %dot_general3A = arith.constant dense<0.000000e+00> : vector<1000x128xf32>
    %dot_general3A_5 = tpu.matmul %get3A_1, %get3A_4, %dot_general3A {dimension_numbers = #tpu.dot_dimension_numbers<[1], [0], [0], [1], [0, 0, 1, 1], [], []>, transpose_lhs_hint = false} : vector<1000x128xf32>, vector<128x128xf32>, vector<1000x128xf32> -> vector<1000x128xf32>
    %get3A_6 = arith.constant 0 : index
    %get3A_7 = arith.constant 0 : index
    %get3A_8 = vector.load %arg3[%get3A_6, %get3A_7] : memref<1x128xf32, #tpu.memory_space<vmem>>, vector<1x128xf32>
    %add3A = vector.broadcast %get3A_8 : vector<1x128xf32> to vector<1000x128xf32>
    %add3A_9 = arith.addf %dot_general3A_5, %add3A : vector<1000x128xf32>
    %get3A_10 = arith.constant 0 : index
    %get3A_11 = arith.constant 0 : index
    %get3A_12 = vector.load %arg6[%get3A_10, %get3A_11] : memref<1000x1xf32, #tpu.memory_space<vmem>>, vector<1000x1xf32>
    %mul3A = vector.broadcast %get3A_12 : vector<1000x1xf32> to vector<1000x128xf32>
    %mul3A_13 = arith.mulf %add3A_9, %mul3A : vector<1000x128xf32>
    %swap3A = arith.constant 0 : index
    %swap3A_14 = arith.constant 0 : index
    %swap3A_15 = vector.load %arg7[%swap3A, %swap3A_14] : memref<1000x128xf32, #tpu.memory_space<vmem>>, vector<1000x128xf32>
    tpu.vector_store %arg7[%swap3A, %swap3A_14], %mul3A_13 {strides = array<i32>} : memref<1000x128xf32, #tpu.memory_space<vmem>>, vector<1000x128xf32>,
    %get3A_16 = arith.constant 0 : index
    %get3A_17 = arith.constant 0 : index
    %get3A_18 = vector.load %arg4[%get3A_16, %get3A_17] : memref<128x128xf32, #tpu.memory_space<vmem>>, vector<128x128xf32>
    %dot_general3A_19 = arith.constant dense<0.000000e+00> : vector<1000x128xf32>
    %dot_general3A_20 = tpu.matmul %get3A_1, %get3A_18, %dot_general3A_19 {dimension_numbers = #tpu.dot_dimension_numbers<[1], [0], [0], [1], [0, 0, 1, 1], [], []>, transpose_lhs_hint = false} : vector<1000x128xf32>, vector<128x128xf32>, vector<1000x128xf32> -> vector<1000x128xf32>
    %get3A_21 = arith.constant 0 : index
    %get3A_22 = arith.constant 0 : index
    %get3A_23 = vector.load %arg5[%get3A_21, %get3A_22] : memref<1x128xf32, #tpu.memory_space<vmem>>, vector<1x128xf32>
    %add3A_24 = vector.broadcast %get3A_23 : vector<1x128xf32> to vector<1000x128xf32>
    %add3A_25 = arith.addf %dot_general3A_20, %add3A_24 : vector<1000x128xf32>
    %swap3A_26 = arith.constant 0 : index
    %swap3A_27 = arith.constant 0 : index
    %swap3A_28 = vector.load %arg8[%swap3A_26, %swap3A_27] : memref<1000x128xf32, #tpu.memory_space<vmem>>, vector<1000x128xf32>
    tpu.vector_store %arg8[%swap3A_26, %swap3A_27], %add3A_25 {strides = array<i32>} : memref<1000x128xf32, #tpu.memory_space<vmem>>, vector<1000x128xf32>,
    return
  }
  func.func @transform_0(%arg0: i32) -> (i32, i32) {
    %c0_i32 = arith.constant 0 : i32
    %c0_i32_0 = arith.constant 0 : i32
    return %arg0, %c0_i32 : i32, i32
  }
  func.func @transform_1(%arg0: i32) -> (i32, i32) {
    %c0_i32 = arith.constant 0 : i32
    %c0_i32_0 = arith.constant 0 : i32
    %c0_i32_1 = arith.constant 0 : i32
    return %c0_i32, %c0_i32_0 : i32, i32
  }
  func.func @transform_2(%arg0: i32) -> (i32, i32) {
    %c0_i32 = arith.constant 0 : i32
    %c0_i32_0 = arith.constant 0 : i32
    %c0_i32_1 = arith.constant 0 : i32
    return %c0_i32, %c0_i32_0 : i32, i32
  }
  func.func @transform_3(%arg0: i32) -> (i32, i32) {
    %c0_i32 = arith.constant 0 : i32
    %c0_i32_0 = arith.constant 0 : i32
    %c0_i32_1 = arith.constant 0 : i32
    return %c0_i32, %c0_i32_0 : i32, i32
  }
  func.func @transform_4(%arg0: i32) -> (i32, i32) {
    %c0_i32 = arith.constant 0 : i32
    %c0_i32_0 = arith.constant 0 : i32
    %c0_i32_1 = arith.constant 0 : i32
    return %c0_i32, %c0_i32_0 : i32, i32
  }
  func.func @transform_5(%arg0: i32) -> (i32, i32) {
    %c0_i32 = arith.constant 0 : i32
    %c0_i32_0 = arith.constant 0 : i32
    return %arg0, %c0_i32 : i32, i32
  }
  func.func @transform_6(%arg0: i32) -> (i32, i32) {
    %c0_i32 = arith.constant 0 : i32
    %c0_i32_0 = arith.constant 0 : i32
    return %arg0, %c0_i32 : i32, i32
  }
  func.func @transform_7(%arg0: i32) -> (i32, i32) {
    %c0_i32 = arith.constant 0 : i32
    %c0_i32_0 = arith.constant 0 : i32
    return %arg0, %c0_i32 : i32, i32
  }
}

module attributes {stable_mosaic.version = 14 : i64} {
  func.func @_tc_mid_body(%arg0: i32, %arg1: memref<1x1000x128xf32, #tpu.memory_space<vmem>>, %arg2: memref<1x1000x128xf32, #tpu.memory_space<vmem>>, %arg3: memref<1000x128xf32, #tpu.memory_space<vmem>>, %arg4: memref<1000x1xf32, #tpu.memory_space<vmem>>, %arg5: memref<128x128xf32, #tpu.memory_space<vmem>>, %arg6: memref<1x128xf32, #tpu.memory_space<vmem>>, %arg7: memref<1000x128xf32, #tpu.memory_space<vmem>>) attributes {dimension_semantics = [#tpu.dimension_semantics<arbitrary>], iteration_bounds = array<i64: 10>, scalar_prefetch = 0 : i64, scratch_operands = 0 : i64, tpu.core_type = #tpu.core_type<tc>, window_params = [{transform_indices = @transform_0, window_bounds = array<i64: 1, 1000, 128>}, {transform_indices = @transform_1, window_bounds = array<i64: 1, 1000, 128>}, {transform_indices = @transform_2, window_bounds = array<i64: 1000, 128>}, {transform_indices = @transform_3, window_bounds = array<i64: 1000, 1>}, {pipeline_mode = #tpu.pipeline_mode<synchronous>, transform_indices = @transform_4, window_bounds = array<i64: 128, 128>}, {pipeline_mode = #tpu.pipeline_mode<synchronous>, transform_indices = @transform_5, window_bounds = array<i64: 1, 128>}, {transform_indices = @transform_6, window_bounds = array<i64: 1000, 128>}]} {
    %get3A = arith.constant 0 : index
    %get3A_0 = arith.constant 0 : index
    %get3A_1 = vector.load %arg4[%get3A, %get3A_0] : memref<1000x1xf32, #tpu.memory_space<vmem>>, vector<1000x1xf32>
    %get3A_2 = arith.constant 0 : index
    %get3A_3 = arith.constant 0 : index
    %get3A_4 = vector.load %arg3[%get3A_2, %get3A_3] : memref<1000x128xf32, #tpu.memory_space<vmem>>, vector<1000x128xf32>
    %get3A_5 = arith.constant 0 : index
    %get3A_6 = arith.constant 0 : index
    %get3A_7 = arith.constant 0 : index
    %get3A_8 = vector.load %arg1[%get3A_5, %get3A_6, %get3A_7] : memref<1x1000x128xf32, #tpu.memory_space<vmem>>, vector<1x1000x128xf32>
    %get3A_9 = vector.shape_cast %get3A_8 : vector<1x1000x128xf32> to vector<1000x128xf32>
    %get3A_10 = arith.constant 0 : index
    %get3A_11 = arith.constant 0 : index
    %get3A_12 = arith.constant 0 : index
    %get3A_13 = vector.load %arg2[%get3A_10, %get3A_11, %get3A_12] : memref<1x1000x128xf32, #tpu.memory_space<vmem>>, vector<1x1000x128xf32>
    %get3A_14 = vector.shape_cast %get3A_13 : vector<1x1000x128xf32> to vector<1000x128xf32>
    %add3A = arith.addf %get3A_9, %get3A_14 : vector<1000x128xf32>
    %sub3A = arith.constant 1.000000e+00 : f32
    %sub3A_15 = vector.broadcast %sub3A : f32 to vector<1000x1xf32>
    %sub3A_16 = arith.subf %sub3A_15, %get3A_1 : vector<1000x1xf32>
    %mul3A = vector.broadcast %sub3A_16 : vector<1000x1xf32> to vector<1000x128xf32>
    %mul3A_17 = arith.mulf %add3A, %mul3A : vector<1000x128xf32>
    %add3A_18 = arith.addf %get3A_4, %mul3A_17 : vector<1000x128xf32>
    %get3A_19 = arith.constant 0 : index
    %get3A_20 = arith.constant 0 : index
    %get3A_21 = vector.load %arg5[%get3A_19, %get3A_20] : memref<128x128xf32, #tpu.memory_space<vmem>>, vector<128x128xf32>
    %dot_general3A = arith.constant dense<0.000000e+00> : vector<1000x128xf32>
    %dot_general3A_22 = tpu.matmul %add3A_18, %get3A_21, %dot_general3A {dimension_numbers = #tpu.dot_dimension_numbers<[1], [0], [0], [1], [0, 0, 1, 1], [], []>, transpose_lhs_hint = false} : vector<1000x128xf32>, vector<128x128xf32>, vector<1000x128xf32> -> vector<1000x128xf32>
    %get3A_23 = arith.constant 0 : index
    %get3A_24 = arith.constant 0 : index
    %get3A_25 = vector.load %arg6[%get3A_23, %get3A_24] : memref<1x128xf32, #tpu.memory_space<vmem>>, vector<1x128xf32>
    %add3A_26 = vector.broadcast %get3A_25 : vector<1x128xf32> to vector<1000x128xf32>
    %add3A_27 = arith.addf %dot_general3A_22, %add3A_26 : vector<1000x128xf32>
    %swap3A = arith.constant 0 : index
    %swap3A_28 = arith.constant 0 : index
    %swap3A_29 = vector.load %arg7[%swap3A, %swap3A_28] : memref<1000x128xf32, #tpu.memory_space<vmem>>, vector<1000x128xf32>
    tpu.vector_store %arg7[%swap3A, %swap3A_28], %add3A_27 {strides = array<i32>} : memref<1000x128xf32, #tpu.memory_space<vmem>>, vector<1000x128xf32>,
    return
  }
  func.func @transform_0(%arg0: i32) -> (i32, i32, i32) {
    %c0_i32 = arith.constant 0 : i32
    %c0_i32_0 = arith.constant 0 : i32
    %c0_i32_1 = arith.constant 0 : i32
    return %c0_i32, %arg0, %c0_i32_0 : i32, i32, i32
  }
  func.func @transform_1(%arg0: i32) -> (i32, i32, i32) {
    %c1_i32 = arith.constant 1 : i32
    %c0_i32 = arith.constant 0 : i32
    %c0_i32_0 = arith.constant 0 : i32
    return %c1_i32, %arg0, %c0_i32 : i32, i32, i32
  }
  func.func @transform_2(%arg0: i32) -> (i32, i32) {
    %c0_i32 = arith.constant 0 : i32
    %c0_i32_0 = arith.constant 0 : i32
    return %arg0, %c0_i32 : i32, i32
  }
  func.func @transform_3(%arg0: i32) -> (i32, i32) {
    %c0_i32 = arith.constant 0 : i32
    %c0_i32_0 = arith.constant 0 : i32
    return %arg0, %c0_i32 : i32, i32
  }
  func.func @transform_4(%arg0: i32) -> (i32, i32) {
    %c0_i32 = arith.constant 0 : i32
    %c0_i32_0 = arith.constant 0 : i32
    %c0_i32_1 = arith.constant 0 : i32
    return %c0_i32, %c0_i32_0 : i32, i32
  }
  func.func @transform_5(%arg0: i32) -> (i32, i32) {
    %c0_i32 = arith.constant 0 : i32
    %c0_i32_0 = arith.constant 0 : i32
    %c0_i32_1 = arith.constant 0 : i32
    return %c0_i32, %c0_i32_0 : i32, i32
  }
  func.func @transform_6(%arg0: i32) -> (i32, i32) {
    %c0_i32 = arith.constant 0 : i32
    %c0_i32_0 = arith.constant 0 : i32
    return %arg0, %c0_i32 : i32, i32
  }
}

module attributes {stable_mosaic.version = 14 : i64} {
  func.func @_tc_head_body(%arg0: memref<2x20x1024x128xf32, #tpu.memory_space<vmem>>, %arg1: memref<128x64xf32, #tpu.memory_space<vmem>>, %arg2: memref<1x64xf32, #tpu.memory_space<vmem>>, %arg3: memref<21x64x128xf32, #tpu.memory_space<vmem>>, %arg4: memref<1x128xf32, #tpu.memory_space<vmem>>, %arg5: memref<128x10xf32, #tpu.memory_space<vmem>>, %arg6: memref<1x10xf32, #tpu.memory_space<vmem>>, %arg7: memref<1024x128xf32, #tpu.memory_space<vmem>>, %arg8: memref<1x1024xi32, #tpu.memory_space<vmem>>) attributes {dimension_semantics = [], scalar_prefetch = 0 : i64, scratch_operands = 0 : i64, tpu.core_type = #tpu.core_type<tc>} {
    %get3A = arith.constant 0 : index
    %get3A_0 = arith.constant 0 : index
    %get3A_1 = vector.load %arg1[%get3A, %get3A_0] : memref<128x64xf32, #tpu.memory_space<vmem>>, vector<128x64xf32>
    %get3A_2 = arith.constant 0 : index
    %get3A_3 = arith.constant 0 : index
    %get3A_4 = vector.load %arg2[%get3A_2, %get3A_3] : memref<1x64xf32, #tpu.memory_space<vmem>>, vector<1x64xf32>
    %get3A_5 = arith.constant 0 : index
    %get3A_6 = arith.constant 0 : index
    %get3A_7 = vector.load %arg4[%get3A_5, %get3A_6] : memref<1x128xf32, #tpu.memory_space<vmem>>, vector<1x128xf32>
    %broadcast_in_dim3A = vector.shape_cast %get3A_7 : vector<1x128xf32> to vector<1x128xf32>
    %broadcast_in_dim3A_8 = vector.broadcast %broadcast_in_dim3A : vector<1x128xf32> to vector<1024x128xf32>
    %broadcast_in_dim3A_9 = arith.constant 0.000000e+00 : f32
    %broadcast_in_dim3A_10 = vector.broadcast %broadcast_in_dim3A_9 : f32 to vector<1024x128xf32>
    %get3A_11 = arith.constant 0 : index
    %get3A_12 = arith.constant 0 : index
    %get3A_13 = arith.constant 0 : index
    %get3A_14 = arith.constant 0 : index
    %get3A_15 = vector.load %arg0[%get3A_11, %get3A_12, %get3A_13, %get3A_14] : memref<2x20x1024x128xf32, #tpu.memory_space<vmem>>, vector<1x1x1024x128xf32>
    %get3A_16 = vector.shape_cast %get3A_15 : vector<1x1x1024x128xf32> to vector<1024x128xf32>
    %get3A_17 = arith.constant 1 : index
    %get3A_18 = arith.constant 0 : index
    %get3A_19 = arith.constant 0 : index
    %get3A_20 = arith.constant 0 : index
    %get3A_21 = vector.load %arg0[%get3A_17, %get3A_18, %get3A_19, %get3A_20] : memref<2x20x1024x128xf32, #tpu.memory_space<vmem>>, vector<1x1x1024x128xf32>
    %get3A_22 = vector.shape_cast %get3A_21 : vector<1x1x1024x128xf32> to vector<1024x128xf32>
    %add3A = arith.addf %get3A_16, %get3A_22 : vector<1024x128xf32>
    %add3A_23 = arith.addf %broadcast_in_dim3A_10, %add3A : vector<1024x128xf32>
    %dot_general3A = arith.constant dense<0.000000e+00> : vector<1024x64xf32>
    %dot_general3A_24 = tpu.matmul %add3A, %get3A_1, %dot_general3A {dimension_numbers = #tpu.dot_dimension_numbers<[1], [0], [0], [1], [0, 0, 1, 1], [], []>, transpose_lhs_hint = false} : vector<1024x128xf32>, vector<128x64xf32>, vector<1024x64xf32> -> vector<1024x64xf32>
    %add3A_25 = vector.broadcast %get3A_4 : vector<1x64xf32> to vector<1024x64xf32>
    %add3A_26 = arith.addf %dot_general3A_24, %add3A_25 : vector<1024x64xf32>
    %get3A_27 = arith.constant 0 : index
    %get3A_28 = arith.constant 0 : index
    %get3A_29 = arith.constant 0 : index
    %get3A_30 = vector.load %arg3[%get3A_27, %get3A_28, %get3A_29] : memref<21x64x128xf32, #tpu.memory_space<vmem>>, vector<1x64x128xf32>
    %get3A_31 = vector.shape_cast %get3A_30 : vector<1x64x128xf32> to vector<64x128xf32>
    %dot_general3A_32 = arith.constant dense<0.000000e+00> : vector<1024x128xf32>
    %dot_general3A_33 = tpu.matmul %add3A_26, %get3A_31, %dot_general3A_32 {dimension_numbers = #tpu.dot_dimension_numbers<[1], [0], [0], [1], [0, 0, 1, 1], [], []>, transpose_lhs_hint = false} : vector<1024x64xf32>, vector<64x128xf32>, vector<1024x128xf32> -> vector<1024x128xf32>
    %add3A_34 = arith.addf %broadcast_in_dim3A_8, %dot_general3A_33 : vector<1024x128xf32>
    %get3A_35 = arith.constant 0 : index
    %get3A_36 = arith.constant 1 : index
    %get3A_37 = arith.constant 0 : index
    %get3A_38 = arith.constant 0 : index
    %get3A_39 = vector.load %arg0[%get3A_35, %get3A_36, %get3A_37, %get3A_38] : memref<2x20x1024x128xf32, #tpu.memory_space<vmem>>, vector<1x1x1024x128xf32>
    %get3A_40 = vector.shape_cast %get3A_39 : vector<1x1x1024x128xf32> to vector<1024x128xf32>
    %get3A_41 = arith.constant 1 : index
    %get3A_42 = arith.constant 1 : index
    %get3A_43 = arith.constant 0 : index
    %get3A_44 = arith.constant 0 : index
    %get3A_45 = vector.load %arg0[%get3A_41, %get3A_42, %get3A_43, %get3A_44] : memref<2x20x1024x128xf32, #tpu.memory_space<vmem>>, vector<1x1x1024x128xf32>
    %get3A_46 = vector.shape_cast %get3A_45 : vector<1x1x1024x128xf32> to vector<1024x128xf32>
    %add3A_47 = arith.addf %get3A_40, %get3A_46 : vector<1024x128xf32>
    %add3A_48 = arith.addf %add3A_23, %add3A_47 : vector<1024x128xf32>
    %dot_general3A_49 = arith.constant dense<0.000000e+00> : vector<1024x64xf32>
    %dot_general3A_50 = tpu.matmul %add3A_47, %get3A_1, %dot_general3A_49 {dimension_numbers = #tpu.dot_dimension_numbers<[1], [0], [0], [1], [0, 0, 1, 1], [], []>, transpose_lhs_hint = false} : vector<1024x128xf32>, vector<128x64xf32>, vector<1024x64xf32> -> vector<1024x64xf32>
    %add3A_51 = vector.broadcast %get3A_4 : vector<1x64xf32> to vector<1024x64xf32>
    %add3A_52 = arith.addf %dot_general3A_50, %add3A_51 : vector<1024x64xf32>
    %get3A_53 = arith.constant 1 : index
    %get3A_54 = arith.constant 0 : index
    %get3A_55 = arith.constant 0 : index
    %get3A_56 = vector.load %arg3[%get3A_53, %get3A_54, %get3A_55] : memref<21x64x128xf32, #tpu.memory_space<vmem>>, vector<1x64x128xf32>
    %get3A_57 = vector.shape_cast %get3A_56 : vector<1x64x128xf32> to vector<64x128xf32>
    %dot_general3A_58 = arith.constant dense<0.000000e+00> : vector<1024x128xf32>
    %dot_general3A_59 = tpu.matmul %add3A_52, %get3A_57, %dot_general3A_58 {dimension_numbers = #tpu.dot_dimension_numbers<[1], [0], [0], [1], [0, 0, 1, 1], [], []>, transpose_lhs_hint = false} : vector<1024x64xf32>, vector<64x128xf32>, vector<1024x128xf32> -> vector<1024x128xf32>
    %add3A_60 = arith.addf %add3A_34, %dot_general3A_59 : vector<1024x128xf32>
    %get3A_61 = arith.constant 0 : index
    %get3A_62 = arith.constant 2 : index
    %get3A_63 = arith.constant 0 : index
    %get3A_64 = arith.constant 0 : index
    %get3A_65 = vector.load %arg0[%get3A_61, %get3A_62, %get3A_63, %get3A_64] : memref<2x20x1024x128xf32, #tpu.memory_space<vmem>>, vector<1x1x1024x128xf32>
    %get3A_66 = vector.shape_cast %get3A_65 : vector<1x1x1024x128xf32> to vector<1024x128xf32>
    %get3A_67 = arith.constant 1 : index
    %get3A_68 = arith.constant 2 : index
    %get3A_69 = arith.constant 0 : index
    %get3A_70 = arith.constant 0 : index
    %get3A_71 = vector.load %arg0[%get3A_67, %get3A_68, %get3A_69, %get3A_70] : memref<2x20x1024x128xf32, #tpu.memory_space<vmem>>, vector<1x1x1024x128xf32>
    %get3A_72 = vector.shape_cast %get3A_71 : vector<1x1x1024x128xf32> to vector<1024x128xf32>
    %add3A_73 = arith.addf %get3A_66, %get3A_72 : vector<1024x128xf32>
    %add3A_74 = arith.addf %add3A_48, %add3A_73 : vector<1024x128xf32>
    %dot_general3A_75 = arith.constant dense<0.000000e+00> : vector<1024x64xf32>
    %dot_general3A_76 = tpu.matmul %add3A_73, %get3A_1, %dot_general3A_75 {dimension_numbers = #tpu.dot_dimension_numbers<[1], [0], [0], [1], [0, 0, 1, 1], [], []>, transpose_lhs_hint = false} : vector<1024x128xf32>, vector<128x64xf32>, vector<1024x64xf32> -> vector<1024x64xf32>
    %add3A_77 = vector.broadcast %get3A_4 : vector<1x64xf32> to vector<1024x64xf32>
    %add3A_78 = arith.addf %dot_general3A_76, %add3A_77 : vector<1024x64xf32>
    %get3A_79 = arith.constant 2 : index
    %get3A_80 = arith.constant 0 : index
    %get3A_81 = arith.constant 0 : index
    %get3A_82 = vector.load %arg3[%get3A_79, %get3A_80, %get3A_81] : memref<21x64x128xf32, #tpu.memory_space<vmem>>, vector<1x64x128xf32>
    %get3A_83 = vector.shape_cast %get3A_82 : vector<1x64x128xf32> to vector<64x128xf32>
    %dot_general3A_84 = arith.constant dense<0.000000e+00> : vector<1024x128xf32>
    %dot_general3A_85 = tpu.matmul %add3A_78, %get3A_83, %dot_general3A_84 {dimension_numbers = #tpu.dot_dimension_numbers<[1], [0], [0], [1], [0, 0, 1, 1], [], []>, transpose_lhs_hint = false} : vector<1024x64xf32>, vector<64x128xf32>, vector<1024x128xf32> -> vector<1024x128xf32>
    %add3A_86 = arith.addf %add3A_60, %dot_general3A_85 : vector<1024x128xf32>
    %get3A_87 = arith.constant 0 : index
    %get3A_88 = arith.constant 3 : index
    %get3A_89 = arith.constant 0 : index
    %get3A_90 = arith.constant 0 : index
    %get3A_91 = vector.load %arg0[%get3A_87, %get3A_88, %get3A_89, %get3A_90] : memref<2x20x1024x128xf32, #tpu.memory_space<vmem>>, vector<1x1x1024x128xf32>
    %get3A_92 = vector.shape_cast %get3A_91 : vector<1x1x1024x128xf32> to vector<1024x128xf32>
    %get3A_93 = arith.constant 1 : index
    %get3A_94 = arith.constant 3 : index
    %get3A_95 = arith.constant 0 : index
    %get3A_96 = arith.constant 0 : index
    %get3A_97 = vector.load %arg0[%get3A_93, %get3A_94, %get3A_95, %get3A_96] : memref<2x20x1024x128xf32, #tpu.memory_space<vmem>>, vector<1x1x1024x128xf32>
    %get3A_98 = vector.shape_cast %get3A_97 : vector<1x1x1024x128xf32> to vector<1024x128xf32>
    %add3A_99 = arith.addf %get3A_92, %get3A_98 : vector<1024x128xf32>
    %add3A_100 = arith.addf %add3A_74, %add3A_99 : vector<1024x128xf32>
    %dot_general3A_101 = arith.constant dense<0.000000e+00> : vector<1024x64xf32>
    %dot_general3A_102 = tpu.matmul %add3A_99, %get3A_1, %dot_general3A_101 {dimension_numbers = #tpu.dot_dimension_numbers<[1], [0], [0], [1], [0, 0, 1, 1], [], []>, transpose_lhs_hint = false} : vector<1024x128xf32>, vector<128x64xf32>, vector<1024x64xf32> -> vector<1024x64xf32>
    %add3A_103 = vector.broadcast %get3A_4 : vector<1x64xf32> to vector<1024x64xf32>
    %add3A_104 = arith.addf %dot_general3A_102, %add3A_103 : vector<1024x64xf32>
    %get3A_105 = arith.constant 3 : index
    %get3A_106 = arith.constant 0 : index
    %get3A_107 = arith.constant 0 : index
    %get3A_108 = vector.load %arg3[%get3A_105, %get3A_106, %get3A_107] : memref<21x64x128xf32, #tpu.memory_space<vmem>>, vector<1x64x128xf32>
    %get3A_109 = vector.shape_cast %get3A_108 : vector<1x64x128xf32> to vector<64x128xf32>
    %dot_general3A_110 = arith.constant dense<0.000000e+00> : vector<1024x128xf32>
    %dot_general3A_111 = tpu.matmul %add3A_104, %get3A_109, %dot_general3A_110 {dimension_numbers = #tpu.dot_dimension_numbers<[1], [0], [0], [1], [0, 0, 1, 1], [], []>, transpose_lhs_hint = false} : vector<1024x64xf32>, vector<64x128xf32>, vector<1024x128xf32> -> vector<1024x128xf32>
    %add3A_112 = arith.addf %add3A_86, %dot_general3A_111 : vector<1024x128xf32>
    %get3A_113 = arith.constant 0 : index
    %get3A_114 = arith.constant 4 : index
    %get3A_115 = arith.constant 0 : index
    %get3A_116 = arith.constant 0 : index
    %get3A_117 = vector.load %arg0[%get3A_113, %get3A_114, %get3A_115, %get3A_116] : memref<2x20x1024x128xf32, #tpu.memory_space<vmem>>, vector<1x1x1024x128xf32>
    %get3A_118 = vector.shape_cast %get3A_117 : vector<1x1x1024x128xf32> to vector<1024x128xf32>
    %get3A_119 = arith.constant 1 : index
    %get3A_120 = arith.constant 4 : index
    %get3A_121 = arith.constant 0 : index
    %get3A_122 = arith.constant 0 : index
    %get3A_123 = vector.load %arg0[%get3A_119, %get3A_120, %get3A_121, %get3A_122] : memref<2x20x1024x128xf32, #tpu.memory_space<vmem>>, vector<1x1x1024x128xf32>
    %get3A_124 = vector.shape_cast %get3A_123 : vector<1x1x1024x128xf32> to vector<1024x128xf32>
    %add3A_125 = arith.addf %get3A_118, %get3A_124 : vector<1024x128xf32>
    %add3A_126 = arith.addf %add3A_100, %add3A_125 : vector<1024x128xf32>
    %dot_general3A_127 = arith.constant dense<0.000000e+00> : vector<1024x64xf32>
    %dot_general3A_128 = tpu.matmul %add3A_125, %get3A_1, %dot_general3A_127 {dimension_numbers = #tpu.dot_dimension_numbers<[1], [0], [0], [1], [0, 0, 1, 1], [], []>, transpose_lhs_hint = false} : vector<1024x128xf32>, vector<128x64xf32>, vector<1024x64xf32> -> vector<1024x64xf32>
    %add3A_129 = vector.broadcast %get3A_4 : vector<1x64xf32> to vector<1024x64xf32>
    %add3A_130 = arith.addf %dot_general3A_128, %add3A_129 : vector<1024x64xf32>
    %get3A_131 = arith.constant 4 : index
    %get3A_132 = arith.constant 0 : index
    %get3A_133 = arith.constant 0 : index
    %get3A_134 = vector.load %arg3[%get3A_131, %get3A_132, %get3A_133] : memref<21x64x128xf32, #tpu.memory_space<vmem>>, vector<1x64x128xf32>
    %get3A_135 = vector.shape_cast %get3A_134 : vector<1x64x128xf32> to vector<64x128xf32>
    %dot_general3A_136 = arith.constant dense<0.000000e+00> : vector<1024x128xf32>
    %dot_general3A_137 = tpu.matmul %add3A_130, %get3A_135, %dot_general3A_136 {dimension_numbers = #tpu.dot_dimension_numbers<[1], [0], [0], [1], [0, 0, 1, 1], [], []>, transpose_lhs_hint = false} : vector<1024x64xf32>, vector<64x128xf32>, vector<1024x128xf32> -> vector<1024x128xf32>
    %add3A_138 = arith.addf %add3A_112, %dot_general3A_137 : vector<1024x128xf32>
    %get3A_139 = arith.constant 0 : index
    %get3A_140 = arith.constant 5 : index
    %get3A_141 = arith.constant 0 : index
    %get3A_142 = arith.constant 0 : index
    %get3A_143 = vector.load %arg0[%get3A_139, %get3A_140, %get3A_141, %get3A_142] : memref<2x20x1024x128xf32, #tpu.memory_space<vmem>>, vector<1x1x1024x128xf32>
    %get3A_144 = vector.shape_cast %get3A_143 : vector<1x1x1024x128xf32> to vector<1024x128xf32>
    %get3A_145 = arith.constant 1 : index
    %get3A_146 = arith.constant 5 : index
    %get3A_147 = arith.constant 0 : index
    %get3A_148 = arith.constant 0 : index
    %get3A_149 = vector.load %arg0[%get3A_145, %get3A_146, %get3A_147, %get3A_148] : memref<2x20x1024x128xf32, #tpu.memory_space<vmem>>, vector<1x1x1024x128xf32>
    %get3A_150 = vector.shape_cast %get3A_149 : vector<1x1x1024x128xf32> to vector<1024x128xf32>
    %add3A_151 = arith.addf %get3A_144, %get3A_150 : vector<1024x128xf32>
    %add3A_152 = arith.addf %add3A_126, %add3A_151 : vector<1024x128xf32>
    %dot_general3A_153 = arith.constant dense<0.000000e+00> : vector<1024x64xf32>
    %dot_general3A_154 = tpu.matmul %add3A_151, %get3A_1, %dot_general3A_153 {dimension_numbers = #tpu.dot_dimension_numbers<[1], [0], [0], [1], [0, 0, 1, 1], [], []>, transpose_lhs_hint = false} : vector<1024x128xf32>, vector<128x64xf32>, vector<1024x64xf32> -> vector<1024x64xf32>
    %add3A_155 = vector.broadcast %get3A_4 : vector<1x64xf32> to vector<1024x64xf32>
    %add3A_156 = arith.addf %dot_general3A_154, %add3A_155 : vector<1024x64xf32>
    %get3A_157 = arith.constant 5 : index
    %get3A_158 = arith.constant 0 : index
    %get3A_159 = arith.constant 0 : index
    %get3A_160 = vector.load %arg3[%get3A_157, %get3A_158, %get3A_159] : memref<21x64x128xf32, #tpu.memory_space<vmem>>, vector<1x64x128xf32>
    %get3A_161 = vector.shape_cast %get3A_160 : vector<1x64x128xf32> to vector<64x128xf32>
    %dot_general3A_162 = arith.constant dense<0.000000e+00> : vector<1024x128xf32>
    %dot_general3A_163 = tpu.matmul %add3A_156, %get3A_161, %dot_general3A_162 {dimension_numbers = #tpu.dot_dimension_numbers<[1], [0], [0], [1], [0, 0, 1, 1], [], []>, transpose_lhs_hint = false} : vector<1024x64xf32>, vector<64x128xf32>, vector<1024x128xf32> -> vector<1024x128xf32>
    %add3A_164 = arith.addf %add3A_138, %dot_general3A_163 : vector<1024x128xf32>
    %get3A_165 = arith.constant 0 : index
    %get3A_166 = arith.constant 6 : index
    %get3A_167 = arith.constant 0 : index
    %get3A_168 = arith.constant 0 : index
    %get3A_169 = vector.load %arg0[%get3A_165, %get3A_166, %get3A_167, %get3A_168] : memref<2x20x1024x128xf32, #tpu.memory_space<vmem>>, vector<1x1x1024x128xf32>
    %get3A_170 = vector.shape_cast %get3A_169 : vector<1x1x1024x128xf32> to vector<1024x128xf32>
    %get3A_171 = arith.constant 1 : index
    %get3A_172 = arith.constant 6 : index
    %get3A_173 = arith.constant 0 : index
    %get3A_174 = arith.constant 0 : index
    %get3A_175 = vector.load %arg0[%get3A_171, %get3A_172, %get3A_173, %get3A_174] : memref<2x20x1024x128xf32, #tpu.memory_space<vmem>>, vector<1x1x1024x128xf32>
    %get3A_176 = vector.shape_cast %get3A_175 : vector<1x1x1024x128xf32> to vector<1024x128xf32>
    %add3A_177 = arith.addf %get3A_170, %get3A_176 : vector<1024x128xf32>
    %add3A_178 = arith.addf %add3A_152, %add3A_177 : vector<1024x128xf32>
    %dot_general3A_179 = arith.constant dense<0.000000e+00> : vector<1024x64xf32>
    %dot_general3A_180 = tpu.matmul %add3A_177, %get3A_1, %dot_general3A_179 {dimension_numbers = #tpu.dot_dimension_numbers<[1], [0], [0], [1], [0, 0, 1, 1], [], []>, transpose_lhs_hint = false} : vector<1024x128xf32>, vector<128x64xf32>, vector<1024x64xf32> -> vector<1024x64xf32>
    %add3A_181 = vector.broadcast %get3A_4 : vector<1x64xf32> to vector<1024x64xf32>
    %add3A_182 = arith.addf %dot_general3A_180, %add3A_181 : vector<1024x64xf32>
    %get3A_183 = arith.constant 6 : index
    %get3A_184 = arith.constant 0 : index
    %get3A_185 = arith.constant 0 : index
    %get3A_186 = vector.load %arg3[%get3A_183, %get3A_184, %get3A_185] : memref<21x64x128xf32, #tpu.memory_space<vmem>>, vector<1x64x128xf32>
    %get3A_187 = vector.shape_cast %get3A_186 : vector<1x64x128xf32> to vector<64x128xf32>
    %dot_general3A_188 = arith.constant dense<0.000000e+00> : vector<1024x128xf32>
    %dot_general3A_189 = tpu.matmul %add3A_182, %get3A_187, %dot_general3A_188 {dimension_numbers = #tpu.dot_dimension_numbers<[1], [0], [0], [1], [0, 0, 1, 1], [], []>, transpose_lhs_hint = false} : vector<1024x64xf32>, vector<64x128xf32>, vector<1024x128xf32> -> vector<1024x128xf32>
    %add3A_190 = arith.addf %add3A_164, %dot_general3A_189 : vector<1024x128xf32>
    %get3A_191 = arith.constant 0 : index
    %get3A_192 = arith.constant 7 : index
    %get3A_193 = arith.constant 0 : index
    %get3A_194 = arith.constant 0 : index
    %get3A_195 = vector.load %arg0[%get3A_191, %get3A_192, %get3A_193, %get3A_194] : memref<2x20x1024x128xf32, #tpu.memory_space<vmem>>, vector<1x1x1024x128xf32>
    %get3A_196 = vector.shape_cast %get3A_195 : vector<1x1x1024x128xf32> to vector<1024x128xf32>
    %get3A_197 = arith.constant 1 : index
    %get3A_198 = arith.constant 7 : index
    %get3A_199 = arith.constant 0 : index
    %get3A_200 = arith.constant 0 : index
    %get3A_201 = vector.load %arg0[%get3A_197, %get3A_198, %get3A_199, %get3A_200] : memref<2x20x1024x128xf32, #tpu.memory_space<vmem>>, vector<1x1x1024x128xf32>
    %get3A_202 = vector.shape_cast %get3A_201 : vector<1x1x1024x128xf32> to vector<1024x128xf32>
    %add3A_203 = arith.addf %get3A_196, %get3A_202 : vector<1024x128xf32>
    %add3A_204 = arith.addf %add3A_178, %add3A_203 : vector<1024x128xf32>
    %dot_general3A_205 = arith.constant dense<0.000000e+00> : vector<1024x64xf32>
    %dot_general3A_206 = tpu.matmul %add3A_203, %get3A_1, %dot_general3A_205 {dimension_numbers = #tpu.dot_dimension_numbers<[1], [0], [0], [1], [0, 0, 1, 1], [], []>, transpose_lhs_hint = false} : vector<1024x128xf32>, vector<128x64xf32>, vector<1024x64xf32> -> vector<1024x64xf32>
    %add3A_207 = vector.broadcast %get3A_4 : vector<1x64xf32> to vector<1024x64xf32>
    %add3A_208 = arith.addf %dot_general3A_206, %add3A_207 : vector<1024x64xf32>
    %get3A_209 = arith.constant 7 : index
    %get3A_210 = arith.constant 0 : index
    %get3A_211 = arith.constant 0 : index
    %get3A_212 = vector.load %arg3[%get3A_209, %get3A_210, %get3A_211] : memref<21x64x128xf32, #tpu.memory_space<vmem>>, vector<1x64x128xf32>
    %get3A_213 = vector.shape_cast %get3A_212 : vector<1x64x128xf32> to vector<64x128xf32>
    %dot_general3A_214 = arith.constant dense<0.000000e+00> : vector<1024x128xf32>
    %dot_general3A_215 = tpu.matmul %add3A_208, %get3A_213, %dot_general3A_214 {dimension_numbers = #tpu.dot_dimension_numbers<[1], [0], [0], [1], [0, 0, 1, 1], [], []>, transpose_lhs_hint = false} : vector<1024x64xf32>, vector<64x128xf32>, vector<1024x128xf32> -> vector<1024x128xf32>
    %add3A_216 = arith.addf %add3A_190, %dot_general3A_215 : vector<1024x128xf32>
    %get3A_217 = arith.constant 0 : index
    %get3A_218 = arith.constant 8 : index
    %get3A_219 = arith.constant 0 : index
    %get3A_220 = arith.constant 0 : index
    %get3A_221 = vector.load %arg0[%get3A_217, %get3A_218, %get3A_219, %get3A_220] : memref<2x20x1024x128xf32, #tpu.memory_space<vmem>>, vector<1x1x1024x128xf32>
    %get3A_222 = vector.shape_cast %get3A_221 : vector<1x1x1024x128xf32> to vector<1024x128xf32>
    %get3A_223 = arith.constant 1 : index
    %get3A_224 = arith.constant 8 : index
    %get3A_225 = arith.constant 0 : index
    %get3A_226 = arith.constant 0 : index
    %get3A_227 = vector.load %arg0[%get3A_223, %get3A_224, %get3A_225, %get3A_226] : memref<2x20x1024x128xf32, #tpu.memory_space<vmem>>, vector<1x1x1024x128xf32>
    %get3A_228 = vector.shape_cast %get3A_227 : vector<1x1x1024x128xf32> to vector<1024x128xf32>
    %add3A_229 = arith.addf %get3A_222, %get3A_228 : vector<1024x128xf32>
    %add3A_230 = arith.addf %add3A_204, %add3A_229 : vector<1024x128xf32>
    %dot_general3A_231 = arith.constant dense<0.000000e+00> : vector<1024x64xf32>
    %dot_general3A_232 = tpu.matmul %add3A_229, %get3A_1, %dot_general3A_231 {dimension_numbers = #tpu.dot_dimension_numbers<[1], [0], [0], [1], [0, 0, 1, 1], [], []>, transpose_lhs_hint = false} : vector<1024x128xf32>, vector<128x64xf32>, vector<1024x64xf32> -> vector<1024x64xf32>
    %add3A_233 = vector.broadcast %get3A_4 : vector<1x64xf32> to vector<1024x64xf32>
    %add3A_234 = arith.addf %dot_general3A_232, %add3A_233 : vector<1024x64xf32>
    %get3A_235 = arith.constant 8 : index
    %get3A_236 = arith.constant 0 : index
    %get3A_237 = arith.constant 0 : index
    %get3A_238 = vector.load %arg3[%get3A_235, %get3A_236, %get3A_237] : memref<21x64x128xf32, #tpu.memory_space<vmem>>, vector<1x64x128xf32>
    %get3A_239 = vector.shape_cast %get3A_238 : vector<1x64x128xf32> to vector<64x128xf32>
    %dot_general3A_240 = arith.constant dense<0.000000e+00> : vector<1024x128xf32>
    %dot_general3A_241 = tpu.matmul %add3A_234, %get3A_239, %dot_general3A_240 {dimension_numbers = #tpu.dot_dimension_numbers<[1], [0], [0], [1], [0, 0, 1, 1], [], []>, transpose_lhs_hint = false} : vector<1024x64xf32>, vector<64x128xf32>, vector<1024x128xf32> -> vector<1024x128xf32>
    %add3A_242 = arith.addf %add3A_216, %dot_general3A_241 : vector<1024x128xf32>
    %get3A_243 = arith.constant 0 : index
    %get3A_244 = arith.constant 9 : index
    %get3A_245 = arith.constant 0 : index
    %get3A_246 = arith.constant 0 : index
    %get3A_247 = vector.load %arg0[%get3A_243, %get3A_244, %get3A_245, %get3A_246] : memref<2x20x1024x128xf32, #tpu.memory_space<vmem>>, vector<1x1x1024x128xf32>
    %get3A_248 = vector.shape_cast %get3A_247 : vector<1x1x1024x128xf32> to vector<1024x128xf32>
    %get3A_249 = arith.constant 1 : index
    %get3A_250 = arith.constant 9 : index
    %get3A_251 = arith.constant 0 : index
    %get3A_252 = arith.constant 0 : index
    %get3A_253 = vector.load %arg0[%get3A_249, %get3A_250, %get3A_251, %get3A_252] : memref<2x20x1024x128xf32, #tpu.memory_space<vmem>>, vector<1x1x1024x128xf32>
    %get3A_254 = vector.shape_cast %get3A_253 : vector<1x1x1024x128xf32> to vector<1024x128xf32>
    %add3A_255 = arith.addf %get3A_248, %get3A_254 : vector<1024x128xf32>
    %add3A_256 = arith.addf %add3A_230, %add3A_255 : vector<1024x128xf32>
    %dot_general3A_257 = arith.constant dense<0.000000e+00> : vector<1024x64xf32>
    %dot_general3A_258 = tpu.matmul %add3A_255, %get3A_1, %dot_general3A_257 {dimension_numbers = #tpu.dot_dimension_numbers<[1], [0], [0], [1], [0, 0, 1, 1], [], []>, transpose_lhs_hint = false} : vector<1024x128xf32>, vector<128x64xf32>, vector<1024x64xf32> -> vector<1024x64xf32>
    %add3A_259 = vector.broadcast %get3A_4 : vector<1x64xf32> to vector<1024x64xf32>
    %add3A_260 = arith.addf %dot_general3A_258, %add3A_259 : vector<1024x64xf32>
    %get3A_261 = arith.constant 9 : index
    %get3A_262 = arith.constant 0 : index
    %get3A_263 = arith.constant 0 : index
    %get3A_264 = vector.load %arg3[%get3A_261, %get3A_262, %get3A_263] : memref<21x64x128xf32, #tpu.memory_space<vmem>>, vector<1x64x128xf32>
    %get3A_265 = vector.shape_cast %get3A_264 : vector<1x64x128xf32> to vector<64x128xf32>
    %dot_general3A_266 = arith.constant dense<0.000000e+00> : vector<1024x128xf32>
    %dot_general3A_267 = tpu.matmul %add3A_260, %get3A_265, %dot_general3A_266 {dimension_numbers = #tpu.dot_dimension_numbers<[1], [0], [0], [1], [0, 0, 1, 1], [], []>, transpose_lhs_hint = false} : vector<1024x64xf32>, vector<64x128xf32>, vector<1024x128xf32> -> vector<1024x128xf32>
    %add3A_268 = arith.addf %add3A_242, %dot_general3A_267 : vector<1024x128xf32>
    %get3A_269 = arith.constant 0 : index
    %get3A_270 = arith.constant 10 : index
    %get3A_271 = arith.constant 0 : index
    %get3A_272 = arith.constant 0 : index
    %get3A_273 = vector.load %arg0[%get3A_269, %get3A_270, %get3A_271, %get3A_272] : memref<2x20x1024x128xf32, #tpu.memory_space<vmem>>, vector<1x1x1024x128xf32>
    %get3A_274 = vector.shape_cast %get3A_273 : vector<1x1x1024x128xf32> to vector<1024x128xf32>
    %get3A_275 = arith.constant 1 : index
    %get3A_276 = arith.constant 10 : index
    %get3A_277 = arith.constant 0 : index
    %get3A_278 = arith.constant 0 : index
    %get3A_279 = vector.load %arg0[%get3A_275, %get3A_276, %get3A_277, %get3A_278] : memref<2x20x1024x128xf32, #tpu.memory_space<vmem>>, vector<1x1x1024x128xf32>
    %get3A_280 = vector.shape_cast %get3A_279 : vector<1x1x1024x128xf32> to vector<1024x128xf32>
    %add3A_281 = arith.addf %get3A_274, %get3A_280 : vector<1024x128xf32>
    %add3A_282 = arith.addf %add3A_256, %add3A_281 : vector<1024x128xf32>
    %dot_general3A_283 = arith.constant dense<0.000000e+00> : vector<1024x64xf32>
    %dot_general3A_284 = tpu.matmul %add3A_281, %get3A_1, %dot_general3A_283 {dimension_numbers = #tpu.dot_dimension_numbers<[1], [0], [0], [1], [0, 0, 1, 1], [], []>, transpose_lhs_hint = false} : vector<1024x128xf32>, vector<128x64xf32>, vector<1024x64xf32> -> vector<1024x64xf32>
    %add3A_285 = vector.broadcast %get3A_4 : vector<1x64xf32> to vector<1024x64xf32>
    %add3A_286 = arith.addf %dot_general3A_284, %add3A_285 : vector<1024x64xf32>
    %get3A_287 = arith.constant 10 : index
    %get3A_288 = arith.constant 0 : index
    %get3A_289 = arith.constant 0 : index
    %get3A_290 = vector.load %arg3[%get3A_287, %get3A_288, %get3A_289] : memref<21x64x128xf32, #tpu.memory_space<vmem>>, vector<1x64x128xf32>
    %get3A_291 = vector.shape_cast %get3A_290 : vector<1x64x128xf32> to vector<64x128xf32>
    %dot_general3A_292 = arith.constant dense<0.000000e+00> : vector<1024x128xf32>
    %dot_general3A_293 = tpu.matmul %add3A_286, %get3A_291, %dot_general3A_292 {dimension_numbers = #tpu.dot_dimension_numbers<[1], [0], [0], [1], [0, 0, 1, 1], [], []>, transpose_lhs_hint = false} : vector<1024x64xf32>, vector<64x128xf32>, vector<1024x128xf32> -> vector<1024x128xf32>
    %add3A_294 = arith.addf %add3A_268, %dot_general3A_293 : vector<1024x128xf32>
    %get3A_295 = arith.constant 0 : index
    %get3A_296 = arith.constant 11 : index
    %get3A_297 = arith.constant 0 : index
    %get3A_298 = arith.constant 0 : index
    %get3A_299 = vector.load %arg0[%get3A_295, %get3A_296, %get3A_297, %get3A_298] : memref<2x20x1024x128xf32, #tpu.memory_space<vmem>>, vector<1x1x1024x128xf32>
    %get3A_300 = vector.shape_cast %get3A_299 : vector<1x1x1024x128xf32> to vector<1024x128xf32>
    %get3A_301 = arith.constant 1 : index
    %get3A_302 = arith.constant 11 : index
    %get3A_303 = arith.constant 0 : index
    %get3A_304 = arith.constant 0 : index
    %get3A_305 = vector.load %arg0[%get3A_301, %get3A_302, %get3A_303, %get3A_304] : memref<2x20x1024x128xf32, #tpu.memory_space<vmem>>, vector<1x1x1024x128xf32>
    %get3A_306 = vector.shape_cast %get3A_305 : vector<1x1x1024x128xf32> to vector<1024x128xf32>
    %add3A_307 = arith.addf %get3A_300, %get3A_306 : vector<1024x128xf32>
    %add3A_308 = arith.addf %add3A_282, %add3A_307 : vector<1024x128xf32>
    %dot_general3A_309 = arith.constant dense<0.000000e+00> : vector<1024x64xf32>
    %dot_general3A_310 = tpu.matmul %add3A_307, %get3A_1, %dot_general3A_309 {dimension_numbers = #tpu.dot_dimension_numbers<[1], [0], [0], [1], [0, 0, 1, 1], [], []>, transpose_lhs_hint = false} : vector<1024x128xf32>, vector<128x64xf32>, vector<1024x64xf32> -> vector<1024x64xf32>
    %add3A_311 = vector.broadcast %get3A_4 : vector<1x64xf32> to vector<1024x64xf32>
    %add3A_312 = arith.addf %dot_general3A_310, %add3A_311 : vector<1024x64xf32>
    %get3A_313 = arith.constant 11 : index
    %get3A_314 = arith.constant 0 : index
    %get3A_315 = arith.constant 0 : index
    %get3A_316 = vector.load %arg3[%get3A_313, %get3A_314, %get3A_315] : memref<21x64x128xf32, #tpu.memory_space<vmem>>, vector<1x64x128xf32>
    %get3A_317 = vector.shape_cast %get3A_316 : vector<1x64x128xf32> to vector<64x128xf32>
    %dot_general3A_318 = arith.constant dense<0.000000e+00> : vector<1024x128xf32>
    %dot_general3A_319 = tpu.matmul %add3A_312, %get3A_317, %dot_general3A_318 {dimension_numbers = #tpu.dot_dimension_numbers<[1], [0], [0], [1], [0, 0, 1, 1], [], []>, transpose_lhs_hint = false} : vector<1024x64xf32>, vector<64x128xf32>, vector<1024x128xf32> -> vector<1024x128xf32>
    %add3A_320 = arith.addf %add3A_294, %dot_general3A_319 : vector<1024x128xf32>
    %get3A_321 = arith.constant 0 : index
    %get3A_322 = arith.constant 12 : index
    %get3A_323 = arith.constant 0 : index
    %get3A_324 = arith.constant 0 : index
    %get3A_325 = vector.load %arg0[%get3A_321, %get3A_322, %get3A_323, %get3A_324] : memref<2x20x1024x128xf32, #tpu.memory_space<vmem>>, vector<1x1x1024x128xf32>
    %get3A_326 = vector.shape_cast %get3A_325 : vector<1x1x1024x128xf32> to vector<1024x128xf32>
    %get3A_327 = arith.constant 1 : index
    %get3A_328 = arith.constant 12 : index
    %get3A_329 = arith.constant 0 : index
    %get3A_330 = arith.constant 0 : index
    %get3A_331 = vector.load %arg0[%get3A_327, %get3A_328, %get3A_329, %get3A_330] : memref<2x20x1024x128xf32, #tpu.memory_space<vmem>>, vector<1x1x1024x128xf32>
    %get3A_332 = vector.shape_cast %get3A_331 : vector<1x1x1024x128xf32> to vector<1024x128xf32>
    %add3A_333 = arith.addf %get3A_326, %get3A_332 : vector<1024x128xf32>
    %add3A_334 = arith.addf %add3A_308, %add3A_333 : vector<1024x128xf32>
    %dot_general3A_335 = arith.constant dense<0.000000e+00> : vector<1024x64xf32>
    %dot_general3A_336 = tpu.matmul %add3A_333, %get3A_1, %dot_general3A_335 {dimension_numbers = #tpu.dot_dimension_numbers<[1], [0], [0], [1], [0, 0, 1, 1], [], []>, transpose_lhs_hint = false} : vector<1024x128xf32>, vector<128x64xf32>, vector<1024x64xf32> -> vector<1024x64xf32>
    %add3A_337 = vector.broadcast %get3A_4 : vector<1x64xf32> to vector<1024x64xf32>
    %add3A_338 = arith.addf %dot_general3A_336, %add3A_337 : vector<1024x64xf32>
    %get3A_339 = arith.constant 12 : index
    %get3A_340 = arith.constant 0 : index
    %get3A_341 = arith.constant 0 : index
    %get3A_342 = vector.load %arg3[%get3A_339, %get3A_340, %get3A_341] : memref<21x64x128xf32, #tpu.memory_space<vmem>>, vector<1x64x128xf32>
    %get3A_343 = vector.shape_cast %get3A_342 : vector<1x64x128xf32> to vector<64x128xf32>
    %dot_general3A_344 = arith.constant dense<0.000000e+00> : vector<1024x128xf32>
    %dot_general3A_345 = tpu.matmul %add3A_338, %get3A_343, %dot_general3A_344 {dimension_numbers = #tpu.dot_dimension_numbers<[1], [0], [0], [1], [0, 0, 1, 1], [], []>, transpose_lhs_hint = false} : vector<1024x64xf32>, vector<64x128xf32>, vector<1024x128xf32> -> vector<1024x128xf32>
    %add3A_346 = arith.addf %add3A_320, %dot_general3A_345 : vector<1024x128xf32>
    %get3A_347 = arith.constant 0 : index
    %get3A_348 = arith.constant 13 : index
    %get3A_349 = arith.constant 0 : index
    %get3A_350 = arith.constant 0 : index
    %get3A_351 = vector.load %arg0[%get3A_347, %get3A_348, %get3A_349, %get3A_350] : memref<2x20x1024x128xf32, #tpu.memory_space<vmem>>, vector<1x1x1024x128xf32>
    %get3A_352 = vector.shape_cast %get3A_351 : vector<1x1x1024x128xf32> to vector<1024x128xf32>
    %get3A_353 = arith.constant 1 : index
    %get3A_354 = arith.constant 13 : index
    %get3A_355 = arith.constant 0 : index
    %get3A_356 = arith.constant 0 : index
    %get3A_357 = vector.load %arg0[%get3A_353, %get3A_354, %get3A_355, %get3A_356] : memref<2x20x1024x128xf32, #tpu.memory_space<vmem>>, vector<1x1x1024x128xf32>
    %get3A_358 = vector.shape_cast %get3A_357 : vector<1x1x1024x128xf32> to vector<1024x128xf32>
    %add3A_359 = arith.addf %get3A_352, %get3A_358 : vector<1024x128xf32>
    %add3A_360 = arith.addf %add3A_334, %add3A_359 : vector<1024x128xf32>
    %dot_general3A_361 = arith.constant dense<0.000000e+00> : vector<1024x64xf32>
    %dot_general3A_362 = tpu.matmul %add3A_359, %get3A_1, %dot_general3A_361 {dimension_numbers = #tpu.dot_dimension_numbers<[1], [0], [0], [1], [0, 0, 1, 1], [], []>, transpose_lhs_hint = false} : vector<1024x128xf32>, vector<128x64xf32>, vector<1024x64xf32> -> vector<1024x64xf32>
    %add3A_363 = vector.broadcast %get3A_4 : vector<1x64xf32> to vector<1024x64xf32>
    %add3A_364 = arith.addf %dot_general3A_362, %add3A_363 : vector<1024x64xf32>
    %get3A_365 = arith.constant 13 : index
    %get3A_366 = arith.constant 0 : index
    %get3A_367 = arith.constant 0 : index
    %get3A_368 = vector.load %arg3[%get3A_365, %get3A_366, %get3A_367] : memref<21x64x128xf32, #tpu.memory_space<vmem>>, vector<1x64x128xf32>
    %get3A_369 = vector.shape_cast %get3A_368 : vector<1x64x128xf32> to vector<64x128xf32>
    %dot_general3A_370 = arith.constant dense<0.000000e+00> : vector<1024x128xf32>
    %dot_general3A_371 = tpu.matmul %add3A_364, %get3A_369, %dot_general3A_370 {dimension_numbers = #tpu.dot_dimension_numbers<[1], [0], [0], [1], [0, 0, 1, 1], [], []>, transpose_lhs_hint = false} : vector<1024x64xf32>, vector<64x128xf32>, vector<1024x128xf32> -> vector<1024x128xf32>
    %add3A_372 = arith.addf %add3A_346, %dot_general3A_371 : vector<1024x128xf32>
    %get3A_373 = arith.constant 0 : index
    %get3A_374 = arith.constant 14 : index
    %get3A_375 = arith.constant 0 : index
    %get3A_376 = arith.constant 0 : index
    %get3A_377 = vector.load %arg0[%get3A_373, %get3A_374, %get3A_375, %get3A_376] : memref<2x20x1024x128xf32, #tpu.memory_space<vmem>>, vector<1x1x1024x128xf32>
    %get3A_378 = vector.shape_cast %get3A_377 : vector<1x1x1024x128xf32> to vector<1024x128xf32>
    %get3A_379 = arith.constant 1 : index
    %get3A_380 = arith.constant 14 : index
    %get3A_381 = arith.constant 0 : index
    %get3A_382 = arith.constant 0 : index
    %get3A_383 = vector.load %arg0[%get3A_379, %get3A_380, %get3A_381, %get3A_382] : memref<2x20x1024x128xf32, #tpu.memory_space<vmem>>, vector<1x1x1024x128xf32>
    %get3A_384 = vector.shape_cast %get3A_383 : vector<1x1x1024x128xf32> to vector<1024x128xf32>
    %add3A_385 = arith.addf %get3A_378, %get3A_384 : vector<1024x128xf32>
    %add3A_386 = arith.addf %add3A_360, %add3A_385 : vector<1024x128xf32>
    %dot_general3A_387 = arith.constant dense<0.000000e+00> : vector<1024x64xf32>
    %dot_general3A_388 = tpu.matmul %add3A_385, %get3A_1, %dot_general3A_387 {dimension_numbers = #tpu.dot_dimension_numbers<[1], [0], [0], [1], [0, 0, 1, 1], [], []>, transpose_lhs_hint = false} : vector<1024x128xf32>, vector<128x64xf32>, vector<1024x64xf32> -> vector<1024x64xf32>
    %add3A_389 = vector.broadcast %get3A_4 : vector<1x64xf32> to vector<1024x64xf32>
    %add3A_390 = arith.addf %dot_general3A_388, %add3A_389 : vector<1024x64xf32>
    %get3A_391 = arith.constant 14 : index
    %get3A_392 = arith.constant 0 : index
    %get3A_393 = arith.constant 0 : index
    %get3A_394 = vector.load %arg3[%get3A_391, %get3A_392, %get3A_393] : memref<21x64x128xf32, #tpu.memory_space<vmem>>, vector<1x64x128xf32>
    %get3A_395 = vector.shape_cast %get3A_394 : vector<1x64x128xf32> to vector<64x128xf32>
    %dot_general3A_396 = arith.constant dense<0.000000e+00> : vector<1024x128xf32>
    %dot_general3A_397 = tpu.matmul %add3A_390, %get3A_395, %dot_general3A_396 {dimension_numbers = #tpu.dot_dimension_numbers<[1], [0], [0], [1], [0, 0, 1, 1], [], []>, transpose_lhs_hint = false} : vector<1024x64xf32>, vector<64x128xf32>, vector<1024x128xf32> -> vector<1024x128xf32>
    %add3A_398 = arith.addf %add3A_372, %dot_general3A_397 : vector<1024x128xf32>
    %get3A_399 = arith.constant 0 : index
    %get3A_400 = arith.constant 15 : index
    %get3A_401 = arith.constant 0 : index
    %get3A_402 = arith.constant 0 : index
    %get3A_403 = vector.load %arg0[%get3A_399, %get3A_400, %get3A_401, %get3A_402] : memref<2x20x1024x128xf32, #tpu.memory_space<vmem>>, vector<1x1x1024x128xf32>
    %get3A_404 = vector.shape_cast %get3A_403 : vector<1x1x1024x128xf32> to vector<1024x128xf32>
    %get3A_405 = arith.constant 1 : index
    %get3A_406 = arith.constant 15 : index
    %get3A_407 = arith.constant 0 : index
    %get3A_408 = arith.constant 0 : index
    %get3A_409 = vector.load %arg0[%get3A_405, %get3A_406, %get3A_407, %get3A_408] : memref<2x20x1024x128xf32, #tpu.memory_space<vmem>>, vector<1x1x1024x128xf32>
    %get3A_410 = vector.shape_cast %get3A_409 : vector<1x1x1024x128xf32> to vector<1024x128xf32>
    %add3A_411 = arith.addf %get3A_404, %get3A_410 : vector<1024x128xf32>
    %add3A_412 = arith.addf %add3A_386, %add3A_411 : vector<1024x128xf32>
    %dot_general3A_413 = arith.constant dense<0.000000e+00> : vector<1024x64xf32>
    %dot_general3A_414 = tpu.matmul %add3A_411, %get3A_1, %dot_general3A_413 {dimension_numbers = #tpu.dot_dimension_numbers<[1], [0], [0], [1], [0, 0, 1, 1], [], []>, transpose_lhs_hint = false} : vector<1024x128xf32>, vector<128x64xf32>, vector<1024x64xf32> -> vector<1024x64xf32>
    %add3A_415 = vector.broadcast %get3A_4 : vector<1x64xf32> to vector<1024x64xf32>
    %add3A_416 = arith.addf %dot_general3A_414, %add3A_415 : vector<1024x64xf32>
    %get3A_417 = arith.constant 15 : index
    %get3A_418 = arith.constant 0 : index
    %get3A_419 = arith.constant 0 : index
    %get3A_420 = vector.load %arg3[%get3A_417, %get3A_418, %get3A_419] : memref<21x64x128xf32, #tpu.memory_space<vmem>>, vector<1x64x128xf32>
    %get3A_421 = vector.shape_cast %get3A_420 : vector<1x64x128xf32> to vector<64x128xf32>
    %dot_general3A_422 = arith.constant dense<0.000000e+00> : vector<1024x128xf32>
    %dot_general3A_423 = tpu.matmul %add3A_416, %get3A_421, %dot_general3A_422 {dimension_numbers = #tpu.dot_dimension_numbers<[1], [0], [0], [1], [0, 0, 1, 1], [], []>, transpose_lhs_hint = false} : vector<1024x64xf32>, vector<64x128xf32>, vector<1024x128xf32> -> vector<1024x128xf32>
    %add3A_424 = arith.addf %add3A_398, %dot_general3A_423 : vector<1024x128xf32>
    %get3A_425 = arith.constant 0 : index
    %get3A_426 = arith.constant 16 : index
    %get3A_427 = arith.constant 0 : index
    %get3A_428 = arith.constant 0 : index
    %get3A_429 = vector.load %arg0[%get3A_425, %get3A_426, %get3A_427, %get3A_428] : memref<2x20x1024x128xf32, #tpu.memory_space<vmem>>, vector<1x1x1024x128xf32>
    %get3A_430 = vector.shape_cast %get3A_429 : vector<1x1x1024x128xf32> to vector<1024x128xf32>
    %get3A_431 = arith.constant 1 : index
    %get3A_432 = arith.constant 16 : index
    %get3A_433 = arith.constant 0 : index
    %get3A_434 = arith.constant 0 : index
    %get3A_435 = vector.load %arg0[%get3A_431, %get3A_432, %get3A_433, %get3A_434] : memref<2x20x1024x128xf32, #tpu.memory_space<vmem>>, vector<1x1x1024x128xf32>
    %get3A_436 = vector.shape_cast %get3A_435 : vector<1x1x1024x128xf32> to vector<1024x128xf32>
    %add3A_437 = arith.addf %get3A_430, %get3A_436 : vector<1024x128xf32>
    %add3A_438 = arith.addf %add3A_412, %add3A_437 : vector<1024x128xf32>
    %dot_general3A_439 = arith.constant dense<0.000000e+00> : vector<1024x64xf32>
    %dot_general3A_440 = tpu.matmul %add3A_437, %get3A_1, %dot_general3A_439 {dimension_numbers = #tpu.dot_dimension_numbers<[1], [0], [0], [1], [0, 0, 1, 1], [], []>, transpose_lhs_hint = false} : vector<1024x128xf32>, vector<128x64xf32>, vector<1024x64xf32> -> vector<1024x64xf32>
    %add3A_441 = vector.broadcast %get3A_4 : vector<1x64xf32> to vector<1024x64xf32>
    %add3A_442 = arith.addf %dot_general3A_440, %add3A_441 : vector<1024x64xf32>
    %get3A_443 = arith.constant 16 : index
    %get3A_444 = arith.constant 0 : index
    %get3A_445 = arith.constant 0 : index
    %get3A_446 = vector.load %arg3[%get3A_443, %get3A_444, %get3A_445] : memref<21x64x128xf32, #tpu.memory_space<vmem>>, vector<1x64x128xf32>
    %get3A_447 = vector.shape_cast %get3A_446 : vector<1x64x128xf32> to vector<64x128xf32>
    %dot_general3A_448 = arith.constant dense<0.000000e+00> : vector<1024x128xf32>
    %dot_general3A_449 = tpu.matmul %add3A_442, %get3A_447, %dot_general3A_448 {dimension_numbers = #tpu.dot_dimension_numbers<[1], [0], [0], [1], [0, 0, 1, 1], [], []>, transpose_lhs_hint = false} : vector<1024x64xf32>, vector<64x128xf32>, vector<1024x128xf32> -> vector<1024x128xf32>
    %add3A_450 = arith.addf %add3A_424, %dot_general3A_449 : vector<1024x128xf32>
    %get3A_451 = arith.constant 0 : index
    %get3A_452 = arith.constant 17 : index
    %get3A_453 = arith.constant 0 : index
    %get3A_454 = arith.constant 0 : index
    %get3A_455 = vector.load %arg0[%get3A_451, %get3A_452, %get3A_453, %get3A_454] : memref<2x20x1024x128xf32, #tpu.memory_space<vmem>>, vector<1x1x1024x128xf32>
    %get3A_456 = vector.shape_cast %get3A_455 : vector<1x1x1024x128xf32> to vector<1024x128xf32>
    %get3A_457 = arith.constant 1 : index
    %get3A_458 = arith.constant 17 : index
    %get3A_459 = arith.constant 0 : index
    %get3A_460 = arith.constant 0 : index
    %get3A_461 = vector.load %arg0[%get3A_457, %get3A_458, %get3A_459, %get3A_460] : memref<2x20x1024x128xf32, #tpu.memory_space<vmem>>, vector<1x1x1024x128xf32>
    %get3A_462 = vector.shape_cast %get3A_461 : vector<1x1x1024x128xf32> to vector<1024x128xf32>
    %add3A_463 = arith.addf %get3A_456, %get3A_462 : vector<1024x128xf32>
    %add3A_464 = arith.addf %add3A_438, %add3A_463 : vector<1024x128xf32>
    %dot_general3A_465 = arith.constant dense<0.000000e+00> : vector<1024x64xf32>
    %dot_general3A_466 = tpu.matmul %add3A_463, %get3A_1, %dot_general3A_465 {dimension_numbers = #tpu.dot_dimension_numbers<[1], [0], [0], [1], [0, 0, 1, 1], [], []>, transpose_lhs_hint = false} : vector<1024x128xf32>, vector<128x64xf32>, vector<1024x64xf32> -> vector<1024x64xf32>
    %add3A_467 = vector.broadcast %get3A_4 : vector<1x64xf32> to vector<1024x64xf32>
    %add3A_468 = arith.addf %dot_general3A_466, %add3A_467 : vector<1024x64xf32>
    %get3A_469 = arith.constant 17 : index
    %get3A_470 = arith.constant 0 : index
    %get3A_471 = arith.constant 0 : index
    %get3A_472 = vector.load %arg3[%get3A_469, %get3A_470, %get3A_471] : memref<21x64x128xf32, #tpu.memory_space<vmem>>, vector<1x64x128xf32>
    %get3A_473 = vector.shape_cast %get3A_472 : vector<1x64x128xf32> to vector<64x128xf32>
    %dot_general3A_474 = arith.constant dense<0.000000e+00> : vector<1024x128xf32>
    %dot_general3A_475 = tpu.matmul %add3A_468, %get3A_473, %dot_general3A_474 {dimension_numbers = #tpu.dot_dimension_numbers<[1], [0], [0], [1], [0, 0, 1, 1], [], []>, transpose_lhs_hint = false} : vector<1024x64xf32>, vector<64x128xf32>, vector<1024x128xf32> -> vector<1024x128xf32>
    %add3A_476 = arith.addf %add3A_450, %dot_general3A_475 : vector<1024x128xf32>
    %get3A_477 = arith.constant 0 : index
    %get3A_478 = arith.constant 18 : index
    %get3A_479 = arith.constant 0 : index
    %get3A_480 = arith.constant 0 : index
    %get3A_481 = vector.load %arg0[%get3A_477, %get3A_478, %get3A_479, %get3A_480] : memref<2x20x1024x128xf32, #tpu.memory_space<vmem>>, vector<1x1x1024x128xf32>
    %get3A_482 = vector.shape_cast %get3A_481 : vector<1x1x1024x128xf32> to vector<1024x128xf32>
    %get3A_483 = arith.constant 1 : index
    %get3A_484 = arith.constant 18 : index
    %get3A_485 = arith.constant 0 : index
    %get3A_486 = arith.constant 0 : index
    %get3A_487 = vector.load %arg0[%get3A_483, %get3A_484, %get3A_485, %get3A_486] : memref<2x20x1024x128xf32, #tpu.memory_space<vmem>>, vector<1x1x1024x128xf32>
    %get3A_488 = vector.shape_cast %get3A_487 : vector<1x1x1024x128xf32> to vector<1024x128xf32>
    %add3A_489 = arith.addf %get3A_482, %get3A_488 : vector<1024x128xf32>
    %add3A_490 = arith.addf %add3A_464, %add3A_489 : vector<1024x128xf32>
    %dot_general3A_491 = arith.constant dense<0.000000e+00> : vector<1024x64xf32>
    %dot_general3A_492 = tpu.matmul %add3A_489, %get3A_1, %dot_general3A_491 {dimension_numbers = #tpu.dot_dimension_numbers<[1], [0], [0], [1], [0, 0, 1, 1], [], []>, transpose_lhs_hint = false} : vector<1024x128xf32>, vector<128x64xf32>, vector<1024x64xf32> -> vector<1024x64xf32>
    %add3A_493 = vector.broadcast %get3A_4 : vector<1x64xf32> to vector<1024x64xf32>
    %add3A_494 = arith.addf %dot_general3A_492, %add3A_493 : vector<1024x64xf32>
    %get3A_495 = arith.constant 18 : index
    %get3A_496 = arith.constant 0 : index
    %get3A_497 = arith.constant 0 : index
    %get3A_498 = vector.load %arg3[%get3A_495, %get3A_496, %get3A_497] : memref<21x64x128xf32, #tpu.memory_space<vmem>>, vector<1x64x128xf32>
    %get3A_499 = vector.shape_cast %get3A_498 : vector<1x64x128xf32> to vector<64x128xf32>
    %dot_general3A_500 = arith.constant dense<0.000000e+00> : vector<1024x128xf32>
    %dot_general3A_501 = tpu.matmul %add3A_494, %get3A_499, %dot_general3A_500 {dimension_numbers = #tpu.dot_dimension_numbers<[1], [0], [0], [1], [0, 0, 1, 1], [], []>, transpose_lhs_hint = false} : vector<1024x64xf32>, vector<64x128xf32>, vector<1024x128xf32> -> vector<1024x128xf32>
    %add3A_502 = arith.addf %add3A_476, %dot_general3A_501 : vector<1024x128xf32>
    %get3A_503 = arith.constant 0 : index
    %get3A_504 = arith.constant 19 : index
    %get3A_505 = arith.constant 0 : index
    %get3A_506 = arith.constant 0 : index
    %get3A_507 = vector.load %arg0[%get3A_503, %get3A_504, %get3A_505, %get3A_506] : memref<2x20x1024x128xf32, #tpu.memory_space<vmem>>, vector<1x1x1024x128xf32>
    %get3A_508 = vector.shape_cast %get3A_507 : vector<1x1x1024x128xf32> to vector<1024x128xf32>
    %get3A_509 = arith.constant 1 : index
    %get3A_510 = arith.constant 19 : index
    %get3A_511 = arith.constant 0 : index
    %get3A_512 = arith.constant 0 : index
    %get3A_513 = vector.load %arg0[%get3A_509, %get3A_510, %get3A_511, %get3A_512] : memref<2x20x1024x128xf32, #tpu.memory_space<vmem>>, vector<1x1x1024x128xf32>
    %get3A_514 = vector.shape_cast %get3A_513 : vector<1x1x1024x128xf32> to vector<1024x128xf32>
    %add3A_515 = arith.addf %get3A_508, %get3A_514 : vector<1024x128xf32>
    %add3A_516 = arith.addf %add3A_490, %add3A_515 : vector<1024x128xf32>
    %dot_general3A_517 = arith.constant dense<0.000000e+00> : vector<1024x64xf32>
    %dot_general3A_518 = tpu.matmul %add3A_515, %get3A_1, %dot_general3A_517 {dimension_numbers = #tpu.dot_dimension_numbers<[1], [0], [0], [1], [0, 0, 1, 1], [], []>, transpose_lhs_hint = false} : vector<1024x128xf32>, vector<128x64xf32>, vector<1024x64xf32> -> vector<1024x64xf32>
    %add3A_519 = vector.broadcast %get3A_4 : vector<1x64xf32> to vector<1024x64xf32>
    %add3A_520 = arith.addf %dot_general3A_518, %add3A_519 : vector<1024x64xf32>
    %get3A_521 = arith.constant 19 : index
    %get3A_522 = arith.constant 0 : index
    %get3A_523 = arith.constant 0 : index
    %get3A_524 = vector.load %arg3[%get3A_521, %get3A_522, %get3A_523] : memref<21x64x128xf32, #tpu.memory_space<vmem>>, vector<1x64x128xf32>
    %get3A_525 = vector.shape_cast %get3A_524 : vector<1x64x128xf32> to vector<64x128xf32>
    %dot_general3A_526 = arith.constant dense<0.000000e+00> : vector<1024x128xf32>
    %dot_general3A_527 = tpu.matmul %add3A_520, %get3A_525, %dot_general3A_526 {dimension_numbers = #tpu.dot_dimension_numbers<[1], [0], [0], [1], [0, 0, 1, 1], [], []>, transpose_lhs_hint = false} : vector<1024x64xf32>, vector<64x128xf32>, vector<1024x128xf32> -> vector<1024x128xf32>
    %add3A_528 = arith.addf %add3A_502, %dot_general3A_527 : vector<1024x128xf32>
    %dot_general3A_529 = arith.constant dense<0.000000e+00> : vector<1024x64xf32>
    %dot_general3A_530 = tpu.matmul %add3A_516, %get3A_1, %dot_general3A_529 {dimension_numbers = #tpu.dot_dimension_numbers<[1], [0], [0], [1], [0, 0, 1, 1], [], []>, transpose_lhs_hint = false} : vector<1024x128xf32>, vector<128x64xf32>, vector<1024x64xf32> -> vector<1024x64xf32>
    %add3A_531 = vector.broadcast %get3A_4 : vector<1x64xf32> to vector<1024x64xf32>
    %add3A_532 = arith.addf %dot_general3A_530, %add3A_531 : vector<1024x64xf32>
    %get3A_533 = arith.constant 20 : index
    %get3A_534 = arith.constant 0 : index
    %get3A_535 = arith.constant 0 : index
    %get3A_536 = vector.load %arg3[%get3A_533, %get3A_534, %get3A_535] : memref<21x64x128xf32, #tpu.memory_space<vmem>>, vector<1x64x128xf32>
    %get3A_537 = vector.shape_cast %get3A_536 : vector<1x64x128xf32> to vector<64x128xf32>
    %dot_general3A_538 = arith.constant dense<0.000000e+00> : vector<1024x128xf32>
    %dot_general3A_539 = tpu.matmul %add3A_532, %get3A_537, %dot_general3A_538 {dimension_numbers = #tpu.dot_dimension_numbers<[1], [0], [0], [1], [0, 0, 1, 1], [], []>, transpose_lhs_hint = false} : vector<1024x64xf32>, vector<64x128xf32>, vector<1024x128xf32> -> vector<1024x128xf32>
    %add3A_540 = arith.addf %add3A_528, %dot_general3A_539 : vector<1024x128xf32>
    %swap3A = arith.constant 0 : index
    %swap3A_541 = arith.constant 0 : index
    %swap3A_542 = vector.load %arg7[%swap3A, %swap3A_541] : memref<1024x128xf32, #tpu.memory_space<vmem>>, vector<1024x128xf32>
    tpu.vector_store %arg7[%swap3A, %swap3A_541], %add3A_540 {strides = array<i32>} : memref<1024x128xf32, #tpu.memory_space<vmem>>, vector<1024x128xf32>,
    %get3A_543 = arith.constant 0 : index
    %get3A_544 = arith.constant 0 : index
    %get3A_545 = vector.load %arg5[%get3A_543, %get3A_544] : memref<128x10xf32, #tpu.memory_space<vmem>>, vector<128x10xf32>
    %dot_general3A_546 = arith.constant dense<0.000000e+00> : vector<1024x10xf32>
    %dot_general3A_547 = tpu.matmul %add3A_540, %get3A_545, %dot_general3A_546 {dimension_numbers = #tpu.dot_dimension_numbers<[1], [0], [0], [1], [0, 0, 1, 1], [], []>, transpose_lhs_hint = false} : vector<1024x128xf32>, vector<128x10xf32>, vector<1024x10xf32> -> vector<1024x10xf32>
    %get3A_548 = arith.constant 0 : index
    %get3A_549 = arith.constant 0 : index
    %get3A_550 = vector.load %arg6[%get3A_548, %get3A_549] : memref<1x10xf32, #tpu.memory_space<vmem>>, vector<1x10xf32>
    %add3A_551 = vector.broadcast %get3A_550 : vector<1x10xf32> to vector<1024x10xf32>
    %add3A_552 = arith.addf %dot_general3A_547, %add3A_551 : vector<1024x10xf32>
    %argmax3A = tpu.reduce_index %add3A_552 {axis = 1 : i32, kind = #tpu.reduction_kind<arg_max>} : vector<1024x10xf32> -> vector<1024xi32>
    %broadcast_in_dim3A_553 = vector.shape_cast %argmax3A : vector<1024xi32> to vector<1x1024xi32>
    %swap3A_554 = arith.constant 0 : index
    %swap3A_555 = arith.constant 0 : index
    %swap3A_556 = vector.load %arg8[%swap3A_554, %swap3A_555] : memref<1x1024xi32, #tpu.memory_space<vmem>>, vector<1x1024xi32>
    tpu.vector_store %arg8[%swap3A_554, %swap3A_555], %broadcast_in_dim3A_553 {strides = array<i32>} : memref<1x1024xi32, #tpu.memory_space<vmem>>, vector<1x1024xi32>,
    return
  }
}

</mosaic_0001>

<sc_bundles>
// kernel: kernel.10.cloned.1.call-start
scs
__scs_entry_jumppad:
0x0: {  	(pc) =	sbr.rel $0x88, $3  }
0x1: {  	(tag) =	ssettag $0x0;
	lr =	simm.s32 $0x1  }
0x2: {  	[smem:$0x3F90] =	sst lr;
	_ =	strace $0xD0000000  }
0x3: {  	_ = 	snop  }
0x4: {  	_ = 	snop  }
0x5: {  	_ = 	snop  }
0x6: {  	_ = 	snop  }
0x7: {  	_ = 	snop  }
__scs_overlays_trampoline_lowered:
0x8: {  	[smem:$0x3F9F] =	sst s0  }
0x9: {  	[smem:$0x3FA0] =	sst s1  }
0xa: {  	[smem:$0x3FA1] =	sst s2  }
0xb: {  	[smem:$0x3FA2] =	sst s3  }
0xc: {  	[smem:$0x3FA3] =	sst s4  }
0xd: {  	[smem:$0x3FA4] =	sst s5  }
0xe: {  	[smem:$0x3FA5] =	sst s6  }
0xf: {  	[smem:$0x3FA6] =	sst s7  }
0x10: {  	[smem:$0x3FA7] =	sst s8  }
0x11: {  	[smem:$0x3FA8] =	sst s9;
	s0 =	simm.s32 @!p0 $0x0  }
0x12: {  	s1 =	sld [smem:$0x3F8E];
	s0 =	simm.s32 @p0 $0x1  }
0x13: {  	[smem:$0x3FA9] =	sst s0;
	s0 =	simm.s32 @!p1 $0x0  }
0x14: {  	s2 =	sld [smem:$0x3F8D];
	s0 =	simm.s32 @p1 $0x1  }
0x15: {  	[smem:$0x3FAA] =	sst s0;
	s0 =	simm.s32 @!p2 $0x0  }
0x16: {  	s3 =	sld [smem:$0x3FDB];
	s0 =	simm.s32 @p2 $0x1  }
0x17: {  	s4 =	simm.s32 $0x1BF5;
	[smem:$0x3FAC] =	sst s0  }
0x18: {  	s0 =	sld [smem:$0x3F8F];
	_ =	swait.ge [sflag:s4], $0x0  }
0x19: {  	s7 =	sld [smem:$0x3F90]  }
0x1a: {  	s8 =	sadd.s32 $0xFFFFE003, lr  }
0x1b: {  	s9 =	sadd.s32 $0xFFFFFEF7, lr;
	s5 =	simm.s32 $0xFFFFFFFF;
	p2 =	slt.u32 s8, $0xFFFFF086  }
0x1c: {  	p1 =	slt.u32 s9, $0xF7A;
	s5 =	simm.s32 @!p2 $0x0  }
0x1d: {  	s5 =	simm.s32 @p1 $0x1;
	p0 =	seq.s32 s7, s2  }
0x1e: {  	s7 =	smul.u32 @!p0 $0xF7A, s2;
	p2 =	seq.s32 @!p0 s5, $0x0  }
0x1f: {  	s9 =	smul.u32 $0xF7A, s1;
	s8 =	simm.s32 @!p0 $0x1BF5;
	p2 =	por !p2, p0  }
0x20: {  	[sflag:s8] =	ssyncset.s32 @!p0 $0xFFFFF086;
	s6 =	sadd.s32 @!p0 s3, s7;
	s7 =	simm.s32 @!p0 $0x108  }
0x21: {  	s3 =	sadd.s32 s3, s9;
	s6 =	sadd.s32 @!p0 $0x88, s6;
	s7 =	simm.s32 @p2 $0x1082  }
0x22: {  	[simem:s7], [sflag:s8] =	dma.local @!p0 [hbm:s6], $0xF7A  }
0x23: {  	s9 =	sor.u32 $0xD0000000, s2;
	s6 =	simm.s32 $0x108;
	_ =	swait.ge @!p0 [sflag:s8], $0x0  }
0x24: {  	s3 =	sadd.s32 $0x88, s3;
	s6 =	simm.s32 @!p1 $0x1082;
	[sflag:s4] =	ssyncset.s32 $0xFFFFF086  }
0x25: {  	[simem:s6], [sflag:s4] =	dma.local [hbm:s3], $0xF7A  }
0x26: {  	[smem:$0x3F90] =	sst s1;
	(tag) =	ssettag s2;
	_ =	strace s9  }
0x27: {  	s1 =	sld [smem:$0x3FA0]  }
0x28: {  	s2 =	sld [smem:$0x3FA1]  }
0x29: {  	s4 =	sld [smem:$0x3FA3]  }
0x2a: {  	p0 =	seq.s32 s5, $0x0;
	s5 =	sld [smem:$0x3FA4]  }
0x2b: {  	s6 =	sld [smem:$0x3FA5]  }
0x2c: {  	s7 =	sld [smem:$0x3FA6]  }
0x2d: {  	s3 =	simm.s32 $0x108;
	s8 =	sld [smem:$0x3FA7]  }
0x2e: {  	s3 =	simm.s32 @!p0 $0x1082;
	s9 =	sld [smem:$0x3FA8]  }
0x2f: {  	lr =	sadd.s32 s0, s3;
	s0 =	sld [smem:$0x3F9F]  }
0x30: {  	s3 =	sld [smem:$0x3FA2]  }
0x31: {  	[smem:$0x3FAB] =	sst s10  }
0x32: {  	s10 =	sld [smem:$0x3FA9];
	_ =	sdelay $0x3  }
0x33: {  	p0 =	seq.s32 s10, $0x1;
	s10 =	sld [smem:$0x3FAB];
	_ =	sdelay $0x3  }
0x34: {  	[smem:$0x3FAB] =	sst s10  }
0x35: {  	s10 =	sld [smem:$0x3FAA];
	_ =	sdelay $0x3  }
0x36: {  	p1 =	seq.s32 s10, $0x1;
	s10 =	sld [smem:$0x3FAB];
	_ =	sdelay $0x3  }
0x37: {  	[smem:$0x3FAB] =	sst s10  }
0x38: {  	s10 =	sld [smem:$0x3FAC]  }
0x39: {  	_ = 	snop;
	(pc) =	sbr.ind lr, $3  }
0x3a: {  	_ = 	snop  }
0x3b: {  	_ = 	snop  }
0x3c: {  	p2 =	seq.s32 s10, $0x1;
	s10 =	sld [smem:$0x3FAB]  }
0x3d: {  	_ =	shalt  }
0x3e: {  	_ =	shalt  }
0x3f: {  	_ =	shalt  }
0x40: {  	_ =	shalt  }
0x41: {  	_ =	shalt  }
0x42: {  	_ =	shalt  }
0x43: {  	_ =	shalt  }
0x44: {  	_ =	shalt  }
0x45: {  	_ =	shalt  }
0x46: {  	_ =	shalt  }
0x47: {  	_ =	shalt  }
0x48: {  	_ =	shalt  }
0x49: {  	_ =	shalt  }
0x4a: {  	_ =	shalt  }
0x4b: {  	_ =	shalt  }
0x4c: {  	_ =	shalt  }
0x4d: {  	_ =	shalt  }
0x4e: {  	_ =	shalt  }
0x4f: {  	_ =	shalt  }
0x50: {  	_ =	shalt  }
0x51: {  	_ =	shalt  }
0x52: {  	_ =	shalt  }
0x53: {  	_ =	shalt  }
0x54: {  	_ =	shalt  }
0x55: {  	_ =	shalt  }
0x56: {  	_ =	shalt  }
0x57: {  	_ =	shalt  }
0x58: {  	_ =	shalt  }
0x59: {  	_ =	shalt  }
0x5a: {  	_ =	shalt  }
0x5b: {  	_ =	shalt  }
0x5c: {  	_ =	shalt  }
0x5d: {  	_ =	shalt  }
0x5e: {  	_ =	shalt  }
0x5f: {  	_ =	shalt  }
0x60: {  	_ =	shalt  }
0x61: {  	_ =	shalt  }
0x62: {  	_ =	shalt  }
0x63: {  	_ =	shalt  }
0x64: {  	_ =	shalt  }
0x65: {  	_ =	shalt  }
0x66: {  	_ =	shalt  }
0x67: {  	_ =	shalt  }
0x68: {  	_ =	shalt  }
0x69: {  	_ =	shalt  }
0x6a: {  	_ =	shalt  }
0x6b: {  	_ =	shalt  }
0x6c: {  	_ =	shalt  }
0x6d: {  	_ =	shalt  }
0x6e: {  	_ =	shalt  }
0x6f: {  	_ =	shalt  }
0x70: {  	_ =	shalt  }
0x71: {  	_ =	shalt  }
0x72: {  	_ =	shalt  }
0x73: {  	_ =	shalt  }
0x74: {  	_ =	shalt  }
0x75: {  	_ =	shalt  }
0x76: {  	_ =	shalt  }
0x77: {  	_ =	shalt  }
0x78: {  	_ =	shalt  }
0x79: {  	_ =	shalt  }
0x7a: {  	_ =	shalt  }
0x7b: {  	_ =	shalt  }
0x7c: {  	_ =	shalt  }
0x7d: {  	_ =	shalt  }
0x7e: {  	_ =	shalt  }
0x7f: {  	_ =	shalt  }
0x80: {  	_ =	shalt  }
0x81: {  	_ =	shalt  }
0x82: {  	_ =	shalt  }
0x83: {  	_ =	shalt  }
0x84: {  	_ =	shalt  }
0x85: {  	_ =	shalt  }
0x86: {  	_ =	shalt  }
0x87: {  	_ =	shalt  }
.Lfunc_end0:
.L_simem_size_0:
called_computation.1_lowered:
.L_overlay_start_0:
0x88: {  	s2 =	sld [smem:$0x3FD9]  }
0x89: {  	s3 =	sld [smem:$0x3FFE];
	_ =	sdelay $0x1  }
0x8a: {  	s1 =	srdreg.scid  }
0x8b: {  	s0 =	sand.u32 $0x1, s1  }
0x8c: {  	s14 =	sshll.u32 s0, $0xA;
	s2 =	sadd.s32 s3, s2  }
0x8d: {  	s2 =	sadd.s32 s2, s14  }
0x8e: {  	[smem:$0x3FB7] =	sst s2  }
0x8f: {  	_ = 	snop  }
0x90: {  	s2 =	sld [smem:$0x3FD0];
	_ =	sdelay $0x2  }
0x91: {  	s15 =	simm.s32 $0xA;
	s4 =	simm.s32 $0x10  }
0x92: {  	[smem:s4], [sflag:s15] =	dma.local [hbm:s2], $0x1  }
0x93: {  	_ =	swait.eq [sflag:s15], $0x1  }
0x94: {  	[sflag:s15] =	ssyncset.done $0x0  }
0x95: {  	[sflag:s15] =	ssyncadd.s32 $0xFFFFFFFF  }
0x96: {  	s16 =	sld [smem:$0x11];
	(tm) =	ssettm $0x1  }
0x97: {  	s17 =	sld [smem:$0x3FFB];
	_ =	sdelay $0x3  }
0x98: {  	_ =	strace s17  }
0x99: {  	s3 =	sld [smem:$0x3FFC];
	_ =	sdelay $0x3  }
0x9a: {  	_ =	strace s3  }
0x9b: {  	s3 =	sld [smem:$0x3FFD];
	_ =	sdelay $0x3  }
0x9c: {  	_ =	strace s3  }
0x9d: {  	_ =	strace $0x8FFFFFFF  }
0x9e: {  	s18 =	sld [smem:$0x3FDB];
	_ =	sdelay $0x1  }
0x9f: {  	s19 =	simm.s32 $_scs_section_size  }
0xa0: {  	s5 =	simm.s32 $_size__tile_overlayer_lowered;
	s6 =	simm.s32 $_tile_overlayer_lowered  }
0xa1: {  	s22 =	simm.s32 $0x1BFF;
	s21 =	sshll.u32 s6, $0x1;
	s3 =	sadd.s32 s19, s18  }
0xa2: {  	s7 =	simm.s32 $0x0;
	s20 =	sshll.u32 s5, $0x1;
	s5 =	sadd.s32 s21, s3  }
0xa3: {  	[timem:s7], [sflag:s22] =	dma.local [hbm:s5], s20  }
0xa4: {  	_ =	swait.ge [sflag:s22], s20  }
0xa5: {  	s4 =	ssub.s32 $0x0, s20;
	[sflag:s22] =	ssyncset.done $0x0  }
0xa6: {  	[sflag:s22] =	ssyncadd.s32 s4;
	_ =	sdelay $0x1  }
0xa7: {  	s23 =	simm.s32 $0x1B8B  }
0xa8: {  	_ =	swait.ge [sflag:s23], $0x1  }
0xa9: {  	[sflag:s23] =	ssyncset.done $0x0  }
0xaa: {  	s25 =	simm.s32 $0x1B8E;
	s24 =	sld [smem:$0x3FFE];
	[sflag:s23] =	ssyncadd.s32 $0xFFFFFFFF  }
0xab: {  	s26 =	simm.s32 $execute0_lowered;
	[smem:$0x3FD2] =	sst s25  }
0xac: {  	s5 =	sshll.u32 s26, $0x1;
	_ =	strace $0x80000049;
	[dreg:$0x1] =	wrdreg $0xFFFFFFFF  }
0xad: {  	s28 =	simm.s32 $_size_execute0_lowered;
	s3 =	sadd.s32 s3, s5;
	[dreg:$0x0] =	wrdreg $0x0  }
0xae: {  	s5 =	sshll.u32 s28, $0x1;
	[dreg:$0x2] =	wrdreg s3  }
0xaf: {  	[dreg:$0x3] =	wrdreg s5  }
0xb0: {  	[dreg:$0x4] =	wrdreg $0xC0  }
0xb1: {  	_ =	task [dreg:s7], $0x5FFFF  }
0xb2: {  	[dreg:$0x1] =	wrdreg $0xFFFFFFFF  }
0xb3: {  	[dreg:$0x0] =	wrdreg $0x60  }
0xb4: {  	[dreg:$0x2] =	wrdreg s24  }
0xb5: {  	[dreg:$0x3] =	wrdreg s16  }
0xb6: {  	[dreg:$0x4] =	wrdreg $0xBC000  }
0xb7: {  	[dreg:$0x5] =	wrdreg $0x9  }
0xb8: {  	_ =	task.clear_ibuf [dreg:s7], $0x6FFFF;
	_ =	strace $0x90000049  }
0xb9: {  	s29 =	simm.s32 $0x9;
	_ =	strace $0x8000004B  }
0xba: {  	_ =	swait.ge [sflag:s29], $0x1  }
0xbb: {  	[sflag:s29] =	ssyncadd.s32 $0xFFFFFFFF  }
0xbc: {  	_ =	strace $0x9000004B  }
0xbd: {  	_ =	sfence  }
0xbe: {  	s30 =	sld [smem:$0x0];
	_ =	sdelay $0x2  }
0xbf: {  	s31 =	sshll.u32 s1, $0xD;
	s1 =	sshrl.u32 s1, $0x2  }
0xc0: {  	s3 =	sand.u32 $0x4000, s31;
	s1 =	sadd.s32 s1, s30  }
0xc1: {  	s0 =	sor.u32 s3, s0;
	s1 =	sshll.u32 s1, $0x11  }
0xc2: {  	s0 =	sor.u32 s1, s0  }
0xc3: {  	s0 =	sadd.s32 $0x8F2B, s0  }
0xc4: {  	[sflag:s0] =	ssyncadd.remote.s32 $0x1  }
0xc5: {  	_ =	sfence.sel $0xFFFF  }
0xc6: {  	[dreg:$0x0] =	wrdreg $0xFFFFFFFF;
	(pc) =	sbr.abs _section_cstart, $3  }
0xc7: {  	[dreg:$0x1] =	wrdreg $0xFFFFFFFF  }
0xc8: {  	_ =	task.clear_ibuf [dreg:s7], $0x2FFFF;
	_ =	strace $0x9FFFFFFF  }
0xc9: {  	(tm) =	ssettm $0x7FFFFFFF  }
tec
execute0_lowered:
.L_overlay_start_1:
0x0: {  	(tag) =	ssettag $0x1  }
0x1: {  	s1 =	rddreg [dreg:$0x0]  }
0x2: {  	s0 =	srdreg.scid;
	s6 =	rddreg [dreg:$0x1]  }
0x3: {  	s14 =	stileid.u32;
	s2 =	rddreg [dreg:$0x2];
	s30 =	simm.s32 $0x3C00  }
0x4: {  	s31 =	simm.s32 $0x1;
	s0 =	sand.u32 $0x1, s0;
	s8 =	smul.u32 $0x28000, s14  }
0x5: {  	s9 =	sadd.s32 $0xD000, s1;
	s25 =	smul.u32 $0x4E000, s14;
	s26 =	sadd.s32 $0x17000, s1  }
0x6: {  	s13 =	smul.u32 $0xA0, s14;
	p0 =	sne.s32 s14, $0xF;
	s3 =	sshll.u32 s0, $0x4  }
0x7: {  	s7 =	smul.u32 $0x280000, s0;
	s0 =	ssub.s32 $0x2, s0;
	s4 =	sor.u32 s14, s3  }
0x8: {  	s3 =	simm.s32 $0x0;
	s12 =	sshrl.u32 s0, $0x1;
	s6 =	sadd.s32 s6, s13  }
0x9: {  	s5 =	smul.u32 $0x2800, s4;
	[smem:$0x7FF] =	sst s3;
	s4 =	sadd.s32 $0x21000, s1  }
0xa: {  	s24 =	sadd.s32 s8, s7;
	s7 =	sshrl.u32 s25, $0x2;
	s0 =	ssub.s32 s0, s12  }
0xb: {  	_ =	strace $0x8000004A;
	[dreg:$0x6] =	wrdreg s6;
	s0 =	smax.u32 s0, $0x1  }
0xc: {  	s10 =	sshrl.u32 s5, $0x3;
	s5 =	sshrl.u32 s24, $0x3;
	[dreg:$0xd] =	wrdreg s0  }
0xd: {  	s11 =	sadd.s32 s10, s1;
	s1 =	sadd.s32 s5, s1;
	s16 =	sadd.s32 s9, s10  }
0xe: {  	s5 =	sadd.s32 s7, s2;
	s19 =	sadd.s32 s26, s10;
	[dreg:$0x7] =	wrdreg s16  }
0xf: {  	s29 =	sadd.s32 $0x138000, s2;
	s7 =	sadd.s32 $0x4000, s5;
	[dreg:$0x9] =	wrdreg s19  }
0x10: {  	s14 =	simm.s32 $0x1F480;
	s15 =	sadd.s32 $0x8000, s5;
	[dreg:$0x4] =	wrdreg s7  }
0x11: {  	s18 =	sor.u32 $0x10, s10;
	s17 =	sadd.s32 $0x3000, s11;
	[dreg:$0x5] =	wrdreg s15  }
0x12: {  	s8 =	simm.s32 $0x1400;
	s20 =	sadd.s32 s9, s18;
	[dreg:$0x8] =	wrdreg s17  }
0x13: {  	s12 =	simm.s32 $0x0;
	s21 =	sadd.s32 $0x3280, s11;
	[dreg:$0xa] =	wrdreg s20  }
0x14: {  	s0 =	simm.s32 $0x3;
	s6 =	sadd.s32 s26, s18;
	[dreg:$0xb] =	wrdreg s21  }
0x15: {  	s10 =	simm.s32 $0x7C00;
	s22 =	sadd.s32 $0x48200, s1;
	[dreg:$0xc] =	wrdreg s6  }
0x16: {  	s23 =	sadd.s32 $0x48A00, s1;
	s24 =	sadd.s32 $0x49200, s1;
	[dreg:$0xe] =	wrdreg s22  }
0x17: {  	s25 =	sadd.s32 $0x49A00, s1;
	s26 =	sadd.s32 $0x4A200, s1;
	[dreg:$0xf] =	wrdreg s23  }
.Ltmp0:
0x18: {  	s28 =	sadd.s32 $0x10000, s5;
	[dreg:$0x10] =	wrdreg s24;
	(pc) =	sbr.rel .LBB2_1-.Ltmp0, $4  }
0x19: {  	s9 =	simm.s32 $0x2800;
	s11 =	simm.s32 $0x2;
	[dreg:$0x11] =	wrdreg s25  }
0x1a: {  	[dreg:$0x12] =	wrdreg s26;
	s21 =	sadd.s32 $0x4AA00, s1;
	s22 =	sadd.s32 $0x4B200, s1  }
0x1b: {  	s23 =	sadd.s32 $0x4BA00, s1;
	s24 =	sadd.s32 $0x4C200, s1;
	s25 =	sadd.s32 $0x4CA00, s1  }
0x1c: {  	v0 =	vimm.f32 $0.0e+00;
	s26 =	sadd.s32 $0xC000, s5;
	s6 =	simm.s32 $0x80;
	s7 =	simm.s32 $0x100  }
.LBB2_17:
0x1d: {  	[bflag:$0x0] =	sbarrier.arrive $0xFFFF;
	s14 =	simm.s32 $0x1F480  }
0x1e: {  	[tilespmem:s30], [sflag:$0x1] =	stream.indirect.gather [spmem:s2], $0x80, s14, s6, $0xb8;
	[tilespmem:$0x1F980] =	vst v63  }
0x1f: {  	_ =	swait.ge [sflag:s31], $0x4000  }
0x20: {  	[sflag:s31] =	ssyncset.done $0x0  }
0x21: {  	s1 =	rddreg [dreg:$0xe];
	[sflag:s31] =	ssyncadd.s32 $0xFFFFC000  }
0x22: {  	[hbm4b:s1+s3] =	stream.linear.scatter [tilespmem:s30], [sflag:$0x3], $0x4000, $0x38;
	[tilespmem:$0x1F980] =	vst v63  }
0x23: {  	_ =	swait.ge [sflag:s0], $0x4000  }
0x24: {  	[sflag:s0] =	ssyncset.done $0x0  }
0x25: {  	s13 =	simm.s32 $0x1F500;
	[sflag:s0] =	ssyncadd.s32 $0xFFFFC000  }
0x26: {  	[tilespmem:s30], [sflag:$0x1] =	stream.indirect.gather [spmem:s2], $0x80, s13, s6, $0xb8;
	[tilespmem:$0x1F980] =	vst v63  }
0x27: {  	_ =	swait.ge [sflag:s31], $0x4000  }
0x28: {  	[sflag:s31] =	ssyncset.done $0x0  }
0x29: {  	s15 =	rddreg [dreg:$0xf];
	[sflag:s31] =	ssyncadd.s32 $0xFFFFC000  }
0x2a: {  	[hbm4b:s15+s3] =	stream.linear.scatter [tilespmem:s30], [sflag:$0x3], $0x4000, $0x38;
	[tilespmem:$0x1F980] =	vst v63  }
0x2b: {  	_ =	swait.ge [sflag:s0], $0x4000  }
0x2c: {  	[sflag:s0] =	ssyncset.done $0x0  }
0x2d: {  	s16 =	simm.s32 $0x1F580;
	[sflag:s0] =	ssyncadd.s32 $0xFFFFC000  }
0x2e: {  	[tilespmem:s30], [sflag:$0x1] =	stream.indirect.gather [spmem:s2], $0x80, s16, s6, $0xb8;
	[tilespmem:$0x1F980] =	vst v63  }
0x2f: {  	_ =	swait.ge [sflag:s31], $0x4000  }
0x30: {  	[sflag:s31] =	ssyncset.done $0x0  }
0x31: {  	s17 =	rddreg [dreg:$0x10];
	[sflag:s31] =	ssyncadd.s32 $0xFFFFC000  }
0x32: {  	[hbm4b:s17+s3] =	stream.linear.scatter [tilespmem:s30], [sflag:$0x3], $0x4000, $0x38;
	[tilespmem:$0x1F980] =	vst v63  }
0x33: {  	_ =	swait.ge [sflag:s0], $0x4000  }
0x34: {  	[sflag:s0] =	ssyncset.done $0x0  }
0x35: {  	s18 =	simm.s32 $0x1F600;
	[sflag:s0] =	ssyncadd.s32 $0xFFFFC000  }
0x36: {  	[tilespmem:s30], [sflag:$0x1] =	stream.indirect.gather [spmem:s2], $0x80, s18, s6, $0xb8;
	[tilespmem:$0x1F980] =	vst v63  }
0x37: {  	_ =	swait.ge [sflag:s31], $0x4000  }
0x38: {  	[sflag:s31] =	ssyncset.done $0x0  }
0x39: {  	s19 =	rddreg [dreg:$0x11];
	[sflag:s31] =	ssyncadd.s32 $0xFFFFC000  }
0x3a: {  	[hbm4b:s19+s3] =	stream.linear.scatter [tilespmem:s30], [sflag:$0x3], $0x4000, $0x38;
	[tilespmem:$0x1F980] =	vst v63  }
0x3b: {  	_ =	swait.ge [sflag:s0], $0x4000  }
0x3c: {  	[sflag:s0] =	ssyncset.done $0x0  }
0x3d: {  	s20 =	simm.s32 $0x1F680;
	[sflag:s0] =	ssyncadd.s32 $0xFFFFC000  }
0x3e: {  	[tilespmem:s30], [sflag:$0x1] =	stream.indirect.gather [spmem:s2], $0x80, s20, s6, $0xb8;
	[tilespmem:$0x1F980] =	vst v63  }
0x3f: {  	_ =	swait.ge [sflag:s31], $0x4000  }
0x40: {  	[sflag:s31] =	ssyncset.done $0x0  }
0x41: {  	s13 =	rddreg [dreg:$0x12];
	[sflag:s31] =	ssyncadd.s32 $0xFFFFC000  }
0x42: {  	[hbm4b:s13+s3] =	stream.linear.scatter [tilespmem:s30], [sflag:$0x3], $0x4000, $0x38;
	[tilespmem:$0x1F980] =	vst v63  }
0x43: {  	_ =	swait.ge [sflag:s0], $0x4000  }
0x44: {  	[sflag:s0] =	ssyncset.done $0x0  }
0x45: {  	s15 =	simm.s32 $0x1F700;
	[sflag:s0] =	ssyncadd.s32 $0xFFFFC000  }
0x46: {  	[tilespmem:s30], [sflag:$0x1] =	stream.indirect.gather [spmem:s2], $0x80, s15, s6, $0xb8;
	[tilespmem:$0x1F980] =	vst v63  }
0x47: {  	_ =	swait.ge [sflag:s31], $0x4000  }
0x48: {  	[sflag:s31] =	ssyncset.done $0x0  }
0x49: {  	[sflag:s31] =	ssyncadd.s32 $0xFFFFC000  }
0x4a: {  	[hbm4b:s21+s3] =	stream.linear.scatter [tilespmem:s30], [sflag:$0x3], $0x4000, $0x38;
	[tilespmem:$0x1F980] =	vst v63  }
0x4b: {  	_ =	swait.ge [sflag:s0], $0x4000  }
0x4c: {  	[sflag:s0] =	ssyncset.done $0x0  }
0x4d: {  	s16 =	simm.s32 $0x1F780;
	[sflag:s0] =	ssyncadd.s32 $0xFFFFC000  }
0x4e: {  	[tilespmem:s30], [sflag:$0x1] =	stream.indirect.gather [spmem:s2], $0x80, s16, s6, $0xb8;
	[tilespmem:$0x1F980] =	vst v63  }
0x4f: {  	_ =	swait.ge [sflag:s31], $0x4000  }
0x50: {  	[sflag:s31] =	ssyncset.done $0x0  }
0x51: {  	[sflag:s31] =	ssyncadd.s32 $0xFFFFC000  }
0x52: {  	[hbm4b:s22+s3] =	stream.linear.scatter [tilespmem:s30], [sflag:$0x3], $0x4000, $0x38;
	[tilespmem:$0x1F980] =	vst v63  }
0x53: {  	_ =	swait.ge [sflag:s0], $0x4000  }
0x54: {  	[sflag:s0] =	ssyncset.done $0x0  }
0x55: {  	s17 =	simm.s32 $0x1F800;
	[sflag:s0] =	ssyncadd.s32 $0xFFFFC000  }
0x56: {  	[tilespmem:s30], [sflag:$0x1] =	stream.indirect.gather [spmem:s2], $0x80, s17, s6, $0xb8;
	[tilespmem:$0x1F980] =	vst v63  }
0x57: {  	_ =	swait.ge [sflag:s31], $0x4000  }
0x58: {  	[sflag:s31] =	ssyncset.done $0x0  }
0x59: {  	[sflag:s31] =	ssyncadd.s32 $0xFFFFC000  }
0x5a: {  	[hbm4b:s23+s3] =	stream.linear.scatter [tilespmem:s30], [sflag:$0x3], $0x4000, $0x38;
	[tilespmem:$0x1F980] =	vst v63  }
0x5b: {  	_ =	swait.ge [sflag:s0], $0x4000  }
0x5c: {  	[sflag:s0] =	ssyncset.done $0x0  }
0x5d: {  	s18 =	simm.s32 $0x1F880;
	[sflag:s0] =	ssyncadd.s32 $0xFFFFC000  }
0x5e: {  	[tilespmem:s30], [sflag:$0x1] =	stream.indirect.gather [spmem:s2], $0x80, s18, s6, $0xb8;
	[tilespmem:$0x1F980] =	vst v63  }
0x5f: {  	_ =	swait.ge [sflag:s31], $0x4000  }
0x60: {  	[sflag:s31] =	ssyncset.done $0x0  }
0x61: {  	[sflag:s31] =	ssyncadd.s32 $0xFFFFC000  }
0x62: {  	[hbm4b:s24+s3] =	stream.linear.scatter [tilespmem:s30], [sflag:$0x3], $0x4000, $0x38;
	[tilespmem:$0x1F980] =	vst v63  }
0x63: {  	_ =	swait.ge [sflag:s0], $0x4000  }
0x64: {  	[sflag:s0] =	ssyncset.done $0x0  }
0x65: {  	s19 =	simm.s32 $0x1F900;
	[sflag:s0] =	ssyncadd.s32 $0xFFFFC000  }
0x66: {  	[tilespmem:s30], [sflag:$0x1] =	stream.indirect.gather [spmem:s2], $0x80, s19, s6, $0xb8;
	[tilespmem:$0x1F980] =	vst v63  }
0x67: {  	_ =	swait.ge [sflag:s31], $0x4000  }
0x68: {  	[sflag:s31] =	ssyncset.done $0x0  }
0x69: {  	[sflag:s31] =	ssyncadd.s32 $0xFFFFC000  }
0x6a: {  	[hbm4b:s25+s3] =	stream.linear.scatter [tilespmem:s30], [sflag:$0x3], $0x4000, $0x38;
	[tilespmem:$0x1F980] =	vst v63  }
0x6b: {  	_ =	swait.ge [sflag:s0], $0x4000  }
0x6c: {  	s12 =	sadd.s32 $0x1, s12;
	s20 =	rddreg [dreg:$0xd]  }
0x6d: {  	p1 =	sne.s32 s12, s20  }
.Ltmp1:
0x6e: {  	_ = 	snop;
	(pc) =	sbr.rel @!p1 .LBB2_18-.Ltmp1, $3  }
0x6f: {  	_ =	sdelay $0x1  }
0x70: {  	[sflag:s0] =	ssyncset.done $0x0  }
0x71: {  	[sflag:s0] =	ssyncadd.s32 $0xFFFFC000  }
.LBB2_1:
0x72: {  	s1 =	simm.s32 $0x0;
	s13 =	simm.s32 $0x200  }
.LBB2_2:
0x73: {  	p1 =	sne.s32 s13, $0xFE00;
	[tilespmem:s1+$0x3C70] =	vst v0  }
0x74: {  	[tilespmem:s1+$0x3C00] =	vst v0  }
0x75: {  	[tilespmem:s1+$0x3C10] =	vst v0  }
.Ltmp2:
0x76: {  	[tilespmem:s1+$0x3C20] =	vst v0;
	(pc) =	sbr.rel @p1 .LBB2_2-.Ltmp2, $4  }
0x77: {  	[tilespmem:s1+$0x3C30] =	vst v0  }
0x78: {  	[tilespmem:s1+$0x3C40] =	vst v0  }
0x79: {  	[tilespmem:s1+$0x3C50] =	vst v0  }
0x7a: {  	[tilespmem:s1+$0x3C60] =	vst v0;
	s1 =	sshra.s32 s13, $0x2;
	s13 =	sadd.s32 $0x200, s13  }
0x7b: {  	[tilespmem:s1+$0x3C70] =	vst v0  }
0x7c: {  	[tilespmem:s1+$0x3C00] =	vst v0  }
0x7d: {  	[tilespmem:s1+$0x3C10] =	vst v0  }
0x7e: {  	[tilespmem:s1+$0x3C20] =	vst v0  }
0x7f: {  	[tilespmem:s1+$0x3C30] =	vst v0  }
0x80: {  	[tilespmem:s1+$0x3C40] =	vst v0  }
0x81: {  	[tilespmem:s1+$0x3C50] =	vst v0  }
0x82: {  	[tilespmem:s1+$0x3C60] =	vst v0  }
0x83: {  	[spmem:s5] =	stream.linear.scatter [tilespmem:s30], [sflag:$0x1], $0x4000, $0x38;
	[tilespmem:$0x1F980] =	vst v63  }
0x84: {  	s15 =	rddreg [dreg:$0x4]  }
0x85: {  	[spmem:s15] =	stream.linear.scatter [tilespmem:s30], [sflag:$0x1], $0x4000, $0x38;
	[tilespmem:$0x1F980] =	vst v63  }
0x86: {  	s16 =	rddreg [dreg:$0x5]  }
0x87: {  	[spmem:s16] =	stream.linear.scatter [tilespmem:s30], [sflag:$0x1], $0x4000, $0x38;
	[tilespmem:$0x1F980] =	vst v63  }
0x88: {  	_ = 	snop  }
0x89: {  	[spmem:s26] =	stream.linear.scatter [tilespmem:s30], [sflag:$0x1], $0x4000, $0x38;
	[tilespmem:$0x1F980] =	vst v63  }
0x8a: {  	_ = 	snop  }
0x8b: {  	[spmem:s28] =	stream.linear.scatter [tilespmem:s30], [sflag:$0x1], $0x3800, $0x38;
	[tilespmem:$0x1F980] =	vst v63  }
0x8c: {  	s1 =	simm.s32 @!p0 $0x3C00  }
0x8d: {  	[spmem:s29] =	stream.linear.scatter @!p0 [tilespmem:s1], [sflag:$0x1], $0x800, $0x38;
	[tilespmem:$0x1F980] =	vst v63  }
0x8e: {  	s1 =	simm.s32 @!p0 $0x1  }
0x8f: {  	_ =	swait.ge @!p0 [sflag:s1], $0x800  }
0x90: {  	[sflag:s1] =	ssyncset.done @!p0 $0x0  }
0x91: {  	[sflag:s1] =	ssyncadd.s32 @!p0 $0xFFFFF800  }
0x92: {  	_ =	swait.ge [sflag:s31], $0x4000  }
0x93: {  	[sflag:s31] =	ssyncset.done $0x0  }
0x94: {  	[sflag:s31] =	ssyncadd.s32 $0xFFFFC000  }
0x95: {  	_ =	swait.ge [sflag:s31], $0x4000  }
0x96: {  	[sflag:s31] =	ssyncset.done $0x0  }
0x97: {  	[sflag:s31] =	ssyncadd.s32 $0xFFFFC000  }
0x98: {  	_ =	swait.ge [sflag:s31], $0x4000  }
0x99: {  	[sflag:s31] =	ssyncset.done $0x0  }
0x9a: {  	[sflag:s31] =	ssyncadd.s32 $0xFFFFC000  }
0x9b: {  	_ =	swait.ge [sflag:s31], $0x4000  }
0x9c: {  	[sflag:s31] =	ssyncset.done $0x0  }
0x9d: {  	[sflag:s31] =	ssyncadd.s32 $0xFFFFC000  }
0x9e: {  	_ =	swait.ge [sflag:s31], $0x3800  }
0x9f: {  	[sflag:s31] =	ssyncset.done $0x0  }
0xa0: {  	s13 =	simm.s32 $0x0;
	s17 =	rddreg [dreg:$0x6];
	[sflag:s31] =	ssyncadd.s32 $0xFFFFC800  }
0xa1: {  	[tilespmem:s14], [sflag:$0x3] =	stream.linear.gather [hbm4b:s17+s13], $0x500, $0x38;
	[tilespmem:$0x1F980] =	vst v63  }
0xa2: {  	_ =	swait.ge [sflag:s0], $0x500  }
0xa3: {  	[sflag:s0] =	ssyncset.done $0x0  }
0xa4: {  	[sflag:s0] =	ssyncadd.s32 $0xFFFFFB00  }
0xa5: {  	[bflag:$0x0] =	sbarrier.arrive $0xFFFF  }
0xa6: {  	s18 =	rddreg [dreg:$0x7]  }
0xa7: {  	[tilespmem:s13], [sflag:$0x3] =	stream.strided.gather [hbm4b:s18+s6], $0x1400, s7, s6, $0x38;
	[tilespmem:$0x1F980] =	vst v63  }
0xa8: {  	_ =	swait.ge [sflag:s0], $0x1400  }
0xa9: {  	[sflag:s0] =	ssyncset.done $0x0  }
0xaa: {  	s19 =	rddreg [dreg:$0x8];
	[sflag:s0] =	ssyncadd.s32 $0xFFFFEC00  }
0xab: {  	[tilespmem:s8], [sflag:$0x3] =	stream.linear.gather [hbm4b:s19+s13], $0x1400, $0x38;
	[tilespmem:$0x1F980] =	vst v63  }
0xac: {  	_ =	swait.ge [sflag:s0], $0x1400  }
0xad: {  	[sflag:s0] =	ssyncset.done $0x0  }
0xae: {  	s20 =	rddreg [dreg:$0x9];
	[sflag:s0] =	ssyncadd.s32 $0xFFFFEC00  }
0xaf: {  	[tilespmem:s9], [sflag:$0x3] =	stream.strided.gather [hbm4b:s20+s6], $0x1400, s7, s6, $0x38;
	[tilespmem:$0x1F980] =	vst v63  }
0xb0: {  	_ =	swait.ge [sflag:s0], $0x1400  }
0xb1: {  	[sflag:s0] =	ssyncset.done $0x0  }
0xb2: {  	[sflag:s0] =	ssyncadd.s32 $0xFFFFEC00  }
0xb3: {  	[tilespmem:s30], [sflag:$0x1] =	stream.indirect.gather [hbm4b:s4+s6], $0x80, s13, s6, $0xb8;
	[tilespmem:$0x1F980] =	vst v63  }
0xb4: {  	s14 =	simm.s32 $0x0  }
0xb5: {  	[tilespmem:s10], [sflag:$0x2] =	stream.indirect.gather [hbm4b:s4+s6], $0x80, s6, s6, $0xb8;
	[tilespmem:$0x1F980] =	vst v63  }
.LBB2_4:
0xb6: {  	s1 =	sadd.s32 $0xFFFFFFFE, s13  }
0xb7: {  	s15 =	sadd.s32 $0x2, s1  }
0xb8: {  	v1 =	vmov s15  }
0xb9: {  	v1 =	vand.u32 $0xFFFFFFFE, v1  }
0xba: {  	v2 =	vbroadcast v1, $0x0;
	_ =	sdelay $0x1  }
0xbb: {  	_ =	swait.ge [sflag:s31], $0x4000  }
0xbc: {  	[sflag:s31] =	ssyncset.done $0x0  }
0xbd: {  	s16 =	simm.s32 $0x3C80;
	[sflag:s31] =	ssyncadd.s32 $0xFFFFC000  }
0xbe: {  	v5 =	vld [tilespmem:s16+$0xFFFFFFF0]  }
0xbf: {  	v6 =	vld.idx.msk [tilespmem:v2+s9+$0x0], $0xffff  }
0xc0: {  	v7 =	vld [tilespmem:s16+$0xFFFFFF80]  }
0xc1: {  	v8 =	vld [tilespmem:s16+$0xFFFFFFA0]  }
0xc2: {  	v4 =	vld [tilespmem:s16+$0xFFFFFFB0]  }
0xc3: {  	v3 =	vld [tilespmem:s16+$0xFFFFFFD0]  }
0xc4: {  	v10 =	vld [tilespmem:s16+$0xFFFFFF90];
	v5 =	vmul.f32 v5, v6  }
0xc5: {  	v9 =	vld [tilespmem:s16+$0xFFFFFFE0];
	v7 =	vmul.f32 v7, v6  }
0xc6: {  	v11 =	vld [tilespmem:s16+$0xFFFFFFC0];
	v8 =	vmul.f32 v8, v6;
	[tilespmem:s16+$0xFFFFFFF0] =	vst v5  }
0xc7: {  	v4 =	vmul.f32 v4, v6;
	[tilespmem:s16+$0xFFFFFF80] =	vst v7  }
0xc8: {  	s1 =	sadd.s32 $0x3, s1;
	v3 =	vmul.f32 v3, v6;
	[tilespmem:s16+$0xFFFFFFA0] =	vst v8  }
0xc9: {  	v5 =	vmul.f32 v10, v6;
	[tilespmem:s16+$0xFFFFFFB0] =	vst v4;
	v7 =	vmov s1  }
0xca: {  	v1 =	vld [tilespmem:s16+$0x0];
	v4 =	vmul.f32 v9, v6;
	[tilespmem:s16+$0xFFFFFFD0] =	vst v3  }
0xcb: {  	v2 =	vld [tilespmem:s16+$0x10];
	v3 =	vmul.f32 v11, v6;
	[tilespmem:s16+$0xFFFFFF90] =	vst v5  }
0xcc: {  	[tilespmem:s16+$0xFFFFFFE0] =	vst v4;
	v5 =	vld [tilespmem:s16+$0x30]  }
0xcd: {  	[tilespmem:s16+$0xFFFFFFC0] =	vst v3;
	v4 =	vld [tilespmem:s16+$0x70]  }
0xce: {  	s15 =	simm.s32 $0x0;
	s1 =	simm.s32 $0x3C80;
	v3 =	vld.idx.msk [tilespmem:v7+s9+$0x0], $0xffff  }
.LBB2_5:
0xcf: {  	v6 =	vld [tilespmem:s16+$0x20];
	s1 =	sadd.s32 $0x100, s1;
	s17 =	smov.u32 s15;
	s15 =	sadd.s32 $0x2, s15  }
0xd0: {  	p1 =	slt.u32 s15, $0x7E;
	v7 =	vld [tilespmem:s16+$0x40]  }
0xd1: {  	v8 =	vld [tilespmem:s16+$0x50]  }
0xd2: {  	v9 =	vld [tilespmem:s16+$0x60];
	_ =	sdelay $0x1  }
0xd3: {  	s17 =	sadd.s32 s17, s13;
	v1 =	vmul.f32 v1, v3;
	v2 =	vmul.f32 v2, v3  }
0xd4: {  	s18 =	sadd.s32 $0x2, s17;
	s17 =	sadd.s32 $0x3, s17;
	v5 =	vmul.f32 v5, v3;
	v6 =	vmul.f32 v6, v3  }
0xd5: {  	v10 =	vmov s18;
	v7 =	vmul.f32 v7, v3;
	[tilespmem:s16+$0x0] =	vst v1;
	v8 =	vmul.f32 v8, v3  }
0xd6: {  	v10 =	vand.u32 $0xFFFFFFFE, v10;
	v1 =	vld [tilespmem:s1+$0x0];
	[tilespmem:s16+$0x30] =	vst v5;
	v5 =	vmul.f32 v9, v3;
	v3 =	vmul.f32 v4, v3  }
0xd7: {  	v4 =	vbroadcast v10, $0x0;
	[tilespmem:s16+$0x10] =	vst v2  }
0xd8: {  	[tilespmem:s16+$0x70] =	vst v3  }
0xd9: {  	v3 =	vld [tilespmem:s1+$0xFFFFFFD0];
	[tilespmem:s16+$0x20] =	vst v6  }
0xda: {  	v6 =	vld [tilespmem:s1+$0xFFFFFFB0];
	[tilespmem:s16+$0x60] =	vst v5  }
0xdb: {  	v5 =	vld [tilespmem:s1+$0xFFFFFFE0];
	[tilespmem:s16+$0x40] =	vst v7  }
0xdc: {  	v7 =	vld [tilespmem:s1+$0xFFFFFFF0];
	[tilespmem:s16+$0x50] =	vst v8;
	s16 =	smov.u32 s1  }
0xdd: {  	v4 =	vld.idx.msk [tilespmem:v4+s9+$0x0], $0xffff  }
0xde: {  	v8 =	vld [tilespmem:s1+$0xFFFFFF80]  }
0xdf: {  	v9 =	vld [tilespmem:s1+$0xFFFFFFA0]  }
0xe0: {  	v10 =	vld [tilespmem:s1+$0xFFFFFF90]  }
0xe1: {  	v11 =	vld [tilespmem:s1+$0xFFFFFFC0]  }
0xe2: {  	v2 =	vld [tilespmem:s1+$0x10]  }
0xe3: {  	v7 =	vmul.f32 v7, v4;
	v8 =	vmul.f32 v8, v4  }
0xe4: {  	v5 =	vmul.f32 v5, v4;
	v9 =	vmul.f32 v9, v4  }
0xe5: {  	v6 =	vmul.f32 v6, v4;
	v10 =	vmul.f32 v10, v4;
	[tilespmem:s1+$0xFFFFFFF0] =	vst v7  }
0xe6: {  	v3 =	vmul.f32 v3, v4;
	[tilespmem:s1+$0xFFFFFF80] =	vst v8;
	v7 =	vmul.f32 v11, v4  }
0xe7: {  	[tilespmem:s1+$0xFFFFFFA0] =	vst v9  }
0xe8: {  	[tilespmem:s1+$0xFFFFFFB0] =	vst v6;
	v6 =	vmov s17  }
.Ltmp3:
0xe9: {  	[tilespmem:s1+$0xFFFFFFD0] =	vst v3;
	(pc) =	sbr.rel @p1 .LBB2_5-.Ltmp3, $4  }
0xea: {  	[tilespmem:s1+$0xFFFFFF90] =	vst v10  }
0xeb: {  	[tilespmem:s1+$0xFFFFFFE0] =	vst v5;
	v5 =	vld [tilespmem:s1+$0x30]  }
0xec: {  	[tilespmem:s1+$0xFFFFFFC0] =	vst v7;
	v4 =	vld [tilespmem:s1+$0x70]  }
0xed: {  	v3 =	vld.idx.msk [tilespmem:v6+s9+$0x0], $0xffff  }
0xee: {  	_ =	sdelay $0x2  }
0xef: {  	v6 =	vld [tilespmem:s16+$0x20]  }
0xf0: {  	v7 =	vld [tilespmem:s16+$0x60];
	v1 =	vmul.f32 v1, v3  }
0xf1: {  	v8 =	vld [tilespmem:s16+$0x40];
	v5 =	vmul.f32 v5, v3  }
0xf2: {  	v9 =	vld [tilespmem:s16+$0x50];
	v2 =	vmul.f32 v2, v3;
	[tilespmem:s16+$0x0] =	vst v1  }
0xf3: {  	[tilespmem:s16+$0x30] =	vst v5;
	v1 =	vmul.f32 v4, v3  }
0xf4: {  	v4 =	vmul.f32 v6, v3;
	[tilespmem:s16+$0x10] =	vst v2  }
0xf5: {  	v2 =	vmul.f32 v7, v3;
	[tilespmem:s16+$0x70] =	vst v1  }
0xf6: {  	v1 =	vmul.f32 v8, v3;
	[tilespmem:s16+$0x20] =	vst v4  }
0xf7: {  	s1 =	sshll.u32 s14, $0xA;
	v3 =	vmul.f32 v9, v3;
	[tilespmem:s16+$0x60] =	vst v2  }
0xf8: {  	s17 =	sadd.s32 $0xFFFFFFFE, s13;
	s15 =	sshrl.u32 s1, $0x2;
	[tilespmem:s16+$0x40] =	vst v1  }
0xf9: {  	p1 =	seq.s32 s14, $0x13;
	s19 =	sadd.s32 $0x82, s17;
	s18 =	sadd.s32 $0x1400, s15;
	[tilespmem:s16+$0x50] =	vst v3  }
0xfa: {  	[spmem:s2] =	stream.indirect.scatter.add.f32 [tilespmem:s30], [sflag:$0x3], $0x80, s18, s6, $0xb8;
	[tilespmem:$0x1F980] =	vst v63  }
0xfb: {  	s1 =	sshrl.u32 @!p1 s1, $0x2;
	v1 =	vmov s19;
	_ =	swait.ge [sflag:s0], $0x4000  }
0xfc: {  	s1 =	sadd.s32 @!p1 $0x100, s1;
	v1 =	vand.u32 $0xFFFFFFFE, v1;
	[sflag:s0] =	ssyncset.done $0x0  }
0xfd: {  	s16 =	simm.s32 @!p1 $0x80;
	s18 =	simm.s32 @!p1 $0x3C00;
	v2 =	vbroadcast v1, $0x0;
	[sflag:s0] =	ssyncadd.s32 $0xFFFFC000  }
0xfe: {  	[tilespmem:s18], [sflag:$0x1] =	stream.indirect.gather @!p1 [hbm4b:s4+s16], $0x80, s1, s16, $0xb8;
	[tilespmem:$0x1F980] =	vst v63  }
0xff: {  	_ =	swait.ge [sflag:s11], $0x4000  }
0x100: {  	[sflag:s11] =	ssyncset.done $0x0  }
0x101: {  	s16 =	simm.s32 $0x7C80;
	[sflag:s11] =	ssyncadd.s32 $0xFFFFC000  }
0x102: {  	v5 =	vld [tilespmem:s16+$0xFFFFFFF0]  }
0x103: {  	v6 =	vld.idx.msk [tilespmem:v2+s9+$0x0], $0xffff  }
0x104: {  	v7 =	vld [tilespmem:s16+$0xFFFFFF80]  }
0x105: {  	v62 =	vld [tilespmem:s16+$0xFFFFFFA0]  }
0x106: {  	v4 =	vld [tilespmem:s16+$0xFFFFFFB0]  }
0x107: {  	v3 =	vld [tilespmem:s16+$0xFFFFFFD0]  }
0x108: {  	v10 =	vld [tilespmem:s16+$0xFFFFFF90];
	v5 =	vmul.f32 v5, v6  }
0x109: {  	v63 =	vld [tilespmem:s16+$0xFFFFFFE0];
	v7 =	vmul.f32 v7, v6  }
0x10a: {  	v11 =	vld [tilespmem:s16+$0xFFFFFFC0];
	v8 =	vmul.f32 v62, v6;
	[tilespmem:s16+$0xFFFFFFF0] =	vst v5  }
0x10b: {  	v4 =	vmul.f32 v4, v6;
	[tilespmem:s16+$0xFFFFFF80] =	vst v7  }
0x10c: {  	s19 =	sadd.s32 $0x83, s17;
	v3 =	vmul.f32 v3, v6;
	[tilespmem:s16+$0xFFFFFFA0] =	vst v8  }
0x10d: {  	v5 =	vmul.f32 v10, v6;
	[tilespmem:s16+$0xFFFFFFB0] =	vst v4;
	v7 =	vmov s19  }
0x10e: {  	v1 =	vld [tilespmem:s16+$0x0];
	v4 =	vmul.f32 v63, v6;
	[tilespmem:s16+$0xFFFFFFD0] =	vst v3  }
0x10f: {  	v2 =	vld [tilespmem:s16+$0x10];
	v3 =	vmul.f32 v11, v6;
	[tilespmem:s16+$0xFFFFFF90] =	vst v5  }
0x110: {  	[tilespmem:s16+$0xFFFFFFE0] =	vst v4;
	v5 =	vld [tilespmem:s16+$0x30]  }
0x111: {  	s20 =	sshll.u32 s14, $0x1;
	[tilespmem:s16+$0xFFFFFFC0] =	vst v3;
	v4 =	vld [tilespmem:s16+$0x70]  }
0x112: {  	s17 =	sor.u32 $0x1, s20;
	s1 =	simm.s32 $0x0;
	s18 =	simm.s32 $0x7C80;
	v3 =	vld.idx.msk [tilespmem:v7+s9+$0x0], $0xffff  }
.LBB2_7:
0x113: {  	v6 =	vld [tilespmem:s16+$0x20];
	s18 =	sadd.s32 $0x100, s18;
	s19 =	smov.u32 s1;
	s1 =	sadd.s32 $0x2, s1  }
0x114: {  	p2 =	slt.u32 s1, $0x7E;
	v7 =	vld [tilespmem:s16+$0x40]  }
0x115: {  	v8 =	vld [tilespmem:s16+$0x50]  }
0x116: {  	v9 =	vld [tilespmem:s16+$0x60];
	_ =	sdelay $0x1  }
0x117: {  	s19 =	sadd.s32 s19, s13;
	v1 =	vmul.f32 v1, v3;
	v2 =	vmul.f32 v2, v3  }
0x118: {  	s20 =	sadd.s32 $0x82, s19;
	s19 =	sadd.s32 $0x83, s19;
	v5 =	vmul.f32 v5, v3;
	v6 =	vmul.f32 v6, v3  }
0x119: {  	v10 =	vmov s20;
	v7 =	vmul.f32 v7, v3;
	[tilespmem:s16+$0x0] =	vst v1;
	v8 =	vmul.f32 v8, v3  }
0x11a: {  	v10 =	vand.u32 $0xFFFFFFFE, v10;
	v1 =	vld [tilespmem:s18+$0x0];
	[tilespmem:s16+$0x30] =	vst v5;
	v5 =	vmul.f32 v9, v3;
	v3 =	vmul.f32 v4, v3  }
0x11b: {  	v4 =	vbroadcast v10, $0x0;
	[tilespmem:s16+$0x10] =	vst v2  }
0x11c: {  	[tilespmem:s16+$0x70] =	vst v3  }
0x11d: {  	v3 =	vld [tilespmem:s18+$0xFFFFFFD0];
	[tilespmem:s16+$0x20] =	vst v6  }
0x11e: {  	v6 =	vld [tilespmem:s18+$0xFFFFFFB0];
	[tilespmem:s16+$0x60] =	vst v5  }
0x11f: {  	v5 =	vld [tilespmem:s18+$0xFFFFFFE0];
	[tilespmem:s16+$0x40] =	vst v7  }
0x120: {  	v7 =	vld [tilespmem:s18+$0xFFFFFFF0];
	[tilespmem:s16+$0x50] =	vst v8;
	s16 =	smov.u32 s18  }
0x121: {  	v4 =	vld.idx.msk [tilespmem:v4+s9+$0x0], $0xffff  }
0x122: {  	v8 =	vld [tilespmem:s18+$0xFFFFFF80]  }
0x123: {  	v9 =	vld [tilespmem:s18+$0xFFFFFFA0]  }
0x124: {  	v10 =	vld [tilespmem:s18+$0xFFFFFF90]  }
0x125: {  	v11 =	vld [tilespmem:s18+$0xFFFFFFC0]  }
0x126: {  	v2 =	vld [tilespmem:s18+$0x10]  }
0x127: {  	v7 =	vmul.f32 v7, v4;
	v8 =	vmul.f32 v8, v4  }
0x128: {  	v5 =	vmul.f32 v5, v4;
	v9 =	vmul.f32 v9, v4  }
0x129: {  	v6 =	vmul.f32 v6, v4;
	v10 =	vmul.f32 v10, v4;
	[tilespmem:s18+$0xFFFFFFF0] =	vst v7  }
0x12a: {  	v3 =	vmul.f32 v3, v4;
	[tilespmem:s18+$0xFFFFFF80] =	vst v8;
	v7 =	vmul.f32 v11, v4  }
0x12b: {  	[tilespmem:s18+$0xFFFFFFA0] =	vst v9  }
0x12c: {  	[tilespmem:s18+$0xFFFFFFB0] =	vst v6;
	v6 =	vmov s19  }
.Ltmp4:
0x12d: {  	[tilespmem:s18+$0xFFFFFFD0] =	vst v3;
	(pc) =	sbr.rel @p2 .LBB2_7-.Ltmp4, $4  }
0x12e: {  	[tilespmem:s18+$0xFFFFFF90] =	vst v10  }
0x12f: {  	[tilespmem:s18+$0xFFFFFFE0] =	vst v5;
	v5 =	vld [tilespmem:s18+$0x30]  }
0x130: {  	[tilespmem:s18+$0xFFFFFFC0] =	vst v7;
	v4 =	vld [tilespmem:s18+$0x70]  }
0x131: {  	v3 =	vld.idx.msk [tilespmem:v6+s9+$0x0], $0xffff  }
0x132: {  	_ =	sdelay $0x1  }
0x133: {  	v6 =	vld [tilespmem:s16+$0x20];
	_ =	sdelay $0x1  }
0x134: {  	v7 =	vld [tilespmem:s16+$0x60];
	v1 =	vmul.f32 v1, v3  }
0x135: {  	v8 =	vld [tilespmem:s16+$0x40];
	v5 =	vmul.f32 v5, v3  }
0x136: {  	v9 =	vld [tilespmem:s16+$0x50];
	v2 =	vmul.f32 v2, v3;
	[tilespmem:s16+$0x0] =	vst v1  }
0x137: {  	v63 =	vmul.f32 v6, v3;
	[tilespmem:s16+$0x30] =	vst v5  }
0x138: {  	v1 =	vmul.f32 v4, v3;
	[tilespmem:s16+$0x10] =	vst v2  }
0x139: {  	v2 =	vmul.f32 v7, v3;
	[tilespmem:s16+$0x20] =	vst v63  }
0x13a: {  	[tilespmem:s16+$0x70] =	vst v1;
	v1 =	vmul.f32 v8, v3  }
0x13b: {  	s1 =	sshll.u32 s17, $0x7;
	v3 =	vmul.f32 v9, v3;
	[tilespmem:s16+$0x60] =	vst v2  }
0x13c: {  	s1 =	sand.u32 $0x3FFFFF80, s1;
	[tilespmem:s16+$0x40] =	vst v1  }
.Ltmp5:
0x13d: {  	s1 =	sadd.s32 $0x1400, s1;
	[tilespmem:s16+$0x50] =	vst v3;
	(pc) =	sbr.rel @p1 .LBB2_10-.Ltmp5, $4  }
0x13e: {  	[spmem:s2] =	stream.indirect.scatter.add.f32 [tilespmem:s10], [sflag:$0x3], $0x80, s1, s6, $0xb8;
	[tilespmem:$0x1F980] =	vst v63  }
0x13f: {  	_ =	swait.ge [sflag:s0], $0x4000  }
0x140: {  	[sflag:s0] =	ssyncset.done $0x0  }
0x141: {  	[sflag:s0] =	ssyncadd.s32 $0xFFFFC000  }
.Ltmp6:
0x142: {  	(pc) =	sbr.rel .LBB2_4-.Ltmp6, $3  }
0x143: {  	_ =	sdelay $0x1  }
0x144: {  	s1 =	sadd.s32 $0x180, s15;
	s14 =	sadd.s32 $0x1, s14;
	s13 =	sadd.s32 $0x100, s13  }
0x145: {  	[tilespmem:s10], [sflag:$0x2] =	stream.indirect.gather [hbm4b:s4+s6], $0x80, s1, s6, $0xb8;
	[tilespmem:$0x1F980] =	vst v63  }
.LBB2_10:
0x146: {  	s13 =	simm.s32 $0x0;
	s1 =	rddreg [dreg:$0xa]  }
0x147: {  	[tilespmem:s13], [sflag:$0x3] =	stream.strided.gather [hbm4b:s1+s6], $0x1400, s7, s6, $0x38;
	[tilespmem:$0x1F980] =	vst v63  }
0x148: {  	_ =	swait.ge [sflag:s0], $0x1400  }
0x149: {  	[sflag:s0] =	ssyncset.done $0x0  }
0x14a: {  	s19 =	rddreg [dreg:$0xb];
	[sflag:s0] =	ssyncadd.s32 $0xFFFFEC00  }
0x14b: {  	[tilespmem:s8], [sflag:$0x3] =	stream.linear.gather [hbm4b:s19+s13], $0x1400, $0x38;
	[tilespmem:$0x1F980] =	vst v63  }
0x14c: {  	_ =	swait.ge [sflag:s0], $0x1400  }
0x14d: {  	[sflag:s0] =	ssyncset.done $0x0  }
0x14e: {  	s20 =	rddreg [dreg:$0xc];
	[sflag:s0] =	ssyncadd.s32 $0xFFFFEC00  }
0x14f: {  	[tilespmem:s9], [sflag:$0x3] =	stream.strided.gather [hbm4b:s20+s6], $0x1400, s7, s6, $0x38;
	[tilespmem:$0x1F980] =	vst v63  }
0x150: {  	_ =	swait.ge [sflag:s0], $0x1400  }
0x151: {  	[sflag:s0] =	ssyncset.done $0x0  }
0x152: {  	[sflag:s0] =	ssyncadd.s32 $0xFFFFEC00  }
0x153: {  	[tilespmem:s30], [sflag:$0x1] =	stream.indirect.gather [hbm4b:s4+s6], $0x80, s13, s6, $0xb8;
	[tilespmem:$0x1F980] =	vst v63  }
0x154: {  	s14 =	simm.s32 $0x0  }
0x155: {  	[tilespmem:s10], [sflag:$0x2] =	stream.indirect.gather [hbm4b:s4+s6], $0x80, s6, s6, $0xb8;
	[tilespmem:$0x1F980] =	vst v63  }
.LBB2_11:
0x156: {  	s1 =	sadd.s32 $0xFFFFFFFE, s13  }
0x157: {  	s15 =	sadd.s32 $0x2, s1  }
0x158: {  	v1 =	vmov s15  }
0x159: {  	v1 =	vand.u32 $0xFFFFFFFE, v1  }
0x15a: {  	v2 =	vbroadcast v1, $0x0;
	_ =	sdelay $0x1  }
0x15b: {  	_ =	swait.ge [sflag:s31], $0x4000  }
0x15c: {  	[sflag:s31] =	ssyncset.done $0x0  }
0x15d: {  	s16 =	simm.s32 $0x3C80;
	[sflag:s31] =	ssyncadd.s32 $0xFFFFC000  }
0x15e: {  	v5 =	vld [tilespmem:s16+$0xFFFFFFF0]  }
0x15f: {  	v6 =	vld.idx.msk [tilespmem:v2+s9+$0x0], $0xffff  }
0x160: {  	v7 =	vld [tilespmem:s16+$0xFFFFFF80]  }
0x161: {  	v8 =	vld [tilespmem:s16+$0xFFFFFFA0]  }
0x162: {  	v4 =	vld [tilespmem:s16+$0xFFFFFFB0]  }
0x163: {  	v3 =	vld [tilespmem:s16+$0xFFFFFFD0]  }
0x164: {  	v10 =	vld [tilespmem:s16+$0xFFFFFF90];
	v5 =	vmul.f32 v5, v6  }
0x165: {  	v9 =	vld [tilespmem:s16+$0xFFFFFFE0];
	v7 =	vmul.f32 v7, v6  }
0x166: {  	v11 =	vld [tilespmem:s16+$0xFFFFFFC0];
	v8 =	vmul.f32 v8, v6;
	[tilespmem:s16+$0xFFFFFFF0] =	vst v5  }
0x167: {  	v4 =	vmul.f32 v4, v6;
	[tilespmem:s16+$0xFFFFFF80] =	vst v7  }
0x168: {  	s1 =	sadd.s32 $0x3, s1;
	v3 =	vmul.f32 v3, v6;
	[tilespmem:s16+$0xFFFFFFA0] =	vst v8  }
0x169: {  	v5 =	vmul.f32 v10, v6;
	[tilespmem:s16+$0xFFFFFFB0] =	vst v4;
	v7 =	vmov s1  }
0x16a: {  	v1 =	vld [tilespmem:s16+$0x0];
	v4 =	vmul.f32 v9, v6;
	[tilespmem:s16+$0xFFFFFFD0] =	vst v3  }
0x16b: {  	v2 =	vld [tilespmem:s16+$0x10];
	v3 =	vmul.f32 v11, v6;
	[tilespmem:s16+$0xFFFFFF90] =	vst v5  }
0x16c: {  	[tilespmem:s16+$0xFFFFFFE0] =	vst v4;
	v5 =	vld [tilespmem:s16+$0x30]  }
0x16d: {  	[tilespmem:s16+$0xFFFFFFC0] =	vst v3;
	v4 =	vld [tilespmem:s16+$0x70]  }
0x16e: {  	s15 =	simm.s32 $0x3C80;
	s1 =	simm.s32 $0x0;
	v3 =	vld.idx.msk [tilespmem:v7+s9+$0x0], $0xffff  }
.LBB2_12:
0x16f: {  	v6 =	vld [tilespmem:s16+$0x20];
	s15 =	sadd.s32 $0x100, s15;
	s17 =	smov.u32 s1;
	s1 =	sadd.s32 $0x2, s1  }
0x170: {  	p1 =	slt.u32 s1, $0x7E;
	v7 =	vld [tilespmem:s16+$0x40]  }
0x171: {  	v8 =	vld [tilespmem:s16+$0x50]  }
0x172: {  	v9 =	vld [tilespmem:s16+$0x60];
	_ =	sdelay $0x1  }
0x173: {  	s17 =	sadd.s32 s17, s13;
	v1 =	vmul.f32 v1, v3;
	v2 =	vmul.f32 v2, v3  }
0x174: {  	s18 =	sadd.s32 $0x2, s17;
	s17 =	sadd.s32 $0x3, s17;
	v5 =	vmul.f32 v5, v3;
	v6 =	vmul.f32 v6, v3  }
0x175: {  	v10 =	vmov s18;
	v7 =	vmul.f32 v7, v3;
	[tilespmem:s16+$0x0] =	vst v1;
	v8 =	vmul.f32 v8, v3  }
0x176: {  	v10 =	vand.u32 $0xFFFFFFFE, v10;
	v1 =	vld [tilespmem:s15+$0x0];
	[tilespmem:s16+$0x30] =	vst v5;
	v5 =	vmul.f32 v9, v3;
	v3 =	vmul.f32 v4, v3  }
0x177: {  	v4 =	vbroadcast v10, $0x0;
	[tilespmem:s16+$0x10] =	vst v2  }
0x178: {  	[tilespmem:s16+$0x70] =	vst v3  }
0x179: {  	v3 =	vld [tilespmem:s15+$0xFFFFFFD0];
	[tilespmem:s16+$0x20] =	vst v6  }
0x17a: {  	v6 =	vld [tilespmem:s15+$0xFFFFFFB0];
	[tilespmem:s16+$0x60] =	vst v5  }
0x17b: {  	v5 =	vld [tilespmem:s15+$0xFFFFFFE0];
	[tilespmem:s16+$0x40] =	vst v7  }
0x17c: {  	v7 =	vld [tilespmem:s15+$0xFFFFFFF0];
	[tilespmem:s16+$0x50] =	vst v8;
	s16 =	smov.u32 s15  }
0x17d: {  	v4 =	vld.idx.msk [tilespmem:v4+s9+$0x0], $0xffff  }
0x17e: {  	v8 =	vld [tilespmem:s15+$0xFFFFFF80]  }
0x17f: {  	v9 =	vld [tilespmem:s15+$0xFFFFFFA0]  }
0x180: {  	v10 =	vld [tilespmem:s15+$0xFFFFFF90]  }
0x181: {  	v11 =	vld [tilespmem:s15+$0xFFFFFFC0]  }
0x182: {  	v2 =	vld [tilespmem:s15+$0x10]  }
0x183: {  	v7 =	vmul.f32 v7, v4;
	v8 =	vmul.f32 v8, v4  }
0x184: {  	v5 =	vmul.f32 v5, v4;
	v9 =	vmul.f32 v9, v4  }
0x185: {  	v6 =	vmul.f32 v6, v4;
	v10 =	vmul.f32 v10, v4;
	[tilespmem:s15+$0xFFFFFFF0] =	vst v7  }
0x186: {  	v3 =	vmul.f32 v3, v4;
	[tilespmem:s15+$0xFFFFFF80] =	vst v8;
	v7 =	vmul.f32 v11, v4  }
0x187: {  	[tilespmem:s15+$0xFFFFFFA0] =	vst v9  }
0x188: {  	[tilespmem:s15+$0xFFFFFFB0] =	vst v6;
	v6 =	vmov s17  }
.Ltmp7:
0x189: {  	[tilespmem:s15+$0xFFFFFFD0] =	vst v3;
	(pc) =	sbr.rel @p1 .LBB2_12-.Ltmp7, $4  }
0x18a: {  	[tilespmem:s15+$0xFFFFFF90] =	vst v10  }
0x18b: {  	[tilespmem:s15+$0xFFFFFFE0] =	vst v5;
	v5 =	vld [tilespmem:s15+$0x30]  }
0x18c: {  	[tilespmem:s15+$0xFFFFFFC0] =	vst v7;
	v4 =	vld [tilespmem:s15+$0x70]  }
0x18d: {  	v3 =	vld.idx.msk [tilespmem:v6+s9+$0x0], $0xffff  }
0x18e: {  	_ =	sdelay $0x2  }
0x18f: {  	v6 =	vld [tilespmem:s16+$0x20]  }
0x190: {  	v7 =	vld [tilespmem:s16+$0x60];
	v1 =	vmul.f32 v1, v3  }
0x191: {  	v8 =	vld [tilespmem:s16+$0x40];
	v5 =	vmul.f32 v5, v3  }
0x192: {  	v9 =	vld [tilespmem:s16+$0x50];
	v2 =	vmul.f32 v2, v3;
	[tilespmem:s16+$0x0] =	vst v1  }
0x193: {  	[tilespmem:s16+$0x30] =	vst v5;
	v1 =	vmul.f32 v4, v3  }
0x194: {  	v4 =	vmul.f32 v6, v3;
	[tilespmem:s16+$0x10] =	vst v2  }
0x195: {  	v2 =	vmul.f32 v7, v3;
	[tilespmem:s16+$0x70] =	vst v1  }
0x196: {  	v1 =	vmul.f32 v8, v3;
	[tilespmem:s16+$0x20] =	vst v4  }
0x197: {  	s1 =	sshll.u32 s14, $0xA;
	v3 =	vmul.f32 v9, v3;
	[tilespmem:s16+$0x60] =	vst v2  }
0x198: {  	s17 =	sadd.s32 $0xFFFFFFFE, s13;
	s15 =	sshrl.u32 s1, $0x2;
	[tilespmem:s16+$0x40] =	vst v1  }
0x199: {  	p1 =	seq.s32 s14, $0x13;
	s19 =	sadd.s32 $0x82, s17;
	s18 =	sadd.s32 $0x1400, s15;
	[tilespmem:s16+$0x50] =	vst v3  }
0x19a: {  	[spmem:s2] =	stream.indirect.scatter.add.f32 [tilespmem:s30], [sflag:$0x3], $0x80, s18, s6, $0xb8;
	[tilespmem:$0x1F980] =	vst v63  }
0x19b: {  	s1 =	sshrl.u32 @!p1 s1, $0x2;
	v1 =	vmov s19;
	_ =	swait.ge [sflag:s0], $0x4000  }
0x19c: {  	s1 =	sadd.s32 @!p1 $0x100, s1;
	v1 =	vand.u32 $0xFFFFFFFE, v1;
	[sflag:s0] =	ssyncset.done $0x0  }
0x19d: {  	s16 =	simm.s32 @!p1 $0x80;
	s18 =	simm.s32 @!p1 $0x3C00;
	v2 =	vbroadcast v1, $0x0;
	[sflag:s0] =	ssyncadd.s32 $0xFFFFC000  }
0x19e: {  	[tilespmem:s18], [sflag:$0x1] =	stream.indirect.gather @!p1 [hbm4b:s4+s16], $0x80, s1, s16, $0xb8;
	[tilespmem:$0x1F980] =	vst v63  }
0x19f: {  	_ =	swait.ge [sflag:s11], $0x4000  }
0x1a0: {  	[sflag:s11] =	ssyncset.done $0x0  }
0x1a1: {  	s16 =	simm.s32 $0x7C80;
	[sflag:s11] =	ssyncadd.s32 $0xFFFFC000  }
0x1a2: {  	v5 =	vld [tilespmem:s16+$0xFFFFFFF0]  }
0x1a3: {  	v6 =	vld.idx.msk [tilespmem:v2+s9+$0x0], $0xffff  }
0x1a4: {  	v7 =	vld [tilespmem:s16+$0xFFFFFF80]  }
0x1a5: {  	v62 =	vld [tilespmem:s16+$0xFFFFFFA0]  }
0x1a6: {  	v4 =	vld [tilespmem:s16+$0xFFFFFFB0]  }
0x1a7: {  	v3 =	vld [tilespmem:s16+$0xFFFFFFD0]  }
0x1a8: {  	v10 =	vld [tilespmem:s16+$0xFFFFFF90];
	v5 =	vmul.f32 v5, v6  }
0x1a9: {  	v63 =	vld [tilespmem:s16+$0xFFFFFFE0];
	v7 =	vmul.f32 v7, v6  }
0x1aa: {  	v11 =	vld [tilespmem:s16+$0xFFFFFFC0];
	v8 =	vmul.f32 v62, v6;
	[tilespmem:s16+$0xFFFFFFF0] =	vst v5  }
0x1ab: {  	v4 =	vmul.f32 v4, v6;
	[tilespmem:s16+$0xFFFFFF80] =	vst v7  }
0x1ac: {  	s19 =	sadd.s32 $0x83, s17;
	v3 =	vmul.f32 v3, v6;
	[tilespmem:s16+$0xFFFFFFA0] =	vst v8  }
0x1ad: {  	v5 =	vmul.f32 v10, v6;
	[tilespmem:s16+$0xFFFFFFB0] =	vst v4;
	v7 =	vmov s19  }
0x1ae: {  	v1 =	vld [tilespmem:s16+$0x0];
	v4 =	vmul.f32 v63, v6;
	[tilespmem:s16+$0xFFFFFFD0] =	vst v3  }
0x1af: {  	v2 =	vld [tilespmem:s16+$0x10];
	v3 =	vmul.f32 v11, v6;
	[tilespmem:s16+$0xFFFFFF90] =	vst v5  }
0x1b0: {  	[tilespmem:s16+$0xFFFFFFE0] =	vst v4;
	v5 =	vld [tilespmem:s16+$0x30]  }
0x1b1: {  	s20 =	sshll.u32 s14, $0x1;
	[tilespmem:s16+$0xFFFFFFC0] =	vst v3;
	v4 =	vld [tilespmem:s16+$0x70]  }
0x1b2: {  	s17 =	sor.u32 $0x1, s20;
	s1 =	simm.s32 $0x0;
	s18 =	simm.s32 $0x7C80;
	v3 =	vld.idx.msk [tilespmem:v7+s9+$0x0], $0xffff  }
.LBB2_14:
0x1b3: {  	v6 =	vld [tilespmem:s16+$0x20];
	s18 =	sadd.s32 $0x100, s18;
	s19 =	smov.u32 s1;
	s1 =	sadd.s32 $0x2, s1  }
0x1b4: {  	p2 =	slt.u32 s1, $0x7E;
	v7 =	vld [tilespmem:s16+$0x40]  }
0x1b5: {  	v8 =	vld [tilespmem:s16+$0x50]  }
0x1b6: {  	v9 =	vld [tilespmem:s16+$0x60];
	_ =	sdelay $0x1  }
0x1b7: {  	s19 =	sadd.s32 s19, s13;
	v1 =	vmul.f32 v1, v3;
	v2 =	vmul.f32 v2, v3  }
0x1b8: {  	s20 =	sadd.s32 $0x82, s19;
	s19 =	sadd.s32 $0x83, s19;
	v5 =	vmul.f32 v5, v3;
	v6 =	vmul.f32 v6, v3  }
0x1b9: {  	v10 =	vmov s20;
	v7 =	vmul.f32 v7, v3;
	[tilespmem:s16+$0x0] =	vst v1;
	v8 =	vmul.f32 v8, v3  }
0x1ba: {  	v10 =	vand.u32 $0xFFFFFFFE, v10;
	v1 =	vld [tilespmem:s18+$0x0];
	[tilespmem:s16+$0x30] =	vst v5;
	v5 =	vmul.f32 v9, v3;
	v3 =	vmul.f32 v4, v3  }
0x1bb: {  	v4 =	vbroadcast v10, $0x0;
	[tilespmem:s16+$0x10] =	vst v2  }
0x1bc: {  	[tilespmem:s16+$0x70] =	vst v3  }
0x1bd: {  	v3 =	vld [tilespmem:s18+$0xFFFFFFD0];
	[tilespmem:s16+$0x20] =	vst v6  }
0x1be: {  	v6 =	vld [tilespmem:s18+$0xFFFFFFB0];
	[tilespmem:s16+$0x60] =	vst v5  }
0x1bf: {  	v5 =	vld [tilespmem:s18+$0xFFFFFFE0];
	[tilespmem:s16+$0x40] =	vst v7  }
0x1c0: {  	v7 =	vld [tilespmem:s18+$0xFFFFFFF0];
	[tilespmem:s16+$0x50] =	vst v8;
	s16 =	smov.u32 s18  }
0x1c1: {  	v4 =	vld.idx.msk [tilespmem:v4+s9+$0x0], $0xffff  }
0x1c2: {  	v8 =	vld [tilespmem:s18+$0xFFFFFF80]  }
0x1c3: {  	v9 =	vld [tilespmem:s18+$0xFFFFFFA0]  }
0x1c4: {  	v10 =	vld [tilespmem:s18+$0xFFFFFF90]  }
0x1c5: {  	v11 =	vld [tilespmem:s18+$0xFFFFFFC0]  }
0x1c6: {  	v2 =	vld [tilespmem:s18+$0x10]  }
0x1c7: {  	v7 =	vmul.f32 v7, v4;
	v8 =	vmul.f32 v8, v4  }
0x1c8: {  	v5 =	vmul.f32 v5, v4;
	v9 =	vmul.f32 v9, v4  }
0x1c9: {  	v6 =	vmul.f32 v6, v4;
	v10 =	vmul.f32 v10, v4;
	[tilespmem:s18+$0xFFFFFFF0] =	vst v7  }
0x1ca: {  	v3 =	vmul.f32 v3, v4;
	[tilespmem:s18+$0xFFFFFF80] =	vst v8;
	v7 =	vmul.f32 v11, v4  }
0x1cb: {  	[tilespmem:s18+$0xFFFFFFA0] =	vst v9  }
0x1cc: {  	[tilespmem:s18+$0xFFFFFFB0] =	vst v6;
	v6 =	vmov s19  }
.Ltmp8:
0x1cd: {  	[tilespmem:s18+$0xFFFFFFD0] =	vst v3;
	(pc) =	sbr.rel @p2 .LBB2_14-.Ltmp8, $4  }
0x1ce: {  	[tilespmem:s18+$0xFFFFFF90] =	vst v10  }
0x1cf: {  	[tilespmem:s18+$0xFFFFFFE0] =	vst v5;
	v5 =	vld [tilespmem:s18+$0x30]  }
0x1d0: {  	[tilespmem:s18+$0xFFFFFFC0] =	vst v7;
	v4 =	vld [tilespmem:s18+$0x70]  }
0x1d1: {  	v3 =	vld.idx.msk [tilespmem:v6+s9+$0x0], $0xffff  }
0x1d2: {  	_ =	sdelay $0x1  }
0x1d3: {  	v6 =	vld [tilespmem:s16+$0x20];
	_ =	sdelay $0x1  }
0x1d4: {  	v7 =	vld [tilespmem:s16+$0x60];
	v1 =	vmul.f32 v1, v3  }
0x1d5: {  	v8 =	vld [tilespmem:s16+$0x40];
	v5 =	vmul.f32 v5, v3  }
0x1d6: {  	v9 =	vld [tilespmem:s16+$0x50];
	v2 =	vmul.f32 v2, v3;
	[tilespmem:s16+$0x0] =	vst v1  }
0x1d7: {  	v63 =	vmul.f32 v6, v3;
	[tilespmem:s16+$0x30] =	vst v5  }
0x1d8: {  	v1 =	vmul.f32 v4, v3;
	[tilespmem:s16+$0x10] =	vst v2  }
0x1d9: {  	v2 =	vmul.f32 v7, v3;
	[tilespmem:s16+$0x20] =	vst v63  }
0x1da: {  	[tilespmem:s16+$0x70] =	vst v1;
	v1 =	vmul.f32 v8, v3  }
0x1db: {  	s1 =	sshll.u32 s17, $0x7;
	v3 =	vmul.f32 v9, v3;
	[tilespmem:s16+$0x60] =	vst v2  }
0x1dc: {  	s1 =	sand.u32 $0x3FFFFF80, s1;
	[tilespmem:s16+$0x40] =	vst v1  }
.Ltmp9:
0x1dd: {  	s1 =	sadd.s32 $0x1400, s1;
	[tilespmem:s16+$0x50] =	vst v3;
	(pc) =	sbr.rel @p1 .LBB2_17-.Ltmp9, $4  }
0x1de: {  	[spmem:s2] =	stream.indirect.scatter.add.f32 [tilespmem:s10], [sflag:$0x3], $0x80, s1, s6, $0xb8;
	[tilespmem:$0x1F980] =	vst v63  }
0x1df: {  	_ =	swait.ge [sflag:s0], $0x4000  }
0x1e0: {  	[sflag:s0] =	ssyncset.done $0x0  }
0x1e1: {  	[sflag:s0] =	ssyncadd.s32 $0xFFFFC000  }
.Ltmp10:
0x1e2: {  	(pc) =	sbr.rel .LBB2_11-.Ltmp10, $3  }
0x1e3: {  	_ =	sdelay $0x1  }
0x1e4: {  	s1 =	sadd.s32 $0x180, s15;
	s14 =	sadd.s32 $0x1, s14;
	s13 =	sadd.s32 $0x100, s13  }
0x1e5: {  	[tilespmem:s10], [sflag:$0x2] =	stream.indirect.gather [hbm4b:s4+s6], $0x80, s1, s6, $0xb8;
	[tilespmem:$0x1F980] =	vst v63  }
.LBB2_18:
0x1e6: {  	_ =	sfence.sel $0x180000  }
0x1e7: {  	[bflag:$0x0] =	sbarrier.arrive $0xFFFF  }
0x1e8: {  	_ =	strace $0x9000004A  }
0x1e9: {  	s0 =	stileid.u32;
	[bflag:$0x2] =	sbarrier.arrive $0xFFFF  }
0x1ea: {  	p0 =	sne.s32 s0, $0x0;
	s0 =	rddreg [dreg:$0x3]  }
0x1eb: {  	s0 =	sadd.s32 @!p0 $0x100000, s0  }
0x1ec: {  	[sflag:s0] =	ssyncadd.tile.s32 @!p0 $0x1;
	_ =	shalt  }
.Lfunc_end2:
_tile_overlayer_lowered:
.L_overlay_start_2:
0x1ed: {  	(tag) =	ssettag $0x2  }
0x1ee: {  	s0 =	rddreg [dreg:$0x0];
	s2 =	stileid.u32  }
0x1ef: {  	s1 =	rddreg [dreg:$0x1];
	p0 =	sne.s32 s2, $0x0  }
0x1f0: {  	s3 =	rddreg [dreg:$0x2];
	[bflag:$0x3] =	sbarrier.arrive $0xFFFF;
	s2 =	simm.s32 @!p0 $0x1C03  }
0x1f1: {  	[timem:s3], [sflag:s2] =	dma.local @!p0 [hbm:s0], s1  }
0x1f2: {  	s0 =	simm.s32 @!p0 $0x3  }
0x1f3: {  	_ =	swait.ge @!p0 [sflag:s0], s1  }
0x1f4: {  	s1 =	ssub.s32 @!p0 $0x0, s1;
	[sflag:s0] =	ssyncset.done @!p0 $0x0  }
0x1f5: {  	[sflag:s0] =	ssyncadd.s32 @!p0 s1  }
0x1f6: {  	[bflag:$0x3] =	sbarrier.arrive $0xFFFF  }
0x1f7: {  	_ =	shalt  }

// kernel: kernel.7.cloned.1.call-start
scs
__scs_entry_jumppad:
0x0: {  	(pc) =	sbr.rel $0x88, $3  }
0x1: {  	(tag) =	ssettag $0x0;
	lr =	simm.s32 $0x1  }
0x2: {  	[smem:$0x3F90] =	sst lr;
	_ =	strace $0xD0000000  }
0x3: {  	_ = 	snop  }
0x4: {  	_ = 	snop  }
0x5: {  	_ = 	snop  }
0x6: {  	_ = 	snop  }
0x7: {  	_ = 	snop  }
__scs_overlays_trampoline_lowered:
0x8: {  	[smem:$0x3F9F] =	sst s0  }
0x9: {  	[smem:$0x3FA0] =	sst s1  }
0xa: {  	[smem:$0x3FA1] =	sst s2  }
0xb: {  	[smem:$0x3FA2] =	sst s3  }
0xc: {  	[smem:$0x3FA3] =	sst s4  }
0xd: {  	[smem:$0x3FA4] =	sst s5  }
0xe: {  	[smem:$0x3FA5] =	sst s6  }
0xf: {  	[smem:$0x3FA6] =	sst s7  }
0x10: {  	[smem:$0x3FA7] =	sst s8  }
0x11: {  	[smem:$0x3FA8] =	sst s9;
	s0 =	simm.s32 @!p0 $0x0  }
0x12: {  	s1 =	sld [smem:$0x3F8E];
	s0 =	simm.s32 @p0 $0x1  }
0x13: {  	[smem:$0x3FA9] =	sst s0;
	s0 =	simm.s32 @!p1 $0x0  }
0x14: {  	s2 =	sld [smem:$0x3F8D];
	s0 =	simm.s32 @p1 $0x1  }
0x15: {  	[smem:$0x3FAA] =	sst s0;
	s0 =	simm.s32 @!p2 $0x0  }
0x16: {  	s3 =	sld [smem:$0x3FDB];
	s0 =	simm.s32 @p2 $0x1  }
0x17: {  	s4 =	simm.s32 $0x1BF5;
	[smem:$0x3FAC] =	sst s0  }
0x18: {  	s0 =	sld [smem:$0x3F8F];
	_ =	swait.ge [sflag:s4], $0x0  }
0x19: {  	s7 =	sld [smem:$0x3F90]  }
0x1a: {  	s8 =	sadd.s32 $0xFFFFE003, lr  }
0x1b: {  	s9 =	sadd.s32 $0xFFFFFEF7, lr;
	s5 =	simm.s32 $0xFFFFFFFF;
	p2 =	slt.u32 s8, $0xFFFFF086  }
0x1c: {  	p1 =	slt.u32 s9, $0xF7A;
	s5 =	simm.s32 @!p2 $0x0  }
0x1d: {  	s5 =	simm.s32 @p1 $0x1;
	p0 =	seq.s32 s7, s2  }
0x1e: {  	s7 =	smul.u32 @!p0 $0xF7A, s2;
	p2 =	seq.s32 @!p0 s5, $0x0  }
0x1f: {  	s9 =	smul.u32 $0xF7A, s1;
	s8 =	simm.s32 @!p0 $0x1BF5;
	p2 =	por !p2, p0  }
0x20: {  	[sflag:s8] =	ssyncset.s32 @!p0 $0xFFFFF086;
	s6 =	sadd.s32 @!p0 s3, s7;
	s7 =	simm.s32 @!p0 $0x108  }
0x21: {  	s3 =	sadd.s32 s3, s9;
	s6 =	sadd.s32 @!p0 $0x88, s6;
	s7 =	simm.s32 @p2 $0x1082  }
0x22: {  	[simem:s7], [sflag:s8] =	dma.local @!p0 [hbm:s6], $0xF7A  }
0x23: {  	s9 =	sor.u32 $0xD0000000, s2;
	s6 =	simm.s32 $0x108;
	_ =	swait.ge @!p0 [sflag:s8], $0x0  }
0x24: {  	s3 =	sadd.s32 $0x88, s3;
	s6 =	simm.s32 @!p1 $0x1082;
	[sflag:s4] =	ssyncset.s32 $0xFFFFF086  }
0x25: {  	[simem:s6], [sflag:s4] =	dma.local [hbm:s3], $0xF7A  }
0x26: {  	[smem:$0x3F90] =	sst s1;
	(tag) =	ssettag s2;
	_ =	strace s9  }
0x27: {  	s1 =	sld [smem:$0x3FA0]  }
0x28: {  	s2 =	sld [smem:$0x3FA1]  }
0x29: {  	s4 =	sld [smem:$0x3FA3]  }
0x2a: {  	p0 =	seq.s32 s5, $0x0;
	s5 =	sld [smem:$0x3FA4]  }
0x2b: {  	s6 =	sld [smem:$0x3FA5]  }
0x2c: {  	s7 =	sld [smem:$0x3FA6]  }
0x2d: {  	s3 =	simm.s32 $0x108;
	s8 =	sld [smem:$0x3FA7]  }
0x2e: {  	s3 =	simm.s32 @!p0 $0x1082;
	s9 =	sld [smem:$0x3FA8]  }
0x2f: {  	lr =	sadd.s32 s0, s3;
	s0 =	sld [smem:$0x3F9F]  }
0x30: {  	s3 =	sld [smem:$0x3FA2]  }
0x31: {  	[smem:$0x3FAB] =	sst s10  }
0x32: {  	s10 =	sld [smem:$0x3FA9];
	_ =	sdelay $0x3  }
0x33: {  	p0 =	seq.s32 s10, $0x1;
	s10 =	sld [smem:$0x3FAB];
	_ =	sdelay $0x3  }
0x34: {  	[smem:$0x3FAB] =	sst s10  }
0x35: {  	s10 =	sld [smem:$0x3FAA];
	_ =	sdelay $0x3  }
0x36: {  	p1 =	seq.s32 s10, $0x1;
	s10 =	sld [smem:$0x3FAB];
	_ =	sdelay $0x3  }
0x37: {  	[smem:$0x3FAB] =	sst s10  }
0x38: {  	s10 =	sld [smem:$0x3FAC]  }
0x39: {  	_ = 	snop;
	(pc) =	sbr.ind lr, $3  }
0x3a: {  	_ = 	snop  }
0x3b: {  	_ = 	snop  }
0x3c: {  	p2 =	seq.s32 s10, $0x1;
	s10 =	sld [smem:$0x3FAB]  }
0x3d: {  	_ =	shalt  }
0x3e: {  	_ =	shalt  }
0x3f: {  	_ =	shalt  }
0x40: {  	_ =	shalt  }
0x41: {  	_ =	shalt  }
0x42: {  	_ =	shalt  }
0x43: {  	_ =	shalt  }
0x44: {  	_ =	shalt  }
0x45: {  	_ =	shalt  }
0x46: {  	_ =	shalt  }
0x47: {  	_ =	shalt  }
0x48: {  	_ =	shalt  }
0x49: {  	_ =	shalt  }
0x4a: {  	_ =	shalt  }
0x4b: {  	_ =	shalt  }
0x4c: {  	_ =	shalt  }
0x4d: {  	_ =	shalt  }
0x4e: {  	_ =	shalt  }
0x4f: {  	_ =	shalt  }
0x50: {  	_ =	shalt  }
0x51: {  	_ =	shalt  }
0x52: {  	_ =	shalt  }
0x53: {  	_ =	shalt  }
0x54: {  	_ =	shalt  }
0x55: {  	_ =	shalt  }
0x56: {  	_ =	shalt  }
0x57: {  	_ =	shalt  }
0x58: {  	_ =	shalt  }
0x59: {  	_ =	shalt  }
0x5a: {  	_ =	shalt  }
0x5b: {  	_ =	shalt  }
0x5c: {  	_ =	shalt  }
0x5d: {  	_ =	shalt  }
0x5e: {  	_ =	shalt  }
0x5f: {  	_ =	shalt  }
0x60: {  	_ =	shalt  }
0x61: {  	_ =	shalt  }
0x62: {  	_ =	shalt  }
0x63: {  	_ =	shalt  }
0x64: {  	_ =	shalt  }
0x65: {  	_ =	shalt  }
0x66: {  	_ =	shalt  }
0x67: {  	_ =	shalt  }
0x68: {  	_ =	shalt  }
0x69: {  	_ =	shalt  }
0x6a: {  	_ =	shalt  }
0x6b: {  	_ =	shalt  }
0x6c: {  	_ =	shalt  }
0x6d: {  	_ =	shalt  }
0x6e: {  	_ =	shalt  }
0x6f: {  	_ =	shalt  }
0x70: {  	_ =	shalt  }
0x71: {  	_ =	shalt  }
0x72: {  	_ =	shalt  }
0x73: {  	_ =	shalt  }
0x74: {  	_ =	shalt  }
0x75: {  	_ =	shalt  }
0x76: {  	_ =	shalt  }
0x77: {  	_ =	shalt  }
0x78: {  	_ =	shalt  }
0x79: {  	_ =	shalt  }
0x7a: {  	_ =	shalt  }
0x7b: {  	_ =	shalt  }
0x7c: {  	_ =	shalt  }
0x7d: {  	_ =	shalt  }
0x7e: {  	_ =	shalt  }
0x7f: {  	_ =	shalt  }
0x80: {  	_ =	shalt  }
0x81: {  	_ =	shalt  }
0x82: {  	_ =	shalt  }
0x83: {  	_ =	shalt  }
0x84: {  	_ =	shalt  }
0x85: {  	_ =	shalt  }
0x86: {  	_ =	shalt  }
0x87: {  	_ =	shalt  }
.Lfunc_end0:
.L_simem_size_0:
called_computation_lowered:
.L_overlay_start_0:
0x88: {  	s2 =	sld [smem:$0x3FD9]  }
0x89: {  	s3 =	sld [smem:$0x3FFE];
	_ =	sdelay $0x1  }
0x8a: {  	s1 =	srdreg.scid  }
0x8b: {  	s0 =	sand.u32 $0x1, s1  }
0x8c: {  	s16 =	sshll.u32 s0, $0xA;
	s2 =	sadd.s32 s3, s2  }
0x8d: {  	s2 =	sadd.s32 s2, s16  }
0x8e: {  	[smem:$0x3FB7] =	sst s2  }
0x8f: {  	_ = 	snop  }
0x90: {  	(tm) =	ssettm $0x1  }
0x91: {  	s17 =	sld [smem:$0x3FFB];
	_ =	sdelay $0x3  }
0x92: {  	_ =	strace s17  }
0x93: {  	s2 =	sld [smem:$0x3FFC];
	_ =	sdelay $0x3  }
0x94: {  	_ =	strace s2  }
0x95: {  	s2 =	sld [smem:$0x3FFD];
	_ =	sdelay $0x3  }
0x96: {  	_ =	strace s2  }
0x97: {  	_ =	strace $0x8FFFFFFF  }
0x98: {  	s18 =	sld [smem:$0x3FDB];
	_ =	sdelay $0x1  }
0x99: {  	s19 =	simm.s32 $_scs_section_size  }
0x9a: {  	s4 =	simm.s32 $_size__tile_overlayer_lowered;
	s5 =	simm.s32 $_tile_overlayer_lowered  }
0x9b: {  	s22 =	simm.s32 $0x1BFF;
	s21 =	sshll.u32 s5, $0x1;
	s2 =	sadd.s32 s19, s18  }
0x9c: {  	s6 =	simm.s32 $0x0;
	s20 =	sshll.u32 s4, $0x1;
	s4 =	sadd.s32 s21, s2  }
0x9d: {  	[timem:s6], [sflag:s22] =	dma.local [hbm:s4], s20  }
0x9e: {  	_ =	swait.ge [sflag:s22], s20  }
0x9f: {  	s3 =	ssub.s32 $0x0, s20;
	[sflag:s22] =	ssyncset.done $0x0  }
0xa0: {  	[sflag:s22] =	ssyncadd.s32 s3;
	_ =	sdelay $0x1  }
0xa1: {  	s23 =	simm.s32 $0x1B8B  }
0xa2: {  	_ =	swait.ge [sflag:s23], $0x1  }
0xa3: {  	[sflag:s23] =	ssyncset.done $0x0  }
0xa4: {  	s25 =	simm.s32 $0x1B8E;
	s24 =	sld [smem:$0x3FFE];
	[sflag:s23] =	ssyncadd.s32 $0xFFFFFFFF  }
0xa5: {  	s26 =	simm.s32 $execute0_lowered;
	[smem:$0x3FD2] =	sst s25  }
0xa6: {  	s4 =	sshll.u32 s26, $0x1;
	_ =	strace $0x80000046;
	[dreg:$0x1] =	wrdreg $0xFFFFFFFF  }
0xa7: {  	s28 =	simm.s32 $_size_execute0_lowered;
	s2 =	sadd.s32 s2, s4;
	[dreg:$0x0] =	wrdreg $0x0  }
0xa8: {  	s4 =	sshll.u32 s28, $0x1;
	[dreg:$0x2] =	wrdreg s2  }
0xa9: {  	[dreg:$0x3] =	wrdreg s4  }
0xaa: {  	[dreg:$0x4] =	wrdreg $0xC0  }
0xab: {  	_ =	task [dreg:s6], $0x5FFFF  }
0xac: {  	[dreg:$0x1] =	wrdreg $0xFFFFFFFF  }
0xad: {  	[dreg:$0x0] =	wrdreg $0x60  }
0xae: {  	[dreg:$0x2] =	wrdreg s24  }
0xaf: {  	[dreg:$0x3] =	wrdreg $0xBC000  }
0xb0: {  	[dreg:$0x4] =	wrdreg $0x9  }
0xb1: {  	_ =	task.clear_ibuf [dreg:s6], $0x5FFFF;
	_ =	strace $0x90000046  }
0xb2: {  	s29 =	simm.s32 $0x9;
	_ =	strace $0x80000048  }
0xb3: {  	_ =	swait.ge [sflag:s29], $0x1  }
0xb4: {  	[sflag:s29] =	ssyncadd.s32 $0xFFFFFFFF  }
0xb5: {  	_ =	strace $0x90000048  }
0xb6: {  	_ =	sfence  }
0xb7: {  	s30 =	sld [smem:$0x0];
	_ =	sdelay $0x2  }
0xb8: {  	s31 =	sshll.u32 s1, $0xD;
	s1 =	sshrl.u32 s1, $0x2  }
0xb9: {  	s3 =	sand.u32 $0x4000, s31;
	s1 =	sadd.s32 s1, s30  }
0xba: {  	s0 =	sor.u32 s3, s0;
	s1 =	sshll.u32 s1, $0x11  }
0xbb: {  	s0 =	sor.u32 s1, s0  }
0xbc: {  	s0 =	sadd.s32 $0x8F2B, s0  }
0xbd: {  	[sflag:s0] =	ssyncadd.remote.s32 $0x1  }
0xbe: {  	_ =	sfence.sel $0xFFFF  }
0xbf: {  	[dreg:$0x0] =	wrdreg $0xFFFFFFFF;
	(pc) =	sbr.abs _section_cstart, $3  }
0xc0: {  	[dreg:$0x1] =	wrdreg $0xFFFFFFFF  }
0xc1: {  	_ =	task.clear_ibuf [dreg:s6], $0x2FFFF;
	_ =	strace $0x9FFFFFFF  }
0xc2: {  	(tm) =	ssettm $0x7FFFFFFF  }
0xc3: {  	_ =	shalt  }
tec
execute0_lowered:
.L_overlay_start_1:
0x0: {  	(tag) =	ssettag $0x1  }
0x1: {  	s0 =	srdreg.scid;
	s1 =	rddreg [dreg:$0x0]  }
0x2: {  	s24 =	stileid.u32;
	s2 =	rddreg [dreg:$0x1];
	s28 =	simm.s32 $0x100  }
0x3: {  	s29 =	simm.s32 $0x3;
	s30 =	simm.s32 $0x1400;
	s31 =	simm.s32 $0x2800  }
0x4: {  	s0 =	sand.u32 $0x1, s0;
	s12 =	sadd.s32 $0xD000, s1;
	s23 =	smul.u32 $0x4E000, s24  }
0x5: {  	s14 =	sadd.s32 $0x17000, s1;
	s15 =	smul.u32 $0x13800, s24;
	s10 =	sadd.s32 $0x138000, s2  }
0x6: {  	p0 =	sne.s32 s24, $0xF;
	s3 =	sshll.u32 s0, $0x4;
	s6 =	ssub.s32 $0x2, s0  }
0x7: {  	s0 =	smul.u32 $0x138800, s0;
	s4 =	sor.u32 s24, s3;
	s3 =	simm.s32 $0x0  }
0x8: {  	s7 =	sshrl.u32 s6, $0x1;
	s17 =	sadd.s32 $0x4000, s15;
	s18 =	sadd.s32 $0x8000, s15  }
0x9: {  	s20 =	sadd.s32 $0xC000, s15;
	s21 =	sadd.s32 $0x10000, s15;
	s24 =	simm.s32 $0x3C00  }
0xa: {  	s5 =	smul.u32 $0x2800, s4;
	[smem:$0x7FF] =	sst s3;
	s4 =	sadd.s32 $0x21000, s1  }
0xb: {  	s16 =	ssub.s32 s6, s7;
	s6 =	sadd.s32 s17, s2;
	s7 =	sadd.s32 s18, s2  }
0xc: {  	s8 =	sadd.s32 s20, s2;
	s9 =	sadd.s32 s21, s2;
	s15 =	sadd.s32 s15, s0  }
0xd: {  	s17 =	sadd.s32 s0, s17;
	_ =	strace $0x80000047;
	s11 =	sshrl.u32 s5, $0x3  }
0xe: {  	s5 =	sshrl.u32 s23, $0x2;
	s13 =	sadd.s32 s11, s1;
	s19 =	sadd.s32 s12, s11  }
0xf: {  	s26 =	sor.u32 $0x10, s11;
	s11 =	sadd.s32 s14, s11;
	[dreg:$0x3] =	wrdreg s19  }
0x10: {  	s1 =	sadd.s32 $0x48200, s1;
	s25 =	sadd.s32 $0x3000, s13;
	[dreg:$0x5] =	wrdreg s11  }
0x11: {  	s5 =	sadd.s32 s5, s2;
	s12 =	sadd.s32 s12, s26;
	[dreg:$0x4] =	wrdreg s25  }
0x12: {  	s13 =	sadd.s32 $0x3280, s13;
	s14 =	sadd.s32 s14, s26;
	[dreg:$0x6] =	wrdreg s12  }
0x13: {  	s11 =	sshrl.u32 s15, $0x3;
	s19 =	sadd.s32 s0, s18;
	[dreg:$0x7] =	wrdreg s13  }
0x14: {  	s26 =	sadd.s32 s0, s21;
	[dreg:$0x8] =	wrdreg s14;
	s12 =	sshrl.u32 s17, $0x3  }
0x15: {  	s11 =	sadd.s32 s1, s11;
	s23 =	sshrl.u32 s19, $0x3;
	s25 =	sadd.s32 s0, s20  }
0x16: {  	s0 =	sshrl.u32 s0, $0x3;
	[dreg:$0x9] =	wrdreg s11;
	s22 =	sadd.s32 s1, s12  }
.Ltmp0:
0x17: {  	s11 =	sadd.s32 s1, s23;
	s12 =	sshrl.u32 s26, $0x3;
	(pc) =	sbr.rel .LBB2_1-.Ltmp0, $4  }
0x18: {  	s0 =	sadd.s32 s1, s0;
	s23 =	smax.u32 s16, $0x1;
	[dreg:$0xa] =	wrdreg s22  }
0x19: {  	s26 =	simm.s32 $0x80;
	[dreg:$0xb] =	wrdreg s11;
	s11 =	sshrl.u32 s25, $0x3  }
0x1a: {  	s21 =	sadd.s32 s1, s12;
	s22 =	sadd.s32 $0x27000, s0;
	s25 =	simm.s32 $0x1  }
0x1b: {  	v0 =	vimm.f32 $0.0e+00;
	s0 =	simm.s32 $0x2;
	s20 =	sadd.s32 s1, s11;
	s1 =	simm.s32 $0x7C00  }
.LBB2_17:
0x1c: {  	s11 =	stileid.u32  }
0x1d: {  	[bflag:$0x0] =	sbarrier.arrive $0xFFFF;
	s12 =	sshrl.u32 s5, $0x3;
	s11 =	sshll.u32 s11, $0x6  }
0x1e: {  	s16 =	sshrl.u32 s6, $0x3;
	s13 =	rddreg [dreg:$0x9];
	s11 =	sor.u32 $0x1C01, s11  }
0x1f: {  	[hbm:s13], [sflag:s11] =	dma.local [spmem:s12], $0x800  }
0x20: {  	s17 =	sshrl.u32 s7, $0x3;
	s18 =	sshrl.u32 s8, $0x3;
	s13 =	rddreg [dreg:$0xa]  }
0x21: {  	[hbm:s13], [sflag:s11] =	dma.local [spmem:s16], $0x800  }
0x22: {  	s19 =	sshrl.u32 s9, $0x3;
	s12 =	sshrl.u32 @!p0 s10, $0x3;
	s13 =	rddreg [dreg:$0xb]  }
0x23: {  	[hbm:s13], [sflag:s11] =	dma.local [spmem:s17], $0x800  }
0x24: {  	[hbm:s20], [sflag:s11] =	dma.local [spmem:s18], $0x800  }
0x25: {  	[hbm:s21], [sflag:s11] =	dma.local [spmem:s19], $0x700  }
0x26: {  	[hbm:s22], [sflag:s11] =	dma.local @!p0 [spmem:s12], $0x100  }
0x27: {  	s11 =	simm.s32 @!p0 $0x1  }
0x28: {  	_ =	swait.ge @!p0 [sflag:s11], $0x100  }
0x29: {  	[sflag:s11] =	ssyncset.done @!p0 $0x0  }
0x2a: {  	[sflag:s11] =	ssyncadd.s32 @!p0 $0xFFFFFF00  }
0x2b: {  	_ =	swait.ge [sflag:s25], $0x800  }
0x2c: {  	[sflag:s25] =	ssyncset.done $0x0  }
0x2d: {  	[sflag:s25] =	ssyncadd.s32 $0xFFFFF800  }
0x2e: {  	_ =	swait.ge [sflag:s25], $0x800  }
0x2f: {  	[sflag:s25] =	ssyncset.done $0x0  }
0x30: {  	[sflag:s25] =	ssyncadd.s32 $0xFFFFF800  }
0x31: {  	_ =	swait.ge [sflag:s25], $0x800  }
0x32: {  	[sflag:s25] =	ssyncset.done $0x0  }
0x33: {  	s3 =	sadd.s32 $0x1, s3;
	[sflag:s25] =	ssyncadd.s32 $0xFFFFF800  }
0x34: {  	p1 =	sne.s32 s3, s23;
	_ =	swait.ge [sflag:s25], $0x800  }
.Ltmp1:
0x35: {  	[sflag:s25] =	ssyncset.done $0x0;
	(pc) =	sbr.rel @!p1 .LBB2_18-.Ltmp1, $4  }
0x36: {  	[sflag:s25] =	ssyncadd.s32 $0xFFFFF800  }
0x37: {  	_ =	swait.ge [sflag:s25], $0x700  }
0x38: {  	[sflag:s25] =	ssyncset.done $0x0  }
0x39: {  	[sflag:s25] =	ssyncadd.s32 $0xFFFFF900  }
.LBB2_1:
0x3a: {  	s11 =	simm.s32 $0x0;
	s12 =	simm.s32 $0x200  }
.LBB2_2:
0x3b: {  	p1 =	sne.s32 s12, $0xFE00;
	[tilespmem:s11+$0x3C70] =	vst v0  }
0x3c: {  	[tilespmem:s11+$0x3C00] =	vst v0  }
0x3d: {  	[tilespmem:s11+$0x3C10] =	vst v0  }
.Ltmp2:
0x3e: {  	[tilespmem:s11+$0x3C20] =	vst v0;
	(pc) =	sbr.rel @p1 .LBB2_2-.Ltmp2, $4  }
0x3f: {  	[tilespmem:s11+$0x3C30] =	vst v0  }
0x40: {  	[tilespmem:s11+$0x3C40] =	vst v0  }
0x41: {  	[tilespmem:s11+$0x3C50] =	vst v0  }
0x42: {  	[tilespmem:s11+$0x3C60] =	vst v0;
	s11 =	sshra.s32 s12, $0x2;
	s12 =	sadd.s32 $0x200, s12  }
0x43: {  	[tilespmem:s11+$0x3C70] =	vst v0  }
0x44: {  	[tilespmem:s11+$0x3C00] =	vst v0  }
0x45: {  	[tilespmem:s11+$0x3C10] =	vst v0  }
0x46: {  	[tilespmem:s11+$0x3C20] =	vst v0  }
0x47: {  	[tilespmem:s11+$0x3C30] =	vst v0  }
0x48: {  	[tilespmem:s11+$0x3C40] =	vst v0  }
0x49: {  	[tilespmem:s11+$0x3C50] =	vst v0  }
0x4a: {  	[tilespmem:s11+$0x3C60] =	vst v0  }
0x4b: {  	[spmem:s5] =	stream.linear.scatter [tilespmem:s24], [sflag:$0x1], $0x4000, $0x38;
	[tilespmem:$0x1F480] =	vst v63  }
0x4c: {  	_ = 	snop  }
0x4d: {  	[spmem:s6] =	stream.linear.scatter [tilespmem:s24], [sflag:$0x1], $0x4000, $0x38;
	[tilespmem:$0x1F480] =	vst v63  }
0x4e: {  	_ = 	snop  }
0x4f: {  	[spmem:s7] =	stream.linear.scatter [tilespmem:s24], [sflag:$0x1], $0x4000, $0x38;
	[tilespmem:$0x1F480] =	vst v63  }
0x50: {  	_ = 	snop  }
0x51: {  	[spmem:s8] =	stream.linear.scatter [tilespmem:s24], [sflag:$0x1], $0x4000, $0x38;
	[tilespmem:$0x1F480] =	vst v63  }
0x52: {  	_ = 	snop  }
0x53: {  	[spmem:s9] =	stream.linear.scatter [tilespmem:s24], [sflag:$0x1], $0x3800, $0x38;
	[tilespmem:$0x1F480] =	vst v63  }
0x54: {  	s11 =	simm.s32 @!p0 $0x3C00  }
0x55: {  	[spmem:s10] =	stream.linear.scatter @!p0 [tilespmem:s11], [sflag:$0x1], $0x800, $0x38;
	[tilespmem:$0x1F480] =	vst v63  }
0x56: {  	s11 =	simm.s32 @!p0 $0x1  }
0x57: {  	_ =	swait.ge @!p0 [sflag:s11], $0x800  }
0x58: {  	[sflag:s11] =	ssyncset.done @!p0 $0x0  }
0x59: {  	[sflag:s11] =	ssyncadd.s32 @!p0 $0xFFFFF800  }
0x5a: {  	_ =	swait.ge [sflag:s25], $0x4000  }
0x5b: {  	[sflag:s25] =	ssyncset.done $0x0  }
0x5c: {  	[sflag:s25] =	ssyncadd.s32 $0xFFFFC000  }
0x5d: {  	_ =	swait.ge [sflag:s25], $0x4000  }
0x5e: {  	[sflag:s25] =	ssyncset.done $0x0  }
0x5f: {  	[sflag:s25] =	ssyncadd.s32 $0xFFFFC000  }
0x60: {  	_ =	swait.ge [sflag:s25], $0x4000  }
0x61: {  	[sflag:s25] =	ssyncset.done $0x0  }
0x62: {  	[sflag:s25] =	ssyncadd.s32 $0xFFFFC000  }
0x63: {  	_ =	swait.ge [sflag:s25], $0x4000  }
0x64: {  	[sflag:s25] =	ssyncset.done $0x0  }
0x65: {  	[sflag:s25] =	ssyncadd.s32 $0xFFFFC000  }
0x66: {  	_ =	swait.ge [sflag:s25], $0x3800  }
0x67: {  	[sflag:s25] =	ssyncset.done $0x0  }
0x68: {  	[sflag:s25] =	ssyncadd.s32 $0xFFFFC800  }
0x69: {  	[bflag:$0x0] =	sbarrier.arrive $0xFFFF  }
0x6a: {  	s11 =	simm.s32 $0x0;
	s12 =	rddreg [dreg:$0x3]  }
0x6b: {  	[tilespmem:s11], [sflag:$0x3] =	stream.strided.gather [hbm4b:s12+s26], $0x1400, s28, s26, $0x38;
	[tilespmem:$0x1F480] =	vst v63  }
0x6c: {  	_ =	swait.ge [sflag:s29], $0x1400  }
0x6d: {  	[sflag:s29] =	ssyncset.done $0x0  }
0x6e: {  	s18 =	rddreg [dreg:$0x4];
	[sflag:s29] =	ssyncadd.s32 $0xFFFFEC00  }
0x6f: {  	[tilespmem:s30], [sflag:$0x3] =	stream.linear.gather [hbm4b:s18+s11], $0x1400, $0x38;
	[tilespmem:$0x1F480] =	vst v63  }
0x70: {  	_ =	swait.ge [sflag:s29], $0x1400  }
0x71: {  	[sflag:s29] =	ssyncset.done $0x0  }
0x72: {  	s19 =	rddreg [dreg:$0x5];
	[sflag:s29] =	ssyncadd.s32 $0xFFFFEC00  }
0x73: {  	[tilespmem:s31], [sflag:$0x3] =	stream.strided.gather [hbm4b:s19+s26], $0x1400, s28, s26, $0x38;
	[tilespmem:$0x1F480] =	vst v63  }
0x74: {  	_ =	swait.ge [sflag:s29], $0x1400  }
0x75: {  	[sflag:s29] =	ssyncset.done $0x0  }
0x76: {  	[sflag:s29] =	ssyncadd.s32 $0xFFFFEC00  }
0x77: {  	[tilespmem:s24], [sflag:$0x1] =	stream.indirect.gather [hbm4b:s4+s26], $0x80, s11, s26, $0xb8;
	[tilespmem:$0x1F480] =	vst v63  }
0x78: {  	s12 =	simm.s32 $0x0  }
0x79: {  	[tilespmem:s1], [sflag:$0x2] =	stream.indirect.gather [hbm4b:s4+s26], $0x80, s26, s26, $0xb8;
	[tilespmem:$0x1F480] =	vst v63  }
.LBB2_4:
0x7a: {  	s13 =	sadd.s32 $0xFFFFFFFE, s11  }
0x7b: {  	s14 =	sadd.s32 $0x2, s13  }
0x7c: {  	v1 =	vmov s14  }
0x7d: {  	v1 =	vand.u32 $0xFFFFFFFE, v1  }
0x7e: {  	v2 =	vbroadcast v1, $0x0;
	_ =	sdelay $0x1  }
0x7f: {  	_ =	swait.ge [sflag:s25], $0x4000  }
0x80: {  	[sflag:s25] =	ssyncset.done $0x0  }
0x81: {  	[sflag:s25] =	ssyncadd.s32 $0xFFFFC000;
	s14 =	simm.s32 $0x3C80  }
0x82: {  	v5 =	vld [tilespmem:s14+$0xFFFFFFF0]  }
0x83: {  	v6 =	vld.idx.msk [tilespmem:v2+s31+$0x0], $0xffff  }
0x84: {  	v7 =	vld [tilespmem:s14+$0xFFFFFF80]  }
0x85: {  	v8 =	vld [tilespmem:s14+$0xFFFFFFA0]  }
0x86: {  	v4 =	vld [tilespmem:s14+$0xFFFFFFB0]  }
0x87: {  	v3 =	vld [tilespmem:s14+$0xFFFFFFD0]  }
0x88: {  	v10 =	vld [tilespmem:s14+$0xFFFFFF90];
	v5 =	vmul.f32 v5, v6  }
0x89: {  	v9 =	vld [tilespmem:s14+$0xFFFFFFE0];
	v7 =	vmul.f32 v7, v6  }
0x8a: {  	v11 =	vld [tilespmem:s14+$0xFFFFFFC0];
	v8 =	vmul.f32 v8, v6;
	[tilespmem:s14+$0xFFFFFFF0] =	vst v5  }
0x8b: {  	v4 =	vmul.f32 v4, v6;
	[tilespmem:s14+$0xFFFFFF80] =	vst v7  }
0x8c: {  	s13 =	sadd.s32 $0x3, s13;
	v3 =	vmul.f32 v3, v6;
	[tilespmem:s14+$0xFFFFFFA0] =	vst v8  }
0x8d: {  	v5 =	vmul.f32 v10, v6;
	[tilespmem:s14+$0xFFFFFFB0] =	vst v4;
	v7 =	vmov s13  }
0x8e: {  	v1 =	vld [tilespmem:s14+$0x0];
	v4 =	vmul.f32 v9, v6;
	[tilespmem:s14+$0xFFFFFFD0] =	vst v3  }
0x8f: {  	v2 =	vld [tilespmem:s14+$0x10];
	v3 =	vmul.f32 v11, v6;
	[tilespmem:s14+$0xFFFFFF90] =	vst v5  }
0x90: {  	[tilespmem:s14+$0xFFFFFFE0] =	vst v4;
	v5 =	vld [tilespmem:s14+$0x30]  }
0x91: {  	[tilespmem:s14+$0xFFFFFFC0] =	vst v3;
	v4 =	vld [tilespmem:s14+$0x70]  }
0x92: {  	s15 =	simm.s32 $0x3C80;
	s13 =	simm.s32 $0x0;
	v3 =	vld.idx.msk [tilespmem:v7+s31+$0x0], $0xffff  }
.LBB2_5:
0x93: {  	v6 =	vld [tilespmem:s14+$0x20];
	s15 =	sadd.s32 $0x100, s15;
	s16 =	smov.u32 s13;
	s13 =	sadd.s32 $0x2, s13  }
0x94: {  	p1 =	slt.u32 s13, $0x7E;
	v7 =	vld [tilespmem:s14+$0x40]  }
0x95: {  	v8 =	vld [tilespmem:s14+$0x50]  }
0x96: {  	v9 =	vld [tilespmem:s14+$0x60];
	_ =	sdelay $0x1  }
0x97: {  	s16 =	sadd.s32 s16, s11;
	v1 =	vmul.f32 v1, v3;
	v2 =	vmul.f32 v2, v3  }
0x98: {  	s17 =	sadd.s32 $0x2, s16;
	s16 =	sadd.s32 $0x3, s16;
	v5 =	vmul.f32 v5, v3;
	v6 =	vmul.f32 v6, v3  }
0x99: {  	v10 =	vmov s17;
	v7 =	vmul.f32 v7, v3;
	[tilespmem:s14+$0x0] =	vst v1;
	v8 =	vmul.f32 v8, v3  }
0x9a: {  	v10 =	vand.u32 $0xFFFFFFFE, v10;
	v1 =	vld [tilespmem:s15+$0x0];
	[tilespmem:s14+$0x30] =	vst v5;
	v5 =	vmul.f32 v9, v3;
	v3 =	vmul.f32 v4, v3  }
0x9b: {  	v4 =	vbroadcast v10, $0x0;
	[tilespmem:s14+$0x10] =	vst v2  }
0x9c: {  	[tilespmem:s14+$0x70] =	vst v3  }
0x9d: {  	v3 =	vld [tilespmem:s15+$0xFFFFFFD0];
	[tilespmem:s14+$0x20] =	vst v6  }
0x9e: {  	v6 =	vld [tilespmem:s15+$0xFFFFFFB0];
	[tilespmem:s14+$0x60] =	vst v5  }
0x9f: {  	v5 =	vld [tilespmem:s15+$0xFFFFFFE0];
	[tilespmem:s14+$0x40] =	vst v7  }
0xa0: {  	v7 =	vld [tilespmem:s15+$0xFFFFFFF0];
	[tilespmem:s14+$0x50] =	vst v8;
	s14 =	smov.u32 s15  }
0xa1: {  	v4 =	vld.idx.msk [tilespmem:v4+s31+$0x0], $0xffff  }
0xa2: {  	v8 =	vld [tilespmem:s15+$0xFFFFFF80]  }
0xa3: {  	v9 =	vld [tilespmem:s15+$0xFFFFFFA0]  }
0xa4: {  	v10 =	vld [tilespmem:s15+$0xFFFFFF90]  }
0xa5: {  	v11 =	vld [tilespmem:s15+$0xFFFFFFC0]  }
0xa6: {  	v2 =	vld [tilespmem:s15+$0x10]  }
0xa7: {  	v7 =	vmul.f32 v7, v4;
	v8 =	vmul.f32 v8, v4  }
0xa8: {  	v5 =	vmul.f32 v5, v4;
	v9 =	vmul.f32 v9, v4  }
0xa9: {  	v6 =	vmul.f32 v6, v4;
	v10 =	vmul.f32 v10, v4;
	[tilespmem:s15+$0xFFFFFFF0] =	vst v7  }
0xaa: {  	v3 =	vmul.f32 v3, v4;
	[tilespmem:s15+$0xFFFFFF80] =	vst v8;
	v7 =	vmul.f32 v11, v4  }
0xab: {  	[tilespmem:s15+$0xFFFFFFA0] =	vst v9  }
0xac: {  	[tilespmem:s15+$0xFFFFFFB0] =	vst v6;
	v6 =	vmov s16  }
.Ltmp3:
0xad: {  	[tilespmem:s15+$0xFFFFFFD0] =	vst v3;
	(pc) =	sbr.rel @p1 .LBB2_5-.Ltmp3, $4  }
0xae: {  	[tilespmem:s15+$0xFFFFFF90] =	vst v10  }
0xaf: {  	[tilespmem:s15+$0xFFFFFFE0] =	vst v5;
	v5 =	vld [tilespmem:s15+$0x30]  }
0xb0: {  	[tilespmem:s15+$0xFFFFFFC0] =	vst v7;
	v4 =	vld [tilespmem:s15+$0x70]  }
0xb1: {  	v3 =	vld.idx.msk [tilespmem:v6+s31+$0x0], $0xffff  }
0xb2: {  	_ =	sdelay $0x2  }
0xb3: {  	v6 =	vld [tilespmem:s14+$0x20]  }
0xb4: {  	v7 =	vld [tilespmem:s14+$0x60];
	v1 =	vmul.f32 v1, v3  }
0xb5: {  	v8 =	vld [tilespmem:s14+$0x40];
	v5 =	vmul.f32 v5, v3  }
0xb6: {  	v9 =	vld [tilespmem:s14+$0x50];
	v2 =	vmul.f32 v2, v3;
	[tilespmem:s14+$0x0] =	vst v1  }
0xb7: {  	[tilespmem:s14+$0x30] =	vst v5;
	v1 =	vmul.f32 v4, v3  }
0xb8: {  	v4 =	vmul.f32 v6, v3;
	[tilespmem:s14+$0x10] =	vst v2  }
0xb9: {  	v2 =	vmul.f32 v7, v3;
	[tilespmem:s14+$0x70] =	vst v1  }
0xba: {  	v1 =	vmul.f32 v8, v3;
	[tilespmem:s14+$0x20] =	vst v4  }
0xbb: {  	s15 =	sshll.u32 s12, $0xA;
	v3 =	vmul.f32 v9, v3;
	[tilespmem:s14+$0x60] =	vst v2  }
0xbc: {  	s13 =	sshrl.u32 s15, $0x2;
	[tilespmem:s14+$0x40] =	vst v1  }
0xbd: {  	s19 =	sadd.s32 $0xFFFFFFFE, s11;
	s18 =	sadd.s32 $0x1400, s13;
	[tilespmem:s14+$0x50] =	vst v3  }
0xbe: {  	[spmem:s2] =	stream.indirect.scatter.add.f32 [tilespmem:s24], [sflag:$0x3], $0x80, s18, s26, $0xb8;
	[tilespmem:$0x1F480] =	vst v63  }
0xbf: {  	s18 =	sadd.s32 $0x82, s19  }
0xc0: {  	p1 =	seq.s32 s12, $0x13;
	_ =	swait.ge [sflag:s29], $0x4000;
	v1 =	vmov s18  }
0xc1: {  	s16 =	simm.s32 @!p1 $0x80;
	s14 =	sshrl.u32 @!p1 s15, $0x2;
	[sflag:s29] =	ssyncset.done $0x0;
	v1 =	vand.u32 $0xFFFFFFFE, v1  }
0xc2: {  	s17 =	simm.s32 @!p1 $0x3C00;
	s14 =	sadd.s32 @!p1 $0x100, s14;
	[sflag:s29] =	ssyncadd.s32 $0xFFFFC000;
	v2 =	vbroadcast v1, $0x0  }
0xc3: {  	[tilespmem:s17], [sflag:$0x1] =	stream.indirect.gather @!p1 [hbm4b:s4+s16], $0x80, s14, s16, $0xb8;
	[tilespmem:$0x1F480] =	vst v63  }
0xc4: {  	_ =	swait.ge [sflag:s0], $0x4000  }
0xc5: {  	[sflag:s0] =	ssyncset.done $0x0  }
0xc6: {  	s14 =	simm.s32 $0x7C80;
	[sflag:s0] =	ssyncadd.s32 $0xFFFFC000  }
0xc7: {  	v5 =	vld [tilespmem:s14+$0xFFFFFFF0]  }
0xc8: {  	v6 =	vld.idx.msk [tilespmem:v2+s31+$0x0], $0xffff  }
0xc9: {  	v7 =	vld [tilespmem:s14+$0xFFFFFF80]  }
0xca: {  	v62 =	vld [tilespmem:s14+$0xFFFFFFA0]  }
0xcb: {  	v4 =	vld [tilespmem:s14+$0xFFFFFFB0]  }
0xcc: {  	v3 =	vld [tilespmem:s14+$0xFFFFFFD0]  }
0xcd: {  	v10 =	vld [tilespmem:s14+$0xFFFFFF90];
	v5 =	vmul.f32 v5, v6  }
0xce: {  	v63 =	vld [tilespmem:s14+$0xFFFFFFE0];
	v7 =	vmul.f32 v7, v6  }
0xcf: {  	v11 =	vld [tilespmem:s14+$0xFFFFFFC0];
	v8 =	vmul.f32 v62, v6;
	[tilespmem:s14+$0xFFFFFFF0] =	vst v5  }
0xd0: {  	v4 =	vmul.f32 v4, v6;
	[tilespmem:s14+$0xFFFFFF80] =	vst v7  }
0xd1: {  	s15 =	sadd.s32 $0x83, s19;
	v3 =	vmul.f32 v3, v6;
	[tilespmem:s14+$0xFFFFFFA0] =	vst v8  }
0xd2: {  	v5 =	vmul.f32 v10, v6;
	[tilespmem:s14+$0xFFFFFFB0] =	vst v4;
	v7 =	vmov s15  }
0xd3: {  	v1 =	vld [tilespmem:s14+$0x0];
	v4 =	vmul.f32 v63, v6;
	[tilespmem:s14+$0xFFFFFFD0] =	vst v3  }
0xd4: {  	v2 =	vld [tilespmem:s14+$0x10];
	v3 =	vmul.f32 v11, v6;
	[tilespmem:s14+$0xFFFFFF90] =	vst v5  }
0xd5: {  	[tilespmem:s14+$0xFFFFFFE0] =	vst v4;
	v5 =	vld [tilespmem:s14+$0x30]  }
0xd6: {  	s19 =	sshll.u32 s12, $0x1;
	[tilespmem:s14+$0xFFFFFFC0] =	vst v3;
	v4 =	vld [tilespmem:s14+$0x70]  }
0xd7: {  	s16 =	simm.s32 $0x0;
	s17 =	simm.s32 $0x7C80;
	s15 =	sor.u32 $0x1, s19;
	v3 =	vld.idx.msk [tilespmem:v7+s31+$0x0], $0xffff  }
.LBB2_7:
0xd8: {  	v6 =	vld [tilespmem:s14+$0x20];
	s17 =	sadd.s32 $0x100, s17;
	s18 =	smov.u32 s16;
	s16 =	sadd.s32 $0x2, s16  }
0xd9: {  	p2 =	slt.u32 s16, $0x7E;
	v7 =	vld [tilespmem:s14+$0x40]  }
0xda: {  	v8 =	vld [tilespmem:s14+$0x50]  }
0xdb: {  	v9 =	vld [tilespmem:s14+$0x60];
	_ =	sdelay $0x1  }
0xdc: {  	s18 =	sadd.s32 s18, s11;
	v1 =	vmul.f32 v1, v3;
	v2 =	vmul.f32 v2, v3  }
0xdd: {  	s19 =	sadd.s32 $0x82, s18;
	s18 =	sadd.s32 $0x83, s18;
	v5 =	vmul.f32 v5, v3;
	v6 =	vmul.f32 v6, v3  }
0xde: {  	v10 =	vmov s19;
	v7 =	vmul.f32 v7, v3;
	[tilespmem:s14+$0x0] =	vst v1;
	v8 =	vmul.f32 v8, v3  }
0xdf: {  	v10 =	vand.u32 $0xFFFFFFFE, v10;
	v1 =	vld [tilespmem:s17+$0x0];
	[tilespmem:s14+$0x30] =	vst v5;
	v5 =	vmul.f32 v9, v3;
	v3 =	vmul.f32 v4, v3  }
0xe0: {  	v4 =	vbroadcast v10, $0x0;
	[tilespmem:s14+$0x10] =	vst v2  }
0xe1: {  	[tilespmem:s14+$0x70] =	vst v3  }
0xe2: {  	v3 =	vld [tilespmem:s17+$0xFFFFFFD0];
	[tilespmem:s14+$0x20] =	vst v6  }
0xe3: {  	v6 =	vld [tilespmem:s17+$0xFFFFFFB0];
	[tilespmem:s14+$0x60] =	vst v5  }
0xe4: {  	v5 =	vld [tilespmem:s17+$0xFFFFFFE0];
	[tilespmem:s14+$0x40] =	vst v7  }
0xe5: {  	v7 =	vld [tilespmem:s17+$0xFFFFFFF0];
	[tilespmem:s14+$0x50] =	vst v8;
	s14 =	smov.u32 s17  }
0xe6: {  	v4 =	vld.idx.msk [tilespmem:v4+s31+$0x0], $0xffff  }
0xe7: {  	v8 =	vld [tilespmem:s17+$0xFFFFFF80]  }
0xe8: {  	v9 =	vld [tilespmem:s17+$0xFFFFFFA0]  }
0xe9: {  	v10 =	vld [tilespmem:s17+$0xFFFFFF90]  }
0xea: {  	v11 =	vld [tilespmem:s17+$0xFFFFFFC0]  }
0xeb: {  	v2 =	vld [tilespmem:s17+$0x10]  }
0xec: {  	v7 =	vmul.f32 v7, v4;
	v8 =	vmul.f32 v8, v4  }
0xed: {  	v5 =	vmul.f32 v5, v4;
	v9 =	vmul.f32 v9, v4  }
0xee: {  	v6 =	vmul.f32 v6, v4;
	v10 =	vmul.f32 v10, v4;
	[tilespmem:s17+$0xFFFFFFF0] =	vst v7  }
0xef: {  	v3 =	vmul.f32 v3, v4;
	[tilespmem:s17+$0xFFFFFF80] =	vst v8;
	v7 =	vmul.f32 v11, v4  }
0xf0: {  	[tilespmem:s17+$0xFFFFFFA0] =	vst v9  }
0xf1: {  	[tilespmem:s17+$0xFFFFFFB0] =	vst v6;
	v6 =	vmov s18  }
.Ltmp4:
0xf2: {  	[tilespmem:s17+$0xFFFFFFD0] =	vst v3;
	(pc) =	sbr.rel @p2 .LBB2_7-.Ltmp4, $4  }
0xf3: {  	[tilespmem:s17+$0xFFFFFF90] =	vst v10  }
0xf4: {  	[tilespmem:s17+$0xFFFFFFE0] =	vst v5;
	v5 =	vld [tilespmem:s17+$0x30]  }
0xf5: {  	[tilespmem:s17+$0xFFFFFFC0] =	vst v7;
	v4 =	vld [tilespmem:s17+$0x70]  }
0xf6: {  	v3 =	vld.idx.msk [tilespmem:v6+s31+$0x0], $0xffff  }
0xf7: {  	_ =	sdelay $0x1  }
0xf8: {  	v6 =	vld [tilespmem:s14+$0x20];
	_ =	sdelay $0x1  }
0xf9: {  	v7 =	vld [tilespmem:s14+$0x60];
	v1 =	vmul.f32 v1, v3  }
0xfa: {  	v8 =	vld [tilespmem:s14+$0x40];
	v5 =	vmul.f32 v5, v3  }
0xfb: {  	v9 =	vld [tilespmem:s14+$0x50];
	v2 =	vmul.f32 v2, v3;
	[tilespmem:s14+$0x0] =	vst v1  }
0xfc: {  	v63 =	vmul.f32 v6, v3;
	[tilespmem:s14+$0x30] =	vst v5  }
0xfd: {  	v1 =	vmul.f32 v4, v3;
	[tilespmem:s14+$0x10] =	vst v2  }
0xfe: {  	v2 =	vmul.f32 v7, v3;
	[tilespmem:s14+$0x20] =	vst v63  }
0xff: {  	[tilespmem:s14+$0x70] =	vst v1;
	v1 =	vmul.f32 v8, v3  }
0x100: {  	s15 =	sshll.u32 s15, $0x7;
	v3 =	vmul.f32 v9, v3;
	[tilespmem:s14+$0x60] =	vst v2  }
0x101: {  	s15 =	sand.u32 $0x3FFFFF80, s15;
	[tilespmem:s14+$0x40] =	vst v1  }
.Ltmp5:
0x102: {  	s19 =	sadd.s32 $0x1400, s15;
	[tilespmem:s14+$0x50] =	vst v3;
	(pc) =	sbr.rel @p1 .LBB2_10-.Ltmp5, $4  }
0x103: {  	[spmem:s2] =	stream.indirect.scatter.add.f32 [tilespmem:s1], [sflag:$0x3], $0x80, s19, s26, $0xb8;
	[tilespmem:$0x1F480] =	vst v63  }
0x104: {  	_ =	swait.ge [sflag:s29], $0x4000  }
0x105: {  	[sflag:s29] =	ssyncset.done $0x0  }
0x106: {  	[sflag:s29] =	ssyncadd.s32 $0xFFFFC000  }
.Ltmp6:
0x107: {  	(pc) =	sbr.rel .LBB2_4-.Ltmp6, $3  }
0x108: {  	_ =	sdelay $0x1  }
0x109: {  	s13 =	sadd.s32 $0x180, s13;
	s12 =	sadd.s32 $0x1, s12;
	s11 =	sadd.s32 $0x100, s11  }
0x10a: {  	[tilespmem:s1], [sflag:$0x2] =	stream.indirect.gather [hbm4b:s4+s26], $0x80, s13, s26, $0xb8;
	[tilespmem:$0x1F480] =	vst v63  }
.LBB2_10:
0x10b: {  	s11 =	simm.s32 $0x0;
	s12 =	rddreg [dreg:$0x6]  }
0x10c: {  	[tilespmem:s11], [sflag:$0x3] =	stream.strided.gather [hbm4b:s12+s26], $0x1400, s28, s26, $0x38;
	[tilespmem:$0x1F480] =	vst v63  }
0x10d: {  	_ =	swait.ge [sflag:s29], $0x1400  }
0x10e: {  	[sflag:s29] =	ssyncset.done $0x0  }
0x10f: {  	s18 =	rddreg [dreg:$0x7];
	[sflag:s29] =	ssyncadd.s32 $0xFFFFEC00  }
0x110: {  	[tilespmem:s30], [sflag:$0x3] =	stream.linear.gather [hbm4b:s18+s11], $0x1400, $0x38;
	[tilespmem:$0x1F480] =	vst v63  }
0x111: {  	_ =	swait.ge [sflag:s29], $0x1400  }
0x112: {  	[sflag:s29] =	ssyncset.done $0x0  }
0x113: {  	s19 =	rddreg [dreg:$0x8];
	[sflag:s29] =	ssyncadd.s32 $0xFFFFEC00  }
0x114: {  	[tilespmem:s31], [sflag:$0x3] =	stream.strided.gather [hbm4b:s19+s26], $0x1400, s28, s26, $0x38;
	[tilespmem:$0x1F480] =	vst v63  }
0x115: {  	_ =	swait.ge [sflag:s29], $0x1400  }
0x116: {  	[sflag:s29] =	ssyncset.done $0x0  }
0x117: {  	[sflag:s29] =	ssyncadd.s32 $0xFFFFEC00  }
0x118: {  	[tilespmem:s24], [sflag:$0x1] =	stream.indirect.gather [hbm4b:s4+s26], $0x80, s11, s26, $0xb8;
	[tilespmem:$0x1F480] =	vst v63  }
0x119: {  	s12 =	simm.s32 $0x0  }
0x11a: {  	[tilespmem:s1], [sflag:$0x2] =	stream.indirect.gather [hbm4b:s4+s26], $0x80, s26, s26, $0xb8;
	[tilespmem:$0x1F480] =	vst v63  }
.LBB2_11:
0x11b: {  	s13 =	sadd.s32 $0xFFFFFFFE, s11  }
0x11c: {  	s14 =	sadd.s32 $0x2, s13  }
0x11d: {  	v1 =	vmov s14  }
0x11e: {  	v1 =	vand.u32 $0xFFFFFFFE, v1  }
0x11f: {  	v2 =	vbroadcast v1, $0x0;
	_ =	sdelay $0x1  }
0x120: {  	_ =	swait.ge [sflag:s25], $0x4000  }
0x121: {  	[sflag:s25] =	ssyncset.done $0x0  }
0x122: {  	[sflag:s25] =	ssyncadd.s32 $0xFFFFC000;
	s14 =	simm.s32 $0x3C80  }
0x123: {  	v5 =	vld [tilespmem:s14+$0xFFFFFFF0]  }
0x124: {  	v6 =	vld.idx.msk [tilespmem:v2+s31+$0x0], $0xffff  }
0x125: {  	v7 =	vld [tilespmem:s14+$0xFFFFFF80]  }
0x126: {  	v8 =	vld [tilespmem:s14+$0xFFFFFFA0]  }
0x127: {  	v4 =	vld [tilespmem:s14+$0xFFFFFFB0]  }
0x128: {  	v3 =	vld [tilespmem:s14+$0xFFFFFFD0]  }
0x129: {  	v10 =	vld [tilespmem:s14+$0xFFFFFF90];
	v5 =	vmul.f32 v5, v6  }
0x12a: {  	v9 =	vld [tilespmem:s14+$0xFFFFFFE0];
	v7 =	vmul.f32 v7, v6  }
0x12b: {  	v11 =	vld [tilespmem:s14+$0xFFFFFFC0];
	v8 =	vmul.f32 v8, v6;
	[tilespmem:s14+$0xFFFFFFF0] =	vst v5  }
0x12c: {  	v4 =	vmul.f32 v4, v6;
	[tilespmem:s14+$0xFFFFFF80] =	vst v7  }
0x12d: {  	s13 =	sadd.s32 $0x3, s13;
	v3 =	vmul.f32 v3, v6;
	[tilespmem:s14+$0xFFFFFFA0] =	vst v8  }
0x12e: {  	v5 =	vmul.f32 v10, v6;
	[tilespmem:s14+$0xFFFFFFB0] =	vst v4;
	v7 =	vmov s13  }
0x12f: {  	v1 =	vld [tilespmem:s14+$0x0];
	v4 =	vmul.f32 v9, v6;
	[tilespmem:s14+$0xFFFFFFD0] =	vst v3  }
0x130: {  	v2 =	vld [tilespmem:s14+$0x10];
	v3 =	vmul.f32 v11, v6;
	[tilespmem:s14+$0xFFFFFF90] =	vst v5  }
0x131: {  	[tilespmem:s14+$0xFFFFFFE0] =	vst v4;
	v5 =	vld [tilespmem:s14+$0x30]  }
0x132: {  	[tilespmem:s14+$0xFFFFFFC0] =	vst v3;
	v4 =	vld [tilespmem:s14+$0x70]  }
0x133: {  	s15 =	simm.s32 $0x3C80;
	s13 =	simm.s32 $0x0;
	v3 =	vld.idx.msk [tilespmem:v7+s31+$0x0], $0xffff  }
.LBB2_12:
0x134: {  	v6 =	vld [tilespmem:s14+$0x20];
	s15 =	sadd.s32 $0x100, s15;
	s16 =	smov.u32 s13;
	s13 =	sadd.s32 $0x2, s13  }
0x135: {  	p1 =	slt.u32 s13, $0x7E;
	v7 =	vld [tilespmem:s14+$0x40]  }
0x136: {  	v8 =	vld [tilespmem:s14+$0x50]  }
0x137: {  	v9 =	vld [tilespmem:s14+$0x60];
	_ =	sdelay $0x1  }
0x138: {  	s16 =	sadd.s32 s16, s11;
	v1 =	vmul.f32 v1, v3;
	v2 =	vmul.f32 v2, v3  }
0x139: {  	s17 =	sadd.s32 $0x2, s16;
	s16 =	sadd.s32 $0x3, s16;
	v5 =	vmul.f32 v5, v3;
	v6 =	vmul.f32 v6, v3  }
0x13a: {  	v10 =	vmov s17;
	v7 =	vmul.f32 v7, v3;
	[tilespmem:s14+$0x0] =	vst v1;
	v8 =	vmul.f32 v8, v3  }
0x13b: {  	v10 =	vand.u32 $0xFFFFFFFE, v10;
	v1 =	vld [tilespmem:s15+$0x0];
	[tilespmem:s14+$0x30] =	vst v5;
	v5 =	vmul.f32 v9, v3;
	v3 =	vmul.f32 v4, v3  }
0x13c: {  	v4 =	vbroadcast v10, $0x0;
	[tilespmem:s14+$0x10] =	vst v2  }
0x13d: {  	[tilespmem:s14+$0x70] =	vst v3  }
0x13e: {  	v3 =	vld [tilespmem:s15+$0xFFFFFFD0];
	[tilespmem:s14+$0x20] =	vst v6  }
0x13f: {  	v6 =	vld [tilespmem:s15+$0xFFFFFFB0];
	[tilespmem:s14+$0x60] =	vst v5  }
0x140: {  	v5 =	vld [tilespmem:s15+$0xFFFFFFE0];
	[tilespmem:s14+$0x40] =	vst v7  }
0x141: {  	v7 =	vld [tilespmem:s15+$0xFFFFFFF0];
	[tilespmem:s14+$0x50] =	vst v8;
	s14 =	smov.u32 s15  }
0x142: {  	v4 =	vld.idx.msk [tilespmem:v4+s31+$0x0], $0xffff  }
0x143: {  	v8 =	vld [tilespmem:s15+$0xFFFFFF80]  }
0x144: {  	v9 =	vld [tilespmem:s15+$0xFFFFFFA0]  }
0x145: {  	v10 =	vld [tilespmem:s15+$0xFFFFFF90]  }
0x146: {  	v11 =	vld [tilespmem:s15+$0xFFFFFFC0]  }
0x147: {  	v2 =	vld [tilespmem:s15+$0x10]  }
0x148: {  	v7 =	vmul.f32 v7, v4;
	v8 =	vmul.f32 v8, v4  }
0x149: {  	v5 =	vmul.f32 v5, v4;
	v9 =	vmul.f32 v9, v4  }
0x14a: {  	v6 =	vmul.f32 v6, v4;
	v10 =	vmul.f32 v10, v4;
	[tilespmem:s15+$0xFFFFFFF0] =	vst v7  }
0x14b: {  	v3 =	vmul.f32 v3, v4;
	[tilespmem:s15+$0xFFFFFF80] =	vst v8;
	v7 =	vmul.f32 v11, v4  }
0x14c: {  	[tilespmem:s15+$0xFFFFFFA0] =	vst v9  }
0x14d: {  	[tilespmem:s15+$0xFFFFFFB0] =	vst v6;
	v6 =	vmov s16  }
.Ltmp7:
0x14e: {  	[tilespmem:s15+$0xFFFFFFD0] =	vst v3;
	(pc) =	sbr.rel @p1 .LBB2_12-.Ltmp7, $4  }
0x14f: {  	[tilespmem:s15+$0xFFFFFF90] =	vst v10  }
0x150: {  	[tilespmem:s15+$0xFFFFFFE0] =	vst v5;
	v5 =	vld [tilespmem:s15+$0x30]  }
0x151: {  	[tilespmem:s15+$0xFFFFFFC0] =	vst v7;
	v4 =	vld [tilespmem:s15+$0x70]  }
0x152: {  	v3 =	vld.idx.msk [tilespmem:v6+s31+$0x0], $0xffff  }
0x153: {  	_ =	sdelay $0x2  }
0x154: {  	v6 =	vld [tilespmem:s14+$0x20]  }
0x155: {  	v7 =	vld [tilespmem:s14+$0x60];
	v1 =	vmul.f32 v1, v3  }
0x156: {  	v8 =	vld [tilespmem:s14+$0x40];
	v5 =	vmul.f32 v5, v3  }
0x157: {  	v9 =	vld [tilespmem:s14+$0x50];
	v2 =	vmul.f32 v2, v3;
	[tilespmem:s14+$0x0] =	vst v1  }
0x158: {  	[tilespmem:s14+$0x30] =	vst v5;
	v1 =	vmul.f32 v4, v3  }
0x159: {  	v4 =	vmul.f32 v6, v3;
	[tilespmem:s14+$0x10] =	vst v2  }
0x15a: {  	v2 =	vmul.f32 v7, v3;
	[tilespmem:s14+$0x70] =	vst v1  }
0x15b: {  	v1 =	vmul.f32 v8, v3;
	[tilespmem:s14+$0x20] =	vst v4  }
0x15c: {  	s15 =	sshll.u32 s12, $0xA;
	v3 =	vmul.f32 v9, v3;
	[tilespmem:s14+$0x60] =	vst v2  }
0x15d: {  	s13 =	sshrl.u32 s15, $0x2;
	[tilespmem:s14+$0x40] =	vst v1  }
0x15e: {  	s19 =	sadd.s32 $0xFFFFFFFE, s11;
	s18 =	sadd.s32 $0x1400, s13;
	[tilespmem:s14+$0x50] =	vst v3  }
0x15f: {  	[spmem:s2] =	stream.indirect.scatter.add.f32 [tilespmem:s24], [sflag:$0x3], $0x80, s18, s26, $0xb8;
	[tilespmem:$0x1F480] =	vst v63  }
0x160: {  	s18 =	sadd.s32 $0x82, s19  }
0x161: {  	p1 =	seq.s32 s12, $0x13;
	_ =	swait.ge [sflag:s29], $0x4000;
	v1 =	vmov s18  }
0x162: {  	s16 =	simm.s32 @!p1 $0x80;
	s14 =	sshrl.u32 @!p1 s15, $0x2;
	[sflag:s29] =	ssyncset.done $0x0;
	v1 =	vand.u32 $0xFFFFFFFE, v1  }
0x163: {  	s17 =	simm.s32 @!p1 $0x3C00;
	s14 =	sadd.s32 @!p1 $0x100, s14;
	[sflag:s29] =	ssyncadd.s32 $0xFFFFC000;
	v2 =	vbroadcast v1, $0x0  }
0x164: {  	[tilespmem:s17], [sflag:$0x1] =	stream.indirect.gather @!p1 [hbm4b:s4+s16], $0x80, s14, s16, $0xb8;
	[tilespmem:$0x1F480] =	vst v63  }
0x165: {  	_ =	swait.ge [sflag:s0], $0x4000  }
0x166: {  	[sflag:s0] =	ssyncset.done $0x0  }
0x167: {  	s14 =	simm.s32 $0x7C80;
	[sflag:s0] =	ssyncadd.s32 $0xFFFFC000  }
0x168: {  	v5 =	vld [tilespmem:s14+$0xFFFFFFF0]  }
0x169: {  	v6 =	vld.idx.msk [tilespmem:v2+s31+$0x0], $0xffff  }
0x16a: {  	v7 =	vld [tilespmem:s14+$0xFFFFFF80]  }
0x16b: {  	v62 =	vld [tilespmem:s14+$0xFFFFFFA0]  }
0x16c: {  	v4 =	vld [tilespmem:s14+$0xFFFFFFB0]  }
0x16d: {  	v3 =	vld [tilespmem:s14+$0xFFFFFFD0]  }
0x16e: {  	v10 =	vld [tilespmem:s14+$0xFFFFFF90];
	v5 =	vmul.f32 v5, v6  }
0x16f: {  	v63 =	vld [tilespmem:s14+$0xFFFFFFE0];
	v7 =	vmul.f32 v7, v6  }
0x170: {  	v11 =	vld [tilespmem:s14+$0xFFFFFFC0];
	v8 =	vmul.f32 v62, v6;
	[tilespmem:s14+$0xFFFFFFF0] =	vst v5  }
0x171: {  	v4 =	vmul.f32 v4, v6;
	[tilespmem:s14+$0xFFFFFF80] =	vst v7  }
0x172: {  	s15 =	sadd.s32 $0x83, s19;
	v3 =	vmul.f32 v3, v6;
	[tilespmem:s14+$0xFFFFFFA0] =	vst v8  }
0x173: {  	v5 =	vmul.f32 v10, v6;
	[tilespmem:s14+$0xFFFFFFB0] =	vst v4;
	v7 =	vmov s15  }
0x174: {  	v1 =	vld [tilespmem:s14+$0x0];
	v4 =	vmul.f32 v63, v6;
	[tilespmem:s14+$0xFFFFFFD0] =	vst v3  }
0x175: {  	v2 =	vld [tilespmem:s14+$0x10];
	v3 =	vmul.f32 v11, v6;
	[tilespmem:s14+$0xFFFFFF90] =	vst v5  }
0x176: {  	[tilespmem:s14+$0xFFFFFFE0] =	vst v4;
	v5 =	vld [tilespmem:s14+$0x30]  }
0x177: {  	s19 =	sshll.u32 s12, $0x1;
	[tilespmem:s14+$0xFFFFFFC0] =	vst v3;
	v4 =	vld [tilespmem:s14+$0x70]  }
0x178: {  	s16 =	simm.s32 $0x0;
	s17 =	simm.s32 $0x7C80;
	s15 =	sor.u32 $0x1, s19;
	v3 =	vld.idx.msk [tilespmem:v7+s31+$0x0], $0xffff  }
.LBB2_14:
0x179: {  	v6 =	vld [tilespmem:s14+$0x20];
	s17 =	sadd.s32 $0x100, s17;
	s18 =	smov.u32 s16;
	s16 =	sadd.s32 $0x2, s16  }
0x17a: {  	p2 =	slt.u32 s16, $0x7E;
	v7 =	vld [tilespmem:s14+$0x40]  }
0x17b: {  	v8 =	vld [tilespmem:s14+$0x50]  }
0x17c: {  	v9 =	vld [tilespmem:s14+$0x60];
	_ =	sdelay $0x1  }
0x17d: {  	s18 =	sadd.s32 s18, s11;
	v1 =	vmul.f32 v1, v3;
	v2 =	vmul.f32 v2, v3  }
0x17e: {  	s19 =	sadd.s32 $0x82, s18;
	s18 =	sadd.s32 $0x83, s18;
	v5 =	vmul.f32 v5, v3;
	v6 =	vmul.f32 v6, v3  }
0x17f: {  	v10 =	vmov s19;
	v7 =	vmul.f32 v7, v3;
	[tilespmem:s14+$0x0] =	vst v1;
	v8 =	vmul.f32 v8, v3  }
0x180: {  	v10 =	vand.u32 $0xFFFFFFFE, v10;
	v1 =	vld [tilespmem:s17+$0x0];
	[tilespmem:s14+$0x30] =	vst v5;
	v5 =	vmul.f32 v9, v3;
	v3 =	vmul.f32 v4, v3  }
0x181: {  	v4 =	vbroadcast v10, $0x0;
	[tilespmem:s14+$0x10] =	vst v2  }
0x182: {  	[tilespmem:s14+$0x70] =	vst v3  }
0x183: {  	v3 =	vld [tilespmem:s17+$0xFFFFFFD0];
	[tilespmem:s14+$0x20] =	vst v6  }
0x184: {  	v6 =	vld [tilespmem:s17+$0xFFFFFFB0];
	[tilespmem:s14+$0x60] =	vst v5  }
0x185: {  	v5 =	vld [tilespmem:s17+$0xFFFFFFE0];
	[tilespmem:s14+$0x40] =	vst v7  }
0x186: {  	v7 =	vld [tilespmem:s17+$0xFFFFFFF0];
	[tilespmem:s14+$0x50] =	vst v8;
	s14 =	smov.u32 s17  }
0x187: {  	v4 =	vld.idx.msk [tilespmem:v4+s31+$0x0], $0xffff  }
0x188: {  	v8 =	vld [tilespmem:s17+$0xFFFFFF80]  }
0x189: {  	v9 =	vld [tilespmem:s17+$0xFFFFFFA0]  }
0x18a: {  	v10 =	vld [tilespmem:s17+$0xFFFFFF90]  }
0x18b: {  	v11 =	vld [tilespmem:s17+$0xFFFFFFC0]  }
0x18c: {  	v2 =	vld [tilespmem:s17+$0x10]  }
0x18d: {  	v7 =	vmul.f32 v7, v4;
	v8 =	vmul.f32 v8, v4  }
0x18e: {  	v5 =	vmul.f32 v5, v4;
	v9 =	vmul.f32 v9, v4  }
0x18f: {  	v6 =	vmul.f32 v6, v4;
	v10 =	vmul.f32 v10, v4;
	[tilespmem:s17+$0xFFFFFFF0] =	vst v7  }
0x190: {  	v3 =	vmul.f32 v3, v4;
	[tilespmem:s17+$0xFFFFFF80] =	vst v8;
	v7 =	vmul.f32 v11, v4  }
0x191: {  	[tilespmem:s17+$0xFFFFFFA0] =	vst v9  }
0x192: {  	[tilespmem:s17+$0xFFFFFFB0] =	vst v6;
	v6 =	vmov s18  }
.Ltmp8:
0x193: {  	[tilespmem:s17+$0xFFFFFFD0] =	vst v3;
	(pc) =	sbr.rel @p2 .LBB2_14-.Ltmp8, $4  }
0x194: {  	[tilespmem:s17+$0xFFFFFF90] =	vst v10  }
0x195: {  	[tilespmem:s17+$0xFFFFFFE0] =	vst v5;
	v5 =	vld [tilespmem:s17+$0x30]  }
0x196: {  	[tilespmem:s17+$0xFFFFFFC0] =	vst v7;
	v4 =	vld [tilespmem:s17+$0x70]  }
0x197: {  	v3 =	vld.idx.msk [tilespmem:v6+s31+$0x0], $0xffff  }
0x198: {  	_ =	sdelay $0x1  }
0x199: {  	v6 =	vld [tilespmem:s14+$0x20];
	_ =	sdelay $0x1  }
0x19a: {  	v7 =	vld [tilespmem:s14+$0x60];
	v1 =	vmul.f32 v1, v3  }
0x19b: {  	v8 =	vld [tilespmem:s14+$0x40];
	v5 =	vmul.f32 v5, v3  }
0x19c: {  	v9 =	vld [tilespmem:s14+$0x50];
	v2 =	vmul.f32 v2, v3;
	[tilespmem:s14+$0x0] =	vst v1  }
0x19d: {  	v63 =	vmul.f32 v6, v3;
	[tilespmem:s14+$0x30] =	vst v5  }
0x19e: {  	v1 =	vmul.f32 v4, v3;
	[tilespmem:s14+$0x10] =	vst v2  }
0x19f: {  	v2 =	vmul.f32 v7, v3;
	[tilespmem:s14+$0x20] =	vst v63  }
0x1a0: {  	[tilespmem:s14+$0x70] =	vst v1;
	v1 =	vmul.f32 v8, v3  }
0x1a1: {  	s15 =	sshll.u32 s15, $0x7;
	v3 =	vmul.f32 v9, v3;
	[tilespmem:s14+$0x60] =	vst v2  }
0x1a2: {  	s15 =	sand.u32 $0x3FFFFF80, s15;
	[tilespmem:s14+$0x40] =	vst v1  }
.Ltmp9:
0x1a3: {  	s19 =	sadd.s32 $0x1400, s15;
	[tilespmem:s14+$0x50] =	vst v3;
	(pc) =	sbr.rel @p1 .LBB2_17-.Ltmp9, $4  }
0x1a4: {  	[spmem:s2] =	stream.indirect.scatter.add.f32 [tilespmem:s1], [sflag:$0x3], $0x80, s19, s26, $0xb8;
	[tilespmem:$0x1F480] =	vst v63  }
0x1a5: {  	_ =	swait.ge [sflag:s29], $0x4000  }
0x1a6: {  	[sflag:s29] =	ssyncset.done $0x0  }
0x1a7: {  	[sflag:s29] =	ssyncadd.s32 $0xFFFFC000  }
.Ltmp10:
0x1a8: {  	(pc) =	sbr.rel .LBB2_11-.Ltmp10, $3  }
0x1a9: {  	_ =	sdelay $0x1  }
0x1aa: {  	s13 =	sadd.s32 $0x180, s13;
	s12 =	sadd.s32 $0x1, s12;
	s11 =	sadd.s32 $0x100, s11  }
0x1ab: {  	[tilespmem:s1], [sflag:$0x2] =	stream.indirect.gather [hbm4b:s4+s26], $0x80, s13, s26, $0xb8;
	[tilespmem:$0x1F480] =	vst v63  }
.LBB2_18:
0x1ac: {  	_ =	sfence.sel $0x180000  }
0x1ad: {  	[bflag:$0x0] =	sbarrier.arrive $0xFFFF  }
0x1ae: {  	_ =	strace $0x90000047  }
0x1af: {  	s0 =	stileid.u32;
	[bflag:$0x2] =	sbarrier.arrive $0xFFFF  }
0x1b0: {  	p0 =	sne.s32 s0, $0x0;
	s0 =	rddreg [dreg:$0x2]  }
0x1b1: {  	s0 =	sadd.s32 @!p0 $0x100000, s0  }
0x1b2: {  	[sflag:s0] =	ssyncadd.tile.s32 @!p0 $0x1;
	_ =	shalt  }
.Lfunc_end2:
_tile_overlayer_lowered:
.L_overlay_start_2:
0x1b3: {  	(tag) =	ssettag $0x2  }
0x1b4: {  	s0 =	rddreg [dreg:$0x0];
	s2 =	stileid.u32  }
0x1b5: {  	s1 =	rddreg [dreg:$0x1];
	p0 =	sne.s32 s2, $0x0  }
0x1b6: {  	s3 =	rddreg [dreg:$0x2];
	[bflag:$0x3] =	sbarrier.arrive $0xFFFF;
	s2 =	simm.s32 @!p0 $0x1C03  }
0x1b7: {  	[timem:s3], [sflag:s2] =	dma.local @!p0 [hbm:s0], s1  }
0x1b8: {  	s0 =	simm.s32 @!p0 $0x3  }
0x1b9: {  	_ =	swait.ge @!p0 [sflag:s0], s1  }
0x1ba: {  	s1 =	ssub.s32 @!p0 $0x0, s1;
	[sflag:s0] =	ssyncset.done @!p0 $0x0  }
0x1bb: {  	[sflag:s0] =	ssyncadd.s32 @!p0 s1  }
0x1bc: {  	[bflag:$0x3] =	sbarrier.arrive $0xFFFF  }
0x1bd: {  	_ =	shalt  }

</sc_bundles>
